<compile_context>
chip_gen: v7x
topology: tpu7x:2x2x1
jax: 0.10.2.dev20260603
libtpu: 0.0.44.dev20260713+nightly
codegen_flags: <defaults>
</compile_context>

<pallas_src>
import functools

import jax
import jax.numpy as jnp
from jax import lax
from jax.experimental import pallas as pl
from jax.experimental.pallas import tpu as pltpu
from jax.experimental.pallas import tpu_sc as plsc

N = 10000
NP = 10240
E = 320000
D = 128
DH = D + 1
NCLS = 7
CCURV = 1.0

NC = 2
NS = 16
NW = NC * NS
CROWS = 4
SROW = NW * CROWS
FP = 136
ECH = 10080
NCH = 32
EPAD = NCH * ECH - E
UNROLL = 10
NB = 2048

_prec = jax.lax.Precision.HIGHEST


def _lorentz_normalize(h, sval):
    h0 = h[0:1, :]
    sig = 1.0 / (1.0 + jnp.exp(-h0))
    time = sig * sval + (jnp.sqrt(CCURV) + 0.5)
    sqall = jnp.sum(h * h, axis=0, keepdims=True)
    sq = jnp.maximum(sqall - h0 * h0, 1e-8)
    scale = (time * time - CCURV) / sq
    fac = jnp.sqrt(jnp.maximum(scale, 1e-8))
    rows = lax.broadcasted_iota(jnp.int32, h.shape, 0)
    return jnp.where(rows == 0, time, h * fac)


def _agg_normalize(s):
    s0 = s[0:1, :]
    sqall = jnp.sum(s * s, axis=0, keepdims=True)
    inner = -(s0 * s0) + (sqall - s0 * s0)
    denom = jnp.sqrt(jnp.maximum(jnp.abs(-inner), 1e-8)) / jnp.sqrt(CCURV)
    return s / denom


def _assemble(sup_ref, parts_ref):
    s = sup_ref[...]
    p128 = jnp.sum(parts_ref[...], axis=0, keepdims=True)
    rows = lax.broadcasted_iota(jnp.int32, s.shape, 0)
    return jnp.where(rows < SROW, s, jnp.where(rows == SROW, p128, 0.0))


def _tc_a_body(nf_ref, w1sp_ref, w1t_ref, b1_ref, sv_ref, out_ref):
    nf = nf_ref[...]
    sq = jnp.sum(nf * nf, axis=1, keepdims=True)
    nrm = jnp.maximum(jnp.sqrt(sq), 1e-8)
    et = jnp.exp(nrm)
    emt = 1.0 / et
    time = 0.5 * (et + emt)
    space = nf * (0.5 * (et - emt) / nrm)
    h = lax.dot_general(w1sp_ref[...], space, (((1,), (1,)), ((), ())),
                        preferred_element_type=jnp.float32, precision=_prec)
    h = h + lax.dot_general(w1t_ref[...], time, (((1,), (1,)), ((), ())),
                            preferred_element_type=jnp.float32, precision=_prec)
    h = h + b1_ref[...]
    out_ref[...] = _lorentz_normalize(h, sv_ref[0, 0])


def _tc_b_body(sup_ref, parts_ref, w2_ref, b2_ref, sv_ref, out_ref):
    hagg = _agg_normalize(_assemble(sup_ref, parts_ref))
    hr = jnp.maximum(hagg, 0.0)
    h = lax.dot_general(w2_ref[...], hr, (((1,), (0,)), ((), ())),
                        preferred_element_type=jnp.float32, precision=_prec)
    h = h + b2_ref[...]
    out_ref[...] = _lorentz_normalize(h, sv_ref[0, 0])


def _tc_c_body(sup_ref, parts_ref, cls_ref, bias_ref, out_ref):
    h = _agg_normalize(_assemble(sup_ref, parts_ref))
    logits = lax.dot_general(h, cls_ref[...], (((0,), (1,)), ((), ())),
                             preferred_element_type=jnp.float32,
                             precision=_prec)
    out_ref[...] = 2.0 * CCURV + 2.0 * logits + bias_ref[...]


def _tc_stage_a(nf, w1sp, w1t, b1p, sv1):
    return pl.pallas_call(
        _tc_a_body,
        grid=(NP // NB,),
        in_specs=[
            pl.BlockSpec((NB, D), lambda i: (i, 0)),
            pl.BlockSpec((FP, D), lambda i: (0, 0)),
            pl.BlockSpec((FP, 1), lambda i: (0, 0)),
            pl.BlockSpec((FP, 1), lambda i: (0, 0)),
            pl.BlockSpec((1, 1), lambda i: (0, 0)),
        ],
        out_specs=pl.BlockSpec((FP, NB), lambda i: (0, i)),
        out_shape=jax.ShapeDtypeStruct((FP, NP), jnp.float32),
    )(nf, w1sp, w1t, b1p, sv1)


def _tc_stage_b(sup, parts, w2p, b2p, sv2):
    return pl.pallas_call(
        _tc_b_body,
        grid=(NP // NB,),
        in_specs=[
            pl.BlockSpec((FP, NB), lambda i: (0, i)),
            pl.BlockSpec((NW, NB), lambda i: (0, i)),
            pl.BlockSpec((FP, FP), lambda i: (0, 0)),
            pl.BlockSpec((FP, 1), lambda i: (0, 0)),
            pl.BlockSpec((1, 1), lambda i: (0, 0)),
        ],
        out_specs=pl.BlockSpec((FP, NB), lambda i: (0, i)),
        out_shape=jax.ShapeDtypeStruct((FP, NP), jnp.float32),
    )(sup, parts, w2p, b2p, sv2)


def _tc_stage_c(sup, parts, clsm, biasp):
    return pl.pallas_call(
        _tc_c_body,
        grid=(NP // NB,),
        in_specs=[
            pl.BlockSpec((FP, NB), lambda i: (0, i)),
            pl.BlockSpec((NW, NB), lambda i: (0, i)),
            pl.BlockSpec((NCLS, FP), lambda i: (0, 0)),
            pl.BlockSpec((1, NCLS), lambda i: (0, 0)),
        ],
        out_specs=pl.BlockSpec((NB, NCLS), lambda i: (i, 0)),
        out_shape=jax.ShapeDtypeStruct((NP, NCLS), jnp.float32),
    )(sup, parts, clsm, biasp)


def _sc_seg_sum(hT, ei2):
    mesh = plsc.VectorSubcoreMesh(core_axis_name="c", subcore_axis_name="s")

    @functools.partial(
        pl.kernel,
        out_type=(jax.ShapeDtypeStruct((FP, NP), jnp.float32),
                  jax.ShapeDtypeStruct((NW, NP), jnp.float32)),
        mesh=mesh,
        compiler_params=pltpu.CompilerParams(needs_layout_passes=False),
        scratch_types=[
            pltpu.VMEM(((CROWS + 1) * NP,), jnp.float32),
            pltpu.VMEM(((CROWS + 1) * NP,), jnp.float32),
            pltpu.VMEM((ECH,), jnp.int32),
            pltpu.VMEM((ECH,), jnp.int32),
            pltpu.SemaphoreType.DMA,
            pltpu.SemaphoreType.DMA,
        ],
    )
    def seg(hT_hbm, ei2_hbm, out_hbm, parts_hbm, tab, acc, bb0, bb1,
            semA, semB):
        wid = lax.axis_index("s") * NC + lax.axis_index("c")
        r0 = wid * CROWS

        pltpu.async_copy(ei2_hbm.at[0], bb0, semA)
        for c in range(CROWS):
            pltpu.async_copy(hT_hbm.at[r0 + c], tab.at[pl.ds(c * NP, NP)],
                             semB)
        pltpu.async_copy(hT_hbm.at[SROW], tab.at[pl.ds(CROWS * NP, NP)],
                         semB)

        zeros16 = jnp.zeros((16,), jnp.float32)

        def zero_body(j, _):
            for u in range(8):
                acc[pl.ds((j * 8 + u) * 16, 16)] = zeros16
            return 0

        lax.fori_loop(0, (CROWS + 1) * NP // 128, zero_body, 0)

        for c in range(CROWS + 1):
            pltpu.make_async_copy(hT_hbm.at[SROW],
                                  tab.at[pl.ds(c * NP, NP)], semB).wait()

        tabs = [tab.at[pl.ds(c * NP, NP)] for c in range(CROWS + 1)]
        accs = [acc.at[pl.ds(c * NP, NP)] for c in range(CROWS + 1)]

        def fire(k, buf, sem):
            pltpu.async_copy(ei2_hbm.at[k], buf, sem)

        def wait(buf, sem):
            pltpu.make_async_copy(ei2_hbm.at[0], buf, sem).wait()

        def process(k, buf):
            def edge_body(j, _):
                ss = []
                dd = []
                for u in range(UNROLL):
                    base = (j * UNROLL + u) * 16
                    p16 = buf[pl.ds(base, 16)]
                    ss.append(lax.shift_right_logical(p16, 14))
                    dd.append(lax.bitwise_and(p16, 16383))
                prev = None
                for u in range(UNROLL):
                    vs = [plsc.load_gather(tabs[c], [ss[u]])
                          for c in range(CROWS)]
                    if prev is not None:
                        for c in range(CROWS):
                            plsc.addupdate_scatter(accs[c], [dd[u - 1]],
                                                   prev[c])
                    prev = vs
                for c in range(CROWS):
                    plsc.addupdate_scatter(accs[c], [dd[UNROLL - 1]], prev[c])
                return 0

            lax.fori_loop(0, ECH // (16 * UNROLL), edge_body, 0)

            @pl.when(lax.rem(k, NW) == wid)
            def _():
                def srow_body(j, _):
                    prev = None
                    pd = None
                    for u in range(UNROLL):
                        base = (j * UNROLL + u) * 16
                        p16 = buf[pl.ds(base, 16)]
                        s16 = lax.shift_right_logical(p16, 14)
                        d16 = lax.bitwise_and(p16, 16383)
                        v = plsc.load_gather(tabs[CROWS], [s16])
                        if prev is not None:
                            plsc.addupdate_scatter(accs[CROWS], [pd], prev)
                        prev, pd = v, d16
                    plsc.addupdate_scatter(accs[CROWS], [pd], prev)
                    return 0

                lax.fori_loop(0, ECH // (16 * UNROLL), srow_body, 0)

        def pair_body(p, _):
            fire(2 * p + 1, bb1, semB)
            wait(bb0, semA)
            process(2 * p, bb0)

            @pl.when(p < NCH // 2 - 1)
            def _():
                fire(2 * p + 2, bb0, semA)

            wait(bb1, semB)
            process(2 * p + 1, bb1)
            return 0

        lax.fori_loop(0, NCH // 2, pair_body, 0)

        for c in range(CROWS):
            pltpu.async_copy(acc.at[pl.ds(c * NP, NP)], out_hbm.at[r0 + c],
                             semA)
        pltpu.async_copy(acc.at[pl.ds(CROWS * NP, NP)], parts_hbm.at[wid],
                         semA)
        for c in range(CROWS + 1):
            pltpu.make_async_copy(acc.at[pl.ds(c * NP, NP)],
                                  out_hbm.at[r0], semA).wait()

    return seg(hT, ei2)


def kernel(node_feat, edge_index, W1, b1, s1, W2, b2, s2, cls, bias_dec):
    f32 = jnp.float32

    packed = edge_index[0] * 16384 + edge_index[1]
    pad = jnp.full((EPAD,), NP - 1, jnp.int32)
    ei2 = jnp.concatenate([packed, pad]).reshape(NCH, ECH)

    w1p = jnp.zeros((FP, DH), f32).at[:DH].set(W1)
    w1sp = w1p[:, 1:]
    w1t = w1p[:, 0:1]
    b1p = jnp.zeros((FP, 1), f32).at[:DH, 0].set(b1)
    sv1 = jnp.minimum(jnp.exp(s1), 10.0).reshape(1, 1).astype(f32)
    w2p = jnp.zeros((FP, FP), f32).at[:DH, :DH].set(W2)
    b2p = jnp.zeros((FP, 1), f32).at[:DH, 0].set(b2)
    sv2 = jnp.minimum(jnp.exp(s2), 10.0).reshape(1, 1).astype(f32)
    clsm = jnp.zeros((NCLS, FP), f32).at[:, :DH].set(cls)
    clsm = clsm.at[:, 0].mul(-1.0)
    biasp = bias_dec.reshape(1, NCLS).astype(f32)

    nfp = jnp.zeros((NP, D), f32).at[:N].set(node_feat)

    h1 = _tc_stage_a(nfp, w1sp, w1t, b1p, sv1)
    sup1, parts1 = _sc_seg_sum(h1, ei2)
    h2 = _tc_stage_b(sup1, parts1, w2p, b2p, sv2)
    sup2, parts2 = _sc_seg_sum(h2, ei2)
    return _tc_stage_c(sup2, parts2, clsm, biasp)[:N]

# --- scband reference (transcript-rebuilt; emitter-appended) ---
"""Pipeline reference for scband-hybo-net-17119739642318 (READ-ONLY COPY).

The authoritative reference and input builder live on the scoring server;
editing this copy changes nothing except your own understanding.
"""

import jax, jax.numpy as jnp
import numpy as np
import math

N = 10000
E = 320000
D = 128
DH = D + 1
NCLS = 7
C = 1.0


def setup_inputs(seed: int = 0) -> dict:
    key = jax.random.key(seed)
    ks = jax.random.split(key, 6)
    stdv = 1.0 / math.sqrt(DH)
    inp = {
        "node_feat": jax.random.normal(ks[0], (N, D), dtype=jnp.float32),
        "edge_index": jax.random.randint(ks[1], (2, E), 0, N, dtype=jnp.int32),
        "W1": jax.random.uniform(ks[2], (DH, DH), dtype=jnp.float32, minval=-stdv, maxval=stdv),
        "b1": jnp.zeros((DH,), dtype=jnp.float32),
        "s1": jnp.asarray(math.log(10.0), dtype=jnp.float32),
        "W2": jax.random.uniform(ks[3], (DH, DH), dtype=jnp.float32, minval=-stdv, maxval=stdv),
        "b2": jnp.zeros((DH,), dtype=jnp.float32),
        "s2": jnp.asarray(math.log(10.0), dtype=jnp.float32),
        "cls": jax.random.normal(ks[4], (NCLS, DH), dtype=jnp.float32) * (1.0 / math.sqrt(DH)),
        "bias_dec": jnp.zeros((NCLS,), dtype=jnp.float32),
    }
    return inp


def _expmap0(u, c):
    # Lorentz exponential map at the origin; u has zero time component.
    x = u[..., 1:]
    x_norm = jnp.clip(jnp.linalg.norm(x, axis=-1, keepdims=True), 1e-8, None)
    sqrt_c = jnp.sqrt(c)
    theta = x_norm / sqrt_c
    time = sqrt_c * jnp.cosh(theta)
    space = sqrt_c * jnp.sinh(theta) * x / x_norm
    return jnp.concatenate([time, space], axis=-1)


def _lorentz_linear(x, W, b, s, c, nonlin=None):
    if nonlin is not None:
        x = nonlin(x)
    x = x @ W.T + b
    x_narrow = x[..., 1:]
    time = jax.nn.sigmoid(x[..., 0:1]) * jnp.minimum(jnp.exp(s), 10.0) + (jnp.sqrt(c) + 0.5)
    sq = jnp.clip(jnp.sum(x_narrow * x_narrow, axis=-1, keepdims=True), 1e-8, None)
    scale = (time * time - c) / sq
    return jnp.concatenate([time, x_narrow * jnp.sqrt(jnp.clip(scale, 1e-8, None))], axis=-1)


def _lorentz_agg(h, src, dst, c, n):
    # spmm(adj, x) with unweighted adjacency: scatter-add of neighbor features
    support = jax.ops.segment_sum(h[src], dst, num_segments=n)
    inner = -support[..., 0:1] ** 2 + jnp.sum(support[..., 1:] ** 2, axis=-1, keepdims=True)
    denom = -inner
    denom = jnp.sqrt(jnp.clip(jnp.abs(denom), 1e-8, None)) / jnp.sqrt(c)
    return support / denom


def reference(node_feat, edge_index, W1, b1, s1, W2, b2, s2, cls, bias_dec):
    c = jnp.asarray(C, dtype=jnp.float32)
    n = node_feat.shape[0]
    o = jnp.zeros_like(node_feat[:, 0:1])
    x = jnp.concatenate([o, node_feat], axis=1)
    x = _expmap0(x, c)
    src = edge_index[0]
    dst = edge_index[1]
    # Layer 1: LorentzGraphConvolution (no nonlin on first layer)
    h = _lorentz_linear(x, W1, b1, s1, c, nonlin=None)
    h = _lorentz_agg(h, src, dst, c, n)
    # Layer 2: LorentzGraphConvolution with relu nonlin
    h = _lorentz_linear(h, W2, b2, s2, c, nonlin=jax.nn.relu)
    h = _lorentz_agg(h, src, dst, c, n)
    # LorentzDecoder: 2*c + 2*cinner(x, cls) + bias
    xm = jnp.concatenate([-h[..., 0:1], h[..., 1:]], axis=-1)
    logits = 2.0 * c + 2.0 * (xm @ cls.T) + bias_dec
    return logits


if False:  # reference __main__ guard neutralized (emitter)
    out = reference(**setup_inputs())
    print(out.shape, out.dtype)

if __name__ == "__main__":
    import jax
    _d = setup_inputs()
    print(jax.jit(kernel)(*tuple(_d.values())))

</pallas_src>

<mosaic_0001>
#map = affine_map<(d0, d1) -> (0, 0)>
module attributes {stable_mosaic.version = 14 : i64} {
  func.func @seg(%arg0: i32, %arg1: i32, %arg2: memref<136x10240xf32, #tpu.memory_space<hbm>>, %arg3: memref<32x10080xi32, #tpu.memory_space<hbm>>, %arg4: memref<136x10240xf32, #tpu.memory_space<hbm>>, %arg5: memref<32x10240xf32, #tpu.memory_space<hbm>>, %arg6: memref<51200xf32, #tpu.memory_space<vmem>>, %arg7: memref<51200xf32, #tpu.memory_space<vmem>>, %arg8: memref<10080xi32, #tpu.memory_space<vmem>>, %arg9: memref<10080xi32, #tpu.memory_space<vmem>>, %arg10: memref<!tpu.dma_semaphore, #tpu.memory_space<semaphore_mem>>, %arg11: memref<!tpu.dma_semaphore, #tpu.memory_space<semaphore_mem>>) attributes {dimension_semantics = [#tpu.dimension_semantics<core_parallel>, #tpu.dimension_semantics<subcore_parallel>], iteration_bounds = array<i64: 2, 16>, scalar_prefetch = 0 : i64, scratch_operands = 6 : i64, tpu.core_type = #tpu.core_type<sc_vector_subcore>, window_params = [{transform_indices = #map}, {transform_indices = #map}, {transform_indices = #map}, {transform_indices = #map}]} {
    %mul3A = arith.constant 2 : i32
    %mul3A_0 = arith.muli %arg1, %mul3A : i32
    %add3A = arith.addi %mul3A_0, %arg0 : i32
    %mul3A_1 = arith.constant 4 : i32
    %mul3A_2 = arith.muli %add3A, %mul3A_1 : i32
    %dma_start3A = arith.constant 0 : i32
    %dma_start3A_3 = arith.constant 0 : i32
    %dma_start3A_4 = tpu.memref_slice %arg3[%dma_start3A, %dma_start3A_3] : memref<32x10080xi32, #tpu.memory_space<hbm>> -> memref<1x10080xi32, #tpu.memory_space<hbm>>
    %dma_start3A_5 = tpu.memref_squeeze %dma_start3A_4 : memref<1x10080xi32, #tpu.memory_space<hbm>> -> memref<10080xi32, #tpu.memory_space<hbm>>
    %dma_start3A_6 = arith.constant 0 : i32
    %dma_start3A_7 = tpu.memref_slice %arg3[%dma_start3A, %dma_start3A_6] : memref<32x10080xi32, #tpu.memory_space<hbm>> -> memref<1x10080xi32, #tpu.memory_space<hbm>>
    %dma_start3A_8 = tpu.memref_squeeze %dma_start3A_7 : memref<1x10080xi32, #tpu.memory_space<hbm>> -> memref<10080xi32, #tpu.memory_space<hbm>>
    tpu.enqueue_dma source(%dma_start3A_8 : memref<10080xi32, #tpu.memory_space<hbm>>) target(%arg8 : memref<10080xi32, #tpu.memory_space<vmem>>) target_semaphore(%arg10 : memref<!tpu.dma_semaphore, #tpu.memory_space<semaphore_mem>>)
    %add3A_9 = arith.constant 0 : i32
    %add3A_10 = arith.addi %mul3A_2, %add3A_9 : i32
    %dma_start3A_11 = arith.constant 0 : i32
    %dma_start3A_12 = tpu.memref_slice %arg6[%dma_start3A_11] : memref<51200xf32, #tpu.memory_space<vmem>> -> memref<10240xf32, #tpu.memory_space<vmem>>
    %dma_start3A_13 = arith.constant 0 : i32
    %dma_start3A_14 = tpu.memref_slice %arg2[%add3A_10, %dma_start3A_13] : memref<136x10240xf32, #tpu.memory_space<hbm>> -> memref<1x10240xf32, #tpu.memory_space<hbm>>
    %dma_start3A_15 = tpu.memref_squeeze %dma_start3A_14 : memref<1x10240xf32, #tpu.memory_space<hbm>> -> memref<10240xf32, #tpu.memory_space<hbm>>
    %dma_start3A_16 = arith.constant 0 : i32
    %dma_start3A_17 = tpu.memref_slice %arg6[%dma_start3A_16] : memref<51200xf32, #tpu.memory_space<vmem>> -> memref<10240xf32, #tpu.memory_space<vmem>>
    %dma_start3A_18 = arith.constant 0 : i32
    %dma_start3A_19 = tpu.memref_slice %arg2[%add3A_10, %dma_start3A_18] : memref<136x10240xf32, #tpu.memory_space<hbm>> -> memref<1x10240xf32, #tpu.memory_space<hbm>>
    %dma_start3A_20 = tpu.memref_squeeze %dma_start3A_19 : memref<1x10240xf32, #tpu.memory_space<hbm>> -> memref<10240xf32, #tpu.memory_space<hbm>>
    tpu.enqueue_dma source(%dma_start3A_20 : memref<10240xf32, #tpu.memory_space<hbm>>) target(%dma_start3A_17 : memref<10240xf32, #tpu.memory_space<vmem>>) target_semaphore(%arg11 : memref<!tpu.dma_semaphore, #tpu.memory_space<semaphore_mem>>)
    %add3A_21 = arith.constant 1 : i32
    %add3A_22 = arith.addi %mul3A_2, %add3A_21 : i32
    %dma_start3A_23 = arith.constant 10240 : i32
    %dma_start3A_24 = tpu.memref_slice %arg6[%dma_start3A_23] : memref<51200xf32, #tpu.memory_space<vmem>> -> memref<10240xf32, #tpu.memory_space<vmem>>
    %dma_start3A_25 = arith.constant 0 : i32
    %dma_start3A_26 = tpu.memref_slice %arg2[%add3A_22, %dma_start3A_25] : memref<136x10240xf32, #tpu.memory_space<hbm>> -> memref<1x10240xf32, #tpu.memory_space<hbm>>
    %dma_start3A_27 = tpu.memref_squeeze %dma_start3A_26 : memref<1x10240xf32, #tpu.memory_space<hbm>> -> memref<10240xf32, #tpu.memory_space<hbm>>
    %dma_start3A_28 = arith.constant 10240 : i32
    %dma_start3A_29 = tpu.memref_slice %arg6[%dma_start3A_28] : memref<51200xf32, #tpu.memory_space<vmem>> -> memref<10240xf32, #tpu.memory_space<vmem>>
    %dma_start3A_30 = arith.constant 0 : i32
    %dma_start3A_31 = tpu.memref_slice %arg2[%add3A_22, %dma_start3A_30] : memref<136x10240xf32, #tpu.memory_space<hbm>> -> memref<1x10240xf32, #tpu.memory_space<hbm>>
    %dma_start3A_32 = tpu.memref_squeeze %dma_start3A_31 : memref<1x10240xf32, #tpu.memory_space<hbm>> -> memref<10240xf32, #tpu.memory_space<hbm>>
    tpu.enqueue_dma source(%dma_start3A_32 : memref<10240xf32, #tpu.memory_space<hbm>>) target(%dma_start3A_29 : memref<10240xf32, #tpu.memory_space<vmem>>) target_semaphore(%arg11 : memref<!tpu.dma_semaphore, #tpu.memory_space<semaphore_mem>>)
    %add3A_33 = arith.constant 2 : i32
    %add3A_34 = arith.addi %mul3A_2, %add3A_33 : i32
    %dma_start3A_35 = arith.constant 20480 : i32
    %dma_start3A_36 = tpu.memref_slice %arg6[%dma_start3A_35] : memref<51200xf32, #tpu.memory_space<vmem>> -> memref<10240xf32, #tpu.memory_space<vmem>>
    %dma_start3A_37 = arith.constant 0 : i32
    %dma_start3A_38 = tpu.memref_slice %arg2[%add3A_34, %dma_start3A_37] : memref<136x10240xf32, #tpu.memory_space<hbm>> -> memref<1x10240xf32, #tpu.memory_space<hbm>>
    %dma_start3A_39 = tpu.memref_squeeze %dma_start3A_38 : memref<1x10240xf32, #tpu.memory_space<hbm>> -> memref<10240xf32, #tpu.memory_space<hbm>>
    %dma_start3A_40 = arith.constant 20480 : i32
    %dma_start3A_41 = tpu.memref_slice %arg6[%dma_start3A_40] : memref<51200xf32, #tpu.memory_space<vmem>> -> memref<10240xf32, #tpu.memory_space<vmem>>
    %dma_start3A_42 = arith.constant 0 : i32
    %dma_start3A_43 = tpu.memref_slice %arg2[%add3A_34, %dma_start3A_42] : memref<136x10240xf32, #tpu.memory_space<hbm>> -> memref<1x10240xf32, #tpu.memory_space<hbm>>
    %dma_start3A_44 = tpu.memref_squeeze %dma_start3A_43 : memref<1x10240xf32, #tpu.memory_space<hbm>> -> memref<10240xf32, #tpu.memory_space<hbm>>
    tpu.enqueue_dma source(%dma_start3A_44 : memref<10240xf32, #tpu.memory_space<hbm>>) target(%dma_start3A_41 : memref<10240xf32, #tpu.memory_space<vmem>>) target_semaphore(%arg11 : memref<!tpu.dma_semaphore, #tpu.memory_space<semaphore_mem>>)
    %add3A_45 = arith.constant 3 : i32
    %add3A_46 = arith.addi %mul3A_2, %add3A_45 : i32
    %dma_start3A_47 = arith.constant 30720 : i32
    %dma_start3A_48 = tpu.memref_slice %arg6[%dma_start3A_47] : memref<51200xf32, #tpu.memory_space<vmem>> -> memref<10240xf32, #tpu.memory_space<vmem>>
    %dma_start3A_49 = arith.constant 0 : i32
    %dma_start3A_50 = tpu.memref_slice %arg2[%add3A_46, %dma_start3A_49] : memref<136x10240xf32, #tpu.memory_space<hbm>> -> memref<1x10240xf32, #tpu.memory_space<hbm>>
    %dma_start3A_51 = tpu.memref_squeeze %dma_start3A_50 : memref<1x10240xf32, #tpu.memory_space<hbm>> -> memref<10240xf32, #tpu.memory_space<hbm>>
    %dma_start3A_52 = arith.constant 30720 : i32
    %dma_start3A_53 = tpu.memref_slice %arg6[%dma_start3A_52] : memref<51200xf32, #tpu.memory_space<vmem>> -> memref<10240xf32, #tpu.memory_space<vmem>>
    %dma_start3A_54 = arith.constant 0 : i32
    %dma_start3A_55 = tpu.memref_slice %arg2[%add3A_46, %dma_start3A_54] : memref<136x10240xf32, #tpu.memory_space<hbm>> -> memref<1x10240xf32, #tpu.memory_space<hbm>>
    %dma_start3A_56 = tpu.memref_squeeze %dma_start3A_55 : memref<1x10240xf32, #tpu.memory_space<hbm>> -> memref<10240xf32, #tpu.memory_space<hbm>>
    tpu.enqueue_dma source(%dma_start3A_56 : memref<10240xf32, #tpu.memory_space<hbm>>) target(%dma_start3A_53 : memref<10240xf32, #tpu.memory_space<vmem>>) target_semaphore(%arg11 : memref<!tpu.dma_semaphore, #tpu.memory_space<semaphore_mem>>)
    %dma_start3A_57 = arith.constant 128 : i32
    %dma_start3A_58 = arith.constant 40960 : i32
    %dma_start3A_59 = tpu.memref_slice %arg6[%dma_start3A_58] : memref<51200xf32, #tpu.memory_space<vmem>> -> memref<10240xf32, #tpu.memory_space<vmem>>
    %dma_start3A_60 = arith.constant 0 : i32
    %dma_start3A_61 = tpu.memref_slice %arg2[%dma_start3A_57, %dma_start3A_60] : memref<136x10240xf32, #tpu.memory_space<hbm>> -> memref<1x10240xf32, #tpu.memory_space<hbm>>
    %dma_start3A_62 = tpu.memref_squeeze %dma_start3A_61 : memref<1x10240xf32, #tpu.memory_space<hbm>> -> memref<10240xf32, #tpu.memory_space<hbm>>
    %dma_start3A_63 = arith.constant 40960 : i32
    %dma_start3A_64 = tpu.memref_slice %arg6[%dma_start3A_63] : memref<51200xf32, #tpu.memory_space<vmem>> -> memref<10240xf32, #tpu.memory_space<vmem>>
    %dma_start3A_65 = arith.constant 0 : i32
    %dma_start3A_66 = tpu.memref_slice %arg2[%dma_start3A_57, %dma_start3A_65] : memref<136x10240xf32, #tpu.memory_space<hbm>> -> memref<1x10240xf32, #tpu.memory_space<hbm>>
    %dma_start3A_67 = tpu.memref_squeeze %dma_start3A_66 : memref<1x10240xf32, #tpu.memory_space<hbm>> -> memref<10240xf32, #tpu.memory_space<hbm>>
    tpu.enqueue_dma source(%dma_start3A_67 : memref<10240xf32, #tpu.memory_space<hbm>>) target(%dma_start3A_64 : memref<10240xf32, #tpu.memory_space<vmem>>) target_semaphore(%arg11 : memref<!tpu.dma_semaphore, #tpu.memory_space<semaphore_mem>>)
    %broadcast_in_dim3A = arith.constant 0.000000e+00 : f32
    %broadcast_in_dim3A_68 = vector.broadcast %broadcast_in_dim3A : f32 to vector<16xf32>
    %scan3A = arith.constant 0 : i32
    %scan3A_69 = arith.constant 0 : i32
    %scan3A_70 = arith.constant 400 : i32
    %scan3A_71 = arith.addi %scan3A_69, %scan3A_70 : i32
    %scan3A_72 = arith.constant 1 : i32
    %scan3A_73 = scf.for %scan3A_244 = %scan3A_69 to %scan3A_71 step %scan3A_72 iter_args(%scan3A_245 = %scan3A) -> (i32)  : i32 {
      %mul3A_246 = arith.constant 8 : i32
      %mul3A_247 = arith.muli %scan3A_244, %mul3A_246 : i32
      %add3A_248 = arith.constant 0 : i32
      %add3A_249 = arith.addi %mul3A_247, %add3A_248 : i32
      %mul3A_250 = arith.constant 16 : i32
      %mul3A_251 = arith.muli %add3A_249, %mul3A_250 : i32
      %swap3A = arith.index_cast %mul3A_251 : i32 to index
      %swap3A_252 = tpu.vector_load %arg7[%swap3A] {strides = array<i32>} : memref<51200xf32, #tpu.memory_space<vmem>>, vector<16xf32>,
      tpu.vector_store %arg7[%swap3A], %broadcast_in_dim3A_68 {strides = array<i32>} : memref<51200xf32, #tpu.memory_space<vmem>>, vector<16xf32>,
      %mul3A_253 = arith.constant 8 : i32
      %mul3A_254 = arith.muli %scan3A_244, %mul3A_253 : i32
      %add3A_255 = arith.constant 1 : i32
      %add3A_256 = arith.addi %mul3A_254, %add3A_255 : i32
      %mul3A_257 = arith.constant 16 : i32
      %mul3A_258 = arith.muli %add3A_256, %mul3A_257 : i32
      %swap3A_259 = arith.index_cast %mul3A_258 : i32 to index
      %swap3A_260 = tpu.vector_load %arg7[%swap3A_259] {strides = array<i32>} : memref<51200xf32, #tpu.memory_space<vmem>>, vector<16xf32>,
      tpu.vector_store %arg7[%swap3A_259], %broadcast_in_dim3A_68 {strides = array<i32>} : memref<51200xf32, #tpu.memory_space<vmem>>, vector<16xf32>,
      %mul3A_261 = arith.constant 8 : i32
      %mul3A_262 = arith.muli %scan3A_244, %mul3A_261 : i32
      %add3A_263 = arith.constant 2 : i32
      %add3A_264 = arith.addi %mul3A_262, %add3A_263 : i32
      %mul3A_265 = arith.constant 16 : i32
      %mul3A_266 = arith.muli %add3A_264, %mul3A_265 : i32
      %swap3A_267 = arith.index_cast %mul3A_266 : i32 to index
      %swap3A_268 = tpu.vector_load %arg7[%swap3A_267] {strides = array<i32>} : memref<51200xf32, #tpu.memory_space<vmem>>, vector<16xf32>,
      tpu.vector_store %arg7[%swap3A_267], %broadcast_in_dim3A_68 {strides = array<i32>} : memref<51200xf32, #tpu.memory_space<vmem>>, vector<16xf32>,
      %mul3A_269 = arith.constant 8 : i32
      %mul3A_270 = arith.muli %scan3A_244, %mul3A_269 : i32
      %add3A_271 = arith.constant 3 : i32
      %add3A_272 = arith.addi %mul3A_270, %add3A_271 : i32
      %mul3A_273 = arith.constant 16 : i32
      %mul3A_274 = arith.muli %add3A_272, %mul3A_273 : i32
      %swap3A_275 = arith.index_cast %mul3A_274 : i32 to index
      %swap3A_276 = tpu.vector_load %arg7[%swap3A_275] {strides = array<i32>} : memref<51200xf32, #tpu.memory_space<vmem>>, vector<16xf32>,
      tpu.vector_store %arg7[%swap3A_275], %broadcast_in_dim3A_68 {strides = array<i32>} : memref<51200xf32, #tpu.memory_space<vmem>>, vector<16xf32>,
      %mul3A_277 = arith.constant 8 : i32
      %mul3A_278 = arith.muli %scan3A_244, %mul3A_277 : i32
      %add3A_279 = arith.constant 4 : i32
      %add3A_280 = arith.addi %mul3A_278, %add3A_279 : i32
      %mul3A_281 = arith.constant 16 : i32
      %mul3A_282 = arith.muli %add3A_280, %mul3A_281 : i32
      %swap3A_283 = arith.index_cast %mul3A_282 : i32 to index
      %swap3A_284 = tpu.vector_load %arg7[%swap3A_283] {strides = array<i32>} : memref<51200xf32, #tpu.memory_space<vmem>>, vector<16xf32>,
      tpu.vector_store %arg7[%swap3A_283], %broadcast_in_dim3A_68 {strides = array<i32>} : memref<51200xf32, #tpu.memory_space<vmem>>, vector<16xf32>,
      %mul3A_285 = arith.constant 8 : i32
      %mul3A_286 = arith.muli %scan3A_244, %mul3A_285 : i32
      %add3A_287 = arith.constant 5 : i32
      %add3A_288 = arith.addi %mul3A_286, %add3A_287 : i32
      %mul3A_289 = arith.constant 16 : i32
      %mul3A_290 = arith.muli %add3A_288, %mul3A_289 : i32
      %swap3A_291 = arith.index_cast %mul3A_290 : i32 to index
      %swap3A_292 = tpu.vector_load %arg7[%swap3A_291] {strides = array<i32>} : memref<51200xf32, #tpu.memory_space<vmem>>, vector<16xf32>,
      tpu.vector_store %arg7[%swap3A_291], %broadcast_in_dim3A_68 {strides = array<i32>} : memref<51200xf32, #tpu.memory_space<vmem>>, vector<16xf32>,
      %mul3A_293 = arith.constant 8 : i32
      %mul3A_294 = arith.muli %scan3A_244, %mul3A_293 : i32
      %add3A_295 = arith.constant 6 : i32
      %add3A_296 = arith.addi %mul3A_294, %add3A_295 : i32
      %mul3A_297 = arith.constant 16 : i32
      %mul3A_298 = arith.muli %add3A_296, %mul3A_297 : i32
      %swap3A_299 = arith.index_cast %mul3A_298 : i32 to index
      %swap3A_300 = tpu.vector_load %arg7[%swap3A_299] {strides = array<i32>} : memref<51200xf32, #tpu.memory_space<vmem>>, vector<16xf32>,
      tpu.vector_store %arg7[%swap3A_299], %broadcast_in_dim3A_68 {strides = array<i32>} : memref<51200xf32, #tpu.memory_space<vmem>>, vector<16xf32>,
      %mul3A_301 = arith.constant 8 : i32
      %mul3A_302 = arith.muli %scan3A_244, %mul3A_301 : i32
      %add3A_303 = arith.constant 7 : i32
      %add3A_304 = arith.addi %mul3A_302, %add3A_303 : i32
      %mul3A_305 = arith.constant 16 : i32
      %mul3A_306 = arith.muli %add3A_304, %mul3A_305 : i32
      %swap3A_307 = arith.index_cast %mul3A_306 : i32 to index
      %swap3A_308 = tpu.vector_load %arg7[%swap3A_307] {strides = array<i32>} : memref<51200xf32, #tpu.memory_space<vmem>>, vector<16xf32>,
      tpu.vector_store %arg7[%swap3A_307], %broadcast_in_dim3A_68 {strides = array<i32>} : memref<51200xf32, #tpu.memory_space<vmem>>, vector<16xf32>,
      %scan3A_309 = arith.constant 0 : i32
      scf.yield %scan3A_309 : i32
    }
    %scan3A_74 = arith.constant 400 : i32
    %dma_wait3A = arith.constant 128 : i32
    %dma_wait3A_75 = arith.constant 0 : i32
    %dma_wait3A_76 = tpu.memref_slice %arg6[%dma_wait3A_75] : memref<51200xf32, #tpu.memory_space<vmem>> -> memref<10240xf32, #tpu.memory_space<vmem>>
    %dma_wait3A_77 = arith.constant 0 : i32
    %dma_wait3A_78 = tpu.memref_slice %arg2[%dma_wait3A, %dma_wait3A_77] : memref<136x10240xf32, #tpu.memory_space<hbm>> -> memref<1x10240xf32, #tpu.memory_space<hbm>>
    %dma_wait3A_79 = tpu.memref_squeeze %dma_wait3A_78 : memref<1x10240xf32, #tpu.memory_space<hbm>> -> memref<10240xf32, #tpu.memory_space<hbm>>
    %dma_wait3A_80 = arith.constant 0 : i32
    %dma_wait3A_81 = tpu.memref_slice %arg6[%dma_wait3A_80] : memref<51200xf32, #tpu.memory_space<vmem>> -> memref<10240xf32, #tpu.memory_space<vmem>>
    %dma_wait3A_82 = arith.constant 0 : i32
    %dma_wait3A_83 = tpu.memref_slice %arg2[%dma_wait3A, %dma_wait3A_82] : memref<136x10240xf32, #tpu.memory_space<hbm>> -> memref<1x10240xf32, #tpu.memory_space<hbm>>
    %dma_wait3A_84 = tpu.memref_squeeze %dma_wait3A_83 : memref<1x10240xf32, #tpu.memory_space<hbm>> -> memref<10240xf32, #tpu.memory_space<hbm>>
    tpu.wait_dma2 semaphore(%arg11 : memref<!tpu.dma_semaphore, #tpu.memory_space<semaphore_mem>>) src(%dma_wait3A_84 : memref<10240xf32, #tpu.memory_space<hbm>>) dst(%dma_wait3A_81 : memref<10240xf32, #tpu.memory_space<vmem>>)
    %dma_wait3A_85 = arith.constant 128 : i32
    %dma_wait3A_86 = arith.constant 10240 : i32
    %dma_wait3A_87 = tpu.memref_slice %arg6[%dma_wait3A_86] : memref<51200xf32, #tpu.memory_space<vmem>> -> memref<10240xf32, #tpu.memory_space<vmem>>
    %dma_wait3A_88 = arith.constant 0 : i32
    %dma_wait3A_89 = tpu.memref_slice %arg2[%dma_wait3A_85, %dma_wait3A_88] : memref<136x10240xf32, #tpu.memory_space<hbm>> -> memref<1x10240xf32, #tpu.memory_space<hbm>>
    %dma_wait3A_90 = tpu.memref_squeeze %dma_wait3A_89 : memref<1x10240xf32, #tpu.memory_space<hbm>> -> memref<10240xf32, #tpu.memory_space<hbm>>
    %dma_wait3A_91 = arith.constant 10240 : i32
    %dma_wait3A_92 = tpu.memref_slice %arg6[%dma_wait3A_91] : memref<51200xf32, #tpu.memory_space<vmem>> -> memref<10240xf32, #tpu.memory_space<vmem>>
    %dma_wait3A_93 = arith.constant 0 : i32
    %dma_wait3A_94 = tpu.memref_slice %arg2[%dma_wait3A_85, %dma_wait3A_93] : memref<136x10240xf32, #tpu.memory_space<hbm>> -> memref<1x10240xf32, #tpu.memory_space<hbm>>
    %dma_wait3A_95 = tpu.memref_squeeze %dma_wait3A_94 : memref<1x10240xf32, #tpu.memory_space<hbm>> -> memref<10240xf32, #tpu.memory_space<hbm>>
    tpu.wait_dma2 semaphore(%arg11 : memref<!tpu.dma_semaphore, #tpu.memory_space<semaphore_mem>>) src(%dma_wait3A_95 : memref<10240xf32, #tpu.memory_space<hbm>>) dst(%dma_wait3A_92 : memref<10240xf32, #tpu.memory_space<vmem>>)
    %dma_wait3A_96 = arith.constant 128 : i32
    %dma_wait3A_97 = arith.constant 20480 : i32
    %dma_wait3A_98 = tpu.memref_slice %arg6[%dma_wait3A_97] : memref<51200xf32, #tpu.memory_space<vmem>> -> memref<10240xf32, #tpu.memory_space<vmem>>
    %dma_wait3A_99 = arith.constant 0 : i32
    %dma_wait3A_100 = tpu.memref_slice %arg2[%dma_wait3A_96, %dma_wait3A_99] : memref<136x10240xf32, #tpu.memory_space<hbm>> -> memref<1x10240xf32, #tpu.memory_space<hbm>>
    %dma_wait3A_101 = tpu.memref_squeeze %dma_wait3A_100 : memref<1x10240xf32, #tpu.memory_space<hbm>> -> memref<10240xf32, #tpu.memory_space<hbm>>
    %dma_wait3A_102 = arith.constant 20480 : i32
    %dma_wait3A_103 = tpu.memref_slice %arg6[%dma_wait3A_102] : memref<51200xf32, #tpu.memory_space<vmem>> -> memref<10240xf32, #tpu.memory_space<vmem>>
    %dma_wait3A_104 = arith.constant 0 : i32
    %dma_wait3A_105 = tpu.memref_slice %arg2[%dma_wait3A_96, %dma_wait3A_104] : memref<136x10240xf32, #tpu.memory_space<hbm>> -> memref<1x10240xf32, #tpu.memory_space<hbm>>
    %dma_wait3A_106 = tpu.memref_squeeze %dma_wait3A_105 : memref<1x10240xf32, #tpu.memory_space<hbm>> -> memref<10240xf32, #tpu.memory_space<hbm>>
    tpu.wait_dma2 semaphore(%arg11 : memref<!tpu.dma_semaphore, #tpu.memory_space<semaphore_mem>>) src(%dma_wait3A_106 : memref<10240xf32, #tpu.memory_space<hbm>>) dst(%dma_wait3A_103 : memref<10240xf32, #tpu.memory_space<vmem>>)
    %dma_wait3A_107 = arith.constant 128 : i32
    %dma_wait3A_108 = arith.constant 30720 : i32
    %dma_wait3A_109 = tpu.memref_slice %arg6[%dma_wait3A_108] : memref<51200xf32, #tpu.memory_space<vmem>> -> memref<10240xf32, #tpu.memory_space<vmem>>
    %dma_wait3A_110 = arith.constant 0 : i32
    %dma_wait3A_111 = tpu.memref_slice %arg2[%dma_wait3A_107, %dma_wait3A_110] : memref<136x10240xf32, #tpu.memory_space<hbm>> -> memref<1x10240xf32, #tpu.memory_space<hbm>>
    %dma_wait3A_112 = tpu.memref_squeeze %dma_wait3A_111 : memref<1x10240xf32, #tpu.memory_space<hbm>> -> memref<10240xf32, #tpu.memory_space<hbm>>
    %dma_wait3A_113 = arith.constant 30720 : i32
    %dma_wait3A_114 = tpu.memref_slice %arg6[%dma_wait3A_113] : memref<51200xf32, #tpu.memory_space<vmem>> -> memref<10240xf32, #tpu.memory_space<vmem>>
    %dma_wait3A_115 = arith.constant 0 : i32
    %dma_wait3A_116 = tpu.memref_slice %arg2[%dma_wait3A_107, %dma_wait3A_115] : memref<136x10240xf32, #tpu.memory_space<hbm>> -> memref<1x10240xf32, #tpu.memory_space<hbm>>
    %dma_wait3A_117 = tpu.memref_squeeze %dma_wait3A_116 : memref<1x10240xf32, #tpu.memory_space<hbm>> -> memref<10240xf32, #tpu.memory_space<hbm>>
    tpu.wait_dma2 semaphore(%arg11 : memref<!tpu.dma_semaphore, #tpu.memory_space<semaphore_mem>>) src(%dma_wait3A_117 : memref<10240xf32, #tpu.memory_space<hbm>>) dst(%dma_wait3A_114 : memref<10240xf32, #tpu.memory_space<vmem>>)
    %dma_wait3A_118 = arith.constant 128 : i32
    %dma_wait3A_119 = arith.constant 40960 : i32
    %dma_wait3A_120 = tpu.memref_slice %arg6[%dma_wait3A_119] : memref<51200xf32, #tpu.memory_space<vmem>> -> memref<10240xf32, #tpu.memory_space<vmem>>
    %dma_wait3A_121 = arith.constant 0 : i32
    %dma_wait3A_122 = tpu.memref_slice %arg2[%dma_wait3A_118, %dma_wait3A_121] : memref<136x10240xf32, #tpu.memory_space<hbm>> -> memref<1x10240xf32, #tpu.memory_space<hbm>>
    %dma_wait3A_123 = tpu.memref_squeeze %dma_wait3A_122 : memref<1x10240xf32, #tpu.memory_space<hbm>> -> memref<10240xf32, #tpu.memory_space<hbm>>
    %dma_wait3A_124 = arith.constant 40960 : i32
    %dma_wait3A_125 = tpu.memref_slice %arg6[%dma_wait3A_124] : memref<51200xf32, #tpu.memory_space<vmem>> -> memref<10240xf32, #tpu.memory_space<vmem>>
    %dma_wait3A_126 = arith.constant 0 : i32
    %dma_wait3A_127 = tpu.memref_slice %arg2[%dma_wait3A_118, %dma_wait3A_126] : memref<136x10240xf32, #tpu.memory_space<hbm>> -> memref<1x10240xf32, #tpu.memory_space<hbm>>
    %dma_wait3A_128 = tpu.memref_squeeze %dma_wait3A_127 : memref<1x10240xf32, #tpu.memory_space<hbm>> -> memref<10240xf32, #tpu.memory_space<hbm>>
    tpu.wait_dma2 semaphore(%arg11 : memref<!tpu.dma_semaphore, #tpu.memory_space<semaphore_mem>>) src(%dma_wait3A_128 : memref<10240xf32, #tpu.memory_space<hbm>>) dst(%dma_wait3A_125 : memref<10240xf32, #tpu.memory_space<vmem>>)
    %scan3A_129 = arith.constant 0 : i32
    %scan3A_130 = arith.constant 0 : i32
    %scan3A_131 = arith.constant 16 : i32
    %scan3A_132 = arith.addi %scan3A_130, %scan3A_131 : i32
    %scan3A_133 = arith.constant 1 : i32
    %scan3A_134 = scf.for %scan3A_244 = %scan3A_130 to %scan3A_132 step %scan3A_133 iter_args(%scan3A_245 = %scan3A_129) -> (i32)  : i32 {
      %mul3A_246 = arith.constant 2 : i32
      %mul3A_247 = arith.muli %mul3A_246, %scan3A_244 : i32
      %add3A_248 = arith.constant 1 : i32
      %add3A_249 = arith.addi %mul3A_247, %add3A_248 : i32
      %dma_start3A_250 = arith.constant 0 : i32
      %dma_start3A_251 = tpu.memref_slice %arg3[%add3A_249, %dma_start3A_250] : memref<32x10080xi32, #tpu.memory_space<hbm>> -> memref<1x10080xi32, #tpu.memory_space<hbm>>
      %dma_start3A_252 = tpu.memref_squeeze %dma_start3A_251 : memref<1x10080xi32, #tpu.memory_space<hbm>> -> memref<10080xi32, #tpu.memory_space<hbm>>
      %dma_start3A_253 = arith.constant 0 : i32
      %dma_start3A_254 = tpu.memref_slice %arg3[%add3A_249, %dma_start3A_253] : memref<32x10080xi32, #tpu.memory_space<hbm>> -> memref<1x10080xi32, #tpu.memory_space<hbm>>
      %dma_start3A_255 = tpu.memref_squeeze %dma_start3A_254 : memref<1x10080xi32, #tpu.memory_space<hbm>> -> memref<10080xi32, #tpu.memory_space<hbm>>
      tpu.enqueue_dma source(%dma_start3A_255 : memref<10080xi32, #tpu.memory_space<hbm>>) target(%arg9 : memref<10080xi32, #tpu.memory_space<vmem>>) target_semaphore(%arg11 : memref<!tpu.dma_semaphore, #tpu.memory_space<semaphore_mem>>)
      %dma_wait3A_256 = arith.constant 0 : i32
      %dma_wait3A_257 = arith.constant 0 : i32
      %dma_wait3A_258 = tpu.memref_slice %arg3[%dma_wait3A_256, %dma_wait3A_257] : memref<32x10080xi32, #tpu.memory_space<hbm>> -> memref<1x10080xi32, #tpu.memory_space<hbm>>
      %dma_wait3A_259 = tpu.memref_squeeze %dma_wait3A_258 : memref<1x10080xi32, #tpu.memory_space<hbm>> -> memref<10080xi32, #tpu.memory_space<hbm>>
      %dma_wait3A_260 = arith.constant 0 : i32
      %dma_wait3A_261 = tpu.memref_slice %arg3[%dma_wait3A_256, %dma_wait3A_260] : memref<32x10080xi32, #tpu.memory_space<hbm>> -> memref<1x10080xi32, #tpu.memory_space<hbm>>
      %dma_wait3A_262 = tpu.memref_squeeze %dma_wait3A_261 : memref<1x10080xi32, #tpu.memory_space<hbm>> -> memref<10080xi32, #tpu.memory_space<hbm>>
      tpu.wait_dma2 semaphore(%arg10 : memref<!tpu.dma_semaphore, #tpu.memory_space<semaphore_mem>>) src(%dma_wait3A_262 : memref<10080xi32, #tpu.memory_space<hbm>>) dst(%arg8 : memref<10080xi32, #tpu.memory_space<vmem>>)
      %mul3A_263 = arith.constant 2 : i32
      %mul3A_264 = arith.muli %mul3A_263, %scan3A_244 : i32
      %scan3A_265 = arith.constant 0 : i32
      %scan3A_266 = arith.constant 0 : i32
      %scan3A_267 = arith.constant 63 : i32
      %scan3A_268 = arith.addi %scan3A_266, %scan3A_267 : i32
      %scan3A_269 = arith.constant 1 : i32
      %scan3A_270 = scf.for %scan3A_303 = %scan3A_266 to %scan3A_268 step %scan3A_269 iter_args(%scan3A_304 = %scan3A_265) -> (i32)  : i32 {
        %mul3A_305 = arith.constant 10 : i32
        %mul3A_306 = arith.muli %scan3A_303, %mul3A_305 : i32
        %add3A_307 = arith.constant 0 : i32
        %add3A_308 = arith.addi %mul3A_306, %add3A_307 : i32
        %mul3A_309 = arith.constant 16 : i32
        %mul3A_310 = arith.muli %add3A_308, %mul3A_309 : i32
        %get3A = arith.index_cast %mul3A_310 : i32 to index
        %get3A_311 = tpu.vector_load %arg8[%get3A] {strides = array<i32>} : memref<10080xi32, #tpu.memory_space<vmem>>, vector<16xi32>,
        %shift_right_logical3A = arith.constant 14 : i32
        %shift_right_logical3A_312 = vector.broadcast %shift_right_logical3A : i32 to vector<16xi32>
        %shift_right_logical3A_313 = arith.shrui %get3A_311, %shift_right_logical3A_312 : vector<16xi32>
        %and3A = arith.constant 16383 : i32
        %and3A_314 = vector.broadcast %and3A : i32 to vector<16xi32>
        %and3A_315 = arith.andi %get3A_311, %and3A_314 : vector<16xi32>
        %mul3A_316 = arith.constant 10 : i32
        %mul3A_317 = arith.muli %scan3A_303, %mul3A_316 : i32
        %add3A_318 = arith.constant 1 : i32
        %add3A_319 = arith.addi %mul3A_317, %add3A_318 : i32
        %mul3A_320 = arith.constant 16 : i32
        %mul3A_321 = arith.muli %add3A_319, %mul3A_320 : i32
        %get3A_322 = arith.index_cast %mul3A_321 : i32 to index
        %get3A_323 = tpu.vector_load %arg8[%get3A_322] {strides = array<i32>} : memref<10080xi32, #tpu.memory_space<vmem>>, vector<16xi32>,
        %shift_right_logical3A_324 = arith.constant 14 : i32
        %shift_right_logical3A_325 = vector.broadcast %shift_right_logical3A_324 : i32 to vector<16xi32>
        %shift_right_logical3A_326 = arith.shrui %get3A_323, %shift_right_logical3A_325 : vector<16xi32>
        %and3A_327 = arith.constant 16383 : i32
        %and3A_328 = vector.broadcast %and3A_327 : i32 to vector<16xi32>
        %and3A_329 = arith.andi %get3A_323, %and3A_328 : vector<16xi32>
        %mul3A_330 = arith.constant 10 : i32
        %mul3A_331 = arith.muli %scan3A_303, %mul3A_330 : i32
        %add3A_332 = arith.constant 2 : i32
        %add3A_333 = arith.addi %mul3A_331, %add3A_332 : i32
        %mul3A_334 = arith.constant 16 : i32
        %mul3A_335 = arith.muli %add3A_333, %mul3A_334 : i32
        %get3A_336 = arith.index_cast %mul3A_335 : i32 to index
        %get3A_337 = tpu.vector_load %arg8[%get3A_336] {strides = array<i32>} : memref<10080xi32, #tpu.memory_space<vmem>>, vector<16xi32>,
        %shift_right_logical3A_338 = arith.constant 14 : i32
        %shift_right_logical3A_339 = vector.broadcast %shift_right_logical3A_338 : i32 to vector<16xi32>
        %shift_right_logical3A_340 = arith.shrui %get3A_337, %shift_right_logical3A_339 : vector<16xi32>
        %and3A_341 = arith.constant 16383 : i32
        %and3A_342 = vector.broadcast %and3A_341 : i32 to vector<16xi32>
        %and3A_343 = arith.andi %get3A_337, %and3A_342 : vector<16xi32>
        %mul3A_344 = arith.constant 10 : i32
        %mul3A_345 = arith.muli %scan3A_303, %mul3A_344 : i32
        %add3A_346 = arith.constant 3 : i32
        %add3A_347 = arith.addi %mul3A_345, %add3A_346 : i32
        %mul3A_348 = arith.constant 16 : i32
        %mul3A_349 = arith.muli %add3A_347, %mul3A_348 : i32
        %get3A_350 = arith.index_cast %mul3A_349 : i32 to index
        %get3A_351 = tpu.vector_load %arg8[%get3A_350] {strides = array<i32>} : memref<10080xi32, #tpu.memory_space<vmem>>, vector<16xi32>,
        %shift_right_logical3A_352 = arith.constant 14 : i32
        %shift_right_logical3A_353 = vector.broadcast %shift_right_logical3A_352 : i32 to vector<16xi32>
        %shift_right_logical3A_354 = arith.shrui %get3A_351, %shift_right_logical3A_353 : vector<16xi32>
        %and3A_355 = arith.constant 16383 : i32
        %and3A_356 = vector.broadcast %and3A_355 : i32 to vector<16xi32>
        %and3A_357 = arith.andi %get3A_351, %and3A_356 : vector<16xi32>
        %mul3A_358 = arith.constant 10 : i32
        %mul3A_359 = arith.muli %scan3A_303, %mul3A_358 : i32
        %add3A_360 = arith.constant 4 : i32
        %add3A_361 = arith.addi %mul3A_359, %add3A_360 : i32
        %mul3A_362 = arith.constant 16 : i32
        %mul3A_363 = arith.muli %add3A_361, %mul3A_362 : i32
        %get3A_364 = arith.index_cast %mul3A_363 : i32 to index
        %get3A_365 = tpu.vector_load %arg8[%get3A_364] {strides = array<i32>} : memref<10080xi32, #tpu.memory_space<vmem>>, vector<16xi32>,
        %shift_right_logical3A_366 = arith.constant 14 : i32
        %shift_right_logical3A_367 = vector.broadcast %shift_right_logical3A_366 : i32 to vector<16xi32>
        %shift_right_logical3A_368 = arith.shrui %get3A_365, %shift_right_logical3A_367 : vector<16xi32>
        %and3A_369 = arith.constant 16383 : i32
        %and3A_370 = vector.broadcast %and3A_369 : i32 to vector<16xi32>
        %and3A_371 = arith.andi %get3A_365, %and3A_370 : vector<16xi32>
        %mul3A_372 = arith.constant 10 : i32
        %mul3A_373 = arith.muli %scan3A_303, %mul3A_372 : i32
        %add3A_374 = arith.constant 5 : i32
        %add3A_375 = arith.addi %mul3A_373, %add3A_374 : i32
        %mul3A_376 = arith.constant 16 : i32
        %mul3A_377 = arith.muli %add3A_375, %mul3A_376 : i32
        %get3A_378 = arith.index_cast %mul3A_377 : i32 to index
        %get3A_379 = tpu.vector_load %arg8[%get3A_378] {strides = array<i32>} : memref<10080xi32, #tpu.memory_space<vmem>>, vector<16xi32>,
        %shift_right_logical3A_380 = arith.constant 14 : i32
        %shift_right_logical3A_381 = vector.broadcast %shift_right_logical3A_380 : i32 to vector<16xi32>
        %shift_right_logical3A_382 = arith.shrui %get3A_379, %shift_right_logical3A_381 : vector<16xi32>
        %and3A_383 = arith.constant 16383 : i32
        %and3A_384 = vector.broadcast %and3A_383 : i32 to vector<16xi32>
        %and3A_385 = arith.andi %get3A_379, %and3A_384 : vector<16xi32>
        %mul3A_386 = arith.constant 10 : i32
        %mul3A_387 = arith.muli %scan3A_303, %mul3A_386 : i32
        %add3A_388 = arith.constant 6 : i32
        %add3A_389 = arith.addi %mul3A_387, %add3A_388 : i32
        %mul3A_390 = arith.constant 16 : i32
        %mul3A_391 = arith.muli %add3A_389, %mul3A_390 : i32
        %get3A_392 = arith.index_cast %mul3A_391 : i32 to index
        %get3A_393 = tpu.vector_load %arg8[%get3A_392] {strides = array<i32>} : memref<10080xi32, #tpu.memory_space<vmem>>, vector<16xi32>,
        %shift_right_logical3A_394 = arith.constant 14 : i32
        %shift_right_logical3A_395 = vector.broadcast %shift_right_logical3A_394 : i32 to vector<16xi32>
        %shift_right_logical3A_396 = arith.shrui %get3A_393, %shift_right_logical3A_395 : vector<16xi32>
        %and3A_397 = arith.constant 16383 : i32
        %and3A_398 = vector.broadcast %and3A_397 : i32 to vector<16xi32>
        %and3A_399 = arith.andi %get3A_393, %and3A_398 : vector<16xi32>
        %mul3A_400 = arith.constant 10 : i32
        %mul3A_401 = arith.muli %scan3A_303, %mul3A_400 : i32
        %add3A_402 = arith.constant 7 : i32
        %add3A_403 = arith.addi %mul3A_401, %add3A_402 : i32
        %mul3A_404 = arith.constant 16 : i32
        %mul3A_405 = arith.muli %add3A_403, %mul3A_404 : i32
        %get3A_406 = arith.index_cast %mul3A_405 : i32 to index
        %get3A_407 = tpu.vector_load %arg8[%get3A_406] {strides = array<i32>} : memref<10080xi32, #tpu.memory_space<vmem>>, vector<16xi32>,
        %shift_right_logical3A_408 = arith.constant 14 : i32
        %shift_right_logical3A_409 = vector.broadcast %shift_right_logical3A_408 : i32 to vector<16xi32>
        %shift_right_logical3A_410 = arith.shrui %get3A_407, %shift_right_logical3A_409 : vector<16xi32>
        %and3A_411 = arith.constant 16383 : i32
        %and3A_412 = vector.broadcast %and3A_411 : i32 to vector<16xi32>
        %and3A_413 = arith.andi %get3A_407, %and3A_412 : vector<16xi32>
        %mul3A_414 = arith.constant 10 : i32
        %mul3A_415 = arith.muli %scan3A_303, %mul3A_414 : i32
        %add3A_416 = arith.constant 8 : i32
        %add3A_417 = arith.addi %mul3A_415, %add3A_416 : i32
        %mul3A_418 = arith.constant 16 : i32
        %mul3A_419 = arith.muli %add3A_417, %mul3A_418 : i32
        %get3A_420 = arith.index_cast %mul3A_419 : i32 to index
        %get3A_421 = tpu.vector_load %arg8[%get3A_420] {strides = array<i32>} : memref<10080xi32, #tpu.memory_space<vmem>>, vector<16xi32>,
        %shift_right_logical3A_422 = arith.constant 14 : i32
        %shift_right_logical3A_423 = vector.broadcast %shift_right_logical3A_422 : i32 to vector<16xi32>
        %shift_right_logical3A_424 = arith.shrui %get3A_421, %shift_right_logical3A_423 : vector<16xi32>
        %and3A_425 = arith.constant 16383 : i32
        %and3A_426 = vector.broadcast %and3A_425 : i32 to vector<16xi32>
        %and3A_427 = arith.andi %get3A_421, %and3A_426 : vector<16xi32>
        %mul3A_428 = arith.constant 10 : i32
        %mul3A_429 = arith.muli %scan3A_303, %mul3A_428 : i32
        %add3A_430 = arith.constant 9 : i32
        %add3A_431 = arith.addi %mul3A_429, %add3A_430 : i32
        %mul3A_432 = arith.constant 16 : i32
        %mul3A_433 = arith.muli %add3A_431, %mul3A_432 : i32
        %get3A_434 = arith.index_cast %mul3A_433 : i32 to index
        %get3A_435 = tpu.vector_load %arg8[%get3A_434] {strides = array<i32>} : memref<10080xi32, #tpu.memory_space<vmem>>, vector<16xi32>,
        %shift_right_logical3A_436 = arith.constant 14 : i32
        %shift_right_logical3A_437 = vector.broadcast %shift_right_logical3A_436 : i32 to vector<16xi32>
        %shift_right_logical3A_438 = arith.shrui %get3A_435, %shift_right_logical3A_437 : vector<16xi32>
        %and3A_439 = arith.constant 16383 : i32
        %and3A_440 = vector.broadcast %and3A_439 : i32 to vector<16xi32>
        %and3A_441 = arith.andi %get3A_435, %and3A_440 : vector<16xi32>
        %gather3A = arith.constant 0 : i32
        %gather3A_442 = tpu.memref_slice %arg6[%gather3A] : memref<51200xf32, #tpu.memory_space<vmem>> -> memref<10240xf32, #tpu.memory_space<vmem>>
        %gather3A_443 = tpu.vector_load_idx %gather3A_442[%shift_right_logical3A_313] : memref<10240xf32, #tpu.memory_space<vmem>>[vector<16xi32>], vector<16xf32>,
        %gather3A_444 = arith.constant 10240 : i32
        %gather3A_445 = tpu.memref_slice %arg6[%gather3A_444] : memref<51200xf32, #tpu.memory_space<vmem>> -> memref<10240xf32, #tpu.memory_space<vmem>>
        %gather3A_446 = tpu.vector_load_idx %gather3A_445[%shift_right_logical3A_313] : memref<10240xf32, #tpu.memory_space<vmem>>[vector<16xi32>], vector<16xf32>,
        %gather3A_447 = arith.constant 20480 : i32
        %gather3A_448 = tpu.memref_slice %arg6[%gather3A_447] : memref<51200xf32, #tpu.memory_space<vmem>> -> memref<10240xf32, #tpu.memory_space<vmem>>
        %gather3A_449 = tpu.vector_load_idx %gather3A_448[%shift_right_logical3A_313] : memref<10240xf32, #tpu.memory_space<vmem>>[vector<16xi32>], vector<16xf32>,
        %gather3A_450 = arith.constant 30720 : i32
        %gather3A_451 = tpu.memref_slice %arg6[%gather3A_450] : memref<51200xf32, #tpu.memory_space<vmem>> -> memref<10240xf32, #tpu.memory_space<vmem>>
        %gather3A_452 = tpu.vector_load_idx %gather3A_451[%shift_right_logical3A_313] : memref<10240xf32, #tpu.memory_space<vmem>>[vector<16xi32>], vector<16xf32>,
        %gather3A_453 = arith.constant 0 : i32
        %gather3A_454 = tpu.memref_slice %arg6[%gather3A_453] : memref<51200xf32, #tpu.memory_space<vmem>> -> memref<10240xf32, #tpu.memory_space<vmem>>
        %gather3A_455 = tpu.vector_load_idx %gather3A_454[%shift_right_logical3A_326] : memref<10240xf32, #tpu.memory_space<vmem>>[vector<16xi32>], vector<16xf32>,
        %gather3A_456 = arith.constant 10240 : i32
        %gather3A_457 = tpu.memref_slice %arg6[%gather3A_456] : memref<51200xf32, #tpu.memory_space<vmem>> -> memref<10240xf32, #tpu.memory_space<vmem>>
        %gather3A_458 = tpu.vector_load_idx %gather3A_457[%shift_right_logical3A_326] : memref<10240xf32, #tpu.memory_space<vmem>>[vector<16xi32>], vector<16xf32>,
        %gather3A_459 = arith.constant 20480 : i32
        %gather3A_460 = tpu.memref_slice %arg6[%gather3A_459] : memref<51200xf32, #tpu.memory_space<vmem>> -> memref<10240xf32, #tpu.memory_space<vmem>>
        %gather3A_461 = tpu.vector_load_idx %gather3A_460[%shift_right_logical3A_326] : memref<10240xf32, #tpu.memory_space<vmem>>[vector<16xi32>], vector<16xf32>,
        %gather3A_462 = arith.constant 30720 : i32
        %gather3A_463 = tpu.memref_slice %arg6[%gather3A_462] : memref<51200xf32, #tpu.memory_space<vmem>> -> memref<10240xf32, #tpu.memory_space<vmem>>
        %gather3A_464 = tpu.vector_load_idx %gather3A_463[%shift_right_logical3A_326] : memref<10240xf32, #tpu.memory_space<vmem>>[vector<16xi32>], vector<16xf32>,
        %scatter3A = arith.constant 0 : i32
        %scatter3A_465 = tpu.memref_slice %arg7[%scatter3A] : memref<51200xf32, #tpu.memory_space<vmem>> -> memref<10240xf32, #tpu.memory_space<vmem>>
        tpu.vector_store_idx %scatter3A_465[%and3A_315], %gather3A_443 {add = true} : memref<10240xf32, #tpu.memory_space<vmem>>[vector<16xi32>], vector<16xf32>,
        %scatter3A_466 = arith.constant 10240 : i32
        %scatter3A_467 = tpu.memref_slice %arg7[%scatter3A_466] : memref<51200xf32, #tpu.memory_space<vmem>> -> memref<10240xf32, #tpu.memory_space<vmem>>
        tpu.vector_store_idx %scatter3A_467[%and3A_315], %gather3A_446 {add = true} : memref<10240xf32, #tpu.memory_space<vmem>>[vector<16xi32>], vector<16xf32>,
        %scatter3A_468 = arith.constant 20480 : i32
        %scatter3A_469 = tpu.memref_slice %arg7[%scatter3A_468] : memref<51200xf32, #tpu.memory_space<vmem>> -> memref<10240xf32, #tpu.memory_space<vmem>>
        tpu.vector_store_idx %scatter3A_469[%and3A_315], %gather3A_449 {add = true} : memref<10240xf32, #tpu.memory_space<vmem>>[vector<16xi32>], vector<16xf32>,
        %scatter3A_470 = arith.constant 30720 : i32
        %scatter3A_471 = tpu.memref_slice %arg7[%scatter3A_470] : memref<51200xf32, #tpu.memory_space<vmem>> -> memref<10240xf32, #tpu.memory_space<vmem>>
        tpu.vector_store_idx %scatter3A_471[%and3A_315], %gather3A_452 {add = true} : memref<10240xf32, #tpu.memory_space<vmem>>[vector<16xi32>], vector<16xf32>,
        %gather3A_472 = arith.constant 0 : i32
        %gather3A_473 = tpu.memref_slice %arg6[%gather3A_472] : memref<51200xf32, #tpu.memory_space<vmem>> -> memref<10240xf32, #tpu.memory_space<vmem>>
        %gather3A_474 = tpu.vector_load_idx %gather3A_473[%shift_right_logical3A_340] : memref<10240xf32, #tpu.memory_space<vmem>>[vector<16xi32>], vector<16xf32>,
        %gather3A_475 = arith.constant 10240 : i32
        %gather3A_476 = tpu.memref_slice %arg6[%gather3A_475] : memref<51200xf32, #tpu.memory_space<vmem>> -> memref<10240xf32, #tpu.memory_space<vmem>>
        %gather3A_477 = tpu.vector_load_idx %gather3A_476[%shift_right_logical3A_340] : memref<10240xf32, #tpu.memory_space<vmem>>[vector<16xi32>], vector<16xf32>,
        %gather3A_478 = arith.constant 20480 : i32
        %gather3A_479 = tpu.memref_slice %arg6[%gather3A_478] : memref<51200xf32, #tpu.memory_space<vmem>> -> memref<10240xf32, #tpu.memory_space<vmem>>
        %gather3A_480 = tpu.vector_load_idx %gather3A_479[%shift_right_logical3A_340] : memref<10240xf32, #tpu.memory_space<vmem>>[vector<16xi32>], vector<16xf32>,
        %gather3A_481 = arith.constant 30720 : i32
        %gather3A_482 = tpu.memref_slice %arg6[%gather3A_481] : memref<51200xf32, #tpu.memory_space<vmem>> -> memref<10240xf32, #tpu.memory_space<vmem>>
        %gather3A_483 = tpu.vector_load_idx %gather3A_482[%shift_right_logical3A_340] : memref<10240xf32, #tpu.memory_space<vmem>>[vector<16xi32>], vector<16xf32>,
        %scatter3A_484 = arith.constant 0 : i32
        %scatter3A_485 = tpu.memref_slice %arg7[%scatter3A_484] : memref<51200xf32, #tpu.memory_space<vmem>> -> memref<10240xf32, #tpu.memory_space<vmem>>
        tpu.vector_store_idx %scatter3A_485[%and3A_329], %gather3A_455 {add = true} : memref<10240xf32, #tpu.memory_space<vmem>>[vector<16xi32>], vector<16xf32>,
        %scatter3A_486 = arith.constant 10240 : i32
        %scatter3A_487 = tpu.memref_slice %arg7[%scatter3A_486] : memref<51200xf32, #tpu.memory_space<vmem>> -> memref<10240xf32, #tpu.memory_space<vmem>>
        tpu.vector_store_idx %scatter3A_487[%and3A_329], %gather3A_458 {add = true} : memref<10240xf32, #tpu.memory_space<vmem>>[vector<16xi32>], vector<16xf32>,
        %scatter3A_488 = arith.constant 20480 : i32
        %scatter3A_489 = tpu.memref_slice %arg7[%scatter3A_488] : memref<51200xf32, #tpu.memory_space<vmem>> -> memref<10240xf32, #tpu.memory_space<vmem>>
        tpu.vector_store_idx %scatter3A_489[%and3A_329], %gather3A_461 {add = true} : memref<10240xf32, #tpu.memory_space<vmem>>[vector<16xi32>], vector<16xf32>,
        %scatter3A_490 = arith.constant 30720 : i32
        %scatter3A_491 = tpu.memref_slice %arg7[%scatter3A_490] : memref<51200xf32, #tpu.memory_space<vmem>> -> memref<10240xf32, #tpu.memory_space<vmem>>
        tpu.vector_store_idx %scatter3A_491[%and3A_329], %gather3A_464 {add = true} : memref<10240xf32, #tpu.memory_space<vmem>>[vector<16xi32>], vector<16xf32>,
        %gather3A_492 = arith.constant 0 : i32
        %gather3A_493 = tpu.memref_slice %arg6[%gather3A_492] : memref<51200xf32, #tpu.memory_space<vmem>> -> memref<10240xf32, #tpu.memory_space<vmem>>
        %gather3A_494 = tpu.vector_load_idx %gather3A_493[%shift_right_logical3A_354] : memref<10240xf32, #tpu.memory_space<vmem>>[vector<16xi32>], vector<16xf32>,
        %gather3A_495 = arith.constant 10240 : i32
        %gather3A_496 = tpu.memref_slice %arg6[%gather3A_495] : memref<51200xf32, #tpu.memory_space<vmem>> -> memref<10240xf32, #tpu.memory_space<vmem>>
        %gather3A_497 = tpu.vector_load_idx %gather3A_496[%shift_right_logical3A_354] : memref<10240xf32, #tpu.memory_space<vmem>>[vector<16xi32>], vector<16xf32>,
        %gather3A_498 = arith.constant 20480 : i32
        %gather3A_499 = tpu.memref_slice %arg6[%gather3A_498] : memref<51200xf32, #tpu.memory_space<vmem>> -> memref<10240xf32, #tpu.memory_space<vmem>>
        %gather3A_500 = tpu.vector_load_idx %gather3A_499[%shift_right_logical3A_354] : memref<10240xf32, #tpu.memory_space<vmem>>[vector<16xi32>], vector<16xf32>,
        %gather3A_501 = arith.constant 30720 : i32
        %gather3A_502 = tpu.memref_slice %arg6[%gather3A_501] : memref<51200xf32, #tpu.memory_space<vmem>> -> memref<10240xf32, #tpu.memory_space<vmem>>
        %gather3A_503 = tpu.vector_load_idx %gather3A_502[%shift_right_logical3A_354] : memref<10240xf32, #tpu.memory_space<vmem>>[vector<16xi32>], vector<16xf32>,
        %scatter3A_504 = arith.constant 0 : i32
        %scatter3A_505 = tpu.memref_slice %arg7[%scatter3A_504] : memref<51200xf32, #tpu.memory_space<vmem>> -> memref<10240xf32, #tpu.memory_space<vmem>>
        tpu.vector_store_idx %scatter3A_505[%and3A_343], %gather3A_474 {add = true} : memref<10240xf32, #tpu.memory_space<vmem>>[vector<16xi32>], vector<16xf32>,
        %scatter3A_506 = arith.constant 10240 : i32
        %scatter3A_507 = tpu.memref_slice %arg7[%scatter3A_506] : memref<51200xf32, #tpu.memory_space<vmem>> -> memref<10240xf32, #tpu.memory_space<vmem>>
        tpu.vector_store_idx %scatter3A_507[%and3A_343], %gather3A_477 {add = true} : memref<10240xf32, #tpu.memory_space<vmem>>[vector<16xi32>], vector<16xf32>,
        %scatter3A_508 = arith.constant 20480 : i32
        %scatter3A_509 = tpu.memref_slice %arg7[%scatter3A_508] : memref<51200xf32, #tpu.memory_space<vmem>> -> memref<10240xf32, #tpu.memory_space<vmem>>
        tpu.vector_store_idx %scatter3A_509[%and3A_343], %gather3A_480 {add = true} : memref<10240xf32, #tpu.memory_space<vmem>>[vector<16xi32>], vector<16xf32>,
        %scatter3A_510 = arith.constant 30720 : i32
        %scatter3A_511 = tpu.memref_slice %arg7[%scatter3A_510] : memref<51200xf32, #tpu.memory_space<vmem>> -> memref<10240xf32, #tpu.memory_space<vmem>>
        tpu.vector_store_idx %scatter3A_511[%and3A_343], %gather3A_483 {add = true} : memref<10240xf32, #tpu.memory_space<vmem>>[vector<16xi32>], vector<16xf32>,
        %gather3A_512 = arith.constant 0 : i32
        %gather3A_513 = tpu.memref_slice %arg6[%gather3A_512] : memref<51200xf32, #tpu.memory_space<vmem>> -> memref<10240xf32, #tpu.memory_space<vmem>>
        %gather3A_514 = tpu.vector_load_idx %gather3A_513[%shift_right_logical3A_368] : memref<10240xf32, #tpu.memory_space<vmem>>[vector<16xi32>], vector<16xf32>,
        %gather3A_515 = arith.constant 10240 : i32
        %gather3A_516 = tpu.memref_slice %arg6[%gather3A_515] : memref<51200xf32, #tpu.memory_space<vmem>> -> memref<10240xf32, #tpu.memory_space<vmem>>
        %gather3A_517 = tpu.vector_load_idx %gather3A_516[%shift_right_logical3A_368] : memref<10240xf32, #tpu.memory_space<vmem>>[vector<16xi32>], vector<16xf32>,
        %gather3A_518 = arith.constant 20480 : i32
        %gather3A_519 = tpu.memref_slice %arg6[%gather3A_518] : memref<51200xf32, #tpu.memory_space<vmem>> -> memref<10240xf32, #tpu.memory_space<vmem>>
        %gather3A_520 = tpu.vector_load_idx %gather3A_519[%shift_right_logical3A_368] : memref<10240xf32, #tpu.memory_space<vmem>>[vector<16xi32>], vector<16xf32>,
        %gather3A_521 = arith.constant 30720 : i32
        %gather3A_522 = tpu.memref_slice %arg6[%gather3A_521] : memref<51200xf32, #tpu.memory_space<vmem>> -> memref<10240xf32, #tpu.memory_space<vmem>>
        %gather3A_523 = tpu.vector_load_idx %gather3A_522[%shift_right_logical3A_368] : memref<10240xf32, #tpu.memory_space<vmem>>[vector<16xi32>], vector<16xf32>,
        %scatter3A_524 = arith.constant 0 : i32
        %scatter3A_525 = tpu.memref_slice %arg7[%scatter3A_524] : memref<51200xf32, #tpu.memory_space<vmem>> -> memref<10240xf32, #tpu.memory_space<vmem>>
        tpu.vector_store_idx %scatter3A_525[%and3A_357], %gather3A_494 {add = true} : memref<10240xf32, #tpu.memory_space<vmem>>[vector<16xi32>], vector<16xf32>,
        %scatter3A_526 = arith.constant 10240 : i32
        %scatter3A_527 = tpu.memref_slice %arg7[%scatter3A_526] : memref<51200xf32, #tpu.memory_space<vmem>> -> memref<10240xf32, #tpu.memory_space<vmem>>
        tpu.vector_store_idx %scatter3A_527[%and3A_357], %gather3A_497 {add = true} : memref<10240xf32, #tpu.memory_space<vmem>>[vector<16xi32>], vector<16xf32>,
        %scatter3A_528 = arith.constant 20480 : i32
        %scatter3A_529 = tpu.memref_slice %arg7[%scatter3A_528] : memref<51200xf32, #tpu.memory_space<vmem>> -> memref<10240xf32, #tpu.memory_space<vmem>>
        tpu.vector_store_idx %scatter3A_529[%and3A_357], %gather3A_500 {add = true} : memref<10240xf32, #tpu.memory_space<vmem>>[vector<16xi32>], vector<16xf32>,
        %scatter3A_530 = arith.constant 30720 : i32
        %scatter3A_531 = tpu.memref_slice %arg7[%scatter3A_530] : memref<51200xf32, #tpu.memory_space<vmem>> -> memref<10240xf32, #tpu.memory_space<vmem>>
        tpu.vector_store_idx %scatter3A_531[%and3A_357], %gather3A_503 {add = true} : memref<10240xf32, #tpu.memory_space<vmem>>[vector<16xi32>], vector<16xf32>,
        %gather3A_532 = arith.constant 0 : i32
        %gather3A_533 = tpu.memref_slice %arg6[%gather3A_532] : memref<51200xf32, #tpu.memory_space<vmem>> -> memref<10240xf32, #tpu.memory_space<vmem>>
        %gather3A_534 = tpu.vector_load_idx %gather3A_533[%shift_right_logical3A_382] : memref<10240xf32, #tpu.memory_space<vmem>>[vector<16xi32>], vector<16xf32>,
        %gather3A_535 = arith.constant 10240 : i32
        %gather3A_536 = tpu.memref_slice %arg6[%gather3A_535] : memref<51200xf32, #tpu.memory_space<vmem>> -> memref<10240xf32, #tpu.memory_space<vmem>>
        %gather3A_537 = tpu.vector_load_idx %gather3A_536[%shift_right_logical3A_382] : memref<10240xf32, #tpu.memory_space<vmem>>[vector<16xi32>], vector<16xf32>,
        %gather3A_538 = arith.constant 20480 : i32
        %gather3A_539 = tpu.memref_slice %arg6[%gather3A_538] : memref<51200xf32, #tpu.memory_space<vmem>> -> memref<10240xf32, #tpu.memory_space<vmem>>
        %gather3A_540 = tpu.vector_load_idx %gather3A_539[%shift_right_logical3A_382] : memref<10240xf32, #tpu.memory_space<vmem>>[vector<16xi32>], vector<16xf32>,
        %gather3A_541 = arith.constant 30720 : i32
        %gather3A_542 = tpu.memref_slice %arg6[%gather3A_541] : memref<51200xf32, #tpu.memory_space<vmem>> -> memref<10240xf32, #tpu.memory_space<vmem>>
        %gather3A_543 = tpu.vector_load_idx %gather3A_542[%shift_right_logical3A_382] : memref<10240xf32, #tpu.memory_space<vmem>>[vector<16xi32>], vector<16xf32>,
        %scatter3A_544 = arith.constant 0 : i32
        %scatter3A_545 = tpu.memref_slice %arg7[%scatter3A_544] : memref<51200xf32, #tpu.memory_space<vmem>> -> memref<10240xf32, #tpu.memory_space<vmem>>
        tpu.vector_store_idx %scatter3A_545[%and3A_371], %gather3A_514 {add = true} : memref<10240xf32, #tpu.memory_space<vmem>>[vector<16xi32>], vector<16xf32>,
        %scatter3A_546 = arith.constant 10240 : i32
        %scatter3A_547 = tpu.memref_slice %arg7[%scatter3A_546] : memref<51200xf32, #tpu.memory_space<vmem>> -> memref<10240xf32, #tpu.memory_space<vmem>>
        tpu.vector_store_idx %scatter3A_547[%and3A_371], %gather3A_517 {add = true} : memref<10240xf32, #tpu.memory_space<vmem>>[vector<16xi32>], vector<16xf32>,
        %scatter3A_548 = arith.constant 20480 : i32
        %scatter3A_549 = tpu.memref_slice %arg7[%scatter3A_548] : memref<51200xf32, #tpu.memory_space<vmem>> -> memref<10240xf32, #tpu.memory_space<vmem>>
        tpu.vector_store_idx %scatter3A_549[%and3A_371], %gather3A_520 {add = true} : memref<10240xf32, #tpu.memory_space<vmem>>[vector<16xi32>], vector<16xf32>,
        %scatter3A_550 = arith.constant 30720 : i32
        %scatter3A_551 = tpu.memref_slice %arg7[%scatter3A_550] : memref<51200xf32, #tpu.memory_space<vmem>> -> memref<10240xf32, #tpu.memory_space<vmem>>
        tpu.vector_store_idx %scatter3A_551[%and3A_371], %gather3A_523 {add = true} : memref<10240xf32, #tpu.memory_space<vmem>>[vector<16xi32>], vector<16xf32>,
        %gather3A_552 = arith.constant 0 : i32
        %gather3A_553 = tpu.memref_slice %arg6[%gather3A_552] : memref<51200xf32, #tpu.memory_space<vmem>> -> memref<10240xf32, #tpu.memory_space<vmem>>
        %gather3A_554 = tpu.vector_load_idx %gather3A_553[%shift_right_logical3A_396] : memref<10240xf32, #tpu.memory_space<vmem>>[vector<16xi32>], vector<16xf32>,
        %gather3A_555 = arith.constant 10240 : i32
        %gather3A_556 = tpu.memref_slice %arg6[%gather3A_555] : memref<51200xf32, #tpu.memory_space<vmem>> -> memref<10240xf32, #tpu.memory_space<vmem>>
        %gather3A_557 = tpu.vector_load_idx %gather3A_556[%shift_right_logical3A_396] : memref<10240xf32, #tpu.memory_space<vmem>>[vector<16xi32>], vector<16xf32>,
        %gather3A_558 = arith.constant 20480 : i32
        %gather3A_559 = tpu.memref_slice %arg6[%gather3A_558] : memref<51200xf32, #tpu.memory_space<vmem>> -> memref<10240xf32, #tpu.memory_space<vmem>>
        %gather3A_560 = tpu.vector_load_idx %gather3A_559[%shift_right_logical3A_396] : memref<10240xf32, #tpu.memory_space<vmem>>[vector<16xi32>], vector<16xf32>,
        %gather3A_561 = arith.constant 30720 : i32
        %gather3A_562 = tpu.memref_slice %arg6[%gather3A_561] : memref<51200xf32, #tpu.memory_space<vmem>> -> memref<10240xf32, #tpu.memory_space<vmem>>
        %gather3A_563 = tpu.vector_load_idx %gather3A_562[%shift_right_logical3A_396] : memref<10240xf32, #tpu.memory_space<vmem>>[vector<16xi32>], vector<16xf32>,
        %scatter3A_564 = arith.constant 0 : i32
        %scatter3A_565 = tpu.memref_slice %arg7[%scatter3A_564] : memref<51200xf32, #tpu.memory_space<vmem>> -> memref<10240xf32, #tpu.memory_space<vmem>>
        tpu.vector_store_idx %scatter3A_565[%and3A_385], %gather3A_534 {add = true} : memref<10240xf32, #tpu.memory_space<vmem>>[vector<16xi32>], vector<16xf32>,
        %scatter3A_566 = arith.constant 10240 : i32
        %scatter3A_567 = tpu.memref_slice %arg7[%scatter3A_566] : memref<51200xf32, #tpu.memory_space<vmem>> -> memref<10240xf32, #tpu.memory_space<vmem>>
        tpu.vector_store_idx %scatter3A_567[%and3A_385], %gather3A_537 {add = true} : memref<10240xf32, #tpu.memory_space<vmem>>[vector<16xi32>], vector<16xf32>,
        %scatter3A_568 = arith.constant 20480 : i32
        %scatter3A_569 = tpu.memref_slice %arg7[%scatter3A_568] : memref<51200xf32, #tpu.memory_space<vmem>> -> memref<10240xf32, #tpu.memory_space<vmem>>
        tpu.vector_store_idx %scatter3A_569[%and3A_385], %gather3A_540 {add = true} : memref<10240xf32, #tpu.memory_space<vmem>>[vector<16xi32>], vector<16xf32>,
        %scatter3A_570 = arith.constant 30720 : i32
        %scatter3A_571 = tpu.memref_slice %arg7[%scatter3A_570] : memref<51200xf32, #tpu.memory_space<vmem>> -> memref<10240xf32, #tpu.memory_space<vmem>>
        tpu.vector_store_idx %scatter3A_571[%and3A_385], %gather3A_543 {add = true} : memref<10240xf32, #tpu.memory_space<vmem>>[vector<16xi32>], vector<16xf32>,
        %gather3A_572 = arith.constant 0 : i32
        %gather3A_573 = tpu.memref_slice %arg6[%gather3A_572] : memref<51200xf32, #tpu.memory_space<vmem>> -> memref<10240xf32, #tpu.memory_space<vmem>>
        %gather3A_574 = tpu.vector_load_idx %gather3A_573[%shift_right_logical3A_410] : memref<10240xf32, #tpu.memory_space<vmem>>[vector<16xi32>], vector<16xf32>,
        %gather3A_575 = arith.constant 10240 : i32
        %gather3A_576 = tpu.memref_slice %arg6[%gather3A_575] : memref<51200xf32, #tpu.memory_space<vmem>> -> memref<10240xf32, #tpu.memory_space<vmem>>
        %gather3A_577 = tpu.vector_load_idx %gather3A_576[%shift_right_logical3A_410] : memref<10240xf32, #tpu.memory_space<vmem>>[vector<16xi32>], vector<16xf32>,
        %gather3A_578 = arith.constant 20480 : i32
        %gather3A_579 = tpu.memref_slice %arg6[%gather3A_578] : memref<51200xf32, #tpu.memory_space<vmem>> -> memref<10240xf32, #tpu.memory_space<vmem>>
        %gather3A_580 = tpu.vector_load_idx %gather3A_579[%shift_right_logical3A_410] : memref<10240xf32, #tpu.memory_space<vmem>>[vector<16xi32>], vector<16xf32>,
        %gather3A_581 = arith.constant 30720 : i32
        %gather3A_582 = tpu.memref_slice %arg6[%gather3A_581] : memref<51200xf32, #tpu.memory_space<vmem>> -> memref<10240xf32, #tpu.memory_space<vmem>>
        %gather3A_583 = tpu.vector_load_idx %gather3A_582[%shift_right_logical3A_410] : memref<10240xf32, #tpu.memory_space<vmem>>[vector<16xi32>], vector<16xf32>,
        %scatter3A_584 = arith.constant 0 : i32
        %scatter3A_585 = tpu.memref_slice %arg7[%scatter3A_584] : memref<51200xf32, #tpu.memory_space<vmem>> -> memref<10240xf32, #tpu.memory_space<vmem>>
        tpu.vector_store_idx %scatter3A_585[%and3A_399], %gather3A_554 {add = true} : memref<10240xf32, #tpu.memory_space<vmem>>[vector<16xi32>], vector<16xf32>,
        %scatter3A_586 = arith.constant 10240 : i32
        %scatter3A_587 = tpu.memref_slice %arg7[%scatter3A_586] : memref<51200xf32, #tpu.memory_space<vmem>> -> memref<10240xf32, #tpu.memory_space<vmem>>
        tpu.vector_store_idx %scatter3A_587[%and3A_399], %gather3A_557 {add = true} : memref<10240xf32, #tpu.memory_space<vmem>>[vector<16xi32>], vector<16xf32>,
        %scatter3A_588 = arith.constant 20480 : i32
        %scatter3A_589 = tpu.memref_slice %arg7[%scatter3A_588] : memref<51200xf32, #tpu.memory_space<vmem>> -> memref<10240xf32, #tpu.memory_space<vmem>>
        tpu.vector_store_idx %scatter3A_589[%and3A_399], %gather3A_560 {add = true} : memref<10240xf32, #tpu.memory_space<vmem>>[vector<16xi32>], vector<16xf32>,
        %scatter3A_590 = arith.constant 30720 : i32
        %scatter3A_591 = tpu.memref_slice %arg7[%scatter3A_590] : memref<51200xf32, #tpu.memory_space<vmem>> -> memref<10240xf32, #tpu.memory_space<vmem>>
        tpu.vector_store_idx %scatter3A_591[%and3A_399], %gather3A_563 {add = true} : memref<10240xf32, #tpu.memory_space<vmem>>[vector<16xi32>], vector<16xf32>,
        %gather3A_592 = arith.constant 0 : i32
        %gather3A_593 = tpu.memref_slice %arg6[%gather3A_592] : memref<51200xf32, #tpu.memory_space<vmem>> -> memref<10240xf32, #tpu.memory_space<vmem>>
        %gather3A_594 = tpu.vector_load_idx %gather3A_593[%shift_right_logical3A_424] : memref<10240xf32, #tpu.memory_space<vmem>>[vector<16xi32>], vector<16xf32>,
        %gather3A_595 = arith.constant 10240 : i32
        %gather3A_596 = tpu.memref_slice %arg6[%gather3A_595] : memref<51200xf32, #tpu.memory_space<vmem>> -> memref<10240xf32, #tpu.memory_space<vmem>>
        %gather3A_597 = tpu.vector_load_idx %gather3A_596[%shift_right_logical3A_424] : memref<10240xf32, #tpu.memory_space<vmem>>[vector<16xi32>], vector<16xf32>,
        %gather3A_598 = arith.constant 20480 : i32
        %gather3A_599 = tpu.memref_slice %arg6[%gather3A_598] : memref<51200xf32, #tpu.memory_space<vmem>> -> memref<10240xf32, #tpu.memory_space<vmem>>
        %gather3A_600 = tpu.vector_load_idx %gather3A_599[%shift_right_logical3A_424] : memref<10240xf32, #tpu.memory_space<vmem>>[vector<16xi32>], vector<16xf32>,
        %gather3A_601 = arith.constant 30720 : i32
        %gather3A_602 = tpu.memref_slice %arg6[%gather3A_601] : memref<51200xf32, #tpu.memory_space<vmem>> -> memref<10240xf32, #tpu.memory_space<vmem>>
        %gather3A_603 = tpu.vector_load_idx %gather3A_602[%shift_right_logical3A_424] : memref<10240xf32, #tpu.memory_space<vmem>>[vector<16xi32>], vector<16xf32>,
        %scatter3A_604 = arith.constant 0 : i32
        %scatter3A_605 = tpu.memref_slice %arg7[%scatter3A_604] : memref<51200xf32, #tpu.memory_space<vmem>> -> memref<10240xf32, #tpu.memory_space<vmem>>
        tpu.vector_store_idx %scatter3A_605[%and3A_413], %gather3A_574 {add = true} : memref<10240xf32, #tpu.memory_space<vmem>>[vector<16xi32>], vector<16xf32>,
        %scatter3A_606 = arith.constant 10240 : i32
        %scatter3A_607 = tpu.memref_slice %arg7[%scatter3A_606] : memref<51200xf32, #tpu.memory_space<vmem>> -> memref<10240xf32, #tpu.memory_space<vmem>>
        tpu.vector_store_idx %scatter3A_607[%and3A_413], %gather3A_577 {add = true} : memref<10240xf32, #tpu.memory_space<vmem>>[vector<16xi32>], vector<16xf32>,
        %scatter3A_608 = arith.constant 20480 : i32
        %scatter3A_609 = tpu.memref_slice %arg7[%scatter3A_608] : memref<51200xf32, #tpu.memory_space<vmem>> -> memref<10240xf32, #tpu.memory_space<vmem>>
        tpu.vector_store_idx %scatter3A_609[%and3A_413], %gather3A_580 {add = true} : memref<10240xf32, #tpu.memory_space<vmem>>[vector<16xi32>], vector<16xf32>,
        %scatter3A_610 = arith.constant 30720 : i32
        %scatter3A_611 = tpu.memref_slice %arg7[%scatter3A_610] : memref<51200xf32, #tpu.memory_space<vmem>> -> memref<10240xf32, #tpu.memory_space<vmem>>
        tpu.vector_store_idx %scatter3A_611[%and3A_413], %gather3A_583 {add = true} : memref<10240xf32, #tpu.memory_space<vmem>>[vector<16xi32>], vector<16xf32>,
        %gather3A_612 = arith.constant 0 : i32
        %gather3A_613 = tpu.memref_slice %arg6[%gather3A_612] : memref<51200xf32, #tpu.memory_space<vmem>> -> memref<10240xf32, #tpu.memory_space<vmem>>
        %gather3A_614 = tpu.vector_load_idx %gather3A_613[%shift_right_logical3A_438] : memref<10240xf32, #tpu.memory_space<vmem>>[vector<16xi32>], vector<16xf32>,
        %gather3A_615 = arith.constant 10240 : i32
        %gather3A_616 = tpu.memref_slice %arg6[%gather3A_615] : memref<51200xf32, #tpu.memory_space<vmem>> -> memref<10240xf32, #tpu.memory_space<vmem>>
        %gather3A_617 = tpu.vector_load_idx %gather3A_616[%shift_right_logical3A_438] : memref<10240xf32, #tpu.memory_space<vmem>>[vector<16xi32>], vector<16xf32>,
        %gather3A_618 = arith.constant 20480 : i32
        %gather3A_619 = tpu.memref_slice %arg6[%gather3A_618] : memref<51200xf32, #tpu.memory_space<vmem>> -> memref<10240xf32, #tpu.memory_space<vmem>>
        %gather3A_620 = tpu.vector_load_idx %gather3A_619[%shift_right_logical3A_438] : memref<10240xf32, #tpu.memory_space<vmem>>[vector<16xi32>], vector<16xf32>,
        %gather3A_621 = arith.constant 30720 : i32
        %gather3A_622 = tpu.memref_slice %arg6[%gather3A_621] : memref<51200xf32, #tpu.memory_space<vmem>> -> memref<10240xf32, #tpu.memory_space<vmem>>
        %gather3A_623 = tpu.vector_load_idx %gather3A_622[%shift_right_logical3A_438] : memref<10240xf32, #tpu.memory_space<vmem>>[vector<16xi32>], vector<16xf32>,
        %scatter3A_624 = arith.constant 0 : i32
        %scatter3A_625 = tpu.memref_slice %arg7[%scatter3A_624] : memref<51200xf32, #tpu.memory_space<vmem>> -> memref<10240xf32, #tpu.memory_space<vmem>>
        tpu.vector_store_idx %scatter3A_625[%and3A_427], %gather3A_594 {add = true} : memref<10240xf32, #tpu.memory_space<vmem>>[vector<16xi32>], vector<16xf32>,
        %scatter3A_626 = arith.constant 10240 : i32
        %scatter3A_627 = tpu.memref_slice %arg7[%scatter3A_626] : memref<51200xf32, #tpu.memory_space<vmem>> -> memref<10240xf32, #tpu.memory_space<vmem>>
        tpu.vector_store_idx %scatter3A_627[%and3A_427], %gather3A_597 {add = true} : memref<10240xf32, #tpu.memory_space<vmem>>[vector<16xi32>], vector<16xf32>,
        %scatter3A_628 = arith.constant 20480 : i32
        %scatter3A_629 = tpu.memref_slice %arg7[%scatter3A_628] : memref<51200xf32, #tpu.memory_space<vmem>> -> memref<10240xf32, #tpu.memory_space<vmem>>
        tpu.vector_store_idx %scatter3A_629[%and3A_427], %gather3A_600 {add = true} : memref<10240xf32, #tpu.memory_space<vmem>>[vector<16xi32>], vector<16xf32>,
        %scatter3A_630 = arith.constant 30720 : i32
        %scatter3A_631 = tpu.memref_slice %arg7[%scatter3A_630] : memref<51200xf32, #tpu.memory_space<vmem>> -> memref<10240xf32, #tpu.memory_space<vmem>>
        tpu.vector_store_idx %scatter3A_631[%and3A_427], %gather3A_603 {add = true} : memref<10240xf32, #tpu.memory_space<vmem>>[vector<16xi32>], vector<16xf32>,
        %scatter3A_632 = arith.constant 0 : i32
        %scatter3A_633 = tpu.memref_slice %arg7[%scatter3A_632] : memref<51200xf32, #tpu.memory_space<vmem>> -> memref<10240xf32, #tpu.memory_space<vmem>>
        tpu.vector_store_idx %scatter3A_633[%and3A_441], %gather3A_614 {add = true} : memref<10240xf32, #tpu.memory_space<vmem>>[vector<16xi32>], vector<16xf32>,
        %scatter3A_634 = arith.constant 10240 : i32
        %scatter3A_635 = tpu.memref_slice %arg7[%scatter3A_634] : memref<51200xf32, #tpu.memory_space<vmem>> -> memref<10240xf32, #tpu.memory_space<vmem>>
        tpu.vector_store_idx %scatter3A_635[%and3A_441], %gather3A_617 {add = true} : memref<10240xf32, #tpu.memory_space<vmem>>[vector<16xi32>], vector<16xf32>,
        %scatter3A_636 = arith.constant 20480 : i32
        %scatter3A_637 = tpu.memref_slice %arg7[%scatter3A_636] : memref<51200xf32, #tpu.memory_space<vmem>> -> memref<10240xf32, #tpu.memory_space<vmem>>
        tpu.vector_store_idx %scatter3A_637[%and3A_441], %gather3A_620 {add = true} : memref<10240xf32, #tpu.memory_space<vmem>>[vector<16xi32>], vector<16xf32>,
        %scatter3A_638 = arith.constant 30720 : i32
        %scatter3A_639 = tpu.memref_slice %arg7[%scatter3A_638] : memref<51200xf32, #tpu.memory_space<vmem>> -> memref<10240xf32, #tpu.memory_space<vmem>>
        tpu.vector_store_idx %scatter3A_639[%and3A_441], %gather3A_623 {add = true} : memref<10240xf32, #tpu.memory_space<vmem>>[vector<16xi32>], vector<16xf32>,
        %scan3A_640 = arith.constant 0 : i32
        scf.yield %scan3A_640 : i32
      }
      %scan3A_271 = arith.constant 63 : i32
      %rem3A = arith.constant 32 : i32
      %rem3A_272 = arith.remsi %mul3A_264, %rem3A : i32
      %eq3A = arith.cmpi eq, %rem3A_272, %add3A : i32
      %convert_element_type3A = arith.extui %eq3A : i1 to i32
      %cond3A = arith.constant 0 : i32
      %cond3A_273 = arith.cmpi ne, %convert_element_type3A, %cond3A : i32
      scf.if %cond3A_273 {
        %scan3A_303 = arith.constant 0 : i32
        %scan3A_304 = arith.constant 0 : i32
        %scan3A_305 = arith.constant 63 : i32
        %scan3A_306 = arith.addi %scan3A_304, %scan3A_305 : i32
        %scan3A_307 = arith.constant 1 : i32
        %scan3A_308 = scf.for %scan3A_310 = %scan3A_304 to %scan3A_306 step %scan3A_307 iter_args(%scan3A_311 = %scan3A_303) -> (i32)  : i32 {
          %mul3A_312 = arith.constant 10 : i32
          %mul3A_313 = arith.muli %scan3A_310, %mul3A_312 : i32
          %add3A_314 = arith.constant 0 : i32
          %add3A_315 = arith.addi %mul3A_313, %add3A_314 : i32
          %mul3A_316 = arith.constant 16 : i32
          %mul3A_317 = arith.muli %add3A_315, %mul3A_316 : i32
          %get3A = arith.index_cast %mul3A_317 : i32 to index
          %get3A_318 = tpu.vector_load %arg8[%get3A] {strides = array<i32>} : memref<10080xi32, #tpu.memory_space<vmem>>, vector<16xi32>,
          %shift_right_logical3A = arith.constant 14 : i32
          %shift_right_logical3A_319 = vector.broadcast %shift_right_logical3A : i32 to vector<16xi32>
          %shift_right_logical3A_320 = arith.shrui %get3A_318, %shift_right_logical3A_319 : vector<16xi32>
          %and3A = arith.constant 16383 : i32
          %and3A_321 = vector.broadcast %and3A : i32 to vector<16xi32>
          %and3A_322 = arith.andi %get3A_318, %and3A_321 : vector<16xi32>
          %gather3A = arith.constant 40960 : i32
          %gather3A_323 = tpu.memref_slice %arg6[%gather3A] : memref<51200xf32, #tpu.memory_space<vmem>> -> memref<10240xf32, #tpu.memory_space<vmem>>
          %gather3A_324 = tpu.vector_load_idx %gather3A_323[%shift_right_logical3A_320] : memref<10240xf32, #tpu.memory_space<vmem>>[vector<16xi32>], vector<16xf32>,
          %mul3A_325 = arith.constant 10 : i32
          %mul3A_326 = arith.muli %scan3A_310, %mul3A_325 : i32
          %add3A_327 = arith.constant 1 : i32
          %add3A_328 = arith.addi %mul3A_326, %add3A_327 : i32
          %mul3A_329 = arith.constant 16 : i32
          %mul3A_330 = arith.muli %add3A_328, %mul3A_329 : i32
          %get3A_331 = arith.index_cast %mul3A_330 : i32 to index
          %get3A_332 = tpu.vector_load %arg8[%get3A_331] {strides = array<i32>} : memref<10080xi32, #tpu.memory_space<vmem>>, vector<16xi32>,
          %shift_right_logical3A_333 = arith.constant 14 : i32
          %shift_right_logical3A_334 = vector.broadcast %shift_right_logical3A_333 : i32 to vector<16xi32>
          %shift_right_logical3A_335 = arith.shrui %get3A_332, %shift_right_logical3A_334 : vector<16xi32>
          %and3A_336 = arith.constant 16383 : i32
          %and3A_337 = vector.broadcast %and3A_336 : i32 to vector<16xi32>
          %and3A_338 = arith.andi %get3A_332, %and3A_337 : vector<16xi32>
          %gather3A_339 = arith.constant 40960 : i32
          %gather3A_340 = tpu.memref_slice %arg6[%gather3A_339] : memref<51200xf32, #tpu.memory_space<vmem>> -> memref<10240xf32, #tpu.memory_space<vmem>>
          %gather3A_341 = tpu.vector_load_idx %gather3A_340[%shift_right_logical3A_335] : memref<10240xf32, #tpu.memory_space<vmem>>[vector<16xi32>], vector<16xf32>,
          %scatter3A = arith.constant 40960 : i32
          %scatter3A_342 = tpu.memref_slice %arg7[%scatter3A] : memref<51200xf32, #tpu.memory_space<vmem>> -> memref<10240xf32, #tpu.memory_space<vmem>>
          tpu.vector_store_idx %scatter3A_342[%and3A_322], %gather3A_324 {add = true} : memref<10240xf32, #tpu.memory_space<vmem>>[vector<16xi32>], vector<16xf32>,
          %mul3A_343 = arith.constant 10 : i32
          %mul3A_344 = arith.muli %scan3A_310, %mul3A_343 : i32
          %add3A_345 = arith.constant 2 : i32
          %add3A_346 = arith.addi %mul3A_344, %add3A_345 : i32
          %mul3A_347 = arith.constant 16 : i32
          %mul3A_348 = arith.muli %add3A_346, %mul3A_347 : i32
          %get3A_349 = arith.index_cast %mul3A_348 : i32 to index
          %get3A_350 = tpu.vector_load %arg8[%get3A_349] {strides = array<i32>} : memref<10080xi32, #tpu.memory_space<vmem>>, vector<16xi32>,
          %shift_right_logical3A_351 = arith.constant 14 : i32
          %shift_right_logical3A_352 = vector.broadcast %shift_right_logical3A_351 : i32 to vector<16xi32>
          %shift_right_logical3A_353 = arith.shrui %get3A_350, %shift_right_logical3A_352 : vector<16xi32>
          %and3A_354 = arith.constant 16383 : i32
          %and3A_355 = vector.broadcast %and3A_354 : i32 to vector<16xi32>
          %and3A_356 = arith.andi %get3A_350, %and3A_355 : vector<16xi32>
          %gather3A_357 = arith.constant 40960 : i32
          %gather3A_358 = tpu.memref_slice %arg6[%gather3A_357] : memref<51200xf32, #tpu.memory_space<vmem>> -> memref<10240xf32, #tpu.memory_space<vmem>>
          %gather3A_359 = tpu.vector_load_idx %gather3A_358[%shift_right_logical3A_353] : memref<10240xf32, #tpu.memory_space<vmem>>[vector<16xi32>], vector<16xf32>,
          %scatter3A_360 = arith.constant 40960 : i32
          %scatter3A_361 = tpu.memref_slice %arg7[%scatter3A_360] : memref<51200xf32, #tpu.memory_space<vmem>> -> memref<10240xf32, #tpu.memory_space<vmem>>
          tpu.vector_store_idx %scatter3A_361[%and3A_338], %gather3A_341 {add = true} : memref<10240xf32, #tpu.memory_space<vmem>>[vector<16xi32>], vector<16xf32>,
          %mul3A_362 = arith.constant 10 : i32
          %mul3A_363 = arith.muli %scan3A_310, %mul3A_362 : i32
          %add3A_364 = arith.constant 3 : i32
          %add3A_365 = arith.addi %mul3A_363, %add3A_364 : i32
          %mul3A_366 = arith.constant 16 : i32
          %mul3A_367 = arith.muli %add3A_365, %mul3A_366 : i32
          %get3A_368 = arith.index_cast %mul3A_367 : i32 to index
          %get3A_369 = tpu.vector_load %arg8[%get3A_368] {strides = array<i32>} : memref<10080xi32, #tpu.memory_space<vmem>>, vector<16xi32>,
          %shift_right_logical3A_370 = arith.constant 14 : i32
          %shift_right_logical3A_371 = vector.broadcast %shift_right_logical3A_370 : i32 to vector<16xi32>
          %shift_right_logical3A_372 = arith.shrui %get3A_369, %shift_right_logical3A_371 : vector<16xi32>
          %and3A_373 = arith.constant 16383 : i32
          %and3A_374 = vector.broadcast %and3A_373 : i32 to vector<16xi32>
          %and3A_375 = arith.andi %get3A_369, %and3A_374 : vector<16xi32>
          %gather3A_376 = arith.constant 40960 : i32
          %gather3A_377 = tpu.memref_slice %arg6[%gather3A_376] : memref<51200xf32, #tpu.memory_space<vmem>> -> memref<10240xf32, #tpu.memory_space<vmem>>
          %gather3A_378 = tpu.vector_load_idx %gather3A_377[%shift_right_logical3A_372] : memref<10240xf32, #tpu.memory_space<vmem>>[vector<16xi32>], vector<16xf32>,
          %scatter3A_379 = arith.constant 40960 : i32
          %scatter3A_380 = tpu.memref_slice %arg7[%scatter3A_379] : memref<51200xf32, #tpu.memory_space<vmem>> -> memref<10240xf32, #tpu.memory_space<vmem>>
          tpu.vector_store_idx %scatter3A_380[%and3A_356], %gather3A_359 {add = true} : memref<10240xf32, #tpu.memory_space<vmem>>[vector<16xi32>], vector<16xf32>,
          %mul3A_381 = arith.constant 10 : i32
          %mul3A_382 = arith.muli %scan3A_310, %mul3A_381 : i32
          %add3A_383 = arith.constant 4 : i32
          %add3A_384 = arith.addi %mul3A_382, %add3A_383 : i32
          %mul3A_385 = arith.constant 16 : i32
          %mul3A_386 = arith.muli %add3A_384, %mul3A_385 : i32
          %get3A_387 = arith.index_cast %mul3A_386 : i32 to index
          %get3A_388 = tpu.vector_load %arg8[%get3A_387] {strides = array<i32>} : memref<10080xi32, #tpu.memory_space<vmem>>, vector<16xi32>,
          %shift_right_logical3A_389 = arith.constant 14 : i32
          %shift_right_logical3A_390 = vector.broadcast %shift_right_logical3A_389 : i32 to vector<16xi32>
          %shift_right_logical3A_391 = arith.shrui %get3A_388, %shift_right_logical3A_390 : vector<16xi32>
          %and3A_392 = arith.constant 16383 : i32
          %and3A_393 = vector.broadcast %and3A_392 : i32 to vector<16xi32>
          %and3A_394 = arith.andi %get3A_388, %and3A_393 : vector<16xi32>
          %gather3A_395 = arith.constant 40960 : i32
          %gather3A_396 = tpu.memref_slice %arg6[%gather3A_395] : memref<51200xf32, #tpu.memory_space<vmem>> -> memref<10240xf32, #tpu.memory_space<vmem>>
          %gather3A_397 = tpu.vector_load_idx %gather3A_396[%shift_right_logical3A_391] : memref<10240xf32, #tpu.memory_space<vmem>>[vector<16xi32>], vector<16xf32>,
          %scatter3A_398 = arith.constant 40960 : i32
          %scatter3A_399 = tpu.memref_slice %arg7[%scatter3A_398] : memref<51200xf32, #tpu.memory_space<vmem>> -> memref<10240xf32, #tpu.memory_space<vmem>>
          tpu.vector_store_idx %scatter3A_399[%and3A_375], %gather3A_378 {add = true} : memref<10240xf32, #tpu.memory_space<vmem>>[vector<16xi32>], vector<16xf32>,
          %mul3A_400 = arith.constant 10 : i32
          %mul3A_401 = arith.muli %scan3A_310, %mul3A_400 : i32
          %add3A_402 = arith.constant 5 : i32
          %add3A_403 = arith.addi %mul3A_401, %add3A_402 : i32
          %mul3A_404 = arith.constant 16 : i32
          %mul3A_405 = arith.muli %add3A_403, %mul3A_404 : i32
          %get3A_406 = arith.index_cast %mul3A_405 : i32 to index
          %get3A_407 = tpu.vector_load %arg8[%get3A_406] {strides = array<i32>} : memref<10080xi32, #tpu.memory_space<vmem>>, vector<16xi32>,
          %shift_right_logical3A_408 = arith.constant 14 : i32
          %shift_right_logical3A_409 = vector.broadcast %shift_right_logical3A_408 : i32 to vector<16xi32>
          %shift_right_logical3A_410 = arith.shrui %get3A_407, %shift_right_logical3A_409 : vector<16xi32>
          %and3A_411 = arith.constant 16383 : i32
          %and3A_412 = vector.broadcast %and3A_411 : i32 to vector<16xi32>
          %and3A_413 = arith.andi %get3A_407, %and3A_412 : vector<16xi32>
          %gather3A_414 = arith.constant 40960 : i32
          %gather3A_415 = tpu.memref_slice %arg6[%gather3A_414] : memref<51200xf32, #tpu.memory_space<vmem>> -> memref<10240xf32, #tpu.memory_space<vmem>>
          %gather3A_416 = tpu.vector_load_idx %gather3A_415[%shift_right_logical3A_410] : memref<10240xf32, #tpu.memory_space<vmem>>[vector<16xi32>], vector<16xf32>,
          %scatter3A_417 = arith.constant 40960 : i32
          %scatter3A_418 = tpu.memref_slice %arg7[%scatter3A_417] : memref<51200xf32, #tpu.memory_space<vmem>> -> memref<10240xf32, #tpu.memory_space<vmem>>
          tpu.vector_store_idx %scatter3A_418[%and3A_394], %gather3A_397 {add = true} : memref<10240xf32, #tpu.memory_space<vmem>>[vector<16xi32>], vector<16xf32>,
          %mul3A_419 = arith.constant 10 : i32
          %mul3A_420 = arith.muli %scan3A_310, %mul3A_419 : i32
          %add3A_421 = arith.constant 6 : i32
          %add3A_422 = arith.addi %mul3A_420, %add3A_421 : i32
          %mul3A_423 = arith.constant 16 : i32
          %mul3A_424 = arith.muli %add3A_422, %mul3A_423 : i32
          %get3A_425 = arith.index_cast %mul3A_424 : i32 to index
          %get3A_426 = tpu.vector_load %arg8[%get3A_425] {strides = array<i32>} : memref<10080xi32, #tpu.memory_space<vmem>>, vector<16xi32>,
          %shift_right_logical3A_427 = arith.constant 14 : i32
          %shift_right_logical3A_428 = vector.broadcast %shift_right_logical3A_427 : i32 to vector<16xi32>
          %shift_right_logical3A_429 = arith.shrui %get3A_426, %shift_right_logical3A_428 : vector<16xi32>
          %and3A_430 = arith.constant 16383 : i32
          %and3A_431 = vector.broadcast %and3A_430 : i32 to vector<16xi32>
          %and3A_432 = arith.andi %get3A_426, %and3A_431 : vector<16xi32>
          %gather3A_433 = arith.constant 40960 : i32
          %gather3A_434 = tpu.memref_slice %arg6[%gather3A_433] : memref<51200xf32, #tpu.memory_space<vmem>> -> memref<10240xf32, #tpu.memory_space<vmem>>
          %gather3A_435 = tpu.vector_load_idx %gather3A_434[%shift_right_logical3A_429] : memref<10240xf32, #tpu.memory_space<vmem>>[vector<16xi32>], vector<16xf32>,
          %scatter3A_436 = arith.constant 40960 : i32
          %scatter3A_437 = tpu.memref_slice %arg7[%scatter3A_436] : memref<51200xf32, #tpu.memory_space<vmem>> -> memref<10240xf32, #tpu.memory_space<vmem>>
          tpu.vector_store_idx %scatter3A_437[%and3A_413], %gather3A_416 {add = true} : memref<10240xf32, #tpu.memory_space<vmem>>[vector<16xi32>], vector<16xf32>,
          %mul3A_438 = arith.constant 10 : i32
          %mul3A_439 = arith.muli %scan3A_310, %mul3A_438 : i32
          %add3A_440 = arith.constant 7 : i32
          %add3A_441 = arith.addi %mul3A_439, %add3A_440 : i32
          %mul3A_442 = arith.constant 16 : i32
          %mul3A_443 = arith.muli %add3A_441, %mul3A_442 : i32
          %get3A_444 = arith.index_cast %mul3A_443 : i32 to index
          %get3A_445 = tpu.vector_load %arg8[%get3A_444] {strides = array<i32>} : memref<10080xi32, #tpu.memory_space<vmem>>, vector<16xi32>,
          %shift_right_logical3A_446 = arith.constant 14 : i32
          %shift_right_logical3A_447 = vector.broadcast %shift_right_logical3A_446 : i32 to vector<16xi32>
          %shift_right_logical3A_448 = arith.shrui %get3A_445, %shift_right_logical3A_447 : vector<16xi32>
          %and3A_449 = arith.constant 16383 : i32
          %and3A_450 = vector.broadcast %and3A_449 : i32 to vector<16xi32>
          %and3A_451 = arith.andi %get3A_445, %and3A_450 : vector<16xi32>
          %gather3A_452 = arith.constant 40960 : i32
          %gather3A_453 = tpu.memref_slice %arg6[%gather3A_452] : memref<51200xf32, #tpu.memory_space<vmem>> -> memref<10240xf32, #tpu.memory_space<vmem>>
          %gather3A_454 = tpu.vector_load_idx %gather3A_453[%shift_right_logical3A_448] : memref<10240xf32, #tpu.memory_space<vmem>>[vector<16xi32>], vector<16xf32>,
          %scatter3A_455 = arith.constant 40960 : i32
          %scatter3A_456 = tpu.memref_slice %arg7[%scatter3A_455] : memref<51200xf32, #tpu.memory_space<vmem>> -> memref<10240xf32, #tpu.memory_space<vmem>>
          tpu.vector_store_idx %scatter3A_456[%and3A_432], %gather3A_435 {add = true} : memref<10240xf32, #tpu.memory_space<vmem>>[vector<16xi32>], vector<16xf32>,
          %mul3A_457 = arith.constant 10 : i32
          %mul3A_458 = arith.muli %scan3A_310, %mul3A_457 : i32
          %add3A_459 = arith.constant 8 : i32
          %add3A_460 = arith.addi %mul3A_458, %add3A_459 : i32
          %mul3A_461 = arith.constant 16 : i32
          %mul3A_462 = arith.muli %add3A_460, %mul3A_461 : i32
          %get3A_463 = arith.index_cast %mul3A_462 : i32 to index
          %get3A_464 = tpu.vector_load %arg8[%get3A_463] {strides = array<i32>} : memref<10080xi32, #tpu.memory_space<vmem>>, vector<16xi32>,
          %shift_right_logical3A_465 = arith.constant 14 : i32
          %shift_right_logical3A_466 = vector.broadcast %shift_right_logical3A_465 : i32 to vector<16xi32>
          %shift_right_logical3A_467 = arith.shrui %get3A_464, %shift_right_logical3A_466 : vector<16xi32>
          %and3A_468 = arith.constant 16383 : i32
          %and3A_469 = vector.broadcast %and3A_468 : i32 to vector<16xi32>
          %and3A_470 = arith.andi %get3A_464, %and3A_469 : vector<16xi32>
          %gather3A_471 = arith.constant 40960 : i32
          %gather3A_472 = tpu.memref_slice %arg6[%gather3A_471] : memref<51200xf32, #tpu.memory_space<vmem>> -> memref<10240xf32, #tpu.memory_space<vmem>>
          %gather3A_473 = tpu.vector_load_idx %gather3A_472[%shift_right_logical3A_467] : memref<10240xf32, #tpu.memory_space<vmem>>[vector<16xi32>], vector<16xf32>,
          %scatter3A_474 = arith.constant 40960 : i32
          %scatter3A_475 = tpu.memref_slice %arg7[%scatter3A_474] : memref<51200xf32, #tpu.memory_space<vmem>> -> memref<10240xf32, #tpu.memory_space<vmem>>
          tpu.vector_store_idx %scatter3A_475[%and3A_451], %gather3A_454 {add = true} : memref<10240xf32, #tpu.memory_space<vmem>>[vector<16xi32>], vector<16xf32>,
          %mul3A_476 = arith.constant 10 : i32
          %mul3A_477 = arith.muli %scan3A_310, %mul3A_476 : i32
          %add3A_478 = arith.constant 9 : i32
          %add3A_479 = arith.addi %mul3A_477, %add3A_478 : i32
          %mul3A_480 = arith.constant 16 : i32
          %mul3A_481 = arith.muli %add3A_479, %mul3A_480 : i32
          %get3A_482 = arith.index_cast %mul3A_481 : i32 to index
          %get3A_483 = tpu.vector_load %arg8[%get3A_482] {strides = array<i32>} : memref<10080xi32, #tpu.memory_space<vmem>>, vector<16xi32>,
          %shift_right_logical3A_484 = arith.constant 14 : i32
          %shift_right_logical3A_485 = vector.broadcast %shift_right_logical3A_484 : i32 to vector<16xi32>
          %shift_right_logical3A_486 = arith.shrui %get3A_483, %shift_right_logical3A_485 : vector<16xi32>
          %and3A_487 = arith.constant 16383 : i32
          %and3A_488 = vector.broadcast %and3A_487 : i32 to vector<16xi32>
          %and3A_489 = arith.andi %get3A_483, %and3A_488 : vector<16xi32>
          %gather3A_490 = arith.constant 40960 : i32
          %gather3A_491 = tpu.memref_slice %arg6[%gather3A_490] : memref<51200xf32, #tpu.memory_space<vmem>> -> memref<10240xf32, #tpu.memory_space<vmem>>
          %gather3A_492 = tpu.vector_load_idx %gather3A_491[%shift_right_logical3A_486] : memref<10240xf32, #tpu.memory_space<vmem>>[vector<16xi32>], vector<16xf32>,
          %scatter3A_493 = arith.constant 40960 : i32
          %scatter3A_494 = tpu.memref_slice %arg7[%scatter3A_493] : memref<51200xf32, #tpu.memory_space<vmem>> -> memref<10240xf32, #tpu.memory_space<vmem>>
          tpu.vector_store_idx %scatter3A_494[%and3A_470], %gather3A_473 {add = true} : memref<10240xf32, #tpu.memory_space<vmem>>[vector<16xi32>], vector<16xf32>,
          %scatter3A_495 = arith.constant 40960 : i32
          %scatter3A_496 = tpu.memref_slice %arg7[%scatter3A_495] : memref<51200xf32, #tpu.memory_space<vmem>> -> memref<10240xf32, #tpu.memory_space<vmem>>
          tpu.vector_store_idx %scatter3A_496[%and3A_489], %gather3A_492 {add = true} : memref<10240xf32, #tpu.memory_space<vmem>>[vector<16xi32>], vector<16xf32>,
          %scan3A_497 = arith.constant 0 : i32
          scf.yield %scan3A_497 : i32
        }
        %scan3A_309 = arith.constant 63 : i32
      } else {
      }
      %lt3A = arith.constant 15 : i32
      %lt3A_274 = arith.cmpi slt, %scan3A_244, %lt3A : i32
      %convert_element_type3A_275 = arith.extui %lt3A_274 : i1 to i32
      %cond3A_276 = arith.constant 0 : i32
      %cond3A_277 = arith.cmpi ne, %convert_element_type3A_275, %cond3A_276 : i32
      scf.if %cond3A_277 {
        %mul3A_303 = arith.constant 2 : i32
        %mul3A_304 = arith.muli %mul3A_303, %scan3A_244 : i32
        %add3A_305 = arith.constant 2 : i32
        %add3A_306 = arith.addi %mul3A_304, %add3A_305 : i32
        %dma_start3A_307 = arith.constant 0 : i32
        %dma_start3A_308 = tpu.memref_slice %arg3[%add3A_306, %dma_start3A_307] : memref<32x10080xi32, #tpu.memory_space<hbm>> -> memref<1x10080xi32, #tpu.memory_space<hbm>>
        %dma_start3A_309 = tpu.memref_squeeze %dma_start3A_308 : memref<1x10080xi32, #tpu.memory_space<hbm>> -> memref<10080xi32, #tpu.memory_space<hbm>>
        %dma_start3A_310 = arith.constant 0 : i32
        %dma_start3A_311 = tpu.memref_slice %arg3[%add3A_306, %dma_start3A_310] : memref<32x10080xi32, #tpu.memory_space<hbm>> -> memref<1x10080xi32, #tpu.memory_space<hbm>>
        %dma_start3A_312 = tpu.memref_squeeze %dma_start3A_311 : memref<1x10080xi32, #tpu.memory_space<hbm>> -> memref<10080xi32, #tpu.memory_space<hbm>>
        tpu.enqueue_dma source(%dma_start3A_312 : memref<10080xi32, #tpu.memory_space<hbm>>) target(%arg8 : memref<10080xi32, #tpu.memory_space<vmem>>) target_semaphore(%arg10 : memref<!tpu.dma_semaphore, #tpu.memory_space<semaphore_mem>>)
      } else {
      }
      %dma_wait3A_278 = arith.constant 0 : i32
      %dma_wait3A_279 = arith.constant 0 : i32
      %dma_wait3A_280 = tpu.memref_slice %arg3[%dma_wait3A_278, %dma_wait3A_279] : memref<32x10080xi32, #tpu.memory_space<hbm>> -> memref<1x10080xi32, #tpu.memory_space<hbm>>
      %dma_wait3A_281 = tpu.memref_squeeze %dma_wait3A_280 : memref<1x10080xi32, #tpu.memory_space<hbm>> -> memref<10080xi32, #tpu.memory_space<hbm>>
      %dma_wait3A_282 = arith.constant 0 : i32
      %dma_wait3A_283 = tpu.memref_slice %arg3[%dma_wait3A_278, %dma_wait3A_282] : memref<32x10080xi32, #tpu.memory_space<hbm>> -> memref<1x10080xi32, #tpu.memory_space<hbm>>
      %dma_wait3A_284 = tpu.memref_squeeze %dma_wait3A_283 : memref<1x10080xi32, #tpu.memory_space<hbm>> -> memref<10080xi32, #tpu.memory_space<hbm>>
      tpu.wait_dma2 semaphore(%arg11 : memref<!tpu.dma_semaphore, #tpu.memory_space<semaphore_mem>>) src(%dma_wait3A_284 : memref<10080xi32, #tpu.memory_space<hbm>>) dst(%arg9 : memref<10080xi32, #tpu.memory_space<vmem>>)
      %mul3A_285 = arith.constant 2 : i32
      %mul3A_286 = arith.muli %mul3A_285, %scan3A_244 : i32
      %add3A_287 = arith.constant 1 : i32
      %add3A_288 = arith.addi %mul3A_286, %add3A_287 : i32
      %scan3A_289 = arith.constant 0 : i32
      %scan3A_290 = arith.constant 0 : i32
      %scan3A_291 = arith.constant 63 : i32
      %scan3A_292 = arith.addi %scan3A_290, %scan3A_291 : i32
      %scan3A_293 = arith.constant 1 : i32
      %scan3A_294 = scf.for %scan3A_303 = %scan3A_290 to %scan3A_292 step %scan3A_293 iter_args(%scan3A_304 = %scan3A_289) -> (i32)  : i32 {
        %mul3A_305 = arith.constant 10 : i32
        %mul3A_306 = arith.muli %scan3A_303, %mul3A_305 : i32
        %add3A_307 = arith.constant 0 : i32
        %add3A_308 = arith.addi %mul3A_306, %add3A_307 : i32
        %mul3A_309 = arith.constant 16 : i32
        %mul3A_310 = arith.muli %add3A_308, %mul3A_309 : i32
        %get3A = arith.index_cast %mul3A_310 : i32 to index
        %get3A_311 = tpu.vector_load %arg9[%get3A] {strides = array<i32>} : memref<10080xi32, #tpu.memory_space<vmem>>, vector<16xi32>,
        %shift_right_logical3A = arith.constant 14 : i32
        %shift_right_logical3A_312 = vector.broadcast %shift_right_logical3A : i32 to vector<16xi32>
        %shift_right_logical3A_313 = arith.shrui %get3A_311, %shift_right_logical3A_312 : vector<16xi32>
        %and3A = arith.constant 16383 : i32
        %and3A_314 = vector.broadcast %and3A : i32 to vector<16xi32>
        %and3A_315 = arith.andi %get3A_311, %and3A_314 : vector<16xi32>
        %mul3A_316 = arith.constant 10 : i32
        %mul3A_317 = arith.muli %scan3A_303, %mul3A_316 : i32
        %add3A_318 = arith.constant 1 : i32
        %add3A_319 = arith.addi %mul3A_317, %add3A_318 : i32
        %mul3A_320 = arith.constant 16 : i32
        %mul3A_321 = arith.muli %add3A_319, %mul3A_320 : i32
        %get3A_322 = arith.index_cast %mul3A_321 : i32 to index
        %get3A_323 = tpu.vector_load %arg9[%get3A_322] {strides = array<i32>} : memref<10080xi32, #tpu.memory_space<vmem>>, vector<16xi32>,
        %shift_right_logical3A_324 = arith.constant 14 : i32
        %shift_right_logical3A_325 = vector.broadcast %shift_right_logical3A_324 : i32 to vector<16xi32>
        %shift_right_logical3A_326 = arith.shrui %get3A_323, %shift_right_logical3A_325 : vector<16xi32>
        %and3A_327 = arith.constant 16383 : i32
        %and3A_328 = vector.broadcast %and3A_327 : i32 to vector<16xi32>
        %and3A_329 = arith.andi %get3A_323, %and3A_328 : vector<16xi32>
        %mul3A_330 = arith.constant 10 : i32
        %mul3A_331 = arith.muli %scan3A_303, %mul3A_330 : i32
        %add3A_332 = arith.constant 2 : i32
        %add3A_333 = arith.addi %mul3A_331, %add3A_332 : i32
        %mul3A_334 = arith.constant 16 : i32
        %mul3A_335 = arith.muli %add3A_333, %mul3A_334 : i32
        %get3A_336 = arith.index_cast %mul3A_335 : i32 to index
        %get3A_337 = tpu.vector_load %arg9[%get3A_336] {strides = array<i32>} : memref<10080xi32, #tpu.memory_space<vmem>>, vector<16xi32>,
        %shift_right_logical3A_338 = arith.constant 14 : i32
        %shift_right_logical3A_339 = vector.broadcast %shift_right_logical3A_338 : i32 to vector<16xi32>
        %shift_right_logical3A_340 = arith.shrui %get3A_337, %shift_right_logical3A_339 : vector<16xi32>
        %and3A_341 = arith.constant 16383 : i32
        %and3A_342 = vector.broadcast %and3A_341 : i32 to vector<16xi32>
        %and3A_343 = arith.andi %get3A_337, %and3A_342 : vector<16xi32>
        %mul3A_344 = arith.constant 10 : i32
        %mul3A_345 = arith.muli %scan3A_303, %mul3A_344 : i32
        %add3A_346 = arith.constant 3 : i32
        %add3A_347 = arith.addi %mul3A_345, %add3A_346 : i32
        %mul3A_348 = arith.constant 16 : i32
        %mul3A_349 = arith.muli %add3A_347, %mul3A_348 : i32
        %get3A_350 = arith.index_cast %mul3A_349 : i32 to index
        %get3A_351 = tpu.vector_load %arg9[%get3A_350] {strides = array<i32>} : memref<10080xi32, #tpu.memory_space<vmem>>, vector<16xi32>,
        %shift_right_logical3A_352 = arith.constant 14 : i32
        %shift_right_logical3A_353 = vector.broadcast %shift_right_logical3A_352 : i32 to vector<16xi32>
        %shift_right_logical3A_354 = arith.shrui %get3A_351, %shift_right_logical3A_353 : vector<16xi32>
        %and3A_355 = arith.constant 16383 : i32
        %and3A_356 = vector.broadcast %and3A_355 : i32 to vector<16xi32>
        %and3A_357 = arith.andi %get3A_351, %and3A_356 : vector<16xi32>
        %mul3A_358 = arith.constant 10 : i32
        %mul3A_359 = arith.muli %scan3A_303, %mul3A_358 : i32
        %add3A_360 = arith.constant 4 : i32
        %add3A_361 = arith.addi %mul3A_359, %add3A_360 : i32
        %mul3A_362 = arith.constant 16 : i32
        %mul3A_363 = arith.muli %add3A_361, %mul3A_362 : i32
        %get3A_364 = arith.index_cast %mul3A_363 : i32 to index
        %get3A_365 = tpu.vector_load %arg9[%get3A_364] {strides = array<i32>} : memref<10080xi32, #tpu.memory_space<vmem>>, vector<16xi32>,
        %shift_right_logical3A_366 = arith.constant 14 : i32
        %shift_right_logical3A_367 = vector.broadcast %shift_right_logical3A_366 : i32 to vector<16xi32>
        %shift_right_logical3A_368 = arith.shrui %get3A_365, %shift_right_logical3A_367 : vector<16xi32>
        %and3A_369 = arith.constant 16383 : i32
        %and3A_370 = vector.broadcast %and3A_369 : i32 to vector<16xi32>
        %and3A_371 = arith.andi %get3A_365, %and3A_370 : vector<16xi32>
        %mul3A_372 = arith.constant 10 : i32
        %mul3A_373 = arith.muli %scan3A_303, %mul3A_372 : i32
        %add3A_374 = arith.constant 5 : i32
        %add3A_375 = arith.addi %mul3A_373, %add3A_374 : i32
        %mul3A_376 = arith.constant 16 : i32
        %mul3A_377 = arith.muli %add3A_375, %mul3A_376 : i32
        %get3A_378 = arith.index_cast %mul3A_377 : i32 to index
        %get3A_379 = tpu.vector_load %arg9[%get3A_378] {strides = array<i32>} : memref<10080xi32, #tpu.memory_space<vmem>>, vector<16xi32>,
        %shift_right_logical3A_380 = arith.constant 14 : i32
        %shift_right_logical3A_381 = vector.broadcast %shift_right_logical3A_380 : i32 to vector<16xi32>
        %shift_right_logical3A_382 = arith.shrui %get3A_379, %shift_right_logical3A_381 : vector<16xi32>
        %and3A_383 = arith.constant 16383 : i32
        %and3A_384 = vector.broadcast %and3A_383 : i32 to vector<16xi32>
        %and3A_385 = arith.andi %get3A_379, %and3A_384 : vector<16xi32>
        %mul3A_386 = arith.constant 10 : i32
        %mul3A_387 = arith.muli %scan3A_303, %mul3A_386 : i32
        %add3A_388 = arith.constant 6 : i32
        %add3A_389 = arith.addi %mul3A_387, %add3A_388 : i32
        %mul3A_390 = arith.constant 16 : i32
        %mul3A_391 = arith.muli %add3A_389, %mul3A_390 : i32
        %get3A_392 = arith.index_cast %mul3A_391 : i32 to index
        %get3A_393 = tpu.vector_load %arg9[%get3A_392] {strides = array<i32>} : memref<10080xi32, #tpu.memory_space<vmem>>, vector<16xi32>,
        %shift_right_logical3A_394 = arith.constant 14 : i32
        %shift_right_logical3A_395 = vector.broadcast %shift_right_logical3A_394 : i32 to vector<16xi32>
        %shift_right_logical3A_396 = arith.shrui %get3A_393, %shift_right_logical3A_395 : vector<16xi32>
        %and3A_397 = arith.constant 16383 : i32
        %and3A_398 = vector.broadcast %and3A_397 : i32 to vector<16xi32>
        %and3A_399 = arith.andi %get3A_393, %and3A_398 : vector<16xi32>
        %mul3A_400 = arith.constant 10 : i32
        %mul3A_401 = arith.muli %scan3A_303, %mul3A_400 : i32
        %add3A_402 = arith.constant 7 : i32
        %add3A_403 = arith.addi %mul3A_401, %add3A_402 : i32
        %mul3A_404 = arith.constant 16 : i32
        %mul3A_405 = arith.muli %add3A_403, %mul3A_404 : i32
        %get3A_406 = arith.index_cast %mul3A_405 : i32 to index
        %get3A_407 = tpu.vector_load %arg9[%get3A_406] {strides = array<i32>} : memref<10080xi32, #tpu.memory_space<vmem>>, vector<16xi32>,
        %shift_right_logical3A_408 = arith.constant 14 : i32
        %shift_right_logical3A_409 = vector.broadcast %shift_right_logical3A_408 : i32 to vector<16xi32>
        %shift_right_logical3A_410 = arith.shrui %get3A_407, %shift_right_logical3A_409 : vector<16xi32>
        %and3A_411 = arith.constant 16383 : i32
        %and3A_412 = vector.broadcast %and3A_411 : i32 to vector<16xi32>
        %and3A_413 = arith.andi %get3A_407, %and3A_412 : vector<16xi32>
        %mul3A_414 = arith.constant 10 : i32
        %mul3A_415 = arith.muli %scan3A_303, %mul3A_414 : i32
        %add3A_416 = arith.constant 8 : i32
        %add3A_417 = arith.addi %mul3A_415, %add3A_416 : i32
        %mul3A_418 = arith.constant 16 : i32
        %mul3A_419 = arith.muli %add3A_417, %mul3A_418 : i32
        %get3A_420 = arith.index_cast %mul3A_419 : i32 to index
        %get3A_421 = tpu.vector_load %arg9[%get3A_420] {strides = array<i32>} : memref<10080xi32, #tpu.memory_space<vmem>>, vector<16xi32>,
        %shift_right_logical3A_422 = arith.constant 14 : i32
        %shift_right_logical3A_423 = vector.broadcast %shift_right_logical3A_422 : i32 to vector<16xi32>
        %shift_right_logical3A_424 = arith.shrui %get3A_421, %shift_right_logical3A_423 : vector<16xi32>
        %and3A_425 = arith.constant 16383 : i32
        %and3A_426 = vector.broadcast %and3A_425 : i32 to vector<16xi32>
        %and3A_427 = arith.andi %get3A_421, %and3A_426 : vector<16xi32>
        %mul3A_428 = arith.constant 10 : i32
        %mul3A_429 = arith.muli %scan3A_303, %mul3A_428 : i32
        %add3A_430 = arith.constant 9 : i32
        %add3A_431 = arith.addi %mul3A_429, %add3A_430 : i32
        %mul3A_432 = arith.constant 16 : i32
        %mul3A_433 = arith.muli %add3A_431, %mul3A_432 : i32
        %get3A_434 = arith.index_cast %mul3A_433 : i32 to index
        %get3A_435 = tpu.vector_load %arg9[%get3A_434] {strides = array<i32>} : memref<10080xi32, #tpu.memory_space<vmem>>, vector<16xi32>,
        %shift_right_logical3A_436 = arith.constant 14 : i32
        %shift_right_logical3A_437 = vector.broadcast %shift_right_logical3A_436 : i32 to vector<16xi32>
        %shift_right_logical3A_438 = arith.shrui %get3A_435, %shift_right_logical3A_437 : vector<16xi32>
        %and3A_439 = arith.constant 16383 : i32
        %and3A_440 = vector.broadcast %and3A_439 : i32 to vector<16xi32>
        %and3A_441 = arith.andi %get3A_435, %and3A_440 : vector<16xi32>
        %gather3A = arith.constant 0 : i32
        %gather3A_442 = tpu.memref_slice %arg6[%gather3A] : memref<51200xf32, #tpu.memory_space<vmem>> -> memref<10240xf32, #tpu.memory_space<vmem>>
        %gather3A_443 = tpu.vector_load_idx %gather3A_442[%shift_right_logical3A_313] : memref<10240xf32, #tpu.memory_space<vmem>>[vector<16xi32>], vector<16xf32>,
        %gather3A_444 = arith.constant 10240 : i32
        %gather3A_445 = tpu.memref_slice %arg6[%gather3A_444] : memref<51200xf32, #tpu.memory_space<vmem>> -> memref<10240xf32, #tpu.memory_space<vmem>>
        %gather3A_446 = tpu.vector_load_idx %gather3A_445[%shift_right_logical3A_313] : memref<10240xf32, #tpu.memory_space<vmem>>[vector<16xi32>], vector<16xf32>,
        %gather3A_447 = arith.constant 20480 : i32
        %gather3A_448 = tpu.memref_slice %arg6[%gather3A_447] : memref<51200xf32, #tpu.memory_space<vmem>> -> memref<10240xf32, #tpu.memory_space<vmem>>
        %gather3A_449 = tpu.vector_load_idx %gather3A_448[%shift_right_logical3A_313] : memref<10240xf32, #tpu.memory_space<vmem>>[vector<16xi32>], vector<16xf32>,
        %gather3A_450 = arith.constant 30720 : i32
        %gather3A_451 = tpu.memref_slice %arg6[%gather3A_450] : memref<51200xf32, #tpu.memory_space<vmem>> -> memref<10240xf32, #tpu.memory_space<vmem>>
        %gather3A_452 = tpu.vector_load_idx %gather3A_451[%shift_right_logical3A_313] : memref<10240xf32, #tpu.memory_space<vmem>>[vector<16xi32>], vector<16xf32>,
        %gather3A_453 = arith.constant 0 : i32
        %gather3A_454 = tpu.memref_slice %arg6[%gather3A_453] : memref<51200xf32, #tpu.memory_space<vmem>> -> memref<10240xf32, #tpu.memory_space<vmem>>
        %gather3A_455 = tpu.vector_load_idx %gather3A_454[%shift_right_logical3A_326] : memref<10240xf32, #tpu.memory_space<vmem>>[vector<16xi32>], vector<16xf32>,
        %gather3A_456 = arith.constant 10240 : i32
        %gather3A_457 = tpu.memref_slice %arg6[%gather3A_456] : memref<51200xf32, #tpu.memory_space<vmem>> -> memref<10240xf32, #tpu.memory_space<vmem>>
        %gather3A_458 = tpu.vector_load_idx %gather3A_457[%shift_right_logical3A_326] : memref<10240xf32, #tpu.memory_space<vmem>>[vector<16xi32>], vector<16xf32>,
        %gather3A_459 = arith.constant 20480 : i32
        %gather3A_460 = tpu.memref_slice %arg6[%gather3A_459] : memref<51200xf32, #tpu.memory_space<vmem>> -> memref<10240xf32, #tpu.memory_space<vmem>>
        %gather3A_461 = tpu.vector_load_idx %gather3A_460[%shift_right_logical3A_326] : memref<10240xf32, #tpu.memory_space<vmem>>[vector<16xi32>], vector<16xf32>,
        %gather3A_462 = arith.constant 30720 : i32
        %gather3A_463 = tpu.memref_slice %arg6[%gather3A_462] : memref<51200xf32, #tpu.memory_space<vmem>> -> memref<10240xf32, #tpu.memory_space<vmem>>
        %gather3A_464 = tpu.vector_load_idx %gather3A_463[%shift_right_logical3A_326] : memref<10240xf32, #tpu.memory_space<vmem>>[vector<16xi32>], vector<16xf32>,
        %scatter3A = arith.constant 0 : i32
        %scatter3A_465 = tpu.memref_slice %arg7[%scatter3A] : memref<51200xf32, #tpu.memory_space<vmem>> -> memref<10240xf32, #tpu.memory_space<vmem>>
        tpu.vector_store_idx %scatter3A_465[%and3A_315], %gather3A_443 {add = true} : memref<10240xf32, #tpu.memory_space<vmem>>[vector<16xi32>], vector<16xf32>,
        %scatter3A_466 = arith.constant 10240 : i32
        %scatter3A_467 = tpu.memref_slice %arg7[%scatter3A_466] : memref<51200xf32, #tpu.memory_space<vmem>> -> memref<10240xf32, #tpu.memory_space<vmem>>
        tpu.vector_store_idx %scatter3A_467[%and3A_315], %gather3A_446 {add = true} : memref<10240xf32, #tpu.memory_space<vmem>>[vector<16xi32>], vector<16xf32>,
        %scatter3A_468 = arith.constant 20480 : i32
        %scatter3A_469 = tpu.memref_slice %arg7[%scatter3A_468] : memref<51200xf32, #tpu.memory_space<vmem>> -> memref<10240xf32, #tpu.memory_space<vmem>>
        tpu.vector_store_idx %scatter3A_469[%and3A_315], %gather3A_449 {add = true} : memref<10240xf32, #tpu.memory_space<vmem>>[vector<16xi32>], vector<16xf32>,
        %scatter3A_470 = arith.constant 30720 : i32
        %scatter3A_471 = tpu.memref_slice %arg7[%scatter3A_470] : memref<51200xf32, #tpu.memory_space<vmem>> -> memref<10240xf32, #tpu.memory_space<vmem>>
        tpu.vector_store_idx %scatter3A_471[%and3A_315], %gather3A_452 {add = true} : memref<10240xf32, #tpu.memory_space<vmem>>[vector<16xi32>], vector<16xf32>,
        %gather3A_472 = arith.constant 0 : i32
        %gather3A_473 = tpu.memref_slice %arg6[%gather3A_472] : memref<51200xf32, #tpu.memory_space<vmem>> -> memref<10240xf32, #tpu.memory_space<vmem>>
        %gather3A_474 = tpu.vector_load_idx %gather3A_473[%shift_right_logical3A_340] : memref<10240xf32, #tpu.memory_space<vmem>>[vector<16xi32>], vector<16xf32>,
        %gather3A_475 = arith.constant 10240 : i32
        %gather3A_476 = tpu.memref_slice %arg6[%gather3A_475] : memref<51200xf32, #tpu.memory_space<vmem>> -> memref<10240xf32, #tpu.memory_space<vmem>>
        %gather3A_477 = tpu.vector_load_idx %gather3A_476[%shift_right_logical3A_340] : memref<10240xf32, #tpu.memory_space<vmem>>[vector<16xi32>], vector<16xf32>,
        %gather3A_478 = arith.constant 20480 : i32
        %gather3A_479 = tpu.memref_slice %arg6[%gather3A_478] : memref<51200xf32, #tpu.memory_space<vmem>> -> memref<10240xf32, #tpu.memory_space<vmem>>
        %gather3A_480 = tpu.vector_load_idx %gather3A_479[%shift_right_logical3A_340] : memref<10240xf32, #tpu.memory_space<vmem>>[vector<16xi32>], vector<16xf32>,
        %gather3A_481 = arith.constant 30720 : i32
        %gather3A_482 = tpu.memref_slice %arg6[%gather3A_481] : memref<51200xf32, #tpu.memory_space<vmem>> -> memref<10240xf32, #tpu.memory_space<vmem>>
        %gather3A_483 = tpu.vector_load_idx %gather3A_482[%shift_right_logical3A_340] : memref<10240xf32, #tpu.memory_space<vmem>>[vector<16xi32>], vector<16xf32>,
        %scatter3A_484 = arith.constant 0 : i32
        %scatter3A_485 = tpu.memref_slice %arg7[%scatter3A_484] : memref<51200xf32, #tpu.memory_space<vmem>> -> memref<10240xf32, #tpu.memory_space<vmem>>
        tpu.vector_store_idx %scatter3A_485[%and3A_329], %gather3A_455 {add = true} : memref<10240xf32, #tpu.memory_space<vmem>>[vector<16xi32>], vector<16xf32>,
        %scatter3A_486 = arith.constant 10240 : i32
        %scatter3A_487 = tpu.memref_slice %arg7[%scatter3A_486] : memref<51200xf32, #tpu.memory_space<vmem>> -> memref<10240xf32, #tpu.memory_space<vmem>>
        tpu.vector_store_idx %scatter3A_487[%and3A_329], %gather3A_458 {add = true} : memref<10240xf32, #tpu.memory_space<vmem>>[vector<16xi32>], vector<16xf32>,
        %scatter3A_488 = arith.constant 20480 : i32
        %scatter3A_489 = tpu.memref_slice %arg7[%scatter3A_488] : memref<51200xf32, #tpu.memory_space<vmem>> -> memref<10240xf32, #tpu.memory_space<vmem>>
        tpu.vector_store_idx %scatter3A_489[%and3A_329], %gather3A_461 {add = true} : memref<10240xf32, #tpu.memory_space<vmem>>[vector<16xi32>], vector<16xf32>,
        %scatter3A_490 = arith.constant 30720 : i32
        %scatter3A_491 = tpu.memref_slice %arg7[%scatter3A_490] : memref<51200xf32, #tpu.memory_space<vmem>> -> memref<10240xf32, #tpu.memory_space<vmem>>
        tpu.vector_store_idx %scatter3A_491[%and3A_329], %gather3A_464 {add = true} : memref<10240xf32, #tpu.memory_space<vmem>>[vector<16xi32>], vector<16xf32>,
        %gather3A_492 = arith.constant 0 : i32
        %gather3A_493 = tpu.memref_slice %arg6[%gather3A_492] : memref<51200xf32, #tpu.memory_space<vmem>> -> memref<10240xf32, #tpu.memory_space<vmem>>
        %gather3A_494 = tpu.vector_load_idx %gather3A_493[%shift_right_logical3A_354] : memref<10240xf32, #tpu.memory_space<vmem>>[vector<16xi32>], vector<16xf32>,
        %gather3A_495 = arith.constant 10240 : i32
        %gather3A_496 = tpu.memref_slice %arg6[%gather3A_495] : memref<51200xf32, #tpu.memory_space<vmem>> -> memref<10240xf32, #tpu.memory_space<vmem>>
        %gather3A_497 = tpu.vector_load_idx %gather3A_496[%shift_right_logical3A_354] : memref<10240xf32, #tpu.memory_space<vmem>>[vector<16xi32>], vector<16xf32>,
        %gather3A_498 = arith.constant 20480 : i32
        %gather3A_499 = tpu.memref_slice %arg6[%gather3A_498] : memref<51200xf32, #tpu.memory_space<vmem>> -> memref<10240xf32, #tpu.memory_space<vmem>>
        %gather3A_500 = tpu.vector_load_idx %gather3A_499[%shift_right_logical3A_354] : memref<10240xf32, #tpu.memory_space<vmem>>[vector<16xi32>], vector<16xf32>,
        %gather3A_501 = arith.constant 30720 : i32
        %gather3A_502 = tpu.memref_slice %arg6[%gather3A_501] : memref<51200xf32, #tpu.memory_space<vmem>> -> memref<10240xf32, #tpu.memory_space<vmem>>
        %gather3A_503 = tpu.vector_load_idx %gather3A_502[%shift_right_logical3A_354] : memref<10240xf32, #tpu.memory_space<vmem>>[vector<16xi32>], vector<16xf32>,
        %scatter3A_504 = arith.constant 0 : i32
        %scatter3A_505 = tpu.memref_slice %arg7[%scatter3A_504] : memref<51200xf32, #tpu.memory_space<vmem>> -> memref<10240xf32, #tpu.memory_space<vmem>>
        tpu.vector_store_idx %scatter3A_505[%and3A_343], %gather3A_474 {add = true} : memref<10240xf32, #tpu.memory_space<vmem>>[vector<16xi32>], vector<16xf32>,
        %scatter3A_506 = arith.constant 10240 : i32
        %scatter3A_507 = tpu.memref_slice %arg7[%scatter3A_506] : memref<51200xf32, #tpu.memory_space<vmem>> -> memref<10240xf32, #tpu.memory_space<vmem>>
        tpu.vector_store_idx %scatter3A_507[%and3A_343], %gather3A_477 {add = true} : memref<10240xf32, #tpu.memory_space<vmem>>[vector<16xi32>], vector<16xf32>,
        %scatter3A_508 = arith.constant 20480 : i32
        %scatter3A_509 = tpu.memref_slice %arg7[%scatter3A_508] : memref<51200xf32, #tpu.memory_space<vmem>> -> memref<10240xf32, #tpu.memory_space<vmem>>
        tpu.vector_store_idx %scatter3A_509[%and3A_343], %gather3A_480 {add = true} : memref<10240xf32, #tpu.memory_space<vmem>>[vector<16xi32>], vector<16xf32>,
        %scatter3A_510 = arith.constant 30720 : i32
        %scatter3A_511 = tpu.memref_slice %arg7[%scatter3A_510] : memref<51200xf32, #tpu.memory_space<vmem>> -> memref<10240xf32, #tpu.memory_space<vmem>>
        tpu.vector_store_idx %scatter3A_511[%and3A_343], %gather3A_483 {add = true} : memref<10240xf32, #tpu.memory_space<vmem>>[vector<16xi32>], vector<16xf32>,
        %gather3A_512 = arith.constant 0 : i32
        %gather3A_513 = tpu.memref_slice %arg6[%gather3A_512] : memref<51200xf32, #tpu.memory_space<vmem>> -> memref<10240xf32, #tpu.memory_space<vmem>>
        %gather3A_514 = tpu.vector_load_idx %gather3A_513[%shift_right_logical3A_368] : memref<10240xf32, #tpu.memory_space<vmem>>[vector<16xi32>], vector<16xf32>,
        %gather3A_515 = arith.constant 10240 : i32
        %gather3A_516 = tpu.memref_slice %arg6[%gather3A_515] : memref<51200xf32, #tpu.memory_space<vmem>> -> memref<10240xf32, #tpu.memory_space<vmem>>
        %gather3A_517 = tpu.vector_load_idx %gather3A_516[%shift_right_logical3A_368] : memref<10240xf32, #tpu.memory_space<vmem>>[vector<16xi32>], vector<16xf32>,
        %gather3A_518 = arith.constant 20480 : i32
        %gather3A_519 = tpu.memref_slice %arg6[%gather3A_518] : memref<51200xf32, #tpu.memory_space<vmem>> -> memref<10240xf32, #tpu.memory_space<vmem>>
        %gather3A_520 = tpu.vector_load_idx %gather3A_519[%shift_right_logical3A_368] : memref<10240xf32, #tpu.memory_space<vmem>>[vector<16xi32>], vector<16xf32>,
        %gather3A_521 = arith.constant 30720 : i32
        %gather3A_522 = tpu.memref_slice %arg6[%gather3A_521] : memref<51200xf32, #tpu.memory_space<vmem>> -> memref<10240xf32, #tpu.memory_space<vmem>>
        %gather3A_523 = tpu.vector_load_idx %gather3A_522[%shift_right_logical3A_368] : memref<10240xf32, #tpu.memory_space<vmem>>[vector<16xi32>], vector<16xf32>,
        %scatter3A_524 = arith.constant 0 : i32
        %scatter3A_525 = tpu.memref_slice %arg7[%scatter3A_524] : memref<51200xf32, #tpu.memory_space<vmem>> -> memref<10240xf32, #tpu.memory_space<vmem>>
        tpu.vector_store_idx %scatter3A_525[%and3A_357], %gather3A_494 {add = true} : memref<10240xf32, #tpu.memory_space<vmem>>[vector<16xi32>], vector<16xf32>,
        %scatter3A_526 = arith.constant 10240 : i32
        %scatter3A_527 = tpu.memref_slice %arg7[%scatter3A_526] : memref<51200xf32, #tpu.memory_space<vmem>> -> memref<10240xf32, #tpu.memory_space<vmem>>
        tpu.vector_store_idx %scatter3A_527[%and3A_357], %gather3A_497 {add = true} : memref<10240xf32, #tpu.memory_space<vmem>>[vector<16xi32>], vector<16xf32>,
        %scatter3A_528 = arith.constant 20480 : i32
        %scatter3A_529 = tpu.memref_slice %arg7[%scatter3A_528] : memref<51200xf32, #tpu.memory_space<vmem>> -> memref<10240xf32, #tpu.memory_space<vmem>>
        tpu.vector_store_idx %scatter3A_529[%and3A_357], %gather3A_500 {add = true} : memref<10240xf32, #tpu.memory_space<vmem>>[vector<16xi32>], vector<16xf32>,
        %scatter3A_530 = arith.constant 30720 : i32
        %scatter3A_531 = tpu.memref_slice %arg7[%scatter3A_530] : memref<51200xf32, #tpu.memory_space<vmem>> -> memref<10240xf32, #tpu.memory_space<vmem>>
        tpu.vector_store_idx %scatter3A_531[%and3A_357], %gather3A_503 {add = true} : memref<10240xf32, #tpu.memory_space<vmem>>[vector<16xi32>], vector<16xf32>,
        %gather3A_532 = arith.constant 0 : i32
        %gather3A_533 = tpu.memref_slice %arg6[%gather3A_532] : memref<51200xf32, #tpu.memory_space<vmem>> -> memref<10240xf32, #tpu.memory_space<vmem>>
        %gather3A_534 = tpu.vector_load_idx %gather3A_533[%shift_right_logical3A_382] : memref<10240xf32, #tpu.memory_space<vmem>>[vector<16xi32>], vector<16xf32>,
        %gather3A_535 = arith.constant 10240 : i32
        %gather3A_536 = tpu.memref_slice %arg6[%gather3A_535] : memref<51200xf32, #tpu.memory_space<vmem>> -> memref<10240xf32, #tpu.memory_space<vmem>>
        %gather3A_537 = tpu.vector_load_idx %gather3A_536[%shift_right_logical3A_382] : memref<10240xf32, #tpu.memory_space<vmem>>[vector<16xi32>], vector<16xf32>,
        %gather3A_538 = arith.constant 20480 : i32
        %gather3A_539 = tpu.memref_slice %arg6[%gather3A_538] : memref<51200xf32, #tpu.memory_space<vmem>> -> memref<10240xf32, #tpu.memory_space<vmem>>
        %gather3A_540 = tpu.vector_load_idx %gather3A_539[%shift_right_logical3A_382] : memref<10240xf32, #tpu.memory_space<vmem>>[vector<16xi32>], vector<16xf32>,
        %gather3A_541 = arith.constant 30720 : i32
        %gather3A_542 = tpu.memref_slice %arg6[%gather3A_541] : memref<51200xf32, #tpu.memory_space<vmem>> -> memref<10240xf32, #tpu.memory_space<vmem>>
        %gather3A_543 = tpu.vector_load_idx %gather3A_542[%shift_right_logical3A_382] : memref<10240xf32, #tpu.memory_space<vmem>>[vector<16xi32>], vector<16xf32>,
        %scatter3A_544 = arith.constant 0 : i32
        %scatter3A_545 = tpu.memref_slice %arg7[%scatter3A_544] : memref<51200xf32, #tpu.memory_space<vmem>> -> memref<10240xf32, #tpu.memory_space<vmem>>
        tpu.vector_store_idx %scatter3A_545[%and3A_371], %gather3A_514 {add = true} : memref<10240xf32, #tpu.memory_space<vmem>>[vector<16xi32>], vector<16xf32>,
        %scatter3A_546 = arith.constant 10240 : i32
        %scatter3A_547 = tpu.memref_slice %arg7[%scatter3A_546] : memref<51200xf32, #tpu.memory_space<vmem>> -> memref<10240xf32, #tpu.memory_space<vmem>>
        tpu.vector_store_idx %scatter3A_547[%and3A_371], %gather3A_517 {add = true} : memref<10240xf32, #tpu.memory_space<vmem>>[vector<16xi32>], vector<16xf32>,
        %scatter3A_548 = arith.constant 20480 : i32
        %scatter3A_549 = tpu.memref_slice %arg7[%scatter3A_548] : memref<51200xf32, #tpu.memory_space<vmem>> -> memref<10240xf32, #tpu.memory_space<vmem>>
        tpu.vector_store_idx %scatter3A_549[%and3A_371], %gather3A_520 {add = true} : memref<10240xf32, #tpu.memory_space<vmem>>[vector<16xi32>], vector<16xf32>,
        %scatter3A_550 = arith.constant 30720 : i32
        %scatter3A_551 = tpu.memref_slice %arg7[%scatter3A_550] : memref<51200xf32, #tpu.memory_space<vmem>> -> memref<10240xf32, #tpu.memory_space<vmem>>
        tpu.vector_store_idx %scatter3A_551[%and3A_371], %gather3A_523 {add = true} : memref<10240xf32, #tpu.memory_space<vmem>>[vector<16xi32>], vector<16xf32>,
        %gather3A_552 = arith.constant 0 : i32
        %gather3A_553 = tpu.memref_slice %arg6[%gather3A_552] : memref<51200xf32, #tpu.memory_space<vmem>> -> memref<10240xf32, #tpu.memory_space<vmem>>
        %gather3A_554 = tpu.vector_load_idx %gather3A_553[%shift_right_logical3A_396] : memref<10240xf32, #tpu.memory_space<vmem>>[vector<16xi32>], vector<16xf32>,
        %gather3A_555 = arith.constant 10240 : i32
        %gather3A_556 = tpu.memref_slice %arg6[%gather3A_555] : memref<51200xf32, #tpu.memory_space<vmem>> -> memref<10240xf32, #tpu.memory_space<vmem>>
        %gather3A_557 = tpu.vector_load_idx %gather3A_556[%shift_right_logical3A_396] : memref<10240xf32, #tpu.memory_space<vmem>>[vector<16xi32>], vector<16xf32>,
        %gather3A_558 = arith.constant 20480 : i32
        %gather3A_559 = tpu.memref_slice %arg6[%gather3A_558] : memref<51200xf32, #tpu.memory_space<vmem>> -> memref<10240xf32, #tpu.memory_space<vmem>>
        %gather3A_560 = tpu.vector_load_idx %gather3A_559[%shift_right_logical3A_396] : memref<10240xf32, #tpu.memory_space<vmem>>[vector<16xi32>], vector<16xf32>,
        %gather3A_561 = arith.constant 30720 : i32
        %gather3A_562 = tpu.memref_slice %arg6[%gather3A_561] : memref<51200xf32, #tpu.memory_space<vmem>> -> memref<10240xf32, #tpu.memory_space<vmem>>
        %gather3A_563 = tpu.vector_load_idx %gather3A_562[%shift_right_logical3A_396] : memref<10240xf32, #tpu.memory_space<vmem>>[vector<16xi32>], vector<16xf32>,
        %scatter3A_564 = arith.constant 0 : i32
        %scatter3A_565 = tpu.memref_slice %arg7[%scatter3A_564] : memref<51200xf32, #tpu.memory_space<vmem>> -> memref<10240xf32, #tpu.memory_space<vmem>>
        tpu.vector_store_idx %scatter3A_565[%and3A_385], %gather3A_534 {add = true} : memref<10240xf32, #tpu.memory_space<vmem>>[vector<16xi32>], vector<16xf32>,
        %scatter3A_566 = arith.constant 10240 : i32
        %scatter3A_567 = tpu.memref_slice %arg7[%scatter3A_566] : memref<51200xf32, #tpu.memory_space<vmem>> -> memref<10240xf32, #tpu.memory_space<vmem>>
        tpu.vector_store_idx %scatter3A_567[%and3A_385], %gather3A_537 {add = true} : memref<10240xf32, #tpu.memory_space<vmem>>[vector<16xi32>], vector<16xf32>,
        %scatter3A_568 = arith.constant 20480 : i32
        %scatter3A_569 = tpu.memref_slice %arg7[%scatter3A_568] : memref<51200xf32, #tpu.memory_space<vmem>> -> memref<10240xf32, #tpu.memory_space<vmem>>
        tpu.vector_store_idx %scatter3A_569[%and3A_385], %gather3A_540 {add = true} : memref<10240xf32, #tpu.memory_space<vmem>>[vector<16xi32>], vector<16xf32>,
        %scatter3A_570 = arith.constant 30720 : i32
        %scatter3A_571 = tpu.memref_slice %arg7[%scatter3A_570] : memref<51200xf32, #tpu.memory_space<vmem>> -> memref<10240xf32, #tpu.memory_space<vmem>>
        tpu.vector_store_idx %scatter3A_571[%and3A_385], %gather3A_543 {add = true} : memref<10240xf32, #tpu.memory_space<vmem>>[vector<16xi32>], vector<16xf32>,
        %gather3A_572 = arith.constant 0 : i32
        %gather3A_573 = tpu.memref_slice %arg6[%gather3A_572] : memref<51200xf32, #tpu.memory_space<vmem>> -> memref<10240xf32, #tpu.memory_space<vmem>>
        %gather3A_574 = tpu.vector_load_idx %gather3A_573[%shift_right_logical3A_410] : memref<10240xf32, #tpu.memory_space<vmem>>[vector<16xi32>], vector<16xf32>,
        %gather3A_575 = arith.constant 10240 : i32
        %gather3A_576 = tpu.memref_slice %arg6[%gather3A_575] : memref<51200xf32, #tpu.memory_space<vmem>> -> memref<10240xf32, #tpu.memory_space<vmem>>
        %gather3A_577 = tpu.vector_load_idx %gather3A_576[%shift_right_logical3A_410] : memref<10240xf32, #tpu.memory_space<vmem>>[vector<16xi32>], vector<16xf32>,
        %gather3A_578 = arith.constant 20480 : i32
        %gather3A_579 = tpu.memref_slice %arg6[%gather3A_578] : memref<51200xf32, #tpu.memory_space<vmem>> -> memref<10240xf32, #tpu.memory_space<vmem>>
        %gather3A_580 = tpu.vector_load_idx %gather3A_579[%shift_right_logical3A_410] : memref<10240xf32, #tpu.memory_space<vmem>>[vector<16xi32>], vector<16xf32>,
        %gather3A_581 = arith.constant 30720 : i32
        %gather3A_582 = tpu.memref_slice %arg6[%gather3A_581] : memref<51200xf32, #tpu.memory_space<vmem>> -> memref<10240xf32, #tpu.memory_space<vmem>>
        %gather3A_583 = tpu.vector_load_idx %gather3A_582[%shift_right_logical3A_410] : memref<10240xf32, #tpu.memory_space<vmem>>[vector<16xi32>], vector<16xf32>,
        %scatter3A_584 = arith.constant 0 : i32
        %scatter3A_585 = tpu.memref_slice %arg7[%scatter3A_584] : memref<51200xf32, #tpu.memory_space<vmem>> -> memref<10240xf32, #tpu.memory_space<vmem>>
        tpu.vector_store_idx %scatter3A_585[%and3A_399], %gather3A_554 {add = true} : memref<10240xf32, #tpu.memory_space<vmem>>[vector<16xi32>], vector<16xf32>,
        %scatter3A_586 = arith.constant 10240 : i32
        %scatter3A_587 = tpu.memref_slice %arg7[%scatter3A_586] : memref<51200xf32, #tpu.memory_space<vmem>> -> memref<10240xf32, #tpu.memory_space<vmem>>
        tpu.vector_store_idx %scatter3A_587[%and3A_399], %gather3A_557 {add = true} : memref<10240xf32, #tpu.memory_space<vmem>>[vector<16xi32>], vector<16xf32>,
        %scatter3A_588 = arith.constant 20480 : i32
        %scatter3A_589 = tpu.memref_slice %arg7[%scatter3A_588] : memref<51200xf32, #tpu.memory_space<vmem>> -> memref<10240xf32, #tpu.memory_space<vmem>>
        tpu.vector_store_idx %scatter3A_589[%and3A_399], %gather3A_560 {add = true} : memref<10240xf32, #tpu.memory_space<vmem>>[vector<16xi32>], vector<16xf32>,
        %scatter3A_590 = arith.constant 30720 : i32
        %scatter3A_591 = tpu.memref_slice %arg7[%scatter3A_590] : memref<51200xf32, #tpu.memory_space<vmem>> -> memref<10240xf32, #tpu.memory_space<vmem>>
        tpu.vector_store_idx %scatter3A_591[%and3A_399], %gather3A_563 {add = true} : memref<10240xf32, #tpu.memory_space<vmem>>[vector<16xi32>], vector<16xf32>,
        %gather3A_592 = arith.constant 0 : i32
        %gather3A_593 = tpu.memref_slice %arg6[%gather3A_592] : memref<51200xf32, #tpu.memory_space<vmem>> -> memref<10240xf32, #tpu.memory_space<vmem>>
        %gather3A_594 = tpu.vector_load_idx %gather3A_593[%shift_right_logical3A_424] : memref<10240xf32, #tpu.memory_space<vmem>>[vector<16xi32>], vector<16xf32>,
        %gather3A_595 = arith.constant 10240 : i32
        %gather3A_596 = tpu.memref_slice %arg6[%gather3A_595] : memref<51200xf32, #tpu.memory_space<vmem>> -> memref<10240xf32, #tpu.memory_space<vmem>>
        %gather3A_597 = tpu.vector_load_idx %gather3A_596[%shift_right_logical3A_424] : memref<10240xf32, #tpu.memory_space<vmem>>[vector<16xi32>], vector<16xf32>,
        %gather3A_598 = arith.constant 20480 : i32
        %gather3A_599 = tpu.memref_slice %arg6[%gather3A_598] : memref<51200xf32, #tpu.memory_space<vmem>> -> memref<10240xf32, #tpu.memory_space<vmem>>
        %gather3A_600 = tpu.vector_load_idx %gather3A_599[%shift_right_logical3A_424] : memref<10240xf32, #tpu.memory_space<vmem>>[vector<16xi32>], vector<16xf32>,
        %gather3A_601 = arith.constant 30720 : i32
        %gather3A_602 = tpu.memref_slice %arg6[%gather3A_601] : memref<51200xf32, #tpu.memory_space<vmem>> -> memref<10240xf32, #tpu.memory_space<vmem>>
        %gather3A_603 = tpu.vector_load_idx %gather3A_602[%shift_right_logical3A_424] : memref<10240xf32, #tpu.memory_space<vmem>>[vector<16xi32>], vector<16xf32>,
        %scatter3A_604 = arith.constant 0 : i32
        %scatter3A_605 = tpu.memref_slice %arg7[%scatter3A_604] : memref<51200xf32, #tpu.memory_space<vmem>> -> memref<10240xf32, #tpu.memory_space<vmem>>
        tpu.vector_store_idx %scatter3A_605[%and3A_413], %gather3A_574 {add = true} : memref<10240xf32, #tpu.memory_space<vmem>>[vector<16xi32>], vector<16xf32>,
        %scatter3A_606 = arith.constant 10240 : i32
        %scatter3A_607 = tpu.memref_slice %arg7[%scatter3A_606] : memref<51200xf32, #tpu.memory_space<vmem>> -> memref<10240xf32, #tpu.memory_space<vmem>>
        tpu.vector_store_idx %scatter3A_607[%and3A_413], %gather3A_577 {add = true} : memref<10240xf32, #tpu.memory_space<vmem>>[vector<16xi32>], vector<16xf32>,
        %scatter3A_608 = arith.constant 20480 : i32
        %scatter3A_609 = tpu.memref_slice %arg7[%scatter3A_608] : memref<51200xf32, #tpu.memory_space<vmem>> -> memref<10240xf32, #tpu.memory_space<vmem>>
        tpu.vector_store_idx %scatter3A_609[%and3A_413], %gather3A_580 {add = true} : memref<10240xf32, #tpu.memory_space<vmem>>[vector<16xi32>], vector<16xf32>,
        %scatter3A_610 = arith.constant 30720 : i32
        %scatter3A_611 = tpu.memref_slice %arg7[%scatter3A_610] : memref<51200xf32, #tpu.memory_space<vmem>> -> memref<10240xf32, #tpu.memory_space<vmem>>
        tpu.vector_store_idx %scatter3A_611[%and3A_413], %gather3A_583 {add = true} : memref<10240xf32, #tpu.memory_space<vmem>>[vector<16xi32>], vector<16xf32>,
        %gather3A_612 = arith.constant 0 : i32
        %gather3A_613 = tpu.memref_slice %arg6[%gather3A_612] : memref<51200xf32, #tpu.memory_space<vmem>> -> memref<10240xf32, #tpu.memory_space<vmem>>
        %gather3A_614 = tpu.vector_load_idx %gather3A_613[%shift_right_logical3A_438] : memref<10240xf32, #tpu.memory_space<vmem>>[vector<16xi32>], vector<16xf32>,
        %gather3A_615 = arith.constant 10240 : i32
        %gather3A_616 = tpu.memref_slice %arg6[%gather3A_615] : memref<51200xf32, #tpu.memory_space<vmem>> -> memref<10240xf32, #tpu.memory_space<vmem>>
        %gather3A_617 = tpu.vector_load_idx %gather3A_616[%shift_right_logical3A_438] : memref<10240xf32, #tpu.memory_space<vmem>>[vector<16xi32>], vector<16xf32>,
        %gather3A_618 = arith.constant 20480 : i32
        %gather3A_619 = tpu.memref_slice %arg6[%gather3A_618] : memref<51200xf32, #tpu.memory_space<vmem>> -> memref<10240xf32, #tpu.memory_space<vmem>>
        %gather3A_620 = tpu.vector_load_idx %gather3A_619[%shift_right_logical3A_438] : memref<10240xf32, #tpu.memory_space<vmem>>[vector<16xi32>], vector<16xf32>,
        %gather3A_621 = arith.constant 30720 : i32
        %gather3A_622 = tpu.memref_slice %arg6[%gather3A_621] : memref<51200xf32, #tpu.memory_space<vmem>> -> memref<10240xf32, #tpu.memory_space<vmem>>
        %gather3A_623 = tpu.vector_load_idx %gather3A_622[%shift_right_logical3A_438] : memref<10240xf32, #tpu.memory_space<vmem>>[vector<16xi32>], vector<16xf32>,
        %scatter3A_624 = arith.constant 0 : i32
        %scatter3A_625 = tpu.memref_slice %arg7[%scatter3A_624] : memref<51200xf32, #tpu.memory_space<vmem>> -> memref<10240xf32, #tpu.memory_space<vmem>>
        tpu.vector_store_idx %scatter3A_625[%and3A_427], %gather3A_594 {add = true} : memref<10240xf32, #tpu.memory_space<vmem>>[vector<16xi32>], vector<16xf32>,
        %scatter3A_626 = arith.constant 10240 : i32
        %scatter3A_627 = tpu.memref_slice %arg7[%scatter3A_626] : memref<51200xf32, #tpu.memory_space<vmem>> -> memref<10240xf32, #tpu.memory_space<vmem>>
        tpu.vector_store_idx %scatter3A_627[%and3A_427], %gather3A_597 {add = true} : memref<10240xf32, #tpu.memory_space<vmem>>[vector<16xi32>], vector<16xf32>,
        %scatter3A_628 = arith.constant 20480 : i32
        %scatter3A_629 = tpu.memref_slice %arg7[%scatter3A_628] : memref<51200xf32, #tpu.memory_space<vmem>> -> memref<10240xf32, #tpu.memory_space<vmem>>
        tpu.vector_store_idx %scatter3A_629[%and3A_427], %gather3A_600 {add = true} : memref<10240xf32, #tpu.memory_space<vmem>>[vector<16xi32>], vector<16xf32>,
        %scatter3A_630 = arith.constant 30720 : i32
        %scatter3A_631 = tpu.memref_slice %arg7[%scatter3A_630] : memref<51200xf32, #tpu.memory_space<vmem>> -> memref<10240xf32, #tpu.memory_space<vmem>>
        tpu.vector_store_idx %scatter3A_631[%and3A_427], %gather3A_603 {add = true} : memref<10240xf32, #tpu.memory_space<vmem>>[vector<16xi32>], vector<16xf32>,
        %scatter3A_632 = arith.constant 0 : i32
        %scatter3A_633 = tpu.memref_slice %arg7[%scatter3A_632] : memref<51200xf32, #tpu.memory_space<vmem>> -> memref<10240xf32, #tpu.memory_space<vmem>>
        tpu.vector_store_idx %scatter3A_633[%and3A_441], %gather3A_614 {add = true} : memref<10240xf32, #tpu.memory_space<vmem>>[vector<16xi32>], vector<16xf32>,
        %scatter3A_634 = arith.constant 10240 : i32
        %scatter3A_635 = tpu.memref_slice %arg7[%scatter3A_634] : memref<51200xf32, #tpu.memory_space<vmem>> -> memref<10240xf32, #tpu.memory_space<vmem>>
        tpu.vector_store_idx %scatter3A_635[%and3A_441], %gather3A_617 {add = true} : memref<10240xf32, #tpu.memory_space<vmem>>[vector<16xi32>], vector<16xf32>,
        %scatter3A_636 = arith.constant 20480 : i32
        %scatter3A_637 = tpu.memref_slice %arg7[%scatter3A_636] : memref<51200xf32, #tpu.memory_space<vmem>> -> memref<10240xf32, #tpu.memory_space<vmem>>
        tpu.vector_store_idx %scatter3A_637[%and3A_441], %gather3A_620 {add = true} : memref<10240xf32, #tpu.memory_space<vmem>>[vector<16xi32>], vector<16xf32>,
        %scatter3A_638 = arith.constant 30720 : i32
        %scatter3A_639 = tpu.memref_slice %arg7[%scatter3A_638] : memref<51200xf32, #tpu.memory_space<vmem>> -> memref<10240xf32, #tpu.memory_space<vmem>>
        tpu.vector_store_idx %scatter3A_639[%and3A_441], %gather3A_623 {add = true} : memref<10240xf32, #tpu.memory_space<vmem>>[vector<16xi32>], vector<16xf32>,
        %scan3A_640 = arith.constant 0 : i32
        scf.yield %scan3A_640 : i32
      }
      %scan3A_295 = arith.constant 63 : i32
      %rem3A_296 = arith.constant 32 : i32
      %rem3A_297 = arith.remsi %add3A_288, %rem3A_296 : i32
      %eq3A_298 = arith.cmpi eq, %rem3A_297, %add3A : i32
      %convert_element_type3A_299 = arith.extui %eq3A_298 : i1 to i32
      %cond3A_300 = arith.constant 0 : i32
      %cond3A_301 = arith.cmpi ne, %convert_element_type3A_299, %cond3A_300 : i32
      scf.if %cond3A_301 {
        %scan3A_303 = arith.constant 0 : i32
        %scan3A_304 = arith.constant 0 : i32
        %scan3A_305 = arith.constant 63 : i32
        %scan3A_306 = arith.addi %scan3A_304, %scan3A_305 : i32
        %scan3A_307 = arith.constant 1 : i32
        %scan3A_308 = scf.for %scan3A_310 = %scan3A_304 to %scan3A_306 step %scan3A_307 iter_args(%scan3A_311 = %scan3A_303) -> (i32)  : i32 {
          %mul3A_312 = arith.constant 10 : i32
          %mul3A_313 = arith.muli %scan3A_310, %mul3A_312 : i32
          %add3A_314 = arith.constant 0 : i32
          %add3A_315 = arith.addi %mul3A_313, %add3A_314 : i32
          %mul3A_316 = arith.constant 16 : i32
          %mul3A_317 = arith.muli %add3A_315, %mul3A_316 : i32
          %get3A = arith.index_cast %mul3A_317 : i32 to index
          %get3A_318 = tpu.vector_load %arg9[%get3A] {strides = array<i32>} : memref<10080xi32, #tpu.memory_space<vmem>>, vector<16xi32>,
          %shift_right_logical3A = arith.constant 14 : i32
          %shift_right_logical3A_319 = vector.broadcast %shift_right_logical3A : i32 to vector<16xi32>
          %shift_right_logical3A_320 = arith.shrui %get3A_318, %shift_right_logical3A_319 : vector<16xi32>
          %and3A = arith.constant 16383 : i32
          %and3A_321 = vector.broadcast %and3A : i32 to vector<16xi32>
          %and3A_322 = arith.andi %get3A_318, %and3A_321 : vector<16xi32>
          %gather3A = arith.constant 40960 : i32
          %gather3A_323 = tpu.memref_slice %arg6[%gather3A] : memref<51200xf32, #tpu.memory_space<vmem>> -> memref<10240xf32, #tpu.memory_space<vmem>>
          %gather3A_324 = tpu.vector_load_idx %gather3A_323[%shift_right_logical3A_320] : memref<10240xf32, #tpu.memory_space<vmem>>[vector<16xi32>], vector<16xf32>,
          %mul3A_325 = arith.constant 10 : i32
          %mul3A_326 = arith.muli %scan3A_310, %mul3A_325 : i32
          %add3A_327 = arith.constant 1 : i32
          %add3A_328 = arith.addi %mul3A_326, %add3A_327 : i32
          %mul3A_329 = arith.constant 16 : i32
          %mul3A_330 = arith.muli %add3A_328, %mul3A_329 : i32
          %get3A_331 = arith.index_cast %mul3A_330 : i32 to index
          %get3A_332 = tpu.vector_load %arg9[%get3A_331] {strides = array<i32>} : memref<10080xi32, #tpu.memory_space<vmem>>, vector<16xi32>,
          %shift_right_logical3A_333 = arith.constant 14 : i32
          %shift_right_logical3A_334 = vector.broadcast %shift_right_logical3A_333 : i32 to vector<16xi32>
          %shift_right_logical3A_335 = arith.shrui %get3A_332, %shift_right_logical3A_334 : vector<16xi32>
          %and3A_336 = arith.constant 16383 : i32
          %and3A_337 = vector.broadcast %and3A_336 : i32 to vector<16xi32>
          %and3A_338 = arith.andi %get3A_332, %and3A_337 : vector<16xi32>
          %gather3A_339 = arith.constant 40960 : i32
          %gather3A_340 = tpu.memref_slice %arg6[%gather3A_339] : memref<51200xf32, #tpu.memory_space<vmem>> -> memref<10240xf32, #tpu.memory_space<vmem>>
          %gather3A_341 = tpu.vector_load_idx %gather3A_340[%shift_right_logical3A_335] : memref<10240xf32, #tpu.memory_space<vmem>>[vector<16xi32>], vector<16xf32>,
          %scatter3A = arith.constant 40960 : i32
          %scatter3A_342 = tpu.memref_slice %arg7[%scatter3A] : memref<51200xf32, #tpu.memory_space<vmem>> -> memref<10240xf32, #tpu.memory_space<vmem>>
          tpu.vector_store_idx %scatter3A_342[%and3A_322], %gather3A_324 {add = true} : memref<10240xf32, #tpu.memory_space<vmem>>[vector<16xi32>], vector<16xf32>,
          %mul3A_343 = arith.constant 10 : i32
          %mul3A_344 = arith.muli %scan3A_310, %mul3A_343 : i32
          %add3A_345 = arith.constant 2 : i32
          %add3A_346 = arith.addi %mul3A_344, %add3A_345 : i32
          %mul3A_347 = arith.constant 16 : i32
          %mul3A_348 = arith.muli %add3A_346, %mul3A_347 : i32
          %get3A_349 = arith.index_cast %mul3A_348 : i32 to index
          %get3A_350 = tpu.vector_load %arg9[%get3A_349] {strides = array<i32>} : memref<10080xi32, #tpu.memory_space<vmem>>, vector<16xi32>,
          %shift_right_logical3A_351 = arith.constant 14 : i32
          %shift_right_logical3A_352 = vector.broadcast %shift_right_logical3A_351 : i32 to vector<16xi32>
          %shift_right_logical3A_353 = arith.shrui %get3A_350, %shift_right_logical3A_352 : vector<16xi32>
          %and3A_354 = arith.constant 16383 : i32
          %and3A_355 = vector.broadcast %and3A_354 : i32 to vector<16xi32>
          %and3A_356 = arith.andi %get3A_350, %and3A_355 : vector<16xi32>
          %gather3A_357 = arith.constant 40960 : i32
          %gather3A_358 = tpu.memref_slice %arg6[%gather3A_357] : memref<51200xf32, #tpu.memory_space<vmem>> -> memref<10240xf32, #tpu.memory_space<vmem>>
          %gather3A_359 = tpu.vector_load_idx %gather3A_358[%shift_right_logical3A_353] : memref<10240xf32, #tpu.memory_space<vmem>>[vector<16xi32>], vector<16xf32>,
          %scatter3A_360 = arith.constant 40960 : i32
          %scatter3A_361 = tpu.memref_slice %arg7[%scatter3A_360] : memref<51200xf32, #tpu.memory_space<vmem>> -> memref<10240xf32, #tpu.memory_space<vmem>>
          tpu.vector_store_idx %scatter3A_361[%and3A_338], %gather3A_341 {add = true} : memref<10240xf32, #tpu.memory_space<vmem>>[vector<16xi32>], vector<16xf32>,
          %mul3A_362 = arith.constant 10 : i32
          %mul3A_363 = arith.muli %scan3A_310, %mul3A_362 : i32
          %add3A_364 = arith.constant 3 : i32
          %add3A_365 = arith.addi %mul3A_363, %add3A_364 : i32
          %mul3A_366 = arith.constant 16 : i32
          %mul3A_367 = arith.muli %add3A_365, %mul3A_366 : i32
          %get3A_368 = arith.index_cast %mul3A_367 : i32 to index
          %get3A_369 = tpu.vector_load %arg9[%get3A_368] {strides = array<i32>} : memref<10080xi32, #tpu.memory_space<vmem>>, vector<16xi32>,
          %shift_right_logical3A_370 = arith.constant 14 : i32
          %shift_right_logical3A_371 = vector.broadcast %shift_right_logical3A_370 : i32 to vector<16xi32>
          %shift_right_logical3A_372 = arith.shrui %get3A_369, %shift_right_logical3A_371 : vector<16xi32>
          %and3A_373 = arith.constant 16383 : i32
          %and3A_374 = vector.broadcast %and3A_373 : i32 to vector<16xi32>
          %and3A_375 = arith.andi %get3A_369, %and3A_374 : vector<16xi32>
          %gather3A_376 = arith.constant 40960 : i32
          %gather3A_377 = tpu.memref_slice %arg6[%gather3A_376] : memref<51200xf32, #tpu.memory_space<vmem>> -> memref<10240xf32, #tpu.memory_space<vmem>>
          %gather3A_378 = tpu.vector_load_idx %gather3A_377[%shift_right_logical3A_372] : memref<10240xf32, #tpu.memory_space<vmem>>[vector<16xi32>], vector<16xf32>,
          %scatter3A_379 = arith.constant 40960 : i32
          %scatter3A_380 = tpu.memref_slice %arg7[%scatter3A_379] : memref<51200xf32, #tpu.memory_space<vmem>> -> memref<10240xf32, #tpu.memory_space<vmem>>
          tpu.vector_store_idx %scatter3A_380[%and3A_356], %gather3A_359 {add = true} : memref<10240xf32, #tpu.memory_space<vmem>>[vector<16xi32>], vector<16xf32>,
          %mul3A_381 = arith.constant 10 : i32
          %mul3A_382 = arith.muli %scan3A_310, %mul3A_381 : i32
          %add3A_383 = arith.constant 4 : i32
          %add3A_384 = arith.addi %mul3A_382, %add3A_383 : i32
          %mul3A_385 = arith.constant 16 : i32
          %mul3A_386 = arith.muli %add3A_384, %mul3A_385 : i32
          %get3A_387 = arith.index_cast %mul3A_386 : i32 to index
          %get3A_388 = tpu.vector_load %arg9[%get3A_387] {strides = array<i32>} : memref<10080xi32, #tpu.memory_space<vmem>>, vector<16xi32>,
          %shift_right_logical3A_389 = arith.constant 14 : i32
          %shift_right_logical3A_390 = vector.broadcast %shift_right_logical3A_389 : i32 to vector<16xi32>
          %shift_right_logical3A_391 = arith.shrui %get3A_388, %shift_right_logical3A_390 : vector<16xi32>
          %and3A_392 = arith.constant 16383 : i32
          %and3A_393 = vector.broadcast %and3A_392 : i32 to vector<16xi32>
          %and3A_394 = arith.andi %get3A_388, %and3A_393 : vector<16xi32>
          %gather3A_395 = arith.constant 40960 : i32
          %gather3A_396 = tpu.memref_slice %arg6[%gather3A_395] : memref<51200xf32, #tpu.memory_space<vmem>> -> memref<10240xf32, #tpu.memory_space<vmem>>
          %gather3A_397 = tpu.vector_load_idx %gather3A_396[%shift_right_logical3A_391] : memref<10240xf32, #tpu.memory_space<vmem>>[vector<16xi32>], vector<16xf32>,
          %scatter3A_398 = arith.constant 40960 : i32
          %scatter3A_399 = tpu.memref_slice %arg7[%scatter3A_398] : memref<51200xf32, #tpu.memory_space<vmem>> -> memref<10240xf32, #tpu.memory_space<vmem>>
          tpu.vector_store_idx %scatter3A_399[%and3A_375], %gather3A_378 {add = true} : memref<10240xf32, #tpu.memory_space<vmem>>[vector<16xi32>], vector<16xf32>,
          %mul3A_400 = arith.constant 10 : i32
          %mul3A_401 = arith.muli %scan3A_310, %mul3A_400 : i32
          %add3A_402 = arith.constant 5 : i32
          %add3A_403 = arith.addi %mul3A_401, %add3A_402 : i32
          %mul3A_404 = arith.constant 16 : i32
          %mul3A_405 = arith.muli %add3A_403, %mul3A_404 : i32
          %get3A_406 = arith.index_cast %mul3A_405 : i32 to index
          %get3A_407 = tpu.vector_load %arg9[%get3A_406] {strides = array<i32>} : memref<10080xi32, #tpu.memory_space<vmem>>, vector<16xi32>,
          %shift_right_logical3A_408 = arith.constant 14 : i32
          %shift_right_logical3A_409 = vector.broadcast %shift_right_logical3A_408 : i32 to vector<16xi32>
          %shift_right_logical3A_410 = arith.shrui %get3A_407, %shift_right_logical3A_409 : vector<16xi32>
          %and3A_411 = arith.constant 16383 : i32
          %and3A_412 = vector.broadcast %and3A_411 : i32 to vector<16xi32>
          %and3A_413 = arith.andi %get3A_407, %and3A_412 : vector<16xi32>
          %gather3A_414 = arith.constant 40960 : i32
          %gather3A_415 = tpu.memref_slice %arg6[%gather3A_414] : memref<51200xf32, #tpu.memory_space<vmem>> -> memref<10240xf32, #tpu.memory_space<vmem>>
          %gather3A_416 = tpu.vector_load_idx %gather3A_415[%shift_right_logical3A_410] : memref<10240xf32, #tpu.memory_space<vmem>>[vector<16xi32>], vector<16xf32>,
          %scatter3A_417 = arith.constant 40960 : i32
          %scatter3A_418 = tpu.memref_slice %arg7[%scatter3A_417] : memref<51200xf32, #tpu.memory_space<vmem>> -> memref<10240xf32, #tpu.memory_space<vmem>>
          tpu.vector_store_idx %scatter3A_418[%and3A_394], %gather3A_397 {add = true} : memref<10240xf32, #tpu.memory_space<vmem>>[vector<16xi32>], vector<16xf32>,
          %mul3A_419 = arith.constant 10 : i32
          %mul3A_420 = arith.muli %scan3A_310, %mul3A_419 : i32
          %add3A_421 = arith.constant 6 : i32
          %add3A_422 = arith.addi %mul3A_420, %add3A_421 : i32
          %mul3A_423 = arith.constant 16 : i32
          %mul3A_424 = arith.muli %add3A_422, %mul3A_423 : i32
          %get3A_425 = arith.index_cast %mul3A_424 : i32 to index
          %get3A_426 = tpu.vector_load %arg9[%get3A_425] {strides = array<i32>} : memref<10080xi32, #tpu.memory_space<vmem>>, vector<16xi32>,
          %shift_right_logical3A_427 = arith.constant 14 : i32
          %shift_right_logical3A_428 = vector.broadcast %shift_right_logical3A_427 : i32 to vector<16xi32>
          %shift_right_logical3A_429 = arith.shrui %get3A_426, %shift_right_logical3A_428 : vector<16xi32>
          %and3A_430 = arith.constant 16383 : i32
          %and3A_431 = vector.broadcast %and3A_430 : i32 to vector<16xi32>
          %and3A_432 = arith.andi %get3A_426, %and3A_431 : vector<16xi32>
          %gather3A_433 = arith.constant 40960 : i32
          %gather3A_434 = tpu.memref_slice %arg6[%gather3A_433] : memref<51200xf32, #tpu.memory_space<vmem>> -> memref<10240xf32, #tpu.memory_space<vmem>>
          %gather3A_435 = tpu.vector_load_idx %gather3A_434[%shift_right_logical3A_429] : memref<10240xf32, #tpu.memory_space<vmem>>[vector<16xi32>], vector<16xf32>,
          %scatter3A_436 = arith.constant 40960 : i32
          %scatter3A_437 = tpu.memref_slice %arg7[%scatter3A_436] : memref<51200xf32, #tpu.memory_space<vmem>> -> memref<10240xf32, #tpu.memory_space<vmem>>
          tpu.vector_store_idx %scatter3A_437[%and3A_413], %gather3A_416 {add = true} : memref<10240xf32, #tpu.memory_space<vmem>>[vector<16xi32>], vector<16xf32>,
          %mul3A_438 = arith.constant 10 : i32
          %mul3A_439 = arith.muli %scan3A_310, %mul3A_438 : i32
          %add3A_440 = arith.constant 7 : i32
          %add3A_441 = arith.addi %mul3A_439, %add3A_440 : i32
          %mul3A_442 = arith.constant 16 : i32
          %mul3A_443 = arith.muli %add3A_441, %mul3A_442 : i32
          %get3A_444 = arith.index_cast %mul3A_443 : i32 to index
          %get3A_445 = tpu.vector_load %arg9[%get3A_444] {strides = array<i32>} : memref<10080xi32, #tpu.memory_space<vmem>>, vector<16xi32>,
          %shift_right_logical3A_446 = arith.constant 14 : i32
          %shift_right_logical3A_447 = vector.broadcast %shift_right_logical3A_446 : i32 to vector<16xi32>
          %shift_right_logical3A_448 = arith.shrui %get3A_445, %shift_right_logical3A_447 : vector<16xi32>
          %and3A_449 = arith.constant 16383 : i32
          %and3A_450 = vector.broadcast %and3A_449 : i32 to vector<16xi32>
          %and3A_451 = arith.andi %get3A_445, %and3A_450 : vector<16xi32>
          %gather3A_452 = arith.constant 40960 : i32
          %gather3A_453 = tpu.memref_slice %arg6[%gather3A_452] : memref<51200xf32, #tpu.memory_space<vmem>> -> memref<10240xf32, #tpu.memory_space<vmem>>
          %gather3A_454 = tpu.vector_load_idx %gather3A_453[%shift_right_logical3A_448] : memref<10240xf32, #tpu.memory_space<vmem>>[vector<16xi32>], vector<16xf32>,
          %scatter3A_455 = arith.constant 40960 : i32
          %scatter3A_456 = tpu.memref_slice %arg7[%scatter3A_455] : memref<51200xf32, #tpu.memory_space<vmem>> -> memref<10240xf32, #tpu.memory_space<vmem>>
          tpu.vector_store_idx %scatter3A_456[%and3A_432], %gather3A_435 {add = true} : memref<10240xf32, #tpu.memory_space<vmem>>[vector<16xi32>], vector<16xf32>,
          %mul3A_457 = arith.constant 10 : i32
          %mul3A_458 = arith.muli %scan3A_310, %mul3A_457 : i32
          %add3A_459 = arith.constant 8 : i32
          %add3A_460 = arith.addi %mul3A_458, %add3A_459 : i32
          %mul3A_461 = arith.constant 16 : i32
          %mul3A_462 = arith.muli %add3A_460, %mul3A_461 : i32
          %get3A_463 = arith.index_cast %mul3A_462 : i32 to index
          %get3A_464 = tpu.vector_load %arg9[%get3A_463] {strides = array<i32>} : memref<10080xi32, #tpu.memory_space<vmem>>, vector<16xi32>,
          %shift_right_logical3A_465 = arith.constant 14 : i32
          %shift_right_logical3A_466 = vector.broadcast %shift_right_logical3A_465 : i32 to vector<16xi32>
          %shift_right_logical3A_467 = arith.shrui %get3A_464, %shift_right_logical3A_466 : vector<16xi32>
          %and3A_468 = arith.constant 16383 : i32
          %and3A_469 = vector.broadcast %and3A_468 : i32 to vector<16xi32>
          %and3A_470 = arith.andi %get3A_464, %and3A_469 : vector<16xi32>
          %gather3A_471 = arith.constant 40960 : i32
          %gather3A_472 = tpu.memref_slice %arg6[%gather3A_471] : memref<51200xf32, #tpu.memory_space<vmem>> -> memref<10240xf32, #tpu.memory_space<vmem>>
          %gather3A_473 = tpu.vector_load_idx %gather3A_472[%shift_right_logical3A_467] : memref<10240xf32, #tpu.memory_space<vmem>>[vector<16xi32>], vector<16xf32>,
          %scatter3A_474 = arith.constant 40960 : i32
          %scatter3A_475 = tpu.memref_slice %arg7[%scatter3A_474] : memref<51200xf32, #tpu.memory_space<vmem>> -> memref<10240xf32, #tpu.memory_space<vmem>>
          tpu.vector_store_idx %scatter3A_475[%and3A_451], %gather3A_454 {add = true} : memref<10240xf32, #tpu.memory_space<vmem>>[vector<16xi32>], vector<16xf32>,
          %mul3A_476 = arith.constant 10 : i32
          %mul3A_477 = arith.muli %scan3A_310, %mul3A_476 : i32
          %add3A_478 = arith.constant 9 : i32
          %add3A_479 = arith.addi %mul3A_477, %add3A_478 : i32
          %mul3A_480 = arith.constant 16 : i32
          %mul3A_481 = arith.muli %add3A_479, %mul3A_480 : i32
          %get3A_482 = arith.index_cast %mul3A_481 : i32 to index
          %get3A_483 = tpu.vector_load %arg9[%get3A_482] {strides = array<i32>} : memref<10080xi32, #tpu.memory_space<vmem>>, vector<16xi32>,
          %shift_right_logical3A_484 = arith.constant 14 : i32
          %shift_right_logical3A_485 = vector.broadcast %shift_right_logical3A_484 : i32 to vector<16xi32>
          %shift_right_logical3A_486 = arith.shrui %get3A_483, %shift_right_logical3A_485 : vector<16xi32>
          %and3A_487 = arith.constant 16383 : i32
          %and3A_488 = vector.broadcast %and3A_487 : i32 to vector<16xi32>
          %and3A_489 = arith.andi %get3A_483, %and3A_488 : vector<16xi32>
          %gather3A_490 = arith.constant 40960 : i32
          %gather3A_491 = tpu.memref_slice %arg6[%gather3A_490] : memref<51200xf32, #tpu.memory_space<vmem>> -> memref<10240xf32, #tpu.memory_space<vmem>>
          %gather3A_492 = tpu.vector_load_idx %gather3A_491[%shift_right_logical3A_486] : memref<10240xf32, #tpu.memory_space<vmem>>[vector<16xi32>], vector<16xf32>,
          %scatter3A_493 = arith.constant 40960 : i32
          %scatter3A_494 = tpu.memref_slice %arg7[%scatter3A_493] : memref<51200xf32, #tpu.memory_space<vmem>> -> memref<10240xf32, #tpu.memory_space<vmem>>
          tpu.vector_store_idx %scatter3A_494[%and3A_470], %gather3A_473 {add = true} : memref<10240xf32, #tpu.memory_space<vmem>>[vector<16xi32>], vector<16xf32>,
          %scatter3A_495 = arith.constant 40960 : i32
          %scatter3A_496 = tpu.memref_slice %arg7[%scatter3A_495] : memref<51200xf32, #tpu.memory_space<vmem>> -> memref<10240xf32, #tpu.memory_space<vmem>>
          tpu.vector_store_idx %scatter3A_496[%and3A_489], %gather3A_492 {add = true} : memref<10240xf32, #tpu.memory_space<vmem>>[vector<16xi32>], vector<16xf32>,
          %scan3A_497 = arith.constant 0 : i32
          scf.yield %scan3A_497 : i32
        }
        %scan3A_309 = arith.constant 63 : i32
      } else {
      }
      %scan3A_302 = arith.constant 0 : i32
      scf.yield %scan3A_302 : i32
    }
    %scan3A_135 = arith.constant 16 : i32
    %add3A_136 = arith.constant 0 : i32
    %add3A_137 = arith.addi %mul3A_2, %add3A_136 : i32
    %dma_start3A_138 = arith.constant 0 : i32
    %dma_start3A_139 = tpu.memref_slice %arg7[%dma_start3A_138] : memref<51200xf32, #tpu.memory_space<vmem>> -> memref<10240xf32, #tpu.memory_space<vmem>>
    %dma_start3A_140 = arith.constant 0 : i32
    %dma_start3A_141 = tpu.memref_slice %arg4[%add3A_137, %dma_start3A_140] : memref<136x10240xf32, #tpu.memory_space<hbm>> -> memref<1x10240xf32, #tpu.memory_space<hbm>>
    %dma_start3A_142 = tpu.memref_squeeze %dma_start3A_141 : memref<1x10240xf32, #tpu.memory_space<hbm>> -> memref<10240xf32, #tpu.memory_space<hbm>>
    %dma_start3A_143 = arith.constant 0 : i32
    %dma_start3A_144 = tpu.memref_slice %arg4[%add3A_137, %dma_start3A_143] : memref<136x10240xf32, #tpu.memory_space<hbm>> -> memref<1x10240xf32, #tpu.memory_space<hbm>>
    %dma_start3A_145 = tpu.memref_squeeze %dma_start3A_144 : memref<1x10240xf32, #tpu.memory_space<hbm>> -> memref<10240xf32, #tpu.memory_space<hbm>>
    %dma_start3A_146 = arith.constant 0 : i32
    %dma_start3A_147 = tpu.memref_slice %arg7[%dma_start3A_146] : memref<51200xf32, #tpu.memory_space<vmem>> -> memref<10240xf32, #tpu.memory_space<vmem>>
    tpu.enqueue_dma source(%dma_start3A_147 : memref<10240xf32, #tpu.memory_space<vmem>>) target(%dma_start3A_145 : memref<10240xf32, #tpu.memory_space<hbm>>) target_semaphore(%arg10 : memref<!tpu.dma_semaphore, #tpu.memory_space<semaphore_mem>>)
    %add3A_148 = arith.constant 1 : i32
    %add3A_149 = arith.addi %mul3A_2, %add3A_148 : i32
    %dma_start3A_150 = arith.constant 10240 : i32
    %dma_start3A_151 = tpu.memref_slice %arg7[%dma_start3A_150] : memref<51200xf32, #tpu.memory_space<vmem>> -> memref<10240xf32, #tpu.memory_space<vmem>>
    %dma_start3A_152 = arith.constant 0 : i32
    %dma_start3A_153 = tpu.memref_slice %arg4[%add3A_149, %dma_start3A_152] : memref<136x10240xf32, #tpu.memory_space<hbm>> -> memref<1x10240xf32, #tpu.memory_space<hbm>>
    %dma_start3A_154 = tpu.memref_squeeze %dma_start3A_153 : memref<1x10240xf32, #tpu.memory_space<hbm>> -> memref<10240xf32, #tpu.memory_space<hbm>>
    %dma_start3A_155 = arith.constant 0 : i32
    %dma_start3A_156 = tpu.memref_slice %arg4[%add3A_149, %dma_start3A_155] : memref<136x10240xf32, #tpu.memory_space<hbm>> -> memref<1x10240xf32, #tpu.memory_space<hbm>>
    %dma_start3A_157 = tpu.memref_squeeze %dma_start3A_156 : memref<1x10240xf32, #tpu.memory_space<hbm>> -> memref<10240xf32, #tpu.memory_space<hbm>>
    %dma_start3A_158 = arith.constant 10240 : i32
    %dma_start3A_159 = tpu.memref_slice %arg7[%dma_start3A_158] : memref<51200xf32, #tpu.memory_space<vmem>> -> memref<10240xf32, #tpu.memory_space<vmem>>
    tpu.enqueue_dma source(%dma_start3A_159 : memref<10240xf32, #tpu.memory_space<vmem>>) target(%dma_start3A_157 : memref<10240xf32, #tpu.memory_space<hbm>>) target_semaphore(%arg10 : memref<!tpu.dma_semaphore, #tpu.memory_space<semaphore_mem>>)
    %add3A_160 = arith.constant 2 : i32
    %add3A_161 = arith.addi %mul3A_2, %add3A_160 : i32
    %dma_start3A_162 = arith.constant 20480 : i32
    %dma_start3A_163 = tpu.memref_slice %arg7[%dma_start3A_162] : memref<51200xf32, #tpu.memory_space<vmem>> -> memref<10240xf32, #tpu.memory_space<vmem>>
    %dma_start3A_164 = arith.constant 0 : i32
    %dma_start3A_165 = tpu.memref_slice %arg4[%add3A_161, %dma_start3A_164] : memref<136x10240xf32, #tpu.memory_space<hbm>> -> memref<1x10240xf32, #tpu.memory_space<hbm>>
    %dma_start3A_166 = tpu.memref_squeeze %dma_start3A_165 : memref<1x10240xf32, #tpu.memory_space<hbm>> -> memref<10240xf32, #tpu.memory_space<hbm>>
    %dma_start3A_167 = arith.constant 0 : i32
    %dma_start3A_168 = tpu.memref_slice %arg4[%add3A_161, %dma_start3A_167] : memref<136x10240xf32, #tpu.memory_space<hbm>> -> memref<1x10240xf32, #tpu.memory_space<hbm>>
    %dma_start3A_169 = tpu.memref_squeeze %dma_start3A_168 : memref<1x10240xf32, #tpu.memory_space<hbm>> -> memref<10240xf32, #tpu.memory_space<hbm>>
    %dma_start3A_170 = arith.constant 20480 : i32
    %dma_start3A_171 = tpu.memref_slice %arg7[%dma_start3A_170] : memref<51200xf32, #tpu.memory_space<vmem>> -> memref<10240xf32, #tpu.memory_space<vmem>>
    tpu.enqueue_dma source(%dma_start3A_171 : memref<10240xf32, #tpu.memory_space<vmem>>) target(%dma_start3A_169 : memref<10240xf32, #tpu.memory_space<hbm>>) target_semaphore(%arg10 : memref<!tpu.dma_semaphore, #tpu.memory_space<semaphore_mem>>)
    %add3A_172 = arith.constant 3 : i32
    %add3A_173 = arith.addi %mul3A_2, %add3A_172 : i32
    %dma_start3A_174 = arith.constant 30720 : i32
    %dma_start3A_175 = tpu.memref_slice %arg7[%dma_start3A_174] : memref<51200xf32, #tpu.memory_space<vmem>> -> memref<10240xf32, #tpu.memory_space<vmem>>
    %dma_start3A_176 = arith.constant 0 : i32
    %dma_start3A_177 = tpu.memref_slice %arg4[%add3A_173, %dma_start3A_176] : memref<136x10240xf32, #tpu.memory_space<hbm>> -> memref<1x10240xf32, #tpu.memory_space<hbm>>
    %dma_start3A_178 = tpu.memref_squeeze %dma_start3A_177 : memref<1x10240xf32, #tpu.memory_space<hbm>> -> memref<10240xf32, #tpu.memory_space<hbm>>
    %dma_start3A_179 = arith.constant 0 : i32
    %dma_start3A_180 = tpu.memref_slice %arg4[%add3A_173, %dma_start3A_179] : memref<136x10240xf32, #tpu.memory_space<hbm>> -> memref<1x10240xf32, #tpu.memory_space<hbm>>
    %dma_start3A_181 = tpu.memref_squeeze %dma_start3A_180 : memref<1x10240xf32, #tpu.memory_space<hbm>> -> memref<10240xf32, #tpu.memory_space<hbm>>
    %dma_start3A_182 = arith.constant 30720 : i32
    %dma_start3A_183 = tpu.memref_slice %arg7[%dma_start3A_182] : memref<51200xf32, #tpu.memory_space<vmem>> -> memref<10240xf32, #tpu.memory_space<vmem>>
    tpu.enqueue_dma source(%dma_start3A_183 : memref<10240xf32, #tpu.memory_space<vmem>>) target(%dma_start3A_181 : memref<10240xf32, #tpu.memory_space<hbm>>) target_semaphore(%arg10 : memref<!tpu.dma_semaphore, #tpu.memory_space<semaphore_mem>>)
    %dma_start3A_184 = arith.constant 40960 : i32
    %dma_start3A_185 = tpu.memref_slice %arg7[%dma_start3A_184] : memref<51200xf32, #tpu.memory_space<vmem>> -> memref<10240xf32, #tpu.memory_space<vmem>>
    %dma_start3A_186 = arith.constant 0 : i32
    %dma_start3A_187 = tpu.memref_slice %arg5[%add3A, %dma_start3A_186] : memref<32x10240xf32, #tpu.memory_space<hbm>> -> memref<1x10240xf32, #tpu.memory_space<hbm>>
    %dma_start3A_188 = tpu.memref_squeeze %dma_start3A_187 : memref<1x10240xf32, #tpu.memory_space<hbm>> -> memref<10240xf32, #tpu.memory_space<hbm>>
    %dma_start3A_189 = arith.constant 0 : i32
    %dma_start3A_190 = tpu.memref_slice %arg5[%add3A, %dma_start3A_189] : memref<32x10240xf32, #tpu.memory_space<hbm>> -> memref<1x10240xf32, #tpu.memory_space<hbm>>
    %dma_start3A_191 = tpu.memref_squeeze %dma_start3A_190 : memref<1x10240xf32, #tpu.memory_space<hbm>> -> memref<10240xf32, #tpu.memory_space<hbm>>
    %dma_start3A_192 = arith.constant 40960 : i32
    %dma_start3A_193 = tpu.memref_slice %arg7[%dma_start3A_192] : memref<51200xf32, #tpu.memory_space<vmem>> -> memref<10240xf32, #tpu.memory_space<vmem>>
    tpu.enqueue_dma source(%dma_start3A_193 : memref<10240xf32, #tpu.memory_space<vmem>>) target(%dma_start3A_191 : memref<10240xf32, #tpu.memory_space<hbm>>) target_semaphore(%arg10 : memref<!tpu.dma_semaphore, #tpu.memory_space<semaphore_mem>>)
    %dma_wait3A_194 = arith.constant 0 : i32
    %dma_wait3A_195 = tpu.memref_slice %arg7[%dma_wait3A_194] : memref<51200xf32, #tpu.memory_space<vmem>> -> memref<10240xf32, #tpu.memory_space<vmem>>
    %dma_wait3A_196 = arith.constant 0 : i32
    %dma_wait3A_197 = tpu.memref_slice %arg4[%mul3A_2, %dma_wait3A_196] : memref<136x10240xf32, #tpu.memory_space<hbm>> -> memref<1x10240xf32, #tpu.memory_space<hbm>>
    %dma_wait3A_198 = tpu.memref_squeeze %dma_wait3A_197 : memref<1x10240xf32, #tpu.memory_space<hbm>> -> memref<10240xf32, #tpu.memory_space<hbm>>
    %dma_wait3A_199 = arith.constant 0 : i32
    %dma_wait3A_200 = tpu.memref_slice %arg4[%mul3A_2, %dma_wait3A_199] : memref<136x10240xf32, #tpu.memory_space<hbm>> -> memref<1x10240xf32, #tpu.memory_space<hbm>>
    %dma_wait3A_201 = tpu.memref_squeeze %dma_wait3A_200 : memref<1x10240xf32, #tpu.memory_space<hbm>> -> memref<10240xf32, #tpu.memory_space<hbm>>
    %dma_wait3A_202 = arith.constant 0 : i32
    %dma_wait3A_203 = tpu.memref_slice %arg7[%dma_wait3A_202] : memref<51200xf32, #tpu.memory_space<vmem>> -> memref<10240xf32, #tpu.memory_space<vmem>>
    tpu.wait_dma2 semaphore(%arg10 : memref<!tpu.dma_semaphore, #tpu.memory_space<semaphore_mem>>) src(%dma_wait3A_203 : memref<10240xf32, #tpu.memory_space<vmem>>) dst(%dma_wait3A_201 : memref<10240xf32, #tpu.memory_space<hbm>>)
    %dma_wait3A_204 = arith.constant 10240 : i32
    %dma_wait3A_205 = tpu.memref_slice %arg7[%dma_wait3A_204] : memref<51200xf32, #tpu.memory_space<vmem>> -> memref<10240xf32, #tpu.memory_space<vmem>>
    %dma_wait3A_206 = arith.constant 0 : i32
    %dma_wait3A_207 = tpu.memref_slice %arg4[%mul3A_2, %dma_wait3A_206] : memref<136x10240xf32, #tpu.memory_space<hbm>> -> memref<1x10240xf32, #tpu.memory_space<hbm>>
    %dma_wait3A_208 = tpu.memref_squeeze %dma_wait3A_207 : memref<1x10240xf32, #tpu.memory_space<hbm>> -> memref<10240xf32, #tpu.memory_space<hbm>>
    %dma_wait3A_209 = arith.constant 0 : i32
    %dma_wait3A_210 = tpu.memref_slice %arg4[%mul3A_2, %dma_wait3A_209] : memref<136x10240xf32, #tpu.memory_space<hbm>> -> memref<1x10240xf32, #tpu.memory_space<hbm>>
    %dma_wait3A_211 = tpu.memref_squeeze %dma_wait3A_210 : memref<1x10240xf32, #tpu.memory_space<hbm>> -> memref<10240xf32, #tpu.memory_space<hbm>>
    %dma_wait3A_212 = arith.constant 10240 : i32
    %dma_wait3A_213 = tpu.memref_slice %arg7[%dma_wait3A_212] : memref<51200xf32, #tpu.memory_space<vmem>> -> memref<10240xf32, #tpu.memory_space<vmem>>
    tpu.wait_dma2 semaphore(%arg10 : memref<!tpu.dma_semaphore, #tpu.memory_space<semaphore_mem>>) src(%dma_wait3A_213 : memref<10240xf32, #tpu.memory_space<vmem>>) dst(%dma_wait3A_211 : memref<10240xf32, #tpu.memory_space<hbm>>)
    %dma_wait3A_214 = arith.constant 20480 : i32
    %dma_wait3A_215 = tpu.memref_slice %arg7[%dma_wait3A_214] : memref<51200xf32, #tpu.memory_space<vmem>> -> memref<10240xf32, #tpu.memory_space<vmem>>
    %dma_wait3A_216 = arith.constant 0 : i32
    %dma_wait3A_217 = tpu.memref_slice %arg4[%mul3A_2, %dma_wait3A_216] : memref<136x10240xf32, #tpu.memory_space<hbm>> -> memref<1x10240xf32, #tpu.memory_space<hbm>>
    %dma_wait3A_218 = tpu.memref_squeeze %dma_wait3A_217 : memref<1x10240xf32, #tpu.memory_space<hbm>> -> memref<10240xf32, #tpu.memory_space<hbm>>
    %dma_wait3A_219 = arith.constant 0 : i32
    %dma_wait3A_220 = tpu.memref_slice %arg4[%mul3A_2, %dma_wait3A_219] : memref<136x10240xf32, #tpu.memory_space<hbm>> -> memref<1x10240xf32, #tpu.memory_space<hbm>>
    %dma_wait3A_221 = tpu.memref_squeeze %dma_wait3A_220 : memref<1x10240xf32, #tpu.memory_space<hbm>> -> memref<10240xf32, #tpu.memory_space<hbm>>
    %dma_wait3A_222 = arith.constant 20480 : i32
    %dma_wait3A_223 = tpu.memref_slice %arg7[%dma_wait3A_222] : memref<51200xf32, #tpu.memory_space<vmem>> -> memref<10240xf32, #tpu.memory_space<vmem>>
    tpu.wait_dma2 semaphore(%arg10 : memref<!tpu.dma_semaphore, #tpu.memory_space<semaphore_mem>>) src(%dma_wait3A_223 : memref<10240xf32, #tpu.memory_space<vmem>>) dst(%dma_wait3A_221 : memref<10240xf32, #tpu.memory_space<hbm>>)
    %dma_wait3A_224 = arith.constant 30720 : i32
    %dma_wait3A_225 = tpu.memref_slice %arg7[%dma_wait3A_224] : memref<51200xf32, #tpu.memory_space<vmem>> -> memref<10240xf32, #tpu.memory_space<vmem>>
    %dma_wait3A_226 = arith.constant 0 : i32
    %dma_wait3A_227 = tpu.memref_slice %arg4[%mul3A_2, %dma_wait3A_226] : memref<136x10240xf32, #tpu.memory_space<hbm>> -> memref<1x10240xf32, #tpu.memory_space<hbm>>
    %dma_wait3A_228 = tpu.memref_squeeze %dma_wait3A_227 : memref<1x10240xf32, #tpu.memory_space<hbm>> -> memref<10240xf32, #tpu.memory_space<hbm>>
    %dma_wait3A_229 = arith.constant 0 : i32
    %dma_wait3A_230 = tpu.memref_slice %arg4[%mul3A_2, %dma_wait3A_229] : memref<136x10240xf32, #tpu.memory_space<hbm>> -> memref<1x10240xf32, #tpu.memory_space<hbm>>
    %dma_wait3A_231 = tpu.memref_squeeze %dma_wait3A_230 : memref<1x10240xf32, #tpu.memory_space<hbm>> -> memref<10240xf32, #tpu.memory_space<hbm>>
    %dma_wait3A_232 = arith.constant 30720 : i32
    %dma_wait3A_233 = tpu.memref_slice %arg7[%dma_wait3A_232] : memref<51200xf32, #tpu.memory_space<vmem>> -> memref<10240xf32, #tpu.memory_space<vmem>>
    tpu.wait_dma2 semaphore(%arg10 : memref<!tpu.dma_semaphore, #tpu.memory_space<semaphore_mem>>) src(%dma_wait3A_233 : memref<10240xf32, #tpu.memory_space<vmem>>) dst(%dma_wait3A_231 : memref<10240xf32, #tpu.memory_space<hbm>>)
    %dma_wait3A_234 = arith.constant 40960 : i32
    %dma_wait3A_235 = tpu.memref_slice %arg7[%dma_wait3A_234] : memref<51200xf32, #tpu.memory_space<vmem>> -> memref<10240xf32, #tpu.memory_space<vmem>>
    %dma_wait3A_236 = arith.constant 0 : i32
    %dma_wait3A_237 = tpu.memref_slice %arg4[%mul3A_2, %dma_wait3A_236] : memref<136x10240xf32, #tpu.memory_space<hbm>> -> memref<1x10240xf32, #tpu.memory_space<hbm>>
    %dma_wait3A_238 = tpu.memref_squeeze %dma_wait3A_237 : memref<1x10240xf32, #tpu.memory_space<hbm>> -> memref<10240xf32, #tpu.memory_space<hbm>>
    %dma_wait3A_239 = arith.constant 0 : i32
    %dma_wait3A_240 = tpu.memref_slice %arg4[%mul3A_2, %dma_wait3A_239] : memref<136x10240xf32, #tpu.memory_space<hbm>> -> memref<1x10240xf32, #tpu.memory_space<hbm>>
    %dma_wait3A_241 = tpu.memref_squeeze %dma_wait3A_240 : memref<1x10240xf32, #tpu.memory_space<hbm>> -> memref<10240xf32, #tpu.memory_space<hbm>>
    %dma_wait3A_242 = arith.constant 40960 : i32
    %dma_wait3A_243 = tpu.memref_slice %arg7[%dma_wait3A_242] : memref<51200xf32, #tpu.memory_space<vmem>> -> memref<10240xf32, #tpu.memory_space<vmem>>
    tpu.wait_dma2 semaphore(%arg10 : memref<!tpu.dma_semaphore, #tpu.memory_space<semaphore_mem>>) src(%dma_wait3A_243 : memref<10240xf32, #tpu.memory_space<vmem>>) dst(%dma_wait3A_241 : memref<10240xf32, #tpu.memory_space<hbm>>)
    return
  }
}

#map = affine_map<(d0, d1) -> (0, 0)>
module attributes {stable_mosaic.version = 14 : i64} {
  func.func @seg(%arg0: i32, %arg1: i32, %arg2: memref<136x10240xf32, #tpu.memory_space<hbm>>, %arg3: memref<32x10080xi32, #tpu.memory_space<hbm>>, %arg4: memref<136x10240xf32, #tpu.memory_space<hbm>>, %arg5: memref<32x10240xf32, #tpu.memory_space<hbm>>, %arg6: memref<51200xf32, #tpu.memory_space<vmem>>, %arg7: memref<51200xf32, #tpu.memory_space<vmem>>, %arg8: memref<10080xi32, #tpu.memory_space<vmem>>, %arg9: memref<10080xi32, #tpu.memory_space<vmem>>, %arg10: memref<!tpu.dma_semaphore, #tpu.memory_space<semaphore_mem>>, %arg11: memref<!tpu.dma_semaphore, #tpu.memory_space<semaphore_mem>>) attributes {dimension_semantics = [#tpu.dimension_semantics<core_parallel>, #tpu.dimension_semantics<subcore_parallel>], iteration_bounds = array<i64: 2, 16>, scalar_prefetch = 0 : i64, scratch_operands = 6 : i64, tpu.core_type = #tpu.core_type<sc_vector_subcore>, window_params = [{transform_indices = #map}, {transform_indices = #map}, {transform_indices = #map}, {transform_indices = #map}]} {
    %mul3A = arith.constant 2 : i32
    %mul3A_0 = arith.muli %arg1, %mul3A : i32
    %add3A = arith.addi %mul3A_0, %arg0 : i32
    %mul3A_1 = arith.constant 4 : i32
    %mul3A_2 = arith.muli %add3A, %mul3A_1 : i32
    %dma_start3A = arith.constant 0 : i32
    %dma_start3A_3 = arith.constant 0 : i32
    %dma_start3A_4 = tpu.memref_slice %arg3[%dma_start3A, %dma_start3A_3] : memref<32x10080xi32, #tpu.memory_space<hbm>> -> memref<1x10080xi32, #tpu.memory_space<hbm>>
    %dma_start3A_5 = tpu.memref_squeeze %dma_start3A_4 : memref<1x10080xi32, #tpu.memory_space<hbm>> -> memref<10080xi32, #tpu.memory_space<hbm>>
    %dma_start3A_6 = arith.constant 0 : i32
    %dma_start3A_7 = tpu.memref_slice %arg3[%dma_start3A, %dma_start3A_6] : memref<32x10080xi32, #tpu.memory_space<hbm>> -> memref<1x10080xi32, #tpu.memory_space<hbm>>
    %dma_start3A_8 = tpu.memref_squeeze %dma_start3A_7 : memref<1x10080xi32, #tpu.memory_space<hbm>> -> memref<10080xi32, #tpu.memory_space<hbm>>
    tpu.enqueue_dma source(%dma_start3A_8 : memref<10080xi32, #tpu.memory_space<hbm>>) target(%arg8 : memref<10080xi32, #tpu.memory_space<vmem>>) target_semaphore(%arg10 : memref<!tpu.dma_semaphore, #tpu.memory_space<semaphore_mem>>)
    %add3A_9 = arith.constant 0 : i32
    %add3A_10 = arith.addi %mul3A_2, %add3A_9 : i32
    %dma_start3A_11 = arith.constant 0 : i32
    %dma_start3A_12 = tpu.memref_slice %arg6[%dma_start3A_11] : memref<51200xf32, #tpu.memory_space<vmem>> -> memref<10240xf32, #tpu.memory_space<vmem>>
    %dma_start3A_13 = arith.constant 0 : i32
    %dma_start3A_14 = tpu.memref_slice %arg2[%add3A_10, %dma_start3A_13] : memref<136x10240xf32, #tpu.memory_space<hbm>> -> memref<1x10240xf32, #tpu.memory_space<hbm>>
    %dma_start3A_15 = tpu.memref_squeeze %dma_start3A_14 : memref<1x10240xf32, #tpu.memory_space<hbm>> -> memref<10240xf32, #tpu.memory_space<hbm>>
    %dma_start3A_16 = arith.constant 0 : i32
    %dma_start3A_17 = tpu.memref_slice %arg6[%dma_start3A_16] : memref<51200xf32, #tpu.memory_space<vmem>> -> memref<10240xf32, #tpu.memory_space<vmem>>
    %dma_start3A_18 = arith.constant 0 : i32
    %dma_start3A_19 = tpu.memref_slice %arg2[%add3A_10, %dma_start3A_18] : memref<136x10240xf32, #tpu.memory_space<hbm>> -> memref<1x10240xf32, #tpu.memory_space<hbm>>
    %dma_start3A_20 = tpu.memref_squeeze %dma_start3A_19 : memref<1x10240xf32, #tpu.memory_space<hbm>> -> memref<10240xf32, #tpu.memory_space<hbm>>
    tpu.enqueue_dma source(%dma_start3A_20 : memref<10240xf32, #tpu.memory_space<hbm>>) target(%dma_start3A_17 : memref<10240xf32, #tpu.memory_space<vmem>>) target_semaphore(%arg11 : memref<!tpu.dma_semaphore, #tpu.memory_space<semaphore_mem>>)
    %add3A_21 = arith.constant 1 : i32
    %add3A_22 = arith.addi %mul3A_2, %add3A_21 : i32
    %dma_start3A_23 = arith.constant 10240 : i32
    %dma_start3A_24 = tpu.memref_slice %arg6[%dma_start3A_23] : memref<51200xf32, #tpu.memory_space<vmem>> -> memref<10240xf32, #tpu.memory_space<vmem>>
    %dma_start3A_25 = arith.constant 0 : i32
    %dma_start3A_26 = tpu.memref_slice %arg2[%add3A_22, %dma_start3A_25] : memref<136x10240xf32, #tpu.memory_space<hbm>> -> memref<1x10240xf32, #tpu.memory_space<hbm>>
    %dma_start3A_27 = tpu.memref_squeeze %dma_start3A_26 : memref<1x10240xf32, #tpu.memory_space<hbm>> -> memref<10240xf32, #tpu.memory_space<hbm>>
    %dma_start3A_28 = arith.constant 10240 : i32
    %dma_start3A_29 = tpu.memref_slice %arg6[%dma_start3A_28] : memref<51200xf32, #tpu.memory_space<vmem>> -> memref<10240xf32, #tpu.memory_space<vmem>>
    %dma_start3A_30 = arith.constant 0 : i32
    %dma_start3A_31 = tpu.memref_slice %arg2[%add3A_22, %dma_start3A_30] : memref<136x10240xf32, #tpu.memory_space<hbm>> -> memref<1x10240xf32, #tpu.memory_space<hbm>>
    %dma_start3A_32 = tpu.memref_squeeze %dma_start3A_31 : memref<1x10240xf32, #tpu.memory_space<hbm>> -> memref<10240xf32, #tpu.memory_space<hbm>>
    tpu.enqueue_dma source(%dma_start3A_32 : memref<10240xf32, #tpu.memory_space<hbm>>) target(%dma_start3A_29 : memref<10240xf32, #tpu.memory_space<vmem>>) target_semaphore(%arg11 : memref<!tpu.dma_semaphore, #tpu.memory_space<semaphore_mem>>)
    %add3A_33 = arith.constant 2 : i32
    %add3A_34 = arith.addi %mul3A_2, %add3A_33 : i32
    %dma_start3A_35 = arith.constant 20480 : i32
    %dma_start3A_36 = tpu.memref_slice %arg6[%dma_start3A_35] : memref<51200xf32, #tpu.memory_space<vmem>> -> memref<10240xf32, #tpu.memory_space<vmem>>
    %dma_start3A_37 = arith.constant 0 : i32
    %dma_start3A_38 = tpu.memref_slice %arg2[%add3A_34, %dma_start3A_37] : memref<136x10240xf32, #tpu.memory_space<hbm>> -> memref<1x10240xf32, #tpu.memory_space<hbm>>
    %dma_start3A_39 = tpu.memref_squeeze %dma_start3A_38 : memref<1x10240xf32, #tpu.memory_space<hbm>> -> memref<10240xf32, #tpu.memory_space<hbm>>
    %dma_start3A_40 = arith.constant 20480 : i32
    %dma_start3A_41 = tpu.memref_slice %arg6[%dma_start3A_40] : memref<51200xf32, #tpu.memory_space<vmem>> -> memref<10240xf32, #tpu.memory_space<vmem>>
    %dma_start3A_42 = arith.constant 0 : i32
    %dma_start3A_43 = tpu.memref_slice %arg2[%add3A_34, %dma_start3A_42] : memref<136x10240xf32, #tpu.memory_space<hbm>> -> memref<1x10240xf32, #tpu.memory_space<hbm>>
    %dma_start3A_44 = tpu.memref_squeeze %dma_start3A_43 : memref<1x10240xf32, #tpu.memory_space<hbm>> -> memref<10240xf32, #tpu.memory_space<hbm>>
    tpu.enqueue_dma source(%dma_start3A_44 : memref<10240xf32, #tpu.memory_space<hbm>>) target(%dma_start3A_41 : memref<10240xf32, #tpu.memory_space<vmem>>) target_semaphore(%arg11 : memref<!tpu.dma_semaphore, #tpu.memory_space<semaphore_mem>>)
    %add3A_45 = arith.constant 3 : i32
    %add3A_46 = arith.addi %mul3A_2, %add3A_45 : i32
    %dma_start3A_47 = arith.constant 30720 : i32
    %dma_start3A_48 = tpu.memref_slice %arg6[%dma_start3A_47] : memref<51200xf32, #tpu.memory_space<vmem>> -> memref<10240xf32, #tpu.memory_space<vmem>>
    %dma_start3A_49 = arith.constant 0 : i32
    %dma_start3A_50 = tpu.memref_slice %arg2[%add3A_46, %dma_start3A_49] : memref<136x10240xf32, #tpu.memory_space<hbm>> -> memref<1x10240xf32, #tpu.memory_space<hbm>>
    %dma_start3A_51 = tpu.memref_squeeze %dma_start3A_50 : memref<1x10240xf32, #tpu.memory_space<hbm>> -> memref<10240xf32, #tpu.memory_space<hbm>>
    %dma_start3A_52 = arith.constant 30720 : i32
    %dma_start3A_53 = tpu.memref_slice %arg6[%dma_start3A_52] : memref<51200xf32, #tpu.memory_space<vmem>> -> memref<10240xf32, #tpu.memory_space<vmem>>
    %dma_start3A_54 = arith.constant 0 : i32
    %dma_start3A_55 = tpu.memref_slice %arg2[%add3A_46, %dma_start3A_54] : memref<136x10240xf32, #tpu.memory_space<hbm>> -> memref<1x10240xf32, #tpu.memory_space<hbm>>
    %dma_start3A_56 = tpu.memref_squeeze %dma_start3A_55 : memref<1x10240xf32, #tpu.memory_space<hbm>> -> memref<10240xf32, #tpu.memory_space<hbm>>
    tpu.enqueue_dma source(%dma_start3A_56 : memref<10240xf32, #tpu.memory_space<hbm>>) target(%dma_start3A_53 : memref<10240xf32, #tpu.memory_space<vmem>>) target_semaphore(%arg11 : memref<!tpu.dma_semaphore, #tpu.memory_space<semaphore_mem>>)
    %dma_start3A_57 = arith.constant 128 : i32
    %dma_start3A_58 = arith.constant 40960 : i32
    %dma_start3A_59 = tpu.memref_slice %arg6[%dma_start3A_58] : memref<51200xf32, #tpu.memory_space<vmem>> -> memref<10240xf32, #tpu.memory_space<vmem>>
    %dma_start3A_60 = arith.constant 0 : i32
    %dma_start3A_61 = tpu.memref_slice %arg2[%dma_start3A_57, %dma_start3A_60] : memref<136x10240xf32, #tpu.memory_space<hbm>> -> memref<1x10240xf32, #tpu.memory_space<hbm>>
    %dma_start3A_62 = tpu.memref_squeeze %dma_start3A_61 : memref<1x10240xf32, #tpu.memory_space<hbm>> -> memref<10240xf32, #tpu.memory_space<hbm>>
    %dma_start3A_63 = arith.constant 40960 : i32
    %dma_start3A_64 = tpu.memref_slice %arg6[%dma_start3A_63] : memref<51200xf32, #tpu.memory_space<vmem>> -> memref<10240xf32, #tpu.memory_space<vmem>>
    %dma_start3A_65 = arith.constant 0 : i32
    %dma_start3A_66 = tpu.memref_slice %arg2[%dma_start3A_57, %dma_start3A_65] : memref<136x10240xf32, #tpu.memory_space<hbm>> -> memref<1x10240xf32, #tpu.memory_space<hbm>>
    %dma_start3A_67 = tpu.memref_squeeze %dma_start3A_66 : memref<1x10240xf32, #tpu.memory_space<hbm>> -> memref<10240xf32, #tpu.memory_space<hbm>>
    tpu.enqueue_dma source(%dma_start3A_67 : memref<10240xf32, #tpu.memory_space<hbm>>) target(%dma_start3A_64 : memref<10240xf32, #tpu.memory_space<vmem>>) target_semaphore(%arg11 : memref<!tpu.dma_semaphore, #tpu.memory_space<semaphore_mem>>)
    %broadcast_in_dim3A = arith.constant 0.000000e+00 : f32
    %broadcast_in_dim3A_68 = vector.broadcast %broadcast_in_dim3A : f32 to vector<16xf32>
    %scan3A = arith.constant 0 : i32
    %scan3A_69 = arith.constant 0 : i32
    %scan3A_70 = arith.constant 400 : i32
    %scan3A_71 = arith.addi %scan3A_69, %scan3A_70 : i32
    %scan3A_72 = arith.constant 1 : i32
    %scan3A_73 = scf.for %scan3A_244 = %scan3A_69 to %scan3A_71 step %scan3A_72 iter_args(%scan3A_245 = %scan3A) -> (i32)  : i32 {
      %mul3A_246 = arith.constant 8 : i32
      %mul3A_247 = arith.muli %scan3A_244, %mul3A_246 : i32
      %add3A_248 = arith.constant 0 : i32
      %add3A_249 = arith.addi %mul3A_247, %add3A_248 : i32
      %mul3A_250 = arith.constant 16 : i32
      %mul3A_251 = arith.muli %add3A_249, %mul3A_250 : i32
      %swap3A = arith.index_cast %mul3A_251 : i32 to index
      %swap3A_252 = tpu.vector_load %arg7[%swap3A] {strides = array<i32>} : memref<51200xf32, #tpu.memory_space<vmem>>, vector<16xf32>,
      tpu.vector_store %arg7[%swap3A], %broadcast_in_dim3A_68 {strides = array<i32>} : memref<51200xf32, #tpu.memory_space<vmem>>, vector<16xf32>,
      %mul3A_253 = arith.constant 8 : i32
      %mul3A_254 = arith.muli %scan3A_244, %mul3A_253 : i32
      %add3A_255 = arith.constant 1 : i32
      %add3A_256 = arith.addi %mul3A_254, %add3A_255 : i32
      %mul3A_257 = arith.constant 16 : i32
      %mul3A_258 = arith.muli %add3A_256, %mul3A_257 : i32
      %swap3A_259 = arith.index_cast %mul3A_258 : i32 to index
      %swap3A_260 = tpu.vector_load %arg7[%swap3A_259] {strides = array<i32>} : memref<51200xf32, #tpu.memory_space<vmem>>, vector<16xf32>,
      tpu.vector_store %arg7[%swap3A_259], %broadcast_in_dim3A_68 {strides = array<i32>} : memref<51200xf32, #tpu.memory_space<vmem>>, vector<16xf32>,
      %mul3A_261 = arith.constant 8 : i32
      %mul3A_262 = arith.muli %scan3A_244, %mul3A_261 : i32
      %add3A_263 = arith.constant 2 : i32
      %add3A_264 = arith.addi %mul3A_262, %add3A_263 : i32
      %mul3A_265 = arith.constant 16 : i32
      %mul3A_266 = arith.muli %add3A_264, %mul3A_265 : i32
      %swap3A_267 = arith.index_cast %mul3A_266 : i32 to index
      %swap3A_268 = tpu.vector_load %arg7[%swap3A_267] {strides = array<i32>} : memref<51200xf32, #tpu.memory_space<vmem>>, vector<16xf32>,
      tpu.vector_store %arg7[%swap3A_267], %broadcast_in_dim3A_68 {strides = array<i32>} : memref<51200xf32, #tpu.memory_space<vmem>>, vector<16xf32>,
      %mul3A_269 = arith.constant 8 : i32
      %mul3A_270 = arith.muli %scan3A_244, %mul3A_269 : i32
      %add3A_271 = arith.constant 3 : i32
      %add3A_272 = arith.addi %mul3A_270, %add3A_271 : i32
      %mul3A_273 = arith.constant 16 : i32
      %mul3A_274 = arith.muli %add3A_272, %mul3A_273 : i32
      %swap3A_275 = arith.index_cast %mul3A_274 : i32 to index
      %swap3A_276 = tpu.vector_load %arg7[%swap3A_275] {strides = array<i32>} : memref<51200xf32, #tpu.memory_space<vmem>>, vector<16xf32>,
      tpu.vector_store %arg7[%swap3A_275], %broadcast_in_dim3A_68 {strides = array<i32>} : memref<51200xf32, #tpu.memory_space<vmem>>, vector<16xf32>,
      %mul3A_277 = arith.constant 8 : i32
      %mul3A_278 = arith.muli %scan3A_244, %mul3A_277 : i32
      %add3A_279 = arith.constant 4 : i32
      %add3A_280 = arith.addi %mul3A_278, %add3A_279 : i32
      %mul3A_281 = arith.constant 16 : i32
      %mul3A_282 = arith.muli %add3A_280, %mul3A_281 : i32
      %swap3A_283 = arith.index_cast %mul3A_282 : i32 to index
      %swap3A_284 = tpu.vector_load %arg7[%swap3A_283] {strides = array<i32>} : memref<51200xf32, #tpu.memory_space<vmem>>, vector<16xf32>,
      tpu.vector_store %arg7[%swap3A_283], %broadcast_in_dim3A_68 {strides = array<i32>} : memref<51200xf32, #tpu.memory_space<vmem>>, vector<16xf32>,
      %mul3A_285 = arith.constant 8 : i32
      %mul3A_286 = arith.muli %scan3A_244, %mul3A_285 : i32
      %add3A_287 = arith.constant 5 : i32
      %add3A_288 = arith.addi %mul3A_286, %add3A_287 : i32
      %mul3A_289 = arith.constant 16 : i32
      %mul3A_290 = arith.muli %add3A_288, %mul3A_289 : i32
      %swap3A_291 = arith.index_cast %mul3A_290 : i32 to index
      %swap3A_292 = tpu.vector_load %arg7[%swap3A_291] {strides = array<i32>} : memref<51200xf32, #tpu.memory_space<vmem>>, vector<16xf32>,
      tpu.vector_store %arg7[%swap3A_291], %broadcast_in_dim3A_68 {strides = array<i32>} : memref<51200xf32, #tpu.memory_space<vmem>>, vector<16xf32>,
      %mul3A_293 = arith.constant 8 : i32
      %mul3A_294 = arith.muli %scan3A_244, %mul3A_293 : i32
      %add3A_295 = arith.constant 6 : i32
      %add3A_296 = arith.addi %mul3A_294, %add3A_295 : i32
      %mul3A_297 = arith.constant 16 : i32
      %mul3A_298 = arith.muli %add3A_296, %mul3A_297 : i32
      %swap3A_299 = arith.index_cast %mul3A_298 : i32 to index
      %swap3A_300 = tpu.vector_load %arg7[%swap3A_299] {strides = array<i32>} : memref<51200xf32, #tpu.memory_space<vmem>>, vector<16xf32>,
      tpu.vector_store %arg7[%swap3A_299], %broadcast_in_dim3A_68 {strides = array<i32>} : memref<51200xf32, #tpu.memory_space<vmem>>, vector<16xf32>,
      %mul3A_301 = arith.constant 8 : i32
      %mul3A_302 = arith.muli %scan3A_244, %mul3A_301 : i32
      %add3A_303 = arith.constant 7 : i32
      %add3A_304 = arith.addi %mul3A_302, %add3A_303 : i32
      %mul3A_305 = arith.constant 16 : i32
      %mul3A_306 = arith.muli %add3A_304, %mul3A_305 : i32
      %swap3A_307 = arith.index_cast %mul3A_306 : i32 to index
      %swap3A_308 = tpu.vector_load %arg7[%swap3A_307] {strides = array<i32>} : memref<51200xf32, #tpu.memory_space<vmem>>, vector<16xf32>,
      tpu.vector_store %arg7[%swap3A_307], %broadcast_in_dim3A_68 {strides = array<i32>} : memref<51200xf32, #tpu.memory_space<vmem>>, vector<16xf32>,
      %scan3A_309 = arith.constant 0 : i32
      scf.yield %scan3A_309 : i32
    }
    %scan3A_74 = arith.constant 400 : i32
    %dma_wait3A = arith.constant 128 : i32
    %dma_wait3A_75 = arith.constant 0 : i32
    %dma_wait3A_76 = tpu.memref_slice %arg6[%dma_wait3A_75] : memref<51200xf32, #tpu.memory_space<vmem>> -> memref<10240xf32, #tpu.memory_space<vmem>>
    %dma_wait3A_77 = arith.constant 0 : i32
    %dma_wait3A_78 = tpu.memref_slice %arg2[%dma_wait3A, %dma_wait3A_77] : memref<136x10240xf32, #tpu.memory_space<hbm>> -> memref<1x10240xf32, #tpu.memory_space<hbm>>
    %dma_wait3A_79 = tpu.memref_squeeze %dma_wait3A_78 : memref<1x10240xf32, #tpu.memory_space<hbm>> -> memref<10240xf32, #tpu.memory_space<hbm>>
    %dma_wait3A_80 = arith.constant 0 : i32
    %dma_wait3A_81 = tpu.memref_slice %arg6[%dma_wait3A_80] : memref<51200xf32, #tpu.memory_space<vmem>> -> memref<10240xf32, #tpu.memory_space<vmem>>
    %dma_wait3A_82 = arith.constant 0 : i32
    %dma_wait3A_83 = tpu.memref_slice %arg2[%dma_wait3A, %dma_wait3A_82] : memref<136x10240xf32, #tpu.memory_space<hbm>> -> memref<1x10240xf32, #tpu.memory_space<hbm>>
    %dma_wait3A_84 = tpu.memref_squeeze %dma_wait3A_83 : memref<1x10240xf32, #tpu.memory_space<hbm>> -> memref<10240xf32, #tpu.memory_space<hbm>>
    tpu.wait_dma2 semaphore(%arg11 : memref<!tpu.dma_semaphore, #tpu.memory_space<semaphore_mem>>) src(%dma_wait3A_84 : memref<10240xf32, #tpu.memory_space<hbm>>) dst(%dma_wait3A_81 : memref<10240xf32, #tpu.memory_space<vmem>>)
    %dma_wait3A_85 = arith.constant 128 : i32
    %dma_wait3A_86 = arith.constant 10240 : i32
    %dma_wait3A_87 = tpu.memref_slice %arg6[%dma_wait3A_86] : memref<51200xf32, #tpu.memory_space<vmem>> -> memref<10240xf32, #tpu.memory_space<vmem>>
    %dma_wait3A_88 = arith.constant 0 : i32
    %dma_wait3A_89 = tpu.memref_slice %arg2[%dma_wait3A_85, %dma_wait3A_88] : memref<136x10240xf32, #tpu.memory_space<hbm>> -> memref<1x10240xf32, #tpu.memory_space<hbm>>
    %dma_wait3A_90 = tpu.memref_squeeze %dma_wait3A_89 : memref<1x10240xf32, #tpu.memory_space<hbm>> -> memref<10240xf32, #tpu.memory_space<hbm>>
    %dma_wait3A_91 = arith.constant 10240 : i32
    %dma_wait3A_92 = tpu.memref_slice %arg6[%dma_wait3A_91] : memref<51200xf32, #tpu.memory_space<vmem>> -> memref<10240xf32, #tpu.memory_space<vmem>>
    %dma_wait3A_93 = arith.constant 0 : i32
    %dma_wait3A_94 = tpu.memref_slice %arg2[%dma_wait3A_85, %dma_wait3A_93] : memref<136x10240xf32, #tpu.memory_space<hbm>> -> memref<1x10240xf32, #tpu.memory_space<hbm>>
    %dma_wait3A_95 = tpu.memref_squeeze %dma_wait3A_94 : memref<1x10240xf32, #tpu.memory_space<hbm>> -> memref<10240xf32, #tpu.memory_space<hbm>>
    tpu.wait_dma2 semaphore(%arg11 : memref<!tpu.dma_semaphore, #tpu.memory_space<semaphore_mem>>) src(%dma_wait3A_95 : memref<10240xf32, #tpu.memory_space<hbm>>) dst(%dma_wait3A_92 : memref<10240xf32, #tpu.memory_space<vmem>>)
    %dma_wait3A_96 = arith.constant 128 : i32
    %dma_wait3A_97 = arith.constant 20480 : i32
    %dma_wait3A_98 = tpu.memref_slice %arg6[%dma_wait3A_97] : memref<51200xf32, #tpu.memory_space<vmem>> -> memref<10240xf32, #tpu.memory_space<vmem>>
    %dma_wait3A_99 = arith.constant 0 : i32
    %dma_wait3A_100 = tpu.memref_slice %arg2[%dma_wait3A_96, %dma_wait3A_99] : memref<136x10240xf32, #tpu.memory_space<hbm>> -> memref<1x10240xf32, #tpu.memory_space<hbm>>
    %dma_wait3A_101 = tpu.memref_squeeze %dma_wait3A_100 : memref<1x10240xf32, #tpu.memory_space<hbm>> -> memref<10240xf32, #tpu.memory_space<hbm>>
    %dma_wait3A_102 = arith.constant 20480 : i32
    %dma_wait3A_103 = tpu.memref_slice %arg6[%dma_wait3A_102] : memref<51200xf32, #tpu.memory_space<vmem>> -> memref<10240xf32, #tpu.memory_space<vmem>>
    %dma_wait3A_104 = arith.constant 0 : i32
    %dma_wait3A_105 = tpu.memref_slice %arg2[%dma_wait3A_96, %dma_wait3A_104] : memref<136x10240xf32, #tpu.memory_space<hbm>> -> memref<1x10240xf32, #tpu.memory_space<hbm>>
    %dma_wait3A_106 = tpu.memref_squeeze %dma_wait3A_105 : memref<1x10240xf32, #tpu.memory_space<hbm>> -> memref<10240xf32, #tpu.memory_space<hbm>>
    tpu.wait_dma2 semaphore(%arg11 : memref<!tpu.dma_semaphore, #tpu.memory_space<semaphore_mem>>) src(%dma_wait3A_106 : memref<10240xf32, #tpu.memory_space<hbm>>) dst(%dma_wait3A_103 : memref<10240xf32, #tpu.memory_space<vmem>>)
    %dma_wait3A_107 = arith.constant 128 : i32
    %dma_wait3A_108 = arith.constant 30720 : i32
    %dma_wait3A_109 = tpu.memref_slice %arg6[%dma_wait3A_108] : memref<51200xf32, #tpu.memory_space<vmem>> -> memref<10240xf32, #tpu.memory_space<vmem>>
    %dma_wait3A_110 = arith.constant 0 : i32
    %dma_wait3A_111 = tpu.memref_slice %arg2[%dma_wait3A_107, %dma_wait3A_110] : memref<136x10240xf32, #tpu.memory_space<hbm>> -> memref<1x10240xf32, #tpu.memory_space<hbm>>
    %dma_wait3A_112 = tpu.memref_squeeze %dma_wait3A_111 : memref<1x10240xf32, #tpu.memory_space<hbm>> -> memref<10240xf32, #tpu.memory_space<hbm>>
    %dma_wait3A_113 = arith.constant 30720 : i32
    %dma_wait3A_114 = tpu.memref_slice %arg6[%dma_wait3A_113] : memref<51200xf32, #tpu.memory_space<vmem>> -> memref<10240xf32, #tpu.memory_space<vmem>>
    %dma_wait3A_115 = arith.constant 0 : i32
    %dma_wait3A_116 = tpu.memref_slice %arg2[%dma_wait3A_107, %dma_wait3A_115] : memref<136x10240xf32, #tpu.memory_space<hbm>> -> memref<1x10240xf32, #tpu.memory_space<hbm>>
    %dma_wait3A_117 = tpu.memref_squeeze %dma_wait3A_116 : memref<1x10240xf32, #tpu.memory_space<hbm>> -> memref<10240xf32, #tpu.memory_space<hbm>>
    tpu.wait_dma2 semaphore(%arg11 : memref<!tpu.dma_semaphore, #tpu.memory_space<semaphore_mem>>) src(%dma_wait3A_117 : memref<10240xf32, #tpu.memory_space<hbm>>) dst(%dma_wait3A_114 : memref<10240xf32, #tpu.memory_space<vmem>>)
    %dma_wait3A_118 = arith.constant 128 : i32
    %dma_wait3A_119 = arith.constant 40960 : i32
    %dma_wait3A_120 = tpu.memref_slice %arg6[%dma_wait3A_119] : memref<51200xf32, #tpu.memory_space<vmem>> -> memref<10240xf32, #tpu.memory_space<vmem>>
    %dma_wait3A_121 = arith.constant 0 : i32
    %dma_wait3A_122 = tpu.memref_slice %arg2[%dma_wait3A_118, %dma_wait3A_121] : memref<136x10240xf32, #tpu.memory_space<hbm>> -> memref<1x10240xf32, #tpu.memory_space<hbm>>
    %dma_wait3A_123 = tpu.memref_squeeze %dma_wait3A_122 : memref<1x10240xf32, #tpu.memory_space<hbm>> -> memref<10240xf32, #tpu.memory_space<hbm>>
    %dma_wait3A_124 = arith.constant 40960 : i32
    %dma_wait3A_125 = tpu.memref_slice %arg6[%dma_wait3A_124] : memref<51200xf32, #tpu.memory_space<vmem>> -> memref<10240xf32, #tpu.memory_space<vmem>>
    %dma_wait3A_126 = arith.constant 0 : i32
    %dma_wait3A_127 = tpu.memref_slice %arg2[%dma_wait3A_118, %dma_wait3A_126] : memref<136x10240xf32, #tpu.memory_space<hbm>> -> memref<1x10240xf32, #tpu.memory_space<hbm>>
    %dma_wait3A_128 = tpu.memref_squeeze %dma_wait3A_127 : memref<1x10240xf32, #tpu.memory_space<hbm>> -> memref<10240xf32, #tpu.memory_space<hbm>>
    tpu.wait_dma2 semaphore(%arg11 : memref<!tpu.dma_semaphore, #tpu.memory_space<semaphore_mem>>) src(%dma_wait3A_128 : memref<10240xf32, #tpu.memory_space<hbm>>) dst(%dma_wait3A_125 : memref<10240xf32, #tpu.memory_space<vmem>>)
    %scan3A_129 = arith.constant 0 : i32
    %scan3A_130 = arith.constant 0 : i32
    %scan3A_131 = arith.constant 16 : i32
    %scan3A_132 = arith.addi %scan3A_130, %scan3A_131 : i32
    %scan3A_133 = arith.constant 1 : i32
    %scan3A_134 = scf.for %scan3A_244 = %scan3A_130 to %scan3A_132 step %scan3A_133 iter_args(%scan3A_245 = %scan3A_129) -> (i32)  : i32 {
      %mul3A_246 = arith.constant 2 : i32
      %mul3A_247 = arith.muli %mul3A_246, %scan3A_244 : i32
      %add3A_248 = arith.constant 1 : i32
      %add3A_249 = arith.addi %mul3A_247, %add3A_248 : i32
      %dma_start3A_250 = arith.constant 0 : i32
      %dma_start3A_251 = tpu.memref_slice %arg3[%add3A_249, %dma_start3A_250] : memref<32x10080xi32, #tpu.memory_space<hbm>> -> memref<1x10080xi32, #tpu.memory_space<hbm>>
      %dma_start3A_252 = tpu.memref_squeeze %dma_start3A_251 : memref<1x10080xi32, #tpu.memory_space<hbm>> -> memref<10080xi32, #tpu.memory_space<hbm>>
      %dma_start3A_253 = arith.constant 0 : i32
      %dma_start3A_254 = tpu.memref_slice %arg3[%add3A_249, %dma_start3A_253] : memref<32x10080xi32, #tpu.memory_space<hbm>> -> memref<1x10080xi32, #tpu.memory_space<hbm>>
      %dma_start3A_255 = tpu.memref_squeeze %dma_start3A_254 : memref<1x10080xi32, #tpu.memory_space<hbm>> -> memref<10080xi32, #tpu.memory_space<hbm>>
      tpu.enqueue_dma source(%dma_start3A_255 : memref<10080xi32, #tpu.memory_space<hbm>>) target(%arg9 : memref<10080xi32, #tpu.memory_space<vmem>>) target_semaphore(%arg11 : memref<!tpu.dma_semaphore, #tpu.memory_space<semaphore_mem>>)
      %dma_wait3A_256 = arith.constant 0 : i32
      %dma_wait3A_257 = arith.constant 0 : i32
      %dma_wait3A_258 = tpu.memref_slice %arg3[%dma_wait3A_256, %dma_wait3A_257] : memref<32x10080xi32, #tpu.memory_space<hbm>> -> memref<1x10080xi32, #tpu.memory_space<hbm>>
      %dma_wait3A_259 = tpu.memref_squeeze %dma_wait3A_258 : memref<1x10080xi32, #tpu.memory_space<hbm>> -> memref<10080xi32, #tpu.memory_space<hbm>>
      %dma_wait3A_260 = arith.constant 0 : i32
      %dma_wait3A_261 = tpu.memref_slice %arg3[%dma_wait3A_256, %dma_wait3A_260] : memref<32x10080xi32, #tpu.memory_space<hbm>> -> memref<1x10080xi32, #tpu.memory_space<hbm>>
      %dma_wait3A_262 = tpu.memref_squeeze %dma_wait3A_261 : memref<1x10080xi32, #tpu.memory_space<hbm>> -> memref<10080xi32, #tpu.memory_space<hbm>>
      tpu.wait_dma2 semaphore(%arg10 : memref<!tpu.dma_semaphore, #tpu.memory_space<semaphore_mem>>) src(%dma_wait3A_262 : memref<10080xi32, #tpu.memory_space<hbm>>) dst(%arg8 : memref<10080xi32, #tpu.memory_space<vmem>>)
      %mul3A_263 = arith.constant 2 : i32
      %mul3A_264 = arith.muli %mul3A_263, %scan3A_244 : i32
      %scan3A_265 = arith.constant 0 : i32
      %scan3A_266 = arith.constant 0 : i32
      %scan3A_267 = arith.constant 63 : i32
      %scan3A_268 = arith.addi %scan3A_266, %scan3A_267 : i32
      %scan3A_269 = arith.constant 1 : i32
      %scan3A_270 = scf.for %scan3A_303 = %scan3A_266 to %scan3A_268 step %scan3A_269 iter_args(%scan3A_304 = %scan3A_265) -> (i32)  : i32 {
        %mul3A_305 = arith.constant 10 : i32
        %mul3A_306 = arith.muli %scan3A_303, %mul3A_305 : i32
        %add3A_307 = arith.constant 0 : i32
        %add3A_308 = arith.addi %mul3A_306, %add3A_307 : i32
        %mul3A_309 = arith.constant 16 : i32
        %mul3A_310 = arith.muli %add3A_308, %mul3A_309 : i32
        %get3A = arith.index_cast %mul3A_310 : i32 to index
        %get3A_311 = tpu.vector_load %arg8[%get3A] {strides = array<i32>} : memref<10080xi32, #tpu.memory_space<vmem>>, vector<16xi32>,
        %shift_right_logical3A = arith.constant 14 : i32
        %shift_right_logical3A_312 = vector.broadcast %shift_right_logical3A : i32 to vector<16xi32>
        %shift_right_logical3A_313 = arith.shrui %get3A_311, %shift_right_logical3A_312 : vector<16xi32>
        %and3A = arith.constant 16383 : i32
        %and3A_314 = vector.broadcast %and3A : i32 to vector<16xi32>
        %and3A_315 = arith.andi %get3A_311, %and3A_314 : vector<16xi32>
        %mul3A_316 = arith.constant 10 : i32
        %mul3A_317 = arith.muli %scan3A_303, %mul3A_316 : i32
        %add3A_318 = arith.constant 1 : i32
        %add3A_319 = arith.addi %mul3A_317, %add3A_318 : i32
        %mul3A_320 = arith.constant 16 : i32
        %mul3A_321 = arith.muli %add3A_319, %mul3A_320 : i32
        %get3A_322 = arith.index_cast %mul3A_321 : i32 to index
        %get3A_323 = tpu.vector_load %arg8[%get3A_322] {strides = array<i32>} : memref<10080xi32, #tpu.memory_space<vmem>>, vector<16xi32>,
        %shift_right_logical3A_324 = arith.constant 14 : i32
        %shift_right_logical3A_325 = vector.broadcast %shift_right_logical3A_324 : i32 to vector<16xi32>
        %shift_right_logical3A_326 = arith.shrui %get3A_323, %shift_right_logical3A_325 : vector<16xi32>
        %and3A_327 = arith.constant 16383 : i32
        %and3A_328 = vector.broadcast %and3A_327 : i32 to vector<16xi32>
        %and3A_329 = arith.andi %get3A_323, %and3A_328 : vector<16xi32>
        %mul3A_330 = arith.constant 10 : i32
        %mul3A_331 = arith.muli %scan3A_303, %mul3A_330 : i32
        %add3A_332 = arith.constant 2 : i32
        %add3A_333 = arith.addi %mul3A_331, %add3A_332 : i32
        %mul3A_334 = arith.constant 16 : i32
        %mul3A_335 = arith.muli %add3A_333, %mul3A_334 : i32
        %get3A_336 = arith.index_cast %mul3A_335 : i32 to index
        %get3A_337 = tpu.vector_load %arg8[%get3A_336] {strides = array<i32>} : memref<10080xi32, #tpu.memory_space<vmem>>, vector<16xi32>,
        %shift_right_logical3A_338 = arith.constant 14 : i32
        %shift_right_logical3A_339 = vector.broadcast %shift_right_logical3A_338 : i32 to vector<16xi32>
        %shift_right_logical3A_340 = arith.shrui %get3A_337, %shift_right_logical3A_339 : vector<16xi32>
        %and3A_341 = arith.constant 16383 : i32
        %and3A_342 = vector.broadcast %and3A_341 : i32 to vector<16xi32>
        %and3A_343 = arith.andi %get3A_337, %and3A_342 : vector<16xi32>
        %mul3A_344 = arith.constant 10 : i32
        %mul3A_345 = arith.muli %scan3A_303, %mul3A_344 : i32
        %add3A_346 = arith.constant 3 : i32
        %add3A_347 = arith.addi %mul3A_345, %add3A_346 : i32
        %mul3A_348 = arith.constant 16 : i32
        %mul3A_349 = arith.muli %add3A_347, %mul3A_348 : i32
        %get3A_350 = arith.index_cast %mul3A_349 : i32 to index
        %get3A_351 = tpu.vector_load %arg8[%get3A_350] {strides = array<i32>} : memref<10080xi32, #tpu.memory_space<vmem>>, vector<16xi32>,
        %shift_right_logical3A_352 = arith.constant 14 : i32
        %shift_right_logical3A_353 = vector.broadcast %shift_right_logical3A_352 : i32 to vector<16xi32>
        %shift_right_logical3A_354 = arith.shrui %get3A_351, %shift_right_logical3A_353 : vector<16xi32>
        %and3A_355 = arith.constant 16383 : i32
        %and3A_356 = vector.broadcast %and3A_355 : i32 to vector<16xi32>
        %and3A_357 = arith.andi %get3A_351, %and3A_356 : vector<16xi32>
        %mul3A_358 = arith.constant 10 : i32
        %mul3A_359 = arith.muli %scan3A_303, %mul3A_358 : i32
        %add3A_360 = arith.constant 4 : i32
        %add3A_361 = arith.addi %mul3A_359, %add3A_360 : i32
        %mul3A_362 = arith.constant 16 : i32
        %mul3A_363 = arith.muli %add3A_361, %mul3A_362 : i32
        %get3A_364 = arith.index_cast %mul3A_363 : i32 to index
        %get3A_365 = tpu.vector_load %arg8[%get3A_364] {strides = array<i32>} : memref<10080xi32, #tpu.memory_space<vmem>>, vector<16xi32>,
        %shift_right_logical3A_366 = arith.constant 14 : i32
        %shift_right_logical3A_367 = vector.broadcast %shift_right_logical3A_366 : i32 to vector<16xi32>
        %shift_right_logical3A_368 = arith.shrui %get3A_365, %shift_right_logical3A_367 : vector<16xi32>
        %and3A_369 = arith.constant 16383 : i32
        %and3A_370 = vector.broadcast %and3A_369 : i32 to vector<16xi32>
        %and3A_371 = arith.andi %get3A_365, %and3A_370 : vector<16xi32>
        %mul3A_372 = arith.constant 10 : i32
        %mul3A_373 = arith.muli %scan3A_303, %mul3A_372 : i32
        %add3A_374 = arith.constant 5 : i32
        %add3A_375 = arith.addi %mul3A_373, %add3A_374 : i32
        %mul3A_376 = arith.constant 16 : i32
        %mul3A_377 = arith.muli %add3A_375, %mul3A_376 : i32
        %get3A_378 = arith.index_cast %mul3A_377 : i32 to index
        %get3A_379 = tpu.vector_load %arg8[%get3A_378] {strides = array<i32>} : memref<10080xi32, #tpu.memory_space<vmem>>, vector<16xi32>,
        %shift_right_logical3A_380 = arith.constant 14 : i32
        %shift_right_logical3A_381 = vector.broadcast %shift_right_logical3A_380 : i32 to vector<16xi32>
        %shift_right_logical3A_382 = arith.shrui %get3A_379, %shift_right_logical3A_381 : vector<16xi32>
        %and3A_383 = arith.constant 16383 : i32
        %and3A_384 = vector.broadcast %and3A_383 : i32 to vector<16xi32>
        %and3A_385 = arith.andi %get3A_379, %and3A_384 : vector<16xi32>
        %mul3A_386 = arith.constant 10 : i32
        %mul3A_387 = arith.muli %scan3A_303, %mul3A_386 : i32
        %add3A_388 = arith.constant 6 : i32
        %add3A_389 = arith.addi %mul3A_387, %add3A_388 : i32
        %mul3A_390 = arith.constant 16 : i32
        %mul3A_391 = arith.muli %add3A_389, %mul3A_390 : i32
        %get3A_392 = arith.index_cast %mul3A_391 : i32 to index
        %get3A_393 = tpu.vector_load %arg8[%get3A_392] {strides = array<i32>} : memref<10080xi32, #tpu.memory_space<vmem>>, vector<16xi32>,
        %shift_right_logical3A_394 = arith.constant 14 : i32
        %shift_right_logical3A_395 = vector.broadcast %shift_right_logical3A_394 : i32 to vector<16xi32>
        %shift_right_logical3A_396 = arith.shrui %get3A_393, %shift_right_logical3A_395 : vector<16xi32>
        %and3A_397 = arith.constant 16383 : i32
        %and3A_398 = vector.broadcast %and3A_397 : i32 to vector<16xi32>
        %and3A_399 = arith.andi %get3A_393, %and3A_398 : vector<16xi32>
        %mul3A_400 = arith.constant 10 : i32
        %mul3A_401 = arith.muli %scan3A_303, %mul3A_400 : i32
        %add3A_402 = arith.constant 7 : i32
        %add3A_403 = arith.addi %mul3A_401, %add3A_402 : i32
        %mul3A_404 = arith.constant 16 : i32
        %mul3A_405 = arith.muli %add3A_403, %mul3A_404 : i32
        %get3A_406 = arith.index_cast %mul3A_405 : i32 to index
        %get3A_407 = tpu.vector_load %arg8[%get3A_406] {strides = array<i32>} : memref<10080xi32, #tpu.memory_space<vmem>>, vector<16xi32>,
        %shift_right_logical3A_408 = arith.constant 14 : i32
        %shift_right_logical3A_409 = vector.broadcast %shift_right_logical3A_408 : i32 to vector<16xi32>
        %shift_right_logical3A_410 = arith.shrui %get3A_407, %shift_right_logical3A_409 : vector<16xi32>
        %and3A_411 = arith.constant 16383 : i32
        %and3A_412 = vector.broadcast %and3A_411 : i32 to vector<16xi32>
        %and3A_413 = arith.andi %get3A_407, %and3A_412 : vector<16xi32>
        %mul3A_414 = arith.constant 10 : i32
        %mul3A_415 = arith.muli %scan3A_303, %mul3A_414 : i32
        %add3A_416 = arith.constant 8 : i32
        %add3A_417 = arith.addi %mul3A_415, %add3A_416 : i32
        %mul3A_418 = arith.constant 16 : i32
        %mul3A_419 = arith.muli %add3A_417, %mul3A_418 : i32
        %get3A_420 = arith.index_cast %mul3A_419 : i32 to index
        %get3A_421 = tpu.vector_load %arg8[%get3A_420] {strides = array<i32>} : memref<10080xi32, #tpu.memory_space<vmem>>, vector<16xi32>,
        %shift_right_logical3A_422 = arith.constant 14 : i32
        %shift_right_logical3A_423 = vector.broadcast %shift_right_logical3A_422 : i32 to vector<16xi32>
        %shift_right_logical3A_424 = arith.shrui %get3A_421, %shift_right_logical3A_423 : vector<16xi32>
        %and3A_425 = arith.constant 16383 : i32
        %and3A_426 = vector.broadcast %and3A_425 : i32 to vector<16xi32>
        %and3A_427 = arith.andi %get3A_421, %and3A_426 : vector<16xi32>
        %mul3A_428 = arith.constant 10 : i32
        %mul3A_429 = arith.muli %scan3A_303, %mul3A_428 : i32
        %add3A_430 = arith.constant 9 : i32
        %add3A_431 = arith.addi %mul3A_429, %add3A_430 : i32
        %mul3A_432 = arith.constant 16 : i32
        %mul3A_433 = arith.muli %add3A_431, %mul3A_432 : i32
        %get3A_434 = arith.index_cast %mul3A_433 : i32 to index
        %get3A_435 = tpu.vector_load %arg8[%get3A_434] {strides = array<i32>} : memref<10080xi32, #tpu.memory_space<vmem>>, vector<16xi32>,
        %shift_right_logical3A_436 = arith.constant 14 : i32
        %shift_right_logical3A_437 = vector.broadcast %shift_right_logical3A_436 : i32 to vector<16xi32>
        %shift_right_logical3A_438 = arith.shrui %get3A_435, %shift_right_logical3A_437 : vector<16xi32>
        %and3A_439 = arith.constant 16383 : i32
        %and3A_440 = vector.broadcast %and3A_439 : i32 to vector<16xi32>
        %and3A_441 = arith.andi %get3A_435, %and3A_440 : vector<16xi32>
        %gather3A = arith.constant 0 : i32
        %gather3A_442 = tpu.memref_slice %arg6[%gather3A] : memref<51200xf32, #tpu.memory_space<vmem>> -> memref<10240xf32, #tpu.memory_space<vmem>>
        %gather3A_443 = tpu.vector_load_idx %gather3A_442[%shift_right_logical3A_313] : memref<10240xf32, #tpu.memory_space<vmem>>[vector<16xi32>], vector<16xf32>,
        %gather3A_444 = arith.constant 10240 : i32
        %gather3A_445 = tpu.memref_slice %arg6[%gather3A_444] : memref<51200xf32, #tpu.memory_space<vmem>> -> memref<10240xf32, #tpu.memory_space<vmem>>
        %gather3A_446 = tpu.vector_load_idx %gather3A_445[%shift_right_logical3A_313] : memref<10240xf32, #tpu.memory_space<vmem>>[vector<16xi32>], vector<16xf32>,
        %gather3A_447 = arith.constant 20480 : i32
        %gather3A_448 = tpu.memref_slice %arg6[%gather3A_447] : memref<51200xf32, #tpu.memory_space<vmem>> -> memref<10240xf32, #tpu.memory_space<vmem>>
        %gather3A_449 = tpu.vector_load_idx %gather3A_448[%shift_right_logical3A_313] : memref<10240xf32, #tpu.memory_space<vmem>>[vector<16xi32>], vector<16xf32>,
        %gather3A_450 = arith.constant 30720 : i32
        %gather3A_451 = tpu.memref_slice %arg6[%gather3A_450] : memref<51200xf32, #tpu.memory_space<vmem>> -> memref<10240xf32, #tpu.memory_space<vmem>>
        %gather3A_452 = tpu.vector_load_idx %gather3A_451[%shift_right_logical3A_313] : memref<10240xf32, #tpu.memory_space<vmem>>[vector<16xi32>], vector<16xf32>,
        %gather3A_453 = arith.constant 0 : i32
        %gather3A_454 = tpu.memref_slice %arg6[%gather3A_453] : memref<51200xf32, #tpu.memory_space<vmem>> -> memref<10240xf32, #tpu.memory_space<vmem>>
        %gather3A_455 = tpu.vector_load_idx %gather3A_454[%shift_right_logical3A_326] : memref<10240xf32, #tpu.memory_space<vmem>>[vector<16xi32>], vector<16xf32>,
        %gather3A_456 = arith.constant 10240 : i32
        %gather3A_457 = tpu.memref_slice %arg6[%gather3A_456] : memref<51200xf32, #tpu.memory_space<vmem>> -> memref<10240xf32, #tpu.memory_space<vmem>>
        %gather3A_458 = tpu.vector_load_idx %gather3A_457[%shift_right_logical3A_326] : memref<10240xf32, #tpu.memory_space<vmem>>[vector<16xi32>], vector<16xf32>,
        %gather3A_459 = arith.constant 20480 : i32
        %gather3A_460 = tpu.memref_slice %arg6[%gather3A_459] : memref<51200xf32, #tpu.memory_space<vmem>> -> memref<10240xf32, #tpu.memory_space<vmem>>
        %gather3A_461 = tpu.vector_load_idx %gather3A_460[%shift_right_logical3A_326] : memref<10240xf32, #tpu.memory_space<vmem>>[vector<16xi32>], vector<16xf32>,
        %gather3A_462 = arith.constant 30720 : i32
        %gather3A_463 = tpu.memref_slice %arg6[%gather3A_462] : memref<51200xf32, #tpu.memory_space<vmem>> -> memref<10240xf32, #tpu.memory_space<vmem>>
        %gather3A_464 = tpu.vector_load_idx %gather3A_463[%shift_right_logical3A_326] : memref<10240xf32, #tpu.memory_space<vmem>>[vector<16xi32>], vector<16xf32>,
        %scatter3A = arith.constant 0 : i32
        %scatter3A_465 = tpu.memref_slice %arg7[%scatter3A] : memref<51200xf32, #tpu.memory_space<vmem>> -> memref<10240xf32, #tpu.memory_space<vmem>>
        tpu.vector_store_idx %scatter3A_465[%and3A_315], %gather3A_443 {add = true} : memref<10240xf32, #tpu.memory_space<vmem>>[vector<16xi32>], vector<16xf32>,
        %scatter3A_466 = arith.constant 10240 : i32
        %scatter3A_467 = tpu.memref_slice %arg7[%scatter3A_466] : memref<51200xf32, #tpu.memory_space<vmem>> -> memref<10240xf32, #tpu.memory_space<vmem>>
        tpu.vector_store_idx %scatter3A_467[%and3A_315], %gather3A_446 {add = true} : memref<10240xf32, #tpu.memory_space<vmem>>[vector<16xi32>], vector<16xf32>,
        %scatter3A_468 = arith.constant 20480 : i32
        %scatter3A_469 = tpu.memref_slice %arg7[%scatter3A_468] : memref<51200xf32, #tpu.memory_space<vmem>> -> memref<10240xf32, #tpu.memory_space<vmem>>
        tpu.vector_store_idx %scatter3A_469[%and3A_315], %gather3A_449 {add = true} : memref<10240xf32, #tpu.memory_space<vmem>>[vector<16xi32>], vector<16xf32>,
        %scatter3A_470 = arith.constant 30720 : i32
        %scatter3A_471 = tpu.memref_slice %arg7[%scatter3A_470] : memref<51200xf32, #tpu.memory_space<vmem>> -> memref<10240xf32, #tpu.memory_space<vmem>>
        tpu.vector_store_idx %scatter3A_471[%and3A_315], %gather3A_452 {add = true} : memref<10240xf32, #tpu.memory_space<vmem>>[vector<16xi32>], vector<16xf32>,
        %gather3A_472 = arith.constant 0 : i32
        %gather3A_473 = tpu.memref_slice %arg6[%gather3A_472] : memref<51200xf32, #tpu.memory_space<vmem>> -> memref<10240xf32, #tpu.memory_space<vmem>>
        %gather3A_474 = tpu.vector_load_idx %gather3A_473[%shift_right_logical3A_340] : memref<10240xf32, #tpu.memory_space<vmem>>[vector<16xi32>], vector<16xf32>,
        %gather3A_475 = arith.constant 10240 : i32
        %gather3A_476 = tpu.memref_slice %arg6[%gather3A_475] : memref<51200xf32, #tpu.memory_space<vmem>> -> memref<10240xf32, #tpu.memory_space<vmem>>
        %gather3A_477 = tpu.vector_load_idx %gather3A_476[%shift_right_logical3A_340] : memref<10240xf32, #tpu.memory_space<vmem>>[vector<16xi32>], vector<16xf32>,
        %gather3A_478 = arith.constant 20480 : i32
        %gather3A_479 = tpu.memref_slice %arg6[%gather3A_478] : memref<51200xf32, #tpu.memory_space<vmem>> -> memref<10240xf32, #tpu.memory_space<vmem>>
        %gather3A_480 = tpu.vector_load_idx %gather3A_479[%shift_right_logical3A_340] : memref<10240xf32, #tpu.memory_space<vmem>>[vector<16xi32>], vector<16xf32>,
        %gather3A_481 = arith.constant 30720 : i32
        %gather3A_482 = tpu.memref_slice %arg6[%gather3A_481] : memref<51200xf32, #tpu.memory_space<vmem>> -> memref<10240xf32, #tpu.memory_space<vmem>>
        %gather3A_483 = tpu.vector_load_idx %gather3A_482[%shift_right_logical3A_340] : memref<10240xf32, #tpu.memory_space<vmem>>[vector<16xi32>], vector<16xf32>,
        %scatter3A_484 = arith.constant 0 : i32
        %scatter3A_485 = tpu.memref_slice %arg7[%scatter3A_484] : memref<51200xf32, #tpu.memory_space<vmem>> -> memref<10240xf32, #tpu.memory_space<vmem>>
        tpu.vector_store_idx %scatter3A_485[%and3A_329], %gather3A_455 {add = true} : memref<10240xf32, #tpu.memory_space<vmem>>[vector<16xi32>], vector<16xf32>,
        %scatter3A_486 = arith.constant 10240 : i32
        %scatter3A_487 = tpu.memref_slice %arg7[%scatter3A_486] : memref<51200xf32, #tpu.memory_space<vmem>> -> memref<10240xf32, #tpu.memory_space<vmem>>
        tpu.vector_store_idx %scatter3A_487[%and3A_329], %gather3A_458 {add = true} : memref<10240xf32, #tpu.memory_space<vmem>>[vector<16xi32>], vector<16xf32>,
        %scatter3A_488 = arith.constant 20480 : i32
        %scatter3A_489 = tpu.memref_slice %arg7[%scatter3A_488] : memref<51200xf32, #tpu.memory_space<vmem>> -> memref<10240xf32, #tpu.memory_space<vmem>>
        tpu.vector_store_idx %scatter3A_489[%and3A_329], %gather3A_461 {add = true} : memref<10240xf32, #tpu.memory_space<vmem>>[vector<16xi32>], vector<16xf32>,
        %scatter3A_490 = arith.constant 30720 : i32
        %scatter3A_491 = tpu.memref_slice %arg7[%scatter3A_490] : memref<51200xf32, #tpu.memory_space<vmem>> -> memref<10240xf32, #tpu.memory_space<vmem>>
        tpu.vector_store_idx %scatter3A_491[%and3A_329], %gather3A_464 {add = true} : memref<10240xf32, #tpu.memory_space<vmem>>[vector<16xi32>], vector<16xf32>,
        %gather3A_492 = arith.constant 0 : i32
        %gather3A_493 = tpu.memref_slice %arg6[%gather3A_492] : memref<51200xf32, #tpu.memory_space<vmem>> -> memref<10240xf32, #tpu.memory_space<vmem>>
        %gather3A_494 = tpu.vector_load_idx %gather3A_493[%shift_right_logical3A_354] : memref<10240xf32, #tpu.memory_space<vmem>>[vector<16xi32>], vector<16xf32>,
        %gather3A_495 = arith.constant 10240 : i32
        %gather3A_496 = tpu.memref_slice %arg6[%gather3A_495] : memref<51200xf32, #tpu.memory_space<vmem>> -> memref<10240xf32, #tpu.memory_space<vmem>>
        %gather3A_497 = tpu.vector_load_idx %gather3A_496[%shift_right_logical3A_354] : memref<10240xf32, #tpu.memory_space<vmem>>[vector<16xi32>], vector<16xf32>,
        %gather3A_498 = arith.constant 20480 : i32
        %gather3A_499 = tpu.memref_slice %arg6[%gather3A_498] : memref<51200xf32, #tpu.memory_space<vmem>> -> memref<10240xf32, #tpu.memory_space<vmem>>
        %gather3A_500 = tpu.vector_load_idx %gather3A_499[%shift_right_logical3A_354] : memref<10240xf32, #tpu.memory_space<vmem>>[vector<16xi32>], vector<16xf32>,
        %gather3A_501 = arith.constant 30720 : i32
        %gather3A_502 = tpu.memref_slice %arg6[%gather3A_501] : memref<51200xf32, #tpu.memory_space<vmem>> -> memref<10240xf32, #tpu.memory_space<vmem>>
        %gather3A_503 = tpu.vector_load_idx %gather3A_502[%shift_right_logical3A_354] : memref<10240xf32, #tpu.memory_space<vmem>>[vector<16xi32>], vector<16xf32>,
        %scatter3A_504 = arith.constant 0 : i32
        %scatter3A_505 = tpu.memref_slice %arg7[%scatter3A_504] : memref<51200xf32, #tpu.memory_space<vmem>> -> memref<10240xf32, #tpu.memory_space<vmem>>
        tpu.vector_store_idx %scatter3A_505[%and3A_343], %gather3A_474 {add = true} : memref<10240xf32, #tpu.memory_space<vmem>>[vector<16xi32>], vector<16xf32>,
        %scatter3A_506 = arith.constant 10240 : i32
        %scatter3A_507 = tpu.memref_slice %arg7[%scatter3A_506] : memref<51200xf32, #tpu.memory_space<vmem>> -> memref<10240xf32, #tpu.memory_space<vmem>>
        tpu.vector_store_idx %scatter3A_507[%and3A_343], %gather3A_477 {add = true} : memref<10240xf32, #tpu.memory_space<vmem>>[vector<16xi32>], vector<16xf32>,
        %scatter3A_508 = arith.constant 20480 : i32
        %scatter3A_509 = tpu.memref_slice %arg7[%scatter3A_508] : memref<51200xf32, #tpu.memory_space<vmem>> -> memref<10240xf32, #tpu.memory_space<vmem>>
        tpu.vector_store_idx %scatter3A_509[%and3A_343], %gather3A_480 {add = true} : memref<10240xf32, #tpu.memory_space<vmem>>[vector<16xi32>], vector<16xf32>,
        %scatter3A_510 = arith.constant 30720 : i32
        %scatter3A_511 = tpu.memref_slice %arg7[%scatter3A_510] : memref<51200xf32, #tpu.memory_space<vmem>> -> memref<10240xf32, #tpu.memory_space<vmem>>
        tpu.vector_store_idx %scatter3A_511[%and3A_343], %gather3A_483 {add = true} : memref<10240xf32, #tpu.memory_space<vmem>>[vector<16xi32>], vector<16xf32>,
        %gather3A_512 = arith.constant 0 : i32
        %gather3A_513 = tpu.memref_slice %arg6[%gather3A_512] : memref<51200xf32, #tpu.memory_space<vmem>> -> memref<10240xf32, #tpu.memory_space<vmem>>
        %gather3A_514 = tpu.vector_load_idx %gather3A_513[%shift_right_logical3A_368] : memref<10240xf32, #tpu.memory_space<vmem>>[vector<16xi32>], vector<16xf32>,
        %gather3A_515 = arith.constant 10240 : i32
        %gather3A_516 = tpu.memref_slice %arg6[%gather3A_515] : memref<51200xf32, #tpu.memory_space<vmem>> -> memref<10240xf32, #tpu.memory_space<vmem>>
        %gather3A_517 = tpu.vector_load_idx %gather3A_516[%shift_right_logical3A_368] : memref<10240xf32, #tpu.memory_space<vmem>>[vector<16xi32>], vector<16xf32>,
        %gather3A_518 = arith.constant 20480 : i32
        %gather3A_519 = tpu.memref_slice %arg6[%gather3A_518] : memref<51200xf32, #tpu.memory_space<vmem>> -> memref<10240xf32, #tpu.memory_space<vmem>>
        %gather3A_520 = tpu.vector_load_idx %gather3A_519[%shift_right_logical3A_368] : memref<10240xf32, #tpu.memory_space<vmem>>[vector<16xi32>], vector<16xf32>,
        %gather3A_521 = arith.constant 30720 : i32
        %gather3A_522 = tpu.memref_slice %arg6[%gather3A_521] : memref<51200xf32, #tpu.memory_space<vmem>> -> memref<10240xf32, #tpu.memory_space<vmem>>
        %gather3A_523 = tpu.vector_load_idx %gather3A_522[%shift_right_logical3A_368] : memref<10240xf32, #tpu.memory_space<vmem>>[vector<16xi32>], vector<16xf32>,
        %scatter3A_524 = arith.constant 0 : i32
        %scatter3A_525 = tpu.memref_slice %arg7[%scatter3A_524] : memref<51200xf32, #tpu.memory_space<vmem>> -> memref<10240xf32, #tpu.memory_space<vmem>>
        tpu.vector_store_idx %scatter3A_525[%and3A_357], %gather3A_494 {add = true} : memref<10240xf32, #tpu.memory_space<vmem>>[vector<16xi32>], vector<16xf32>,
        %scatter3A_526 = arith.constant 10240 : i32
        %scatter3A_527 = tpu.memref_slice %arg7[%scatter3A_526] : memref<51200xf32, #tpu.memory_space<vmem>> -> memref<10240xf32, #tpu.memory_space<vmem>>
        tpu.vector_store_idx %scatter3A_527[%and3A_357], %gather3A_497 {add = true} : memref<10240xf32, #tpu.memory_space<vmem>>[vector<16xi32>], vector<16xf32>,
        %scatter3A_528 = arith.constant 20480 : i32
        %scatter3A_529 = tpu.memref_slice %arg7[%scatter3A_528] : memref<51200xf32, #tpu.memory_space<vmem>> -> memref<10240xf32, #tpu.memory_space<vmem>>
        tpu.vector_store_idx %scatter3A_529[%and3A_357], %gather3A_500 {add = true} : memref<10240xf32, #tpu.memory_space<vmem>>[vector<16xi32>], vector<16xf32>,
        %scatter3A_530 = arith.constant 30720 : i32
        %scatter3A_531 = tpu.memref_slice %arg7[%scatter3A_530] : memref<51200xf32, #tpu.memory_space<vmem>> -> memref<10240xf32, #tpu.memory_space<vmem>>
        tpu.vector_store_idx %scatter3A_531[%and3A_357], %gather3A_503 {add = true} : memref<10240xf32, #tpu.memory_space<vmem>>[vector<16xi32>], vector<16xf32>,
        %gather3A_532 = arith.constant 0 : i32
        %gather3A_533 = tpu.memref_slice %arg6[%gather3A_532] : memref<51200xf32, #tpu.memory_space<vmem>> -> memref<10240xf32, #tpu.memory_space<vmem>>
        %gather3A_534 = tpu.vector_load_idx %gather3A_533[%shift_right_logical3A_382] : memref<10240xf32, #tpu.memory_space<vmem>>[vector<16xi32>], vector<16xf32>,
        %gather3A_535 = arith.constant 10240 : i32
        %gather3A_536 = tpu.memref_slice %arg6[%gather3A_535] : memref<51200xf32, #tpu.memory_space<vmem>> -> memref<10240xf32, #tpu.memory_space<vmem>>
        %gather3A_537 = tpu.vector_load_idx %gather3A_536[%shift_right_logical3A_382] : memref<10240xf32, #tpu.memory_space<vmem>>[vector<16xi32>], vector<16xf32>,
        %gather3A_538 = arith.constant 20480 : i32
        %gather3A_539 = tpu.memref_slice %arg6[%gather3A_538] : memref<51200xf32, #tpu.memory_space<vmem>> -> memref<10240xf32, #tpu.memory_space<vmem>>
        %gather3A_540 = tpu.vector_load_idx %gather3A_539[%shift_right_logical3A_382] : memref<10240xf32, #tpu.memory_space<vmem>>[vector<16xi32>], vector<16xf32>,
        %gather3A_541 = arith.constant 30720 : i32
        %gather3A_542 = tpu.memref_slice %arg6[%gather3A_541] : memref<51200xf32, #tpu.memory_space<vmem>> -> memref<10240xf32, #tpu.memory_space<vmem>>
        %gather3A_543 = tpu.vector_load_idx %gather3A_542[%shift_right_logical3A_382] : memref<10240xf32, #tpu.memory_space<vmem>>[vector<16xi32>], vector<16xf32>,
        %scatter3A_544 = arith.constant 0 : i32
        %scatter3A_545 = tpu.memref_slice %arg7[%scatter3A_544] : memref<51200xf32, #tpu.memory_space<vmem>> -> memref<10240xf32, #tpu.memory_space<vmem>>
        tpu.vector_store_idx %scatter3A_545[%and3A_371], %gather3A_514 {add = true} : memref<10240xf32, #tpu.memory_space<vmem>>[vector<16xi32>], vector<16xf32>,
        %scatter3A_546 = arith.constant 10240 : i32
        %scatter3A_547 = tpu.memref_slice %arg7[%scatter3A_546] : memref<51200xf32, #tpu.memory_space<vmem>> -> memref<10240xf32, #tpu.memory_space<vmem>>
        tpu.vector_store_idx %scatter3A_547[%and3A_371], %gather3A_517 {add = true} : memref<10240xf32, #tpu.memory_space<vmem>>[vector<16xi32>], vector<16xf32>,
        %scatter3A_548 = arith.constant 20480 : i32
        %scatter3A_549 = tpu.memref_slice %arg7[%scatter3A_548] : memref<51200xf32, #tpu.memory_space<vmem>> -> memref<10240xf32, #tpu.memory_space<vmem>>
        tpu.vector_store_idx %scatter3A_549[%and3A_371], %gather3A_520 {add = true} : memref<10240xf32, #tpu.memory_space<vmem>>[vector<16xi32>], vector<16xf32>,
        %scatter3A_550 = arith.constant 30720 : i32
        %scatter3A_551 = tpu.memref_slice %arg7[%scatter3A_550] : memref<51200xf32, #tpu.memory_space<vmem>> -> memref<10240xf32, #tpu.memory_space<vmem>>
        tpu.vector_store_idx %scatter3A_551[%and3A_371], %gather3A_523 {add = true} : memref<10240xf32, #tpu.memory_space<vmem>>[vector<16xi32>], vector<16xf32>,
        %gather3A_552 = arith.constant 0 : i32
        %gather3A_553 = tpu.memref_slice %arg6[%gather3A_552] : memref<51200xf32, #tpu.memory_space<vmem>> -> memref<10240xf32, #tpu.memory_space<vmem>>
        %gather3A_554 = tpu.vector_load_idx %gather3A_553[%shift_right_logical3A_396] : memref<10240xf32, #tpu.memory_space<vmem>>[vector<16xi32>], vector<16xf32>,
        %gather3A_555 = arith.constant 10240 : i32
        %gather3A_556 = tpu.memref_slice %arg6[%gather3A_555] : memref<51200xf32, #tpu.memory_space<vmem>> -> memref<10240xf32, #tpu.memory_space<vmem>>
        %gather3A_557 = tpu.vector_load_idx %gather3A_556[%shift_right_logical3A_396] : memref<10240xf32, #tpu.memory_space<vmem>>[vector<16xi32>], vector<16xf32>,
        %gather3A_558 = arith.constant 20480 : i32
        %gather3A_559 = tpu.memref_slice %arg6[%gather3A_558] : memref<51200xf32, #tpu.memory_space<vmem>> -> memref<10240xf32, #tpu.memory_space<vmem>>
        %gather3A_560 = tpu.vector_load_idx %gather3A_559[%shift_right_logical3A_396] : memref<10240xf32, #tpu.memory_space<vmem>>[vector<16xi32>], vector<16xf32>,
        %gather3A_561 = arith.constant 30720 : i32
        %gather3A_562 = tpu.memref_slice %arg6[%gather3A_561] : memref<51200xf32, #tpu.memory_space<vmem>> -> memref<10240xf32, #tpu.memory_space<vmem>>
        %gather3A_563 = tpu.vector_load_idx %gather3A_562[%shift_right_logical3A_396] : memref<10240xf32, #tpu.memory_space<vmem>>[vector<16xi32>], vector<16xf32>,
        %scatter3A_564 = arith.constant 0 : i32
        %scatter3A_565 = tpu.memref_slice %arg7[%scatter3A_564] : memref<51200xf32, #tpu.memory_space<vmem>> -> memref<10240xf32, #tpu.memory_space<vmem>>
        tpu.vector_store_idx %scatter3A_565[%and3A_385], %gather3A_534 {add = true} : memref<10240xf32, #tpu.memory_space<vmem>>[vector<16xi32>], vector<16xf32>,
        %scatter3A_566 = arith.constant 10240 : i32
        %scatter3A_567 = tpu.memref_slice %arg7[%scatter3A_566] : memref<51200xf32, #tpu.memory_space<vmem>> -> memref<10240xf32, #tpu.memory_space<vmem>>
        tpu.vector_store_idx %scatter3A_567[%and3A_385], %gather3A_537 {add = true} : memref<10240xf32, #tpu.memory_space<vmem>>[vector<16xi32>], vector<16xf32>,
        %scatter3A_568 = arith.constant 20480 : i32
        %scatter3A_569 = tpu.memref_slice %arg7[%scatter3A_568] : memref<51200xf32, #tpu.memory_space<vmem>> -> memref<10240xf32, #tpu.memory_space<vmem>>
        tpu.vector_store_idx %scatter3A_569[%and3A_385], %gather3A_540 {add = true} : memref<10240xf32, #tpu.memory_space<vmem>>[vector<16xi32>], vector<16xf32>,
        %scatter3A_570 = arith.constant 30720 : i32
        %scatter3A_571 = tpu.memref_slice %arg7[%scatter3A_570] : memref<51200xf32, #tpu.memory_space<vmem>> -> memref<10240xf32, #tpu.memory_space<vmem>>
        tpu.vector_store_idx %scatter3A_571[%and3A_385], %gather3A_543 {add = true} : memref<10240xf32, #tpu.memory_space<vmem>>[vector<16xi32>], vector<16xf32>,
        %gather3A_572 = arith.constant 0 : i32
        %gather3A_573 = tpu.memref_slice %arg6[%gather3A_572] : memref<51200xf32, #tpu.memory_space<vmem>> -> memref<10240xf32, #tpu.memory_space<vmem>>
        %gather3A_574 = tpu.vector_load_idx %gather3A_573[%shift_right_logical3A_410] : memref<10240xf32, #tpu.memory_space<vmem>>[vector<16xi32>], vector<16xf32>,
        %gather3A_575 = arith.constant 10240 : i32
        %gather3A_576 = tpu.memref_slice %arg6[%gather3A_575] : memref<51200xf32, #tpu.memory_space<vmem>> -> memref<10240xf32, #tpu.memory_space<vmem>>
        %gather3A_577 = tpu.vector_load_idx %gather3A_576[%shift_right_logical3A_410] : memref<10240xf32, #tpu.memory_space<vmem>>[vector<16xi32>], vector<16xf32>,
        %gather3A_578 = arith.constant 20480 : i32
        %gather3A_579 = tpu.memref_slice %arg6[%gather3A_578] : memref<51200xf32, #tpu.memory_space<vmem>> -> memref<10240xf32, #tpu.memory_space<vmem>>
        %gather3A_580 = tpu.vector_load_idx %gather3A_579[%shift_right_logical3A_410] : memref<10240xf32, #tpu.memory_space<vmem>>[vector<16xi32>], vector<16xf32>,
        %gather3A_581 = arith.constant 30720 : i32
        %gather3A_582 = tpu.memref_slice %arg6[%gather3A_581] : memref<51200xf32, #tpu.memory_space<vmem>> -> memref<10240xf32, #tpu.memory_space<vmem>>
        %gather3A_583 = tpu.vector_load_idx %gather3A_582[%shift_right_logical3A_410] : memref<10240xf32, #tpu.memory_space<vmem>>[vector<16xi32>], vector<16xf32>,
        %scatter3A_584 = arith.constant 0 : i32
        %scatter3A_585 = tpu.memref_slice %arg7[%scatter3A_584] : memref<51200xf32, #tpu.memory_space<vmem>> -> memref<10240xf32, #tpu.memory_space<vmem>>
        tpu.vector_store_idx %scatter3A_585[%and3A_399], %gather3A_554 {add = true} : memref<10240xf32, #tpu.memory_space<vmem>>[vector<16xi32>], vector<16xf32>,
        %scatter3A_586 = arith.constant 10240 : i32
        %scatter3A_587 = tpu.memref_slice %arg7[%scatter3A_586] : memref<51200xf32, #tpu.memory_space<vmem>> -> memref<10240xf32, #tpu.memory_space<vmem>>
        tpu.vector_store_idx %scatter3A_587[%and3A_399], %gather3A_557 {add = true} : memref<10240xf32, #tpu.memory_space<vmem>>[vector<16xi32>], vector<16xf32>,
        %scatter3A_588 = arith.constant 20480 : i32
        %scatter3A_589 = tpu.memref_slice %arg7[%scatter3A_588] : memref<51200xf32, #tpu.memory_space<vmem>> -> memref<10240xf32, #tpu.memory_space<vmem>>
        tpu.vector_store_idx %scatter3A_589[%and3A_399], %gather3A_560 {add = true} : memref<10240xf32, #tpu.memory_space<vmem>>[vector<16xi32>], vector<16xf32>,
        %scatter3A_590 = arith.constant 30720 : i32
        %scatter3A_591 = tpu.memref_slice %arg7[%scatter3A_590] : memref<51200xf32, #tpu.memory_space<vmem>> -> memref<10240xf32, #tpu.memory_space<vmem>>
        tpu.vector_store_idx %scatter3A_591[%and3A_399], %gather3A_563 {add = true} : memref<10240xf32, #tpu.memory_space<vmem>>[vector<16xi32>], vector<16xf32>,
        %gather3A_592 = arith.constant 0 : i32
        %gather3A_593 = tpu.memref_slice %arg6[%gather3A_592] : memref<51200xf32, #tpu.memory_space<vmem>> -> memref<10240xf32, #tpu.memory_space<vmem>>
        %gather3A_594 = tpu.vector_load_idx %gather3A_593[%shift_right_logical3A_424] : memref<10240xf32, #tpu.memory_space<vmem>>[vector<16xi32>], vector<16xf32>,
        %gather3A_595 = arith.constant 10240 : i32
        %gather3A_596 = tpu.memref_slice %arg6[%gather3A_595] : memref<51200xf32, #tpu.memory_space<vmem>> -> memref<10240xf32, #tpu.memory_space<vmem>>
        %gather3A_597 = tpu.vector_load_idx %gather3A_596[%shift_right_logical3A_424] : memref<10240xf32, #tpu.memory_space<vmem>>[vector<16xi32>], vector<16xf32>,
        %gather3A_598 = arith.constant 20480 : i32
        %gather3A_599 = tpu.memref_slice %arg6[%gather3A_598] : memref<51200xf32, #tpu.memory_space<vmem>> -> memref<10240xf32, #tpu.memory_space<vmem>>
        %gather3A_600 = tpu.vector_load_idx %gather3A_599[%shift_right_logical3A_424] : memref<10240xf32, #tpu.memory_space<vmem>>[vector<16xi32>], vector<16xf32>,
        %gather3A_601 = arith.constant 30720 : i32
        %gather3A_602 = tpu.memref_slice %arg6[%gather3A_601] : memref<51200xf32, #tpu.memory_space<vmem>> -> memref<10240xf32, #tpu.memory_space<vmem>>
        %gather3A_603 = tpu.vector_load_idx %gather3A_602[%shift_right_logical3A_424] : memref<10240xf32, #tpu.memory_space<vmem>>[vector<16xi32>], vector<16xf32>,
        %scatter3A_604 = arith.constant 0 : i32
        %scatter3A_605 = tpu.memref_slice %arg7[%scatter3A_604] : memref<51200xf32, #tpu.memory_space<vmem>> -> memref<10240xf32, #tpu.memory_space<vmem>>
        tpu.vector_store_idx %scatter3A_605[%and3A_413], %gather3A_574 {add = true} : memref<10240xf32, #tpu.memory_space<vmem>>[vector<16xi32>], vector<16xf32>,
        %scatter3A_606 = arith.constant 10240 : i32
        %scatter3A_607 = tpu.memref_slice %arg7[%scatter3A_606] : memref<51200xf32, #tpu.memory_space<vmem>> -> memref<10240xf32, #tpu.memory_space<vmem>>
        tpu.vector_store_idx %scatter3A_607[%and3A_413], %gather3A_577 {add = true} : memref<10240xf32, #tpu.memory_space<vmem>>[vector<16xi32>], vector<16xf32>,
        %scatter3A_608 = arith.constant 20480 : i32
        %scatter3A_609 = tpu.memref_slice %arg7[%scatter3A_608] : memref<51200xf32, #tpu.memory_space<vmem>> -> memref<10240xf32, #tpu.memory_space<vmem>>
        tpu.vector_store_idx %scatter3A_609[%and3A_413], %gather3A_580 {add = true} : memref<10240xf32, #tpu.memory_space<vmem>>[vector<16xi32>], vector<16xf32>,
        %scatter3A_610 = arith.constant 30720 : i32
        %scatter3A_611 = tpu.memref_slice %arg7[%scatter3A_610] : memref<51200xf32, #tpu.memory_space<vmem>> -> memref<10240xf32, #tpu.memory_space<vmem>>
        tpu.vector_store_idx %scatter3A_611[%and3A_413], %gather3A_583 {add = true} : memref<10240xf32, #tpu.memory_space<vmem>>[vector<16xi32>], vector<16xf32>,
        %gather3A_612 = arith.constant 0 : i32
        %gather3A_613 = tpu.memref_slice %arg6[%gather3A_612] : memref<51200xf32, #tpu.memory_space<vmem>> -> memref<10240xf32, #tpu.memory_space<vmem>>
        %gather3A_614 = tpu.vector_load_idx %gather3A_613[%shift_right_logical3A_438] : memref<10240xf32, #tpu.memory_space<vmem>>[vector<16xi32>], vector<16xf32>,
        %gather3A_615 = arith.constant 10240 : i32
        %gather3A_616 = tpu.memref_slice %arg6[%gather3A_615] : memref<51200xf32, #tpu.memory_space<vmem>> -> memref<10240xf32, #tpu.memory_space<vmem>>
        %gather3A_617 = tpu.vector_load_idx %gather3A_616[%shift_right_logical3A_438] : memref<10240xf32, #tpu.memory_space<vmem>>[vector<16xi32>], vector<16xf32>,
        %gather3A_618 = arith.constant 20480 : i32
        %gather3A_619 = tpu.memref_slice %arg6[%gather3A_618] : memref<51200xf32, #tpu.memory_space<vmem>> -> memref<10240xf32, #tpu.memory_space<vmem>>
        %gather3A_620 = tpu.vector_load_idx %gather3A_619[%shift_right_logical3A_438] : memref<10240xf32, #tpu.memory_space<vmem>>[vector<16xi32>], vector<16xf32>,
        %gather3A_621 = arith.constant 30720 : i32
        %gather3A_622 = tpu.memref_slice %arg6[%gather3A_621] : memref<51200xf32, #tpu.memory_space<vmem>> -> memref<10240xf32, #tpu.memory_space<vmem>>
        %gather3A_623 = tpu.vector_load_idx %gather3A_622[%shift_right_logical3A_438] : memref<10240xf32, #tpu.memory_space<vmem>>[vector<16xi32>], vector<16xf32>,
        %scatter3A_624 = arith.constant 0 : i32
        %scatter3A_625 = tpu.memref_slice %arg7[%scatter3A_624] : memref<51200xf32, #tpu.memory_space<vmem>> -> memref<10240xf32, #tpu.memory_space<vmem>>
        tpu.vector_store_idx %scatter3A_625[%and3A_427], %gather3A_594 {add = true} : memref<10240xf32, #tpu.memory_space<vmem>>[vector<16xi32>], vector<16xf32>,
        %scatter3A_626 = arith.constant 10240 : i32
        %scatter3A_627 = tpu.memref_slice %arg7[%scatter3A_626] : memref<51200xf32, #tpu.memory_space<vmem>> -> memref<10240xf32, #tpu.memory_space<vmem>>
        tpu.vector_store_idx %scatter3A_627[%and3A_427], %gather3A_597 {add = true} : memref<10240xf32, #tpu.memory_space<vmem>>[vector<16xi32>], vector<16xf32>,
        %scatter3A_628 = arith.constant 20480 : i32
        %scatter3A_629 = tpu.memref_slice %arg7[%scatter3A_628] : memref<51200xf32, #tpu.memory_space<vmem>> -> memref<10240xf32, #tpu.memory_space<vmem>>
        tpu.vector_store_idx %scatter3A_629[%and3A_427], %gather3A_600 {add = true} : memref<10240xf32, #tpu.memory_space<vmem>>[vector<16xi32>], vector<16xf32>,
        %scatter3A_630 = arith.constant 30720 : i32
        %scatter3A_631 = tpu.memref_slice %arg7[%scatter3A_630] : memref<51200xf32, #tpu.memory_space<vmem>> -> memref<10240xf32, #tpu.memory_space<vmem>>
        tpu.vector_store_idx %scatter3A_631[%and3A_427], %gather3A_603 {add = true} : memref<10240xf32, #tpu.memory_space<vmem>>[vector<16xi32>], vector<16xf32>,
        %scatter3A_632 = arith.constant 0 : i32
        %scatter3A_633 = tpu.memref_slice %arg7[%scatter3A_632] : memref<51200xf32, #tpu.memory_space<vmem>> -> memref<10240xf32, #tpu.memory_space<vmem>>
        tpu.vector_store_idx %scatter3A_633[%and3A_441], %gather3A_614 {add = true} : memref<10240xf32, #tpu.memory_space<vmem>>[vector<16xi32>], vector<16xf32>,
        %scatter3A_634 = arith.constant 10240 : i32
        %scatter3A_635 = tpu.memref_slice %arg7[%scatter3A_634] : memref<51200xf32, #tpu.memory_space<vmem>> -> memref<10240xf32, #tpu.memory_space<vmem>>
        tpu.vector_store_idx %scatter3A_635[%and3A_441], %gather3A_617 {add = true} : memref<10240xf32, #tpu.memory_space<vmem>>[vector<16xi32>], vector<16xf32>,
        %scatter3A_636 = arith.constant 20480 : i32
        %scatter3A_637 = tpu.memref_slice %arg7[%scatter3A_636] : memref<51200xf32, #tpu.memory_space<vmem>> -> memref<10240xf32, #tpu.memory_space<vmem>>
        tpu.vector_store_idx %scatter3A_637[%and3A_441], %gather3A_620 {add = true} : memref<10240xf32, #tpu.memory_space<vmem>>[vector<16xi32>], vector<16xf32>,
        %scatter3A_638 = arith.constant 30720 : i32
        %scatter3A_639 = tpu.memref_slice %arg7[%scatter3A_638] : memref<51200xf32, #tpu.memory_space<vmem>> -> memref<10240xf32, #tpu.memory_space<vmem>>
        tpu.vector_store_idx %scatter3A_639[%and3A_441], %gather3A_623 {add = true} : memref<10240xf32, #tpu.memory_space<vmem>>[vector<16xi32>], vector<16xf32>,
        %scan3A_640 = arith.constant 0 : i32
        scf.yield %scan3A_640 : i32
      }
      %scan3A_271 = arith.constant 63 : i32
      %rem3A = arith.constant 32 : i32
      %rem3A_272 = arith.remsi %mul3A_264, %rem3A : i32
      %eq3A = arith.cmpi eq, %rem3A_272, %add3A : i32
      %convert_element_type3A = arith.extui %eq3A : i1 to i32
      %cond3A = arith.constant 0 : i32
      %cond3A_273 = arith.cmpi ne, %convert_element_type3A, %cond3A : i32
      scf.if %cond3A_273 {
        %scan3A_303 = arith.constant 0 : i32
        %scan3A_304 = arith.constant 0 : i32
        %scan3A_305 = arith.constant 63 : i32
        %scan3A_306 = arith.addi %scan3A_304, %scan3A_305 : i32
        %scan3A_307 = arith.constant 1 : i32
        %scan3A_308 = scf.for %scan3A_310 = %scan3A_304 to %scan3A_306 step %scan3A_307 iter_args(%scan3A_311 = %scan3A_303) -> (i32)  : i32 {
          %mul3A_312 = arith.constant 10 : i32
          %mul3A_313 = arith.muli %scan3A_310, %mul3A_312 : i32
          %add3A_314 = arith.constant 0 : i32
          %add3A_315 = arith.addi %mul3A_313, %add3A_314 : i32
          %mul3A_316 = arith.constant 16 : i32
          %mul3A_317 = arith.muli %add3A_315, %mul3A_316 : i32
          %get3A = arith.index_cast %mul3A_317 : i32 to index
          %get3A_318 = tpu.vector_load %arg8[%get3A] {strides = array<i32>} : memref<10080xi32, #tpu.memory_space<vmem>>, vector<16xi32>,
          %shift_right_logical3A = arith.constant 14 : i32
          %shift_right_logical3A_319 = vector.broadcast %shift_right_logical3A : i32 to vector<16xi32>
          %shift_right_logical3A_320 = arith.shrui %get3A_318, %shift_right_logical3A_319 : vector<16xi32>
          %and3A = arith.constant 16383 : i32
          %and3A_321 = vector.broadcast %and3A : i32 to vector<16xi32>
          %and3A_322 = arith.andi %get3A_318, %and3A_321 : vector<16xi32>
          %gather3A = arith.constant 40960 : i32
          %gather3A_323 = tpu.memref_slice %arg6[%gather3A] : memref<51200xf32, #tpu.memory_space<vmem>> -> memref<10240xf32, #tpu.memory_space<vmem>>
          %gather3A_324 = tpu.vector_load_idx %gather3A_323[%shift_right_logical3A_320] : memref<10240xf32, #tpu.memory_space<vmem>>[vector<16xi32>], vector<16xf32>,
          %mul3A_325 = arith.constant 10 : i32
          %mul3A_326 = arith.muli %scan3A_310, %mul3A_325 : i32
          %add3A_327 = arith.constant 1 : i32
          %add3A_328 = arith.addi %mul3A_326, %add3A_327 : i32
          %mul3A_329 = arith.constant 16 : i32
          %mul3A_330 = arith.muli %add3A_328, %mul3A_329 : i32
          %get3A_331 = arith.index_cast %mul3A_330 : i32 to index
          %get3A_332 = tpu.vector_load %arg8[%get3A_331] {strides = array<i32>} : memref<10080xi32, #tpu.memory_space<vmem>>, vector<16xi32>,
          %shift_right_logical3A_333 = arith.constant 14 : i32
          %shift_right_logical3A_334 = vector.broadcast %shift_right_logical3A_333 : i32 to vector<16xi32>
          %shift_right_logical3A_335 = arith.shrui %get3A_332, %shift_right_logical3A_334 : vector<16xi32>
          %and3A_336 = arith.constant 16383 : i32
          %and3A_337 = vector.broadcast %and3A_336 : i32 to vector<16xi32>
          %and3A_338 = arith.andi %get3A_332, %and3A_337 : vector<16xi32>
          %gather3A_339 = arith.constant 40960 : i32
          %gather3A_340 = tpu.memref_slice %arg6[%gather3A_339] : memref<51200xf32, #tpu.memory_space<vmem>> -> memref<10240xf32, #tpu.memory_space<vmem>>
          %gather3A_341 = tpu.vector_load_idx %gather3A_340[%shift_right_logical3A_335] : memref<10240xf32, #tpu.memory_space<vmem>>[vector<16xi32>], vector<16xf32>,
          %scatter3A = arith.constant 40960 : i32
          %scatter3A_342 = tpu.memref_slice %arg7[%scatter3A] : memref<51200xf32, #tpu.memory_space<vmem>> -> memref<10240xf32, #tpu.memory_space<vmem>>
          tpu.vector_store_idx %scatter3A_342[%and3A_322], %gather3A_324 {add = true} : memref<10240xf32, #tpu.memory_space<vmem>>[vector<16xi32>], vector<16xf32>,
          %mul3A_343 = arith.constant 10 : i32
          %mul3A_344 = arith.muli %scan3A_310, %mul3A_343 : i32
          %add3A_345 = arith.constant 2 : i32
          %add3A_346 = arith.addi %mul3A_344, %add3A_345 : i32
          %mul3A_347 = arith.constant 16 : i32
          %mul3A_348 = arith.muli %add3A_346, %mul3A_347 : i32
          %get3A_349 = arith.index_cast %mul3A_348 : i32 to index
          %get3A_350 = tpu.vector_load %arg8[%get3A_349] {strides = array<i32>} : memref<10080xi32, #tpu.memory_space<vmem>>, vector<16xi32>,
          %shift_right_logical3A_351 = arith.constant 14 : i32
          %shift_right_logical3A_352 = vector.broadcast %shift_right_logical3A_351 : i32 to vector<16xi32>
          %shift_right_logical3A_353 = arith.shrui %get3A_350, %shift_right_logical3A_352 : vector<16xi32>
          %and3A_354 = arith.constant 16383 : i32
          %and3A_355 = vector.broadcast %and3A_354 : i32 to vector<16xi32>
          %and3A_356 = arith.andi %get3A_350, %and3A_355 : vector<16xi32>
          %gather3A_357 = arith.constant 40960 : i32
          %gather3A_358 = tpu.memref_slice %arg6[%gather3A_357] : memref<51200xf32, #tpu.memory_space<vmem>> -> memref<10240xf32, #tpu.memory_space<vmem>>
          %gather3A_359 = tpu.vector_load_idx %gather3A_358[%shift_right_logical3A_353] : memref<10240xf32, #tpu.memory_space<vmem>>[vector<16xi32>], vector<16xf32>,
          %scatter3A_360 = arith.constant 40960 : i32
          %scatter3A_361 = tpu.memref_slice %arg7[%scatter3A_360] : memref<51200xf32, #tpu.memory_space<vmem>> -> memref<10240xf32, #tpu.memory_space<vmem>>
          tpu.vector_store_idx %scatter3A_361[%and3A_338], %gather3A_341 {add = true} : memref<10240xf32, #tpu.memory_space<vmem>>[vector<16xi32>], vector<16xf32>,
          %mul3A_362 = arith.constant 10 : i32
          %mul3A_363 = arith.muli %scan3A_310, %mul3A_362 : i32
          %add3A_364 = arith.constant 3 : i32
          %add3A_365 = arith.addi %mul3A_363, %add3A_364 : i32
          %mul3A_366 = arith.constant 16 : i32
          %mul3A_367 = arith.muli %add3A_365, %mul3A_366 : i32
          %get3A_368 = arith.index_cast %mul3A_367 : i32 to index
          %get3A_369 = tpu.vector_load %arg8[%get3A_368] {strides = array<i32>} : memref<10080xi32, #tpu.memory_space<vmem>>, vector<16xi32>,
          %shift_right_logical3A_370 = arith.constant 14 : i32
          %shift_right_logical3A_371 = vector.broadcast %shift_right_logical3A_370 : i32 to vector<16xi32>
          %shift_right_logical3A_372 = arith.shrui %get3A_369, %shift_right_logical3A_371 : vector<16xi32>
          %and3A_373 = arith.constant 16383 : i32
          %and3A_374 = vector.broadcast %and3A_373 : i32 to vector<16xi32>
          %and3A_375 = arith.andi %get3A_369, %and3A_374 : vector<16xi32>
          %gather3A_376 = arith.constant 40960 : i32
          %gather3A_377 = tpu.memref_slice %arg6[%gather3A_376] : memref<51200xf32, #tpu.memory_space<vmem>> -> memref<10240xf32, #tpu.memory_space<vmem>>
          %gather3A_378 = tpu.vector_load_idx %gather3A_377[%shift_right_logical3A_372] : memref<10240xf32, #tpu.memory_space<vmem>>[vector<16xi32>], vector<16xf32>,
          %scatter3A_379 = arith.constant 40960 : i32
          %scatter3A_380 = tpu.memref_slice %arg7[%scatter3A_379] : memref<51200xf32, #tpu.memory_space<vmem>> -> memref<10240xf32, #tpu.memory_space<vmem>>
          tpu.vector_store_idx %scatter3A_380[%and3A_356], %gather3A_359 {add = true} : memref<10240xf32, #tpu.memory_space<vmem>>[vector<16xi32>], vector<16xf32>,
          %mul3A_381 = arith.constant 10 : i32
          %mul3A_382 = arith.muli %scan3A_310, %mul3A_381 : i32
          %add3A_383 = arith.constant 4 : i32
          %add3A_384 = arith.addi %mul3A_382, %add3A_383 : i32
          %mul3A_385 = arith.constant 16 : i32
          %mul3A_386 = arith.muli %add3A_384, %mul3A_385 : i32
          %get3A_387 = arith.index_cast %mul3A_386 : i32 to index
          %get3A_388 = tpu.vector_load %arg8[%get3A_387] {strides = array<i32>} : memref<10080xi32, #tpu.memory_space<vmem>>, vector<16xi32>,
          %shift_right_logical3A_389 = arith.constant 14 : i32
          %shift_right_logical3A_390 = vector.broadcast %shift_right_logical3A_389 : i32 to vector<16xi32>
          %shift_right_logical3A_391 = arith.shrui %get3A_388, %shift_right_logical3A_390 : vector<16xi32>
          %and3A_392 = arith.constant 16383 : i32
          %and3A_393 = vector.broadcast %and3A_392 : i32 to vector<16xi32>
          %and3A_394 = arith.andi %get3A_388, %and3A_393 : vector<16xi32>
          %gather3A_395 = arith.constant 40960 : i32
          %gather3A_396 = tpu.memref_slice %arg6[%gather3A_395] : memref<51200xf32, #tpu.memory_space<vmem>> -> memref<10240xf32, #tpu.memory_space<vmem>>
          %gather3A_397 = tpu.vector_load_idx %gather3A_396[%shift_right_logical3A_391] : memref<10240xf32, #tpu.memory_space<vmem>>[vector<16xi32>], vector<16xf32>,
          %scatter3A_398 = arith.constant 40960 : i32
          %scatter3A_399 = tpu.memref_slice %arg7[%scatter3A_398] : memref<51200xf32, #tpu.memory_space<vmem>> -> memref<10240xf32, #tpu.memory_space<vmem>>
          tpu.vector_store_idx %scatter3A_399[%and3A_375], %gather3A_378 {add = true} : memref<10240xf32, #tpu.memory_space<vmem>>[vector<16xi32>], vector<16xf32>,
          %mul3A_400 = arith.constant 10 : i32
          %mul3A_401 = arith.muli %scan3A_310, %mul3A_400 : i32
          %add3A_402 = arith.constant 5 : i32
          %add3A_403 = arith.addi %mul3A_401, %add3A_402 : i32
          %mul3A_404 = arith.constant 16 : i32
          %mul3A_405 = arith.muli %add3A_403, %mul3A_404 : i32
          %get3A_406 = arith.index_cast %mul3A_405 : i32 to index
          %get3A_407 = tpu.vector_load %arg8[%get3A_406] {strides = array<i32>} : memref<10080xi32, #tpu.memory_space<vmem>>, vector<16xi32>,
          %shift_right_logical3A_408 = arith.constant 14 : i32
          %shift_right_logical3A_409 = vector.broadcast %shift_right_logical3A_408 : i32 to vector<16xi32>
          %shift_right_logical3A_410 = arith.shrui %get3A_407, %shift_right_logical3A_409 : vector<16xi32>
          %and3A_411 = arith.constant 16383 : i32
          %and3A_412 = vector.broadcast %and3A_411 : i32 to vector<16xi32>
          %and3A_413 = arith.andi %get3A_407, %and3A_412 : vector<16xi32>
          %gather3A_414 = arith.constant 40960 : i32
          %gather3A_415 = tpu.memref_slice %arg6[%gather3A_414] : memref<51200xf32, #tpu.memory_space<vmem>> -> memref<10240xf32, #tpu.memory_space<vmem>>
          %gather3A_416 = tpu.vector_load_idx %gather3A_415[%shift_right_logical3A_410] : memref<10240xf32, #tpu.memory_space<vmem>>[vector<16xi32>], vector<16xf32>,
          %scatter3A_417 = arith.constant 40960 : i32
          %scatter3A_418 = tpu.memref_slice %arg7[%scatter3A_417] : memref<51200xf32, #tpu.memory_space<vmem>> -> memref<10240xf32, #tpu.memory_space<vmem>>
          tpu.vector_store_idx %scatter3A_418[%and3A_394], %gather3A_397 {add = true} : memref<10240xf32, #tpu.memory_space<vmem>>[vector<16xi32>], vector<16xf32>,
          %mul3A_419 = arith.constant 10 : i32
          %mul3A_420 = arith.muli %scan3A_310, %mul3A_419 : i32
          %add3A_421 = arith.constant 6 : i32
          %add3A_422 = arith.addi %mul3A_420, %add3A_421 : i32
          %mul3A_423 = arith.constant 16 : i32
          %mul3A_424 = arith.muli %add3A_422, %mul3A_423 : i32
          %get3A_425 = arith.index_cast %mul3A_424 : i32 to index
          %get3A_426 = tpu.vector_load %arg8[%get3A_425] {strides = array<i32>} : memref<10080xi32, #tpu.memory_space<vmem>>, vector<16xi32>,
          %shift_right_logical3A_427 = arith.constant 14 : i32
          %shift_right_logical3A_428 = vector.broadcast %shift_right_logical3A_427 : i32 to vector<16xi32>
          %shift_right_logical3A_429 = arith.shrui %get3A_426, %shift_right_logical3A_428 : vector<16xi32>
          %and3A_430 = arith.constant 16383 : i32
          %and3A_431 = vector.broadcast %and3A_430 : i32 to vector<16xi32>
          %and3A_432 = arith.andi %get3A_426, %and3A_431 : vector<16xi32>
          %gather3A_433 = arith.constant 40960 : i32
          %gather3A_434 = tpu.memref_slice %arg6[%gather3A_433] : memref<51200xf32, #tpu.memory_space<vmem>> -> memref<10240xf32, #tpu.memory_space<vmem>>
          %gather3A_435 = tpu.vector_load_idx %gather3A_434[%shift_right_logical3A_429] : memref<10240xf32, #tpu.memory_space<vmem>>[vector<16xi32>], vector<16xf32>,
          %scatter3A_436 = arith.constant 40960 : i32
          %scatter3A_437 = tpu.memref_slice %arg7[%scatter3A_436] : memref<51200xf32, #tpu.memory_space<vmem>> -> memref<10240xf32, #tpu.memory_space<vmem>>
          tpu.vector_store_idx %scatter3A_437[%and3A_413], %gather3A_416 {add = true} : memref<10240xf32, #tpu.memory_space<vmem>>[vector<16xi32>], vector<16xf32>,
          %mul3A_438 = arith.constant 10 : i32
          %mul3A_439 = arith.muli %scan3A_310, %mul3A_438 : i32
          %add3A_440 = arith.constant 7 : i32
          %add3A_441 = arith.addi %mul3A_439, %add3A_440 : i32
          %mul3A_442 = arith.constant 16 : i32
          %mul3A_443 = arith.muli %add3A_441, %mul3A_442 : i32
          %get3A_444 = arith.index_cast %mul3A_443 : i32 to index
          %get3A_445 = tpu.vector_load %arg8[%get3A_444] {strides = array<i32>} : memref<10080xi32, #tpu.memory_space<vmem>>, vector<16xi32>,
          %shift_right_logical3A_446 = arith.constant 14 : i32
          %shift_right_logical3A_447 = vector.broadcast %shift_right_logical3A_446 : i32 to vector<16xi32>
          %shift_right_logical3A_448 = arith.shrui %get3A_445, %shift_right_logical3A_447 : vector<16xi32>
          %and3A_449 = arith.constant 16383 : i32
          %and3A_450 = vector.broadcast %and3A_449 : i32 to vector<16xi32>
          %and3A_451 = arith.andi %get3A_445, %and3A_450 : vector<16xi32>
          %gather3A_452 = arith.constant 40960 : i32
          %gather3A_453 = tpu.memref_slice %arg6[%gather3A_452] : memref<51200xf32, #tpu.memory_space<vmem>> -> memref<10240xf32, #tpu.memory_space<vmem>>
          %gather3A_454 = tpu.vector_load_idx %gather3A_453[%shift_right_logical3A_448] : memref<10240xf32, #tpu.memory_space<vmem>>[vector<16xi32>], vector<16xf32>,
          %scatter3A_455 = arith.constant 40960 : i32
          %scatter3A_456 = tpu.memref_slice %arg7[%scatter3A_455] : memref<51200xf32, #tpu.memory_space<vmem>> -> memref<10240xf32, #tpu.memory_space<vmem>>
          tpu.vector_store_idx %scatter3A_456[%and3A_432], %gather3A_435 {add = true} : memref<10240xf32, #tpu.memory_space<vmem>>[vector<16xi32>], vector<16xf32>,
          %mul3A_457 = arith.constant 10 : i32
          %mul3A_458 = arith.muli %scan3A_310, %mul3A_457 : i32
          %add3A_459 = arith.constant 8 : i32
          %add3A_460 = arith.addi %mul3A_458, %add3A_459 : i32
          %mul3A_461 = arith.constant 16 : i32
          %mul3A_462 = arith.muli %add3A_460, %mul3A_461 : i32
          %get3A_463 = arith.index_cast %mul3A_462 : i32 to index
          %get3A_464 = tpu.vector_load %arg8[%get3A_463] {strides = array<i32>} : memref<10080xi32, #tpu.memory_space<vmem>>, vector<16xi32>,
          %shift_right_logical3A_465 = arith.constant 14 : i32
          %shift_right_logical3A_466 = vector.broadcast %shift_right_logical3A_465 : i32 to vector<16xi32>
          %shift_right_logical3A_467 = arith.shrui %get3A_464, %shift_right_logical3A_466 : vector<16xi32>
          %and3A_468 = arith.constant 16383 : i32
          %and3A_469 = vector.broadcast %and3A_468 : i32 to vector<16xi32>
          %and3A_470 = arith.andi %get3A_464, %and3A_469 : vector<16xi32>
          %gather3A_471 = arith.constant 40960 : i32
          %gather3A_472 = tpu.memref_slice %arg6[%gather3A_471] : memref<51200xf32, #tpu.memory_space<vmem>> -> memref<10240xf32, #tpu.memory_space<vmem>>
          %gather3A_473 = tpu.vector_load_idx %gather3A_472[%shift_right_logical3A_467] : memref<10240xf32, #tpu.memory_space<vmem>>[vector<16xi32>], vector<16xf32>,
          %scatter3A_474 = arith.constant 40960 : i32
          %scatter3A_475 = tpu.memref_slice %arg7[%scatter3A_474] : memref<51200xf32, #tpu.memory_space<vmem>> -> memref<10240xf32, #tpu.memory_space<vmem>>
          tpu.vector_store_idx %scatter3A_475[%and3A_451], %gather3A_454 {add = true} : memref<10240xf32, #tpu.memory_space<vmem>>[vector<16xi32>], vector<16xf32>,
          %mul3A_476 = arith.constant 10 : i32
          %mul3A_477 = arith.muli %scan3A_310, %mul3A_476 : i32
          %add3A_478 = arith.constant 9 : i32
          %add3A_479 = arith.addi %mul3A_477, %add3A_478 : i32
          %mul3A_480 = arith.constant 16 : i32
          %mul3A_481 = arith.muli %add3A_479, %mul3A_480 : i32
          %get3A_482 = arith.index_cast %mul3A_481 : i32 to index
          %get3A_483 = tpu.vector_load %arg8[%get3A_482] {strides = array<i32>} : memref<10080xi32, #tpu.memory_space<vmem>>, vector<16xi32>,
          %shift_right_logical3A_484 = arith.constant 14 : i32
          %shift_right_logical3A_485 = vector.broadcast %shift_right_logical3A_484 : i32 to vector<16xi32>
          %shift_right_logical3A_486 = arith.shrui %get3A_483, %shift_right_logical3A_485 : vector<16xi32>
          %and3A_487 = arith.constant 16383 : i32
          %and3A_488 = vector.broadcast %and3A_487 : i32 to vector<16xi32>
          %and3A_489 = arith.andi %get3A_483, %and3A_488 : vector<16xi32>
          %gather3A_490 = arith.constant 40960 : i32
          %gather3A_491 = tpu.memref_slice %arg6[%gather3A_490] : memref<51200xf32, #tpu.memory_space<vmem>> -> memref<10240xf32, #tpu.memory_space<vmem>>
          %gather3A_492 = tpu.vector_load_idx %gather3A_491[%shift_right_logical3A_486] : memref<10240xf32, #tpu.memory_space<vmem>>[vector<16xi32>], vector<16xf32>,
          %scatter3A_493 = arith.constant 40960 : i32
          %scatter3A_494 = tpu.memref_slice %arg7[%scatter3A_493] : memref<51200xf32, #tpu.memory_space<vmem>> -> memref<10240xf32, #tpu.memory_space<vmem>>
          tpu.vector_store_idx %scatter3A_494[%and3A_470], %gather3A_473 {add = true} : memref<10240xf32, #tpu.memory_space<vmem>>[vector<16xi32>], vector<16xf32>,
          %scatter3A_495 = arith.constant 40960 : i32
          %scatter3A_496 = tpu.memref_slice %arg7[%scatter3A_495] : memref<51200xf32, #tpu.memory_space<vmem>> -> memref<10240xf32, #tpu.memory_space<vmem>>
          tpu.vector_store_idx %scatter3A_496[%and3A_489], %gather3A_492 {add = true} : memref<10240xf32, #tpu.memory_space<vmem>>[vector<16xi32>], vector<16xf32>,
          %scan3A_497 = arith.constant 0 : i32
          scf.yield %scan3A_497 : i32
        }
        %scan3A_309 = arith.constant 63 : i32
      } else {
      }
      %lt3A = arith.constant 15 : i32
      %lt3A_274 = arith.cmpi slt, %scan3A_244, %lt3A : i32
      %convert_element_type3A_275 = arith.extui %lt3A_274 : i1 to i32
      %cond3A_276 = arith.constant 0 : i32
      %cond3A_277 = arith.cmpi ne, %convert_element_type3A_275, %cond3A_276 : i32
      scf.if %cond3A_277 {
        %mul3A_303 = arith.constant 2 : i32
        %mul3A_304 = arith.muli %mul3A_303, %scan3A_244 : i32
        %add3A_305 = arith.constant 2 : i32
        %add3A_306 = arith.addi %mul3A_304, %add3A_305 : i32
        %dma_start3A_307 = arith.constant 0 : i32
        %dma_start3A_308 = tpu.memref_slice %arg3[%add3A_306, %dma_start3A_307] : memref<32x10080xi32, #tpu.memory_space<hbm>> -> memref<1x10080xi32, #tpu.memory_space<hbm>>
        %dma_start3A_309 = tpu.memref_squeeze %dma_start3A_308 : memref<1x10080xi32, #tpu.memory_space<hbm>> -> memref<10080xi32, #tpu.memory_space<hbm>>
        %dma_start3A_310 = arith.constant 0 : i32
        %dma_start3A_311 = tpu.memref_slice %arg3[%add3A_306, %dma_start3A_310] : memref<32x10080xi32, #tpu.memory_space<hbm>> -> memref<1x10080xi32, #tpu.memory_space<hbm>>
        %dma_start3A_312 = tpu.memref_squeeze %dma_start3A_311 : memref<1x10080xi32, #tpu.memory_space<hbm>> -> memref<10080xi32, #tpu.memory_space<hbm>>
        tpu.enqueue_dma source(%dma_start3A_312 : memref<10080xi32, #tpu.memory_space<hbm>>) target(%arg8 : memref<10080xi32, #tpu.memory_space<vmem>>) target_semaphore(%arg10 : memref<!tpu.dma_semaphore, #tpu.memory_space<semaphore_mem>>)
      } else {
      }
      %dma_wait3A_278 = arith.constant 0 : i32
      %dma_wait3A_279 = arith.constant 0 : i32
      %dma_wait3A_280 = tpu.memref_slice %arg3[%dma_wait3A_278, %dma_wait3A_279] : memref<32x10080xi32, #tpu.memory_space<hbm>> -> memref<1x10080xi32, #tpu.memory_space<hbm>>
      %dma_wait3A_281 = tpu.memref_squeeze %dma_wait3A_280 : memref<1x10080xi32, #tpu.memory_space<hbm>> -> memref<10080xi32, #tpu.memory_space<hbm>>
      %dma_wait3A_282 = arith.constant 0 : i32
      %dma_wait3A_283 = tpu.memref_slice %arg3[%dma_wait3A_278, %dma_wait3A_282] : memref<32x10080xi32, #tpu.memory_space<hbm>> -> memref<1x10080xi32, #tpu.memory_space<hbm>>
      %dma_wait3A_284 = tpu.memref_squeeze %dma_wait3A_283 : memref<1x10080xi32, #tpu.memory_space<hbm>> -> memref<10080xi32, #tpu.memory_space<hbm>>
      tpu.wait_dma2 semaphore(%arg11 : memref<!tpu.dma_semaphore, #tpu.memory_space<semaphore_mem>>) src(%dma_wait3A_284 : memref<10080xi32, #tpu.memory_space<hbm>>) dst(%arg9 : memref<10080xi32, #tpu.memory_space<vmem>>)
      %mul3A_285 = arith.constant 2 : i32
      %mul3A_286 = arith.muli %mul3A_285, %scan3A_244 : i32
      %add3A_287 = arith.constant 1 : i32
      %add3A_288 = arith.addi %mul3A_286, %add3A_287 : i32
      %scan3A_289 = arith.constant 0 : i32
      %scan3A_290 = arith.constant 0 : i32
      %scan3A_291 = arith.constant 63 : i32
      %scan3A_292 = arith.addi %scan3A_290, %scan3A_291 : i32
      %scan3A_293 = arith.constant 1 : i32
      %scan3A_294 = scf.for %scan3A_303 = %scan3A_290 to %scan3A_292 step %scan3A_293 iter_args(%scan3A_304 = %scan3A_289) -> (i32)  : i32 {
        %mul3A_305 = arith.constant 10 : i32
        %mul3A_306 = arith.muli %scan3A_303, %mul3A_305 : i32
        %add3A_307 = arith.constant 0 : i32
        %add3A_308 = arith.addi %mul3A_306, %add3A_307 : i32
        %mul3A_309 = arith.constant 16 : i32
        %mul3A_310 = arith.muli %add3A_308, %mul3A_309 : i32
        %get3A = arith.index_cast %mul3A_310 : i32 to index
        %get3A_311 = tpu.vector_load %arg9[%get3A] {strides = array<i32>} : memref<10080xi32, #tpu.memory_space<vmem>>, vector<16xi32>,
        %shift_right_logical3A = arith.constant 14 : i32
        %shift_right_logical3A_312 = vector.broadcast %shift_right_logical3A : i32 to vector<16xi32>
        %shift_right_logical3A_313 = arith.shrui %get3A_311, %shift_right_logical3A_312 : vector<16xi32>
        %and3A = arith.constant 16383 : i32
        %and3A_314 = vector.broadcast %and3A : i32 to vector<16xi32>
        %and3A_315 = arith.andi %get3A_311, %and3A_314 : vector<16xi32>
        %mul3A_316 = arith.constant 10 : i32
        %mul3A_317 = arith.muli %scan3A_303, %mul3A_316 : i32
        %add3A_318 = arith.constant 1 : i32
        %add3A_319 = arith.addi %mul3A_317, %add3A_318 : i32
        %mul3A_320 = arith.constant 16 : i32
        %mul3A_321 = arith.muli %add3A_319, %mul3A_320 : i32
        %get3A_322 = arith.index_cast %mul3A_321 : i32 to index
        %get3A_323 = tpu.vector_load %arg9[%get3A_322] {strides = array<i32>} : memref<10080xi32, #tpu.memory_space<vmem>>, vector<16xi32>,
        %shift_right_logical3A_324 = arith.constant 14 : i32
        %shift_right_logical3A_325 = vector.broadcast %shift_right_logical3A_324 : i32 to vector<16xi32>
        %shift_right_logical3A_326 = arith.shrui %get3A_323, %shift_right_logical3A_325 : vector<16xi32>
        %and3A_327 = arith.constant 16383 : i32
        %and3A_328 = vector.broadcast %and3A_327 : i32 to vector<16xi32>
        %and3A_329 = arith.andi %get3A_323, %and3A_328 : vector<16xi32>
        %mul3A_330 = arith.constant 10 : i32
        %mul3A_331 = arith.muli %scan3A_303, %mul3A_330 : i32
        %add3A_332 = arith.constant 2 : i32
        %add3A_333 = arith.addi %mul3A_331, %add3A_332 : i32
        %mul3A_334 = arith.constant 16 : i32
        %mul3A_335 = arith.muli %add3A_333, %mul3A_334 : i32
        %get3A_336 = arith.index_cast %mul3A_335 : i32 to index
        %get3A_337 = tpu.vector_load %arg9[%get3A_336] {strides = array<i32>} : memref<10080xi32, #tpu.memory_space<vmem>>, vector<16xi32>,
        %shift_right_logical3A_338 = arith.constant 14 : i32
        %shift_right_logical3A_339 = vector.broadcast %shift_right_logical3A_338 : i32 to vector<16xi32>
        %shift_right_logical3A_340 = arith.shrui %get3A_337, %shift_right_logical3A_339 : vector<16xi32>
        %and3A_341 = arith.constant 16383 : i32
        %and3A_342 = vector.broadcast %and3A_341 : i32 to vector<16xi32>
        %and3A_343 = arith.andi %get3A_337, %and3A_342 : vector<16xi32>
        %mul3A_344 = arith.constant 10 : i32
        %mul3A_345 = arith.muli %scan3A_303, %mul3A_344 : i32
        %add3A_346 = arith.constant 3 : i32
        %add3A_347 = arith.addi %mul3A_345, %add3A_346 : i32
        %mul3A_348 = arith.constant 16 : i32
        %mul3A_349 = arith.muli %add3A_347, %mul3A_348 : i32
        %get3A_350 = arith.index_cast %mul3A_349 : i32 to index
        %get3A_351 = tpu.vector_load %arg9[%get3A_350] {strides = array<i32>} : memref<10080xi32, #tpu.memory_space<vmem>>, vector<16xi32>,
        %shift_right_logical3A_352 = arith.constant 14 : i32
        %shift_right_logical3A_353 = vector.broadcast %shift_right_logical3A_352 : i32 to vector<16xi32>
        %shift_right_logical3A_354 = arith.shrui %get3A_351, %shift_right_logical3A_353 : vector<16xi32>
        %and3A_355 = arith.constant 16383 : i32
        %and3A_356 = vector.broadcast %and3A_355 : i32 to vector<16xi32>
        %and3A_357 = arith.andi %get3A_351, %and3A_356 : vector<16xi32>
        %mul3A_358 = arith.constant 10 : i32
        %mul3A_359 = arith.muli %scan3A_303, %mul3A_358 : i32
        %add3A_360 = arith.constant 4 : i32
        %add3A_361 = arith.addi %mul3A_359, %add3A_360 : i32
        %mul3A_362 = arith.constant 16 : i32
        %mul3A_363 = arith.muli %add3A_361, %mul3A_362 : i32
        %get3A_364 = arith.index_cast %mul3A_363 : i32 to index
        %get3A_365 = tpu.vector_load %arg9[%get3A_364] {strides = array<i32>} : memref<10080xi32, #tpu.memory_space<vmem>>, vector<16xi32>,
        %shift_right_logical3A_366 = arith.constant 14 : i32
        %shift_right_logical3A_367 = vector.broadcast %shift_right_logical3A_366 : i32 to vector<16xi32>
        %shift_right_logical3A_368 = arith.shrui %get3A_365, %shift_right_logical3A_367 : vector<16xi32>
        %and3A_369 = arith.constant 16383 : i32
        %and3A_370 = vector.broadcast %and3A_369 : i32 to vector<16xi32>
        %and3A_371 = arith.andi %get3A_365, %and3A_370 : vector<16xi32>
        %mul3A_372 = arith.constant 10 : i32
        %mul3A_373 = arith.muli %scan3A_303, %mul3A_372 : i32
        %add3A_374 = arith.constant 5 : i32
        %add3A_375 = arith.addi %mul3A_373, %add3A_374 : i32
        %mul3A_376 = arith.constant 16 : i32
        %mul3A_377 = arith.muli %add3A_375, %mul3A_376 : i32
        %get3A_378 = arith.index_cast %mul3A_377 : i32 to index
        %get3A_379 = tpu.vector_load %arg9[%get3A_378] {strides = array<i32>} : memref<10080xi32, #tpu.memory_space<vmem>>, vector<16xi32>,
        %shift_right_logical3A_380 = arith.constant 14 : i32
        %shift_right_logical3A_381 = vector.broadcast %shift_right_logical3A_380 : i32 to vector<16xi32>
        %shift_right_logical3A_382 = arith.shrui %get3A_379, %shift_right_logical3A_381 : vector<16xi32>
        %and3A_383 = arith.constant 16383 : i32
        %and3A_384 = vector.broadcast %and3A_383 : i32 to vector<16xi32>
        %and3A_385 = arith.andi %get3A_379, %and3A_384 : vector<16xi32>
        %mul3A_386 = arith.constant 10 : i32
        %mul3A_387 = arith.muli %scan3A_303, %mul3A_386 : i32
        %add3A_388 = arith.constant 6 : i32
        %add3A_389 = arith.addi %mul3A_387, %add3A_388 : i32
        %mul3A_390 = arith.constant 16 : i32
        %mul3A_391 = arith.muli %add3A_389, %mul3A_390 : i32
        %get3A_392 = arith.index_cast %mul3A_391 : i32 to index
        %get3A_393 = tpu.vector_load %arg9[%get3A_392] {strides = array<i32>} : memref<10080xi32, #tpu.memory_space<vmem>>, vector<16xi32>,
        %shift_right_logical3A_394 = arith.constant 14 : i32
        %shift_right_logical3A_395 = vector.broadcast %shift_right_logical3A_394 : i32 to vector<16xi32>
        %shift_right_logical3A_396 = arith.shrui %get3A_393, %shift_right_logical3A_395 : vector<16xi32>
        %and3A_397 = arith.constant 16383 : i32
        %and3A_398 = vector.broadcast %and3A_397 : i32 to vector<16xi32>
        %and3A_399 = arith.andi %get3A_393, %and3A_398 : vector<16xi32>
        %mul3A_400 = arith.constant 10 : i32
        %mul3A_401 = arith.muli %scan3A_303, %mul3A_400 : i32
        %add3A_402 = arith.constant 7 : i32
        %add3A_403 = arith.addi %mul3A_401, %add3A_402 : i32
        %mul3A_404 = arith.constant 16 : i32
        %mul3A_405 = arith.muli %add3A_403, %mul3A_404 : i32
        %get3A_406 = arith.index_cast %mul3A_405 : i32 to index
        %get3A_407 = tpu.vector_load %arg9[%get3A_406] {strides = array<i32>} : memref<10080xi32, #tpu.memory_space<vmem>>, vector<16xi32>,
        %shift_right_logical3A_408 = arith.constant 14 : i32
        %shift_right_logical3A_409 = vector.broadcast %shift_right_logical3A_408 : i32 to vector<16xi32>
        %shift_right_logical3A_410 = arith.shrui %get3A_407, %shift_right_logical3A_409 : vector<16xi32>
        %and3A_411 = arith.constant 16383 : i32
        %and3A_412 = vector.broadcast %and3A_411 : i32 to vector<16xi32>
        %and3A_413 = arith.andi %get3A_407, %and3A_412 : vector<16xi32>
        %mul3A_414 = arith.constant 10 : i32
        %mul3A_415 = arith.muli %scan3A_303, %mul3A_414 : i32
        %add3A_416 = arith.constant 8 : i32
        %add3A_417 = arith.addi %mul3A_415, %add3A_416 : i32
        %mul3A_418 = arith.constant 16 : i32
        %mul3A_419 = arith.muli %add3A_417, %mul3A_418 : i32
        %get3A_420 = arith.index_cast %mul3A_419 : i32 to index
        %get3A_421 = tpu.vector_load %arg9[%get3A_420] {strides = array<i32>} : memref<10080xi32, #tpu.memory_space<vmem>>, vector<16xi32>,
        %shift_right_logical3A_422 = arith.constant 14 : i32
        %shift_right_logical3A_423 = vector.broadcast %shift_right_logical3A_422 : i32 to vector<16xi32>
        %shift_right_logical3A_424 = arith.shrui %get3A_421, %shift_right_logical3A_423 : vector<16xi32>
        %and3A_425 = arith.constant 16383 : i32
        %and3A_426 = vector.broadcast %and3A_425 : i32 to vector<16xi32>
        %and3A_427 = arith.andi %get3A_421, %and3A_426 : vector<16xi32>
        %mul3A_428 = arith.constant 10 : i32
        %mul3A_429 = arith.muli %scan3A_303, %mul3A_428 : i32
        %add3A_430 = arith.constant 9 : i32
        %add3A_431 = arith.addi %mul3A_429, %add3A_430 : i32
        %mul3A_432 = arith.constant 16 : i32
        %mul3A_433 = arith.muli %add3A_431, %mul3A_432 : i32
        %get3A_434 = arith.index_cast %mul3A_433 : i32 to index
        %get3A_435 = tpu.vector_load %arg9[%get3A_434] {strides = array<i32>} : memref<10080xi32, #tpu.memory_space<vmem>>, vector<16xi32>,
        %shift_right_logical3A_436 = arith.constant 14 : i32
        %shift_right_logical3A_437 = vector.broadcast %shift_right_logical3A_436 : i32 to vector<16xi32>
        %shift_right_logical3A_438 = arith.shrui %get3A_435, %shift_right_logical3A_437 : vector<16xi32>
        %and3A_439 = arith.constant 16383 : i32
        %and3A_440 = vector.broadcast %and3A_439 : i32 to vector<16xi32>
        %and3A_441 = arith.andi %get3A_435, %and3A_440 : vector<16xi32>
        %gather3A = arith.constant 0 : i32
        %gather3A_442 = tpu.memref_slice %arg6[%gather3A] : memref<51200xf32, #tpu.memory_space<vmem>> -> memref<10240xf32, #tpu.memory_space<vmem>>
        %gather3A_443 = tpu.vector_load_idx %gather3A_442[%shift_right_logical3A_313] : memref<10240xf32, #tpu.memory_space<vmem>>[vector<16xi32>], vector<16xf32>,
        %gather3A_444 = arith.constant 10240 : i32
        %gather3A_445 = tpu.memref_slice %arg6[%gather3A_444] : memref<51200xf32, #tpu.memory_space<vmem>> -> memref<10240xf32, #tpu.memory_space<vmem>>
        %gather3A_446 = tpu.vector_load_idx %gather3A_445[%shift_right_logical3A_313] : memref<10240xf32, #tpu.memory_space<vmem>>[vector<16xi32>], vector<16xf32>,
        %gather3A_447 = arith.constant 20480 : i32
        %gather3A_448 = tpu.memref_slice %arg6[%gather3A_447] : memref<51200xf32, #tpu.memory_space<vmem>> -> memref<10240xf32, #tpu.memory_space<vmem>>
        %gather3A_449 = tpu.vector_load_idx %gather3A_448[%shift_right_logical3A_313] : memref<10240xf32, #tpu.memory_space<vmem>>[vector<16xi32>], vector<16xf32>,
        %gather3A_450 = arith.constant 30720 : i32
        %gather3A_451 = tpu.memref_slice %arg6[%gather3A_450] : memref<51200xf32, #tpu.memory_space<vmem>> -> memref<10240xf32, #tpu.memory_space<vmem>>
        %gather3A_452 = tpu.vector_load_idx %gather3A_451[%shift_right_logical3A_313] : memref<10240xf32, #tpu.memory_space<vmem>>[vector<16xi32>], vector<16xf32>,
        %gather3A_453 = arith.constant 0 : i32
        %gather3A_454 = tpu.memref_slice %arg6[%gather3A_453] : memref<51200xf32, #tpu.memory_space<vmem>> -> memref<10240xf32, #tpu.memory_space<vmem>>
        %gather3A_455 = tpu.vector_load_idx %gather3A_454[%shift_right_logical3A_326] : memref<10240xf32, #tpu.memory_space<vmem>>[vector<16xi32>], vector<16xf32>,
        %gather3A_456 = arith.constant 10240 : i32
        %gather3A_457 = tpu.memref_slice %arg6[%gather3A_456] : memref<51200xf32, #tpu.memory_space<vmem>> -> memref<10240xf32, #tpu.memory_space<vmem>>
        %gather3A_458 = tpu.vector_load_idx %gather3A_457[%shift_right_logical3A_326] : memref<10240xf32, #tpu.memory_space<vmem>>[vector<16xi32>], vector<16xf32>,
        %gather3A_459 = arith.constant 20480 : i32
        %gather3A_460 = tpu.memref_slice %arg6[%gather3A_459] : memref<51200xf32, #tpu.memory_space<vmem>> -> memref<10240xf32, #tpu.memory_space<vmem>>
        %gather3A_461 = tpu.vector_load_idx %gather3A_460[%shift_right_logical3A_326] : memref<10240xf32, #tpu.memory_space<vmem>>[vector<16xi32>], vector<16xf32>,
        %gather3A_462 = arith.constant 30720 : i32
        %gather3A_463 = tpu.memref_slice %arg6[%gather3A_462] : memref<51200xf32, #tpu.memory_space<vmem>> -> memref<10240xf32, #tpu.memory_space<vmem>>
        %gather3A_464 = tpu.vector_load_idx %gather3A_463[%shift_right_logical3A_326] : memref<10240xf32, #tpu.memory_space<vmem>>[vector<16xi32>], vector<16xf32>,
        %scatter3A = arith.constant 0 : i32
        %scatter3A_465 = tpu.memref_slice %arg7[%scatter3A] : memref<51200xf32, #tpu.memory_space<vmem>> -> memref<10240xf32, #tpu.memory_space<vmem>>
        tpu.vector_store_idx %scatter3A_465[%and3A_315], %gather3A_443 {add = true} : memref<10240xf32, #tpu.memory_space<vmem>>[vector<16xi32>], vector<16xf32>,
        %scatter3A_466 = arith.constant 10240 : i32
        %scatter3A_467 = tpu.memref_slice %arg7[%scatter3A_466] : memref<51200xf32, #tpu.memory_space<vmem>> -> memref<10240xf32, #tpu.memory_space<vmem>>
        tpu.vector_store_idx %scatter3A_467[%and3A_315], %gather3A_446 {add = true} : memref<10240xf32, #tpu.memory_space<vmem>>[vector<16xi32>], vector<16xf32>,
        %scatter3A_468 = arith.constant 20480 : i32
        %scatter3A_469 = tpu.memref_slice %arg7[%scatter3A_468] : memref<51200xf32, #tpu.memory_space<vmem>> -> memref<10240xf32, #tpu.memory_space<vmem>>
        tpu.vector_store_idx %scatter3A_469[%and3A_315], %gather3A_449 {add = true} : memref<10240xf32, #tpu.memory_space<vmem>>[vector<16xi32>], vector<16xf32>,
        %scatter3A_470 = arith.constant 30720 : i32
        %scatter3A_471 = tpu.memref_slice %arg7[%scatter3A_470] : memref<51200xf32, #tpu.memory_space<vmem>> -> memref<10240xf32, #tpu.memory_space<vmem>>
        tpu.vector_store_idx %scatter3A_471[%and3A_315], %gather3A_452 {add = true} : memref<10240xf32, #tpu.memory_space<vmem>>[vector<16xi32>], vector<16xf32>,
        %gather3A_472 = arith.constant 0 : i32
        %gather3A_473 = tpu.memref_slice %arg6[%gather3A_472] : memref<51200xf32, #tpu.memory_space<vmem>> -> memref<10240xf32, #tpu.memory_space<vmem>>
        %gather3A_474 = tpu.vector_load_idx %gather3A_473[%shift_right_logical3A_340] : memref<10240xf32, #tpu.memory_space<vmem>>[vector<16xi32>], vector<16xf32>,
        %gather3A_475 = arith.constant 10240 : i32
        %gather3A_476 = tpu.memref_slice %arg6[%gather3A_475] : memref<51200xf32, #tpu.memory_space<vmem>> -> memref<10240xf32, #tpu.memory_space<vmem>>
        %gather3A_477 = tpu.vector_load_idx %gather3A_476[%shift_right_logical3A_340] : memref<10240xf32, #tpu.memory_space<vmem>>[vector<16xi32>], vector<16xf32>,
        %gather3A_478 = arith.constant 20480 : i32
        %gather3A_479 = tpu.memref_slice %arg6[%gather3A_478] : memref<51200xf32, #tpu.memory_space<vmem>> -> memref<10240xf32, #tpu.memory_space<vmem>>
        %gather3A_480 = tpu.vector_load_idx %gather3A_479[%shift_right_logical3A_340] : memref<10240xf32, #tpu.memory_space<vmem>>[vector<16xi32>], vector<16xf32>,
        %gather3A_481 = arith.constant 30720 : i32
        %gather3A_482 = tpu.memref_slice %arg6[%gather3A_481] : memref<51200xf32, #tpu.memory_space<vmem>> -> memref<10240xf32, #tpu.memory_space<vmem>>
        %gather3A_483 = tpu.vector_load_idx %gather3A_482[%shift_right_logical3A_340] : memref<10240xf32, #tpu.memory_space<vmem>>[vector<16xi32>], vector<16xf32>,
        %scatter3A_484 = arith.constant 0 : i32
        %scatter3A_485 = tpu.memref_slice %arg7[%scatter3A_484] : memref<51200xf32, #tpu.memory_space<vmem>> -> memref<10240xf32, #tpu.memory_space<vmem>>
        tpu.vector_store_idx %scatter3A_485[%and3A_329], %gather3A_455 {add = true} : memref<10240xf32, #tpu.memory_space<vmem>>[vector<16xi32>], vector<16xf32>,
        %scatter3A_486 = arith.constant 10240 : i32
        %scatter3A_487 = tpu.memref_slice %arg7[%scatter3A_486] : memref<51200xf32, #tpu.memory_space<vmem>> -> memref<10240xf32, #tpu.memory_space<vmem>>
        tpu.vector_store_idx %scatter3A_487[%and3A_329], %gather3A_458 {add = true} : memref<10240xf32, #tpu.memory_space<vmem>>[vector<16xi32>], vector<16xf32>,
        %scatter3A_488 = arith.constant 20480 : i32
        %scatter3A_489 = tpu.memref_slice %arg7[%scatter3A_488] : memref<51200xf32, #tpu.memory_space<vmem>> -> memref<10240xf32, #tpu.memory_space<vmem>>
        tpu.vector_store_idx %scatter3A_489[%and3A_329], %gather3A_461 {add = true} : memref<10240xf32, #tpu.memory_space<vmem>>[vector<16xi32>], vector<16xf32>,
        %scatter3A_490 = arith.constant 30720 : i32
        %scatter3A_491 = tpu.memref_slice %arg7[%scatter3A_490] : memref<51200xf32, #tpu.memory_space<vmem>> -> memref<10240xf32, #tpu.memory_space<vmem>>
        tpu.vector_store_idx %scatter3A_491[%and3A_329], %gather3A_464 {add = true} : memref<10240xf32, #tpu.memory_space<vmem>>[vector<16xi32>], vector<16xf32>,
        %gather3A_492 = arith.constant 0 : i32
        %gather3A_493 = tpu.memref_slice %arg6[%gather3A_492] : memref<51200xf32, #tpu.memory_space<vmem>> -> memref<10240xf32, #tpu.memory_space<vmem>>
        %gather3A_494 = tpu.vector_load_idx %gather3A_493[%shift_right_logical3A_354] : memref<10240xf32, #tpu.memory_space<vmem>>[vector<16xi32>], vector<16xf32>,
        %gather3A_495 = arith.constant 10240 : i32
        %gather3A_496 = tpu.memref_slice %arg6[%gather3A_495] : memref<51200xf32, #tpu.memory_space<vmem>> -> memref<10240xf32, #tpu.memory_space<vmem>>
        %gather3A_497 = tpu.vector_load_idx %gather3A_496[%shift_right_logical3A_354] : memref<10240xf32, #tpu.memory_space<vmem>>[vector<16xi32>], vector<16xf32>,
        %gather3A_498 = arith.constant 20480 : i32
        %gather3A_499 = tpu.memref_slice %arg6[%gather3A_498] : memref<51200xf32, #tpu.memory_space<vmem>> -> memref<10240xf32, #tpu.memory_space<vmem>>
        %gather3A_500 = tpu.vector_load_idx %gather3A_499[%shift_right_logical3A_354] : memref<10240xf32, #tpu.memory_space<vmem>>[vector<16xi32>], vector<16xf32>,
        %gather3A_501 = arith.constant 30720 : i32
        %gather3A_502 = tpu.memref_slice %arg6[%gather3A_501] : memref<51200xf32, #tpu.memory_space<vmem>> -> memref<10240xf32, #tpu.memory_space<vmem>>
        %gather3A_503 = tpu.vector_load_idx %gather3A_502[%shift_right_logical3A_354] : memref<10240xf32, #tpu.memory_space<vmem>>[vector<16xi32>], vector<16xf32>,
        %scatter3A_504 = arith.constant 0 : i32
        %scatter3A_505 = tpu.memref_slice %arg7[%scatter3A_504] : memref<51200xf32, #tpu.memory_space<vmem>> -> memref<10240xf32, #tpu.memory_space<vmem>>
        tpu.vector_store_idx %scatter3A_505[%and3A_343], %gather3A_474 {add = true} : memref<10240xf32, #tpu.memory_space<vmem>>[vector<16xi32>], vector<16xf32>,
        %scatter3A_506 = arith.constant 10240 : i32
        %scatter3A_507 = tpu.memref_slice %arg7[%scatter3A_506] : memref<51200xf32, #tpu.memory_space<vmem>> -> memref<10240xf32, #tpu.memory_space<vmem>>
        tpu.vector_store_idx %scatter3A_507[%and3A_343], %gather3A_477 {add = true} : memref<10240xf32, #tpu.memory_space<vmem>>[vector<16xi32>], vector<16xf32>,
        %scatter3A_508 = arith.constant 20480 : i32
        %scatter3A_509 = tpu.memref_slice %arg7[%scatter3A_508] : memref<51200xf32, #tpu.memory_space<vmem>> -> memref<10240xf32, #tpu.memory_space<vmem>>
        tpu.vector_store_idx %scatter3A_509[%and3A_343], %gather3A_480 {add = true} : memref<10240xf32, #tpu.memory_space<vmem>>[vector<16xi32>], vector<16xf32>,
        %scatter3A_510 = arith.constant 30720 : i32
        %scatter3A_511 = tpu.memref_slice %arg7[%scatter3A_510] : memref<51200xf32, #tpu.memory_space<vmem>> -> memref<10240xf32, #tpu.memory_space<vmem>>
        tpu.vector_store_idx %scatter3A_511[%and3A_343], %gather3A_483 {add = true} : memref<10240xf32, #tpu.memory_space<vmem>>[vector<16xi32>], vector<16xf32>,
        %gather3A_512 = arith.constant 0 : i32
        %gather3A_513 = tpu.memref_slice %arg6[%gather3A_512] : memref<51200xf32, #tpu.memory_space<vmem>> -> memref<10240xf32, #tpu.memory_space<vmem>>
        %gather3A_514 = tpu.vector_load_idx %gather3A_513[%shift_right_logical3A_368] : memref<10240xf32, #tpu.memory_space<vmem>>[vector<16xi32>], vector<16xf32>,
        %gather3A_515 = arith.constant 10240 : i32
        %gather3A_516 = tpu.memref_slice %arg6[%gather3A_515] : memref<51200xf32, #tpu.memory_space<vmem>> -> memref<10240xf32, #tpu.memory_space<vmem>>
        %gather3A_517 = tpu.vector_load_idx %gather3A_516[%shift_right_logical3A_368] : memref<10240xf32, #tpu.memory_space<vmem>>[vector<16xi32>], vector<16xf32>,
        %gather3A_518 = arith.constant 20480 : i32
        %gather3A_519 = tpu.memref_slice %arg6[%gather3A_518] : memref<51200xf32, #tpu.memory_space<vmem>> -> memref<10240xf32, #tpu.memory_space<vmem>>
        %gather3A_520 = tpu.vector_load_idx %gather3A_519[%shift_right_logical3A_368] : memref<10240xf32, #tpu.memory_space<vmem>>[vector<16xi32>], vector<16xf32>,
        %gather3A_521 = arith.constant 30720 : i32
        %gather3A_522 = tpu.memref_slice %arg6[%gather3A_521] : memref<51200xf32, #tpu.memory_space<vmem>> -> memref<10240xf32, #tpu.memory_space<vmem>>
        %gather3A_523 = tpu.vector_load_idx %gather3A_522[%shift_right_logical3A_368] : memref<10240xf32, #tpu.memory_space<vmem>>[vector<16xi32>], vector<16xf32>,
        %scatter3A_524 = arith.constant 0 : i32
        %scatter3A_525 = tpu.memref_slice %arg7[%scatter3A_524] : memref<51200xf32, #tpu.memory_space<vmem>> -> memref<10240xf32, #tpu.memory_space<vmem>>
        tpu.vector_store_idx %scatter3A_525[%and3A_357], %gather3A_494 {add = true} : memref<10240xf32, #tpu.memory_space<vmem>>[vector<16xi32>], vector<16xf32>,
        %scatter3A_526 = arith.constant 10240 : i32
        %scatter3A_527 = tpu.memref_slice %arg7[%scatter3A_526] : memref<51200xf32, #tpu.memory_space<vmem>> -> memref<10240xf32, #tpu.memory_space<vmem>>
        tpu.vector_store_idx %scatter3A_527[%and3A_357], %gather3A_497 {add = true} : memref<10240xf32, #tpu.memory_space<vmem>>[vector<16xi32>], vector<16xf32>,
        %scatter3A_528 = arith.constant 20480 : i32
        %scatter3A_529 = tpu.memref_slice %arg7[%scatter3A_528] : memref<51200xf32, #tpu.memory_space<vmem>> -> memref<10240xf32, #tpu.memory_space<vmem>>
        tpu.vector_store_idx %scatter3A_529[%and3A_357], %gather3A_500 {add = true} : memref<10240xf32, #tpu.memory_space<vmem>>[vector<16xi32>], vector<16xf32>,
        %scatter3A_530 = arith.constant 30720 : i32
        %scatter3A_531 = tpu.memref_slice %arg7[%scatter3A_530] : memref<51200xf32, #tpu.memory_space<vmem>> -> memref<10240xf32, #tpu.memory_space<vmem>>
        tpu.vector_store_idx %scatter3A_531[%and3A_357], %gather3A_503 {add = true} : memref<10240xf32, #tpu.memory_space<vmem>>[vector<16xi32>], vector<16xf32>,
        %gather3A_532 = arith.constant 0 : i32
        %gather3A_533 = tpu.memref_slice %arg6[%gather3A_532] : memref<51200xf32, #tpu.memory_space<vmem>> -> memref<10240xf32, #tpu.memory_space<vmem>>
        %gather3A_534 = tpu.vector_load_idx %gather3A_533[%shift_right_logical3A_382] : memref<10240xf32, #tpu.memory_space<vmem>>[vector<16xi32>], vector<16xf32>,
        %gather3A_535 = arith.constant 10240 : i32
        %gather3A_536 = tpu.memref_slice %arg6[%gather3A_535] : memref<51200xf32, #tpu.memory_space<vmem>> -> memref<10240xf32, #tpu.memory_space<vmem>>
        %gather3A_537 = tpu.vector_load_idx %gather3A_536[%shift_right_logical3A_382] : memref<10240xf32, #tpu.memory_space<vmem>>[vector<16xi32>], vector<16xf32>,
        %gather3A_538 = arith.constant 20480 : i32
        %gather3A_539 = tpu.memref_slice %arg6[%gather3A_538] : memref<51200xf32, #tpu.memory_space<vmem>> -> memref<10240xf32, #tpu.memory_space<vmem>>
        %gather3A_540 = tpu.vector_load_idx %gather3A_539[%shift_right_logical3A_382] : memref<10240xf32, #tpu.memory_space<vmem>>[vector<16xi32>], vector<16xf32>,
        %gather3A_541 = arith.constant 30720 : i32
        %gather3A_542 = tpu.memref_slice %arg6[%gather3A_541] : memref<51200xf32, #tpu.memory_space<vmem>> -> memref<10240xf32, #tpu.memory_space<vmem>>
        %gather3A_543 = tpu.vector_load_idx %gather3A_542[%shift_right_logical3A_382] : memref<10240xf32, #tpu.memory_space<vmem>>[vector<16xi32>], vector<16xf32>,
        %scatter3A_544 = arith.constant 0 : i32
        %scatter3A_545 = tpu.memref_slice %arg7[%scatter3A_544] : memref<51200xf32, #tpu.memory_space<vmem>> -> memref<10240xf32, #tpu.memory_space<vmem>>
        tpu.vector_store_idx %scatter3A_545[%and3A_371], %gather3A_514 {add = true} : memref<10240xf32, #tpu.memory_space<vmem>>[vector<16xi32>], vector<16xf32>,
        %scatter3A_546 = arith.constant 10240 : i32
        %scatter3A_547 = tpu.memref_slice %arg7[%scatter3A_546] : memref<51200xf32, #tpu.memory_space<vmem>> -> memref<10240xf32, #tpu.memory_space<vmem>>
        tpu.vector_store_idx %scatter3A_547[%and3A_371], %gather3A_517 {add = true} : memref<10240xf32, #tpu.memory_space<vmem>>[vector<16xi32>], vector<16xf32>,
        %scatter3A_548 = arith.constant 20480 : i32
        %scatter3A_549 = tpu.memref_slice %arg7[%scatter3A_548] : memref<51200xf32, #tpu.memory_space<vmem>> -> memref<10240xf32, #tpu.memory_space<vmem>>
        tpu.vector_store_idx %scatter3A_549[%and3A_371], %gather3A_520 {add = true} : memref<10240xf32, #tpu.memory_space<vmem>>[vector<16xi32>], vector<16xf32>,
        %scatter3A_550 = arith.constant 30720 : i32
        %scatter3A_551 = tpu.memref_slice %arg7[%scatter3A_550] : memref<51200xf32, #tpu.memory_space<vmem>> -> memref<10240xf32, #tpu.memory_space<vmem>>
        tpu.vector_store_idx %scatter3A_551[%and3A_371], %gather3A_523 {add = true} : memref<10240xf32, #tpu.memory_space<vmem>>[vector<16xi32>], vector<16xf32>,
        %gather3A_552 = arith.constant 0 : i32
        %gather3A_553 = tpu.memref_slice %arg6[%gather3A_552] : memref<51200xf32, #tpu.memory_space<vmem>> -> memref<10240xf32, #tpu.memory_space<vmem>>
        %gather3A_554 = tpu.vector_load_idx %gather3A_553[%shift_right_logical3A_396] : memref<10240xf32, #tpu.memory_space<vmem>>[vector<16xi32>], vector<16xf32>,
        %gather3A_555 = arith.constant 10240 : i32
        %gather3A_556 = tpu.memref_slice %arg6[%gather3A_555] : memref<51200xf32, #tpu.memory_space<vmem>> -> memref<10240xf32, #tpu.memory_space<vmem>>
        %gather3A_557 = tpu.vector_load_idx %gather3A_556[%shift_right_logical3A_396] : memref<10240xf32, #tpu.memory_space<vmem>>[vector<16xi32>], vector<16xf32>,
        %gather3A_558 = arith.constant 20480 : i32
        %gather3A_559 = tpu.memref_slice %arg6[%gather3A_558] : memref<51200xf32, #tpu.memory_space<vmem>> -> memref<10240xf32, #tpu.memory_space<vmem>>
        %gather3A_560 = tpu.vector_load_idx %gather3A_559[%shift_right_logical3A_396] : memref<10240xf32, #tpu.memory_space<vmem>>[vector<16xi32>], vector<16xf32>,
        %gather3A_561 = arith.constant 30720 : i32
        %gather3A_562 = tpu.memref_slice %arg6[%gather3A_561] : memref<51200xf32, #tpu.memory_space<vmem>> -> memref<10240xf32, #tpu.memory_space<vmem>>
        %gather3A_563 = tpu.vector_load_idx %gather3A_562[%shift_right_logical3A_396] : memref<10240xf32, #tpu.memory_space<vmem>>[vector<16xi32>], vector<16xf32>,
        %scatter3A_564 = arith.constant 0 : i32
        %scatter3A_565 = tpu.memref_slice %arg7[%scatter3A_564] : memref<51200xf32, #tpu.memory_space<vmem>> -> memref<10240xf32, #tpu.memory_space<vmem>>
        tpu.vector_store_idx %scatter3A_565[%and3A_385], %gather3A_534 {add = true} : memref<10240xf32, #tpu.memory_space<vmem>>[vector<16xi32>], vector<16xf32>,
        %scatter3A_566 = arith.constant 10240 : i32
        %scatter3A_567 = tpu.memref_slice %arg7[%scatter3A_566] : memref<51200xf32, #tpu.memory_space<vmem>> -> memref<10240xf32, #tpu.memory_space<vmem>>
        tpu.vector_store_idx %scatter3A_567[%and3A_385], %gather3A_537 {add = true} : memref<10240xf32, #tpu.memory_space<vmem>>[vector<16xi32>], vector<16xf32>,
        %scatter3A_568 = arith.constant 20480 : i32
        %scatter3A_569 = tpu.memref_slice %arg7[%scatter3A_568] : memref<51200xf32, #tpu.memory_space<vmem>> -> memref<10240xf32, #tpu.memory_space<vmem>>
        tpu.vector_store_idx %scatter3A_569[%and3A_385], %gather3A_540 {add = true} : memref<10240xf32, #tpu.memory_space<vmem>>[vector<16xi32>], vector<16xf32>,
        %scatter3A_570 = arith.constant 30720 : i32
        %scatter3A_571 = tpu.memref_slice %arg7[%scatter3A_570] : memref<51200xf32, #tpu.memory_space<vmem>> -> memref<10240xf32, #tpu.memory_space<vmem>>
        tpu.vector_store_idx %scatter3A_571[%and3A_385], %gather3A_543 {add = true} : memref<10240xf32, #tpu.memory_space<vmem>>[vector<16xi32>], vector<16xf32>,
        %gather3A_572 = arith.constant 0 : i32
        %gather3A_573 = tpu.memref_slice %arg6[%gather3A_572] : memref<51200xf32, #tpu.memory_space<vmem>> -> memref<10240xf32, #tpu.memory_space<vmem>>
        %gather3A_574 = tpu.vector_load_idx %gather3A_573[%shift_right_logical3A_410] : memref<10240xf32, #tpu.memory_space<vmem>>[vector<16xi32>], vector<16xf32>,
        %gather3A_575 = arith.constant 10240 : i32
        %gather3A_576 = tpu.memref_slice %arg6[%gather3A_575] : memref<51200xf32, #tpu.memory_space<vmem>> -> memref<10240xf32, #tpu.memory_space<vmem>>
        %gather3A_577 = tpu.vector_load_idx %gather3A_576[%shift_right_logical3A_410] : memref<10240xf32, #tpu.memory_space<vmem>>[vector<16xi32>], vector<16xf32>,
        %gather3A_578 = arith.constant 20480 : i32
        %gather3A_579 = tpu.memref_slice %arg6[%gather3A_578] : memref<51200xf32, #tpu.memory_space<vmem>> -> memref<10240xf32, #tpu.memory_space<vmem>>
        %gather3A_580 = tpu.vector_load_idx %gather3A_579[%shift_right_logical3A_410] : memref<10240xf32, #tpu.memory_space<vmem>>[vector<16xi32>], vector<16xf32>,
        %gather3A_581 = arith.constant 30720 : i32
        %gather3A_582 = tpu.memref_slice %arg6[%gather3A_581] : memref<51200xf32, #tpu.memory_space<vmem>> -> memref<10240xf32, #tpu.memory_space<vmem>>
        %gather3A_583 = tpu.vector_load_idx %gather3A_582[%shift_right_logical3A_410] : memref<10240xf32, #tpu.memory_space<vmem>>[vector<16xi32>], vector<16xf32>,
        %scatter3A_584 = arith.constant 0 : i32
        %scatter3A_585 = tpu.memref_slice %arg7[%scatter3A_584] : memref<51200xf32, #tpu.memory_space<vmem>> -> memref<10240xf32, #tpu.memory_space<vmem>>
        tpu.vector_store_idx %scatter3A_585[%and3A_399], %gather3A_554 {add = true} : memref<10240xf32, #tpu.memory_space<vmem>>[vector<16xi32>], vector<16xf32>,
        %scatter3A_586 = arith.constant 10240 : i32
        %scatter3A_587 = tpu.memref_slice %arg7[%scatter3A_586] : memref<51200xf32, #tpu.memory_space<vmem>> -> memref<10240xf32, #tpu.memory_space<vmem>>
        tpu.vector_store_idx %scatter3A_587[%and3A_399], %gather3A_557 {add = true} : memref<10240xf32, #tpu.memory_space<vmem>>[vector<16xi32>], vector<16xf32>,
        %scatter3A_588 = arith.constant 20480 : i32
        %scatter3A_589 = tpu.memref_slice %arg7[%scatter3A_588] : memref<51200xf32, #tpu.memory_space<vmem>> -> memref<10240xf32, #tpu.memory_space<vmem>>
        tpu.vector_store_idx %scatter3A_589[%and3A_399], %gather3A_560 {add = true} : memref<10240xf32, #tpu.memory_space<vmem>>[vector<16xi32>], vector<16xf32>,
        %scatter3A_590 = arith.constant 30720 : i32
        %scatter3A_591 = tpu.memref_slice %arg7[%scatter3A_590] : memref<51200xf32, #tpu.memory_space<vmem>> -> memref<10240xf32, #tpu.memory_space<vmem>>
        tpu.vector_store_idx %scatter3A_591[%and3A_399], %gather3A_563 {add = true} : memref<10240xf32, #tpu.memory_space<vmem>>[vector<16xi32>], vector<16xf32>,
        %gather3A_592 = arith.constant 0 : i32
        %gather3A_593 = tpu.memref_slice %arg6[%gather3A_592] : memref<51200xf32, #tpu.memory_space<vmem>> -> memref<10240xf32, #tpu.memory_space<vmem>>
        %gather3A_594 = tpu.vector_load_idx %gather3A_593[%shift_right_logical3A_424] : memref<10240xf32, #tpu.memory_space<vmem>>[vector<16xi32>], vector<16xf32>,
        %gather3A_595 = arith.constant 10240 : i32
        %gather3A_596 = tpu.memref_slice %arg6[%gather3A_595] : memref<51200xf32, #tpu.memory_space<vmem>> -> memref<10240xf32, #tpu.memory_space<vmem>>
        %gather3A_597 = tpu.vector_load_idx %gather3A_596[%shift_right_logical3A_424] : memref<10240xf32, #tpu.memory_space<vmem>>[vector<16xi32>], vector<16xf32>,
        %gather3A_598 = arith.constant 20480 : i32
        %gather3A_599 = tpu.memref_slice %arg6[%gather3A_598] : memref<51200xf32, #tpu.memory_space<vmem>> -> memref<10240xf32, #tpu.memory_space<vmem>>
        %gather3A_600 = tpu.vector_load_idx %gather3A_599[%shift_right_logical3A_424] : memref<10240xf32, #tpu.memory_space<vmem>>[vector<16xi32>], vector<16xf32>,
        %gather3A_601 = arith.constant 30720 : i32
        %gather3A_602 = tpu.memref_slice %arg6[%gather3A_601] : memref<51200xf32, #tpu.memory_space<vmem>> -> memref<10240xf32, #tpu.memory_space<vmem>>
        %gather3A_603 = tpu.vector_load_idx %gather3A_602[%shift_right_logical3A_424] : memref<10240xf32, #tpu.memory_space<vmem>>[vector<16xi32>], vector<16xf32>,
        %scatter3A_604 = arith.constant 0 : i32
        %scatter3A_605 = tpu.memref_slice %arg7[%scatter3A_604] : memref<51200xf32, #tpu.memory_space<vmem>> -> memref<10240xf32, #tpu.memory_space<vmem>>
        tpu.vector_store_idx %scatter3A_605[%and3A_413], %gather3A_574 {add = true} : memref<10240xf32, #tpu.memory_space<vmem>>[vector<16xi32>], vector<16xf32>,
        %scatter3A_606 = arith.constant 10240 : i32
        %scatter3A_607 = tpu.memref_slice %arg7[%scatter3A_606] : memref<51200xf32, #tpu.memory_space<vmem>> -> memref<10240xf32, #tpu.memory_space<vmem>>
        tpu.vector_store_idx %scatter3A_607[%and3A_413], %gather3A_577 {add = true} : memref<10240xf32, #tpu.memory_space<vmem>>[vector<16xi32>], vector<16xf32>,
        %scatter3A_608 = arith.constant 20480 : i32
        %scatter3A_609 = tpu.memref_slice %arg7[%scatter3A_608] : memref<51200xf32, #tpu.memory_space<vmem>> -> memref<10240xf32, #tpu.memory_space<vmem>>
        tpu.vector_store_idx %scatter3A_609[%and3A_413], %gather3A_580 {add = true} : memref<10240xf32, #tpu.memory_space<vmem>>[vector<16xi32>], vector<16xf32>,
        %scatter3A_610 = arith.constant 30720 : i32
        %scatter3A_611 = tpu.memref_slice %arg7[%scatter3A_610] : memref<51200xf32, #tpu.memory_space<vmem>> -> memref<10240xf32, #tpu.memory_space<vmem>>
        tpu.vector_store_idx %scatter3A_611[%and3A_413], %gather3A_583 {add = true} : memref<10240xf32, #tpu.memory_space<vmem>>[vector<16xi32>], vector<16xf32>,
        %gather3A_612 = arith.constant 0 : i32
        %gather3A_613 = tpu.memref_slice %arg6[%gather3A_612] : memref<51200xf32, #tpu.memory_space<vmem>> -> memref<10240xf32, #tpu.memory_space<vmem>>
        %gather3A_614 = tpu.vector_load_idx %gather3A_613[%shift_right_logical3A_438] : memref<10240xf32, #tpu.memory_space<vmem>>[vector<16xi32>], vector<16xf32>,
        %gather3A_615 = arith.constant 10240 : i32
        %gather3A_616 = tpu.memref_slice %arg6[%gather3A_615] : memref<51200xf32, #tpu.memory_space<vmem>> -> memref<10240xf32, #tpu.memory_space<vmem>>
        %gather3A_617 = tpu.vector_load_idx %gather3A_616[%shift_right_logical3A_438] : memref<10240xf32, #tpu.memory_space<vmem>>[vector<16xi32>], vector<16xf32>,
        %gather3A_618 = arith.constant 20480 : i32
        %gather3A_619 = tpu.memref_slice %arg6[%gather3A_618] : memref<51200xf32, #tpu.memory_space<vmem>> -> memref<10240xf32, #tpu.memory_space<vmem>>
        %gather3A_620 = tpu.vector_load_idx %gather3A_619[%shift_right_logical3A_438] : memref<10240xf32, #tpu.memory_space<vmem>>[vector<16xi32>], vector<16xf32>,
        %gather3A_621 = arith.constant 30720 : i32
        %gather3A_622 = tpu.memref_slice %arg6[%gather3A_621] : memref<51200xf32, #tpu.memory_space<vmem>> -> memref<10240xf32, #tpu.memory_space<vmem>>
        %gather3A_623 = tpu.vector_load_idx %gather3A_622[%shift_right_logical3A_438] : memref<10240xf32, #tpu.memory_space<vmem>>[vector<16xi32>], vector<16xf32>,
        %scatter3A_624 = arith.constant 0 : i32
        %scatter3A_625 = tpu.memref_slice %arg7[%scatter3A_624] : memref<51200xf32, #tpu.memory_space<vmem>> -> memref<10240xf32, #tpu.memory_space<vmem>>
        tpu.vector_store_idx %scatter3A_625[%and3A_427], %gather3A_594 {add = true} : memref<10240xf32, #tpu.memory_space<vmem>>[vector<16xi32>], vector<16xf32>,
        %scatter3A_626 = arith.constant 10240 : i32
        %scatter3A_627 = tpu.memref_slice %arg7[%scatter3A_626] : memref<51200xf32, #tpu.memory_space<vmem>> -> memref<10240xf32, #tpu.memory_space<vmem>>
        tpu.vector_store_idx %scatter3A_627[%and3A_427], %gather3A_597 {add = true} : memref<10240xf32, #tpu.memory_space<vmem>>[vector<16xi32>], vector<16xf32>,
        %scatter3A_628 = arith.constant 20480 : i32
        %scatter3A_629 = tpu.memref_slice %arg7[%scatter3A_628] : memref<51200xf32, #tpu.memory_space<vmem>> -> memref<10240xf32, #tpu.memory_space<vmem>>
        tpu.vector_store_idx %scatter3A_629[%and3A_427], %gather3A_600 {add = true} : memref<10240xf32, #tpu.memory_space<vmem>>[vector<16xi32>], vector<16xf32>,
        %scatter3A_630 = arith.constant 30720 : i32
        %scatter3A_631 = tpu.memref_slice %arg7[%scatter3A_630] : memref<51200xf32, #tpu.memory_space<vmem>> -> memref<10240xf32, #tpu.memory_space<vmem>>
        tpu.vector_store_idx %scatter3A_631[%and3A_427], %gather3A_603 {add = true} : memref<10240xf32, #tpu.memory_space<vmem>>[vector<16xi32>], vector<16xf32>,
        %scatter3A_632 = arith.constant 0 : i32
        %scatter3A_633 = tpu.memref_slice %arg7[%scatter3A_632] : memref<51200xf32, #tpu.memory_space<vmem>> -> memref<10240xf32, #tpu.memory_space<vmem>>
        tpu.vector_store_idx %scatter3A_633[%and3A_441], %gather3A_614 {add = true} : memref<10240xf32, #tpu.memory_space<vmem>>[vector<16xi32>], vector<16xf32>,
        %scatter3A_634 = arith.constant 10240 : i32
        %scatter3A_635 = tpu.memref_slice %arg7[%scatter3A_634] : memref<51200xf32, #tpu.memory_space<vmem>> -> memref<10240xf32, #tpu.memory_space<vmem>>
        tpu.vector_store_idx %scatter3A_635[%and3A_441], %gather3A_617 {add = true} : memref<10240xf32, #tpu.memory_space<vmem>>[vector<16xi32>], vector<16xf32>,
        %scatter3A_636 = arith.constant 20480 : i32
        %scatter3A_637 = tpu.memref_slice %arg7[%scatter3A_636] : memref<51200xf32, #tpu.memory_space<vmem>> -> memref<10240xf32, #tpu.memory_space<vmem>>
        tpu.vector_store_idx %scatter3A_637[%and3A_441], %gather3A_620 {add = true} : memref<10240xf32, #tpu.memory_space<vmem>>[vector<16xi32>], vector<16xf32>,
        %scatter3A_638 = arith.constant 30720 : i32
        %scatter3A_639 = tpu.memref_slice %arg7[%scatter3A_638] : memref<51200xf32, #tpu.memory_space<vmem>> -> memref<10240xf32, #tpu.memory_space<vmem>>
        tpu.vector_store_idx %scatter3A_639[%and3A_441], %gather3A_623 {add = true} : memref<10240xf32, #tpu.memory_space<vmem>>[vector<16xi32>], vector<16xf32>,
        %scan3A_640 = arith.constant 0 : i32
        scf.yield %scan3A_640 : i32
      }
      %scan3A_295 = arith.constant 63 : i32
      %rem3A_296 = arith.constant 32 : i32
      %rem3A_297 = arith.remsi %add3A_288, %rem3A_296 : i32
      %eq3A_298 = arith.cmpi eq, %rem3A_297, %add3A : i32
      %convert_element_type3A_299 = arith.extui %eq3A_298 : i1 to i32
      %cond3A_300 = arith.constant 0 : i32
      %cond3A_301 = arith.cmpi ne, %convert_element_type3A_299, %cond3A_300 : i32
      scf.if %cond3A_301 {
        %scan3A_303 = arith.constant 0 : i32
        %scan3A_304 = arith.constant 0 : i32
        %scan3A_305 = arith.constant 63 : i32
        %scan3A_306 = arith.addi %scan3A_304, %scan3A_305 : i32
        %scan3A_307 = arith.constant 1 : i32
        %scan3A_308 = scf.for %scan3A_310 = %scan3A_304 to %scan3A_306 step %scan3A_307 iter_args(%scan3A_311 = %scan3A_303) -> (i32)  : i32 {
          %mul3A_312 = arith.constant 10 : i32
          %mul3A_313 = arith.muli %scan3A_310, %mul3A_312 : i32
          %add3A_314 = arith.constant 0 : i32
          %add3A_315 = arith.addi %mul3A_313, %add3A_314 : i32
          %mul3A_316 = arith.constant 16 : i32
          %mul3A_317 = arith.muli %add3A_315, %mul3A_316 : i32
          %get3A = arith.index_cast %mul3A_317 : i32 to index
          %get3A_318 = tpu.vector_load %arg9[%get3A] {strides = array<i32>} : memref<10080xi32, #tpu.memory_space<vmem>>, vector<16xi32>,
          %shift_right_logical3A = arith.constant 14 : i32
          %shift_right_logical3A_319 = vector.broadcast %shift_right_logical3A : i32 to vector<16xi32>
          %shift_right_logical3A_320 = arith.shrui %get3A_318, %shift_right_logical3A_319 : vector<16xi32>
          %and3A = arith.constant 16383 : i32
          %and3A_321 = vector.broadcast %and3A : i32 to vector<16xi32>
          %and3A_322 = arith.andi %get3A_318, %and3A_321 : vector<16xi32>
          %gather3A = arith.constant 40960 : i32
          %gather3A_323 = tpu.memref_slice %arg6[%gather3A] : memref<51200xf32, #tpu.memory_space<vmem>> -> memref<10240xf32, #tpu.memory_space<vmem>>
          %gather3A_324 = tpu.vector_load_idx %gather3A_323[%shift_right_logical3A_320] : memref<10240xf32, #tpu.memory_space<vmem>>[vector<16xi32>], vector<16xf32>,
          %mul3A_325 = arith.constant 10 : i32
          %mul3A_326 = arith.muli %scan3A_310, %mul3A_325 : i32
          %add3A_327 = arith.constant 1 : i32
          %add3A_328 = arith.addi %mul3A_326, %add3A_327 : i32
          %mul3A_329 = arith.constant 16 : i32
          %mul3A_330 = arith.muli %add3A_328, %mul3A_329 : i32
          %get3A_331 = arith.index_cast %mul3A_330 : i32 to index
          %get3A_332 = tpu.vector_load %arg9[%get3A_331] {strides = array<i32>} : memref<10080xi32, #tpu.memory_space<vmem>>, vector<16xi32>,
          %shift_right_logical3A_333 = arith.constant 14 : i32
          %shift_right_logical3A_334 = vector.broadcast %shift_right_logical3A_333 : i32 to vector<16xi32>
          %shift_right_logical3A_335 = arith.shrui %get3A_332, %shift_right_logical3A_334 : vector<16xi32>
          %and3A_336 = arith.constant 16383 : i32
          %and3A_337 = vector.broadcast %and3A_336 : i32 to vector<16xi32>
          %and3A_338 = arith.andi %get3A_332, %and3A_337 : vector<16xi32>
          %gather3A_339 = arith.constant 40960 : i32
          %gather3A_340 = tpu.memref_slice %arg6[%gather3A_339] : memref<51200xf32, #tpu.memory_space<vmem>> -> memref<10240xf32, #tpu.memory_space<vmem>>
          %gather3A_341 = tpu.vector_load_idx %gather3A_340[%shift_right_logical3A_335] : memref<10240xf32, #tpu.memory_space<vmem>>[vector<16xi32>], vector<16xf32>,
          %scatter3A = arith.constant 40960 : i32
          %scatter3A_342 = tpu.memref_slice %arg7[%scatter3A] : memref<51200xf32, #tpu.memory_space<vmem>> -> memref<10240xf32, #tpu.memory_space<vmem>>
          tpu.vector_store_idx %scatter3A_342[%and3A_322], %gather3A_324 {add = true} : memref<10240xf32, #tpu.memory_space<vmem>>[vector<16xi32>], vector<16xf32>,
          %mul3A_343 = arith.constant 10 : i32
          %mul3A_344 = arith.muli %scan3A_310, %mul3A_343 : i32
          %add3A_345 = arith.constant 2 : i32
          %add3A_346 = arith.addi %mul3A_344, %add3A_345 : i32
          %mul3A_347 = arith.constant 16 : i32
          %mul3A_348 = arith.muli %add3A_346, %mul3A_347 : i32
          %get3A_349 = arith.index_cast %mul3A_348 : i32 to index
          %get3A_350 = tpu.vector_load %arg9[%get3A_349] {strides = array<i32>} : memref<10080xi32, #tpu.memory_space<vmem>>, vector<16xi32>,
          %shift_right_logical3A_351 = arith.constant 14 : i32
          %shift_right_logical3A_352 = vector.broadcast %shift_right_logical3A_351 : i32 to vector<16xi32>
          %shift_right_logical3A_353 = arith.shrui %get3A_350, %shift_right_logical3A_352 : vector<16xi32>
          %and3A_354 = arith.constant 16383 : i32
          %and3A_355 = vector.broadcast %and3A_354 : i32 to vector<16xi32>
          %and3A_356 = arith.andi %get3A_350, %and3A_355 : vector<16xi32>
          %gather3A_357 = arith.constant 40960 : i32
          %gather3A_358 = tpu.memref_slice %arg6[%gather3A_357] : memref<51200xf32, #tpu.memory_space<vmem>> -> memref<10240xf32, #tpu.memory_space<vmem>>
          %gather3A_359 = tpu.vector_load_idx %gather3A_358[%shift_right_logical3A_353] : memref<10240xf32, #tpu.memory_space<vmem>>[vector<16xi32>], vector<16xf32>,
          %scatter3A_360 = arith.constant 40960 : i32
          %scatter3A_361 = tpu.memref_slice %arg7[%scatter3A_360] : memref<51200xf32, #tpu.memory_space<vmem>> -> memref<10240xf32, #tpu.memory_space<vmem>>
          tpu.vector_store_idx %scatter3A_361[%and3A_338], %gather3A_341 {add = true} : memref<10240xf32, #tpu.memory_space<vmem>>[vector<16xi32>], vector<16xf32>,
          %mul3A_362 = arith.constant 10 : i32
          %mul3A_363 = arith.muli %scan3A_310, %mul3A_362 : i32
          %add3A_364 = arith.constant 3 : i32
          %add3A_365 = arith.addi %mul3A_363, %add3A_364 : i32
          %mul3A_366 = arith.constant 16 : i32
          %mul3A_367 = arith.muli %add3A_365, %mul3A_366 : i32
          %get3A_368 = arith.index_cast %mul3A_367 : i32 to index
          %get3A_369 = tpu.vector_load %arg9[%get3A_368] {strides = array<i32>} : memref<10080xi32, #tpu.memory_space<vmem>>, vector<16xi32>,
          %shift_right_logical3A_370 = arith.constant 14 : i32
          %shift_right_logical3A_371 = vector.broadcast %shift_right_logical3A_370 : i32 to vector<16xi32>
          %shift_right_logical3A_372 = arith.shrui %get3A_369, %shift_right_logical3A_371 : vector<16xi32>
          %and3A_373 = arith.constant 16383 : i32
          %and3A_374 = vector.broadcast %and3A_373 : i32 to vector<16xi32>
          %and3A_375 = arith.andi %get3A_369, %and3A_374 : vector<16xi32>
          %gather3A_376 = arith.constant 40960 : i32
          %gather3A_377 = tpu.memref_slice %arg6[%gather3A_376] : memref<51200xf32, #tpu.memory_space<vmem>> -> memref<10240xf32, #tpu.memory_space<vmem>>
          %gather3A_378 = tpu.vector_load_idx %gather3A_377[%shift_right_logical3A_372] : memref<10240xf32, #tpu.memory_space<vmem>>[vector<16xi32>], vector<16xf32>,
          %scatter3A_379 = arith.constant 40960 : i32
          %scatter3A_380 = tpu.memref_slice %arg7[%scatter3A_379] : memref<51200xf32, #tpu.memory_space<vmem>> -> memref<10240xf32, #tpu.memory_space<vmem>>
          tpu.vector_store_idx %scatter3A_380[%and3A_356], %gather3A_359 {add = true} : memref<10240xf32, #tpu.memory_space<vmem>>[vector<16xi32>], vector<16xf32>,
          %mul3A_381 = arith.constant 10 : i32
          %mul3A_382 = arith.muli %scan3A_310, %mul3A_381 : i32
          %add3A_383 = arith.constant 4 : i32
          %add3A_384 = arith.addi %mul3A_382, %add3A_383 : i32
          %mul3A_385 = arith.constant 16 : i32
          %mul3A_386 = arith.muli %add3A_384, %mul3A_385 : i32
          %get3A_387 = arith.index_cast %mul3A_386 : i32 to index
          %get3A_388 = tpu.vector_load %arg9[%get3A_387] {strides = array<i32>} : memref<10080xi32, #tpu.memory_space<vmem>>, vector<16xi32>,
          %shift_right_logical3A_389 = arith.constant 14 : i32
          %shift_right_logical3A_390 = vector.broadcast %shift_right_logical3A_389 : i32 to vector<16xi32>
          %shift_right_logical3A_391 = arith.shrui %get3A_388, %shift_right_logical3A_390 : vector<16xi32>
          %and3A_392 = arith.constant 16383 : i32
          %and3A_393 = vector.broadcast %and3A_392 : i32 to vector<16xi32>
          %and3A_394 = arith.andi %get3A_388, %and3A_393 : vector<16xi32>
          %gather3A_395 = arith.constant 40960 : i32
          %gather3A_396 = tpu.memref_slice %arg6[%gather3A_395] : memref<51200xf32, #tpu.memory_space<vmem>> -> memref<10240xf32, #tpu.memory_space<vmem>>
          %gather3A_397 = tpu.vector_load_idx %gather3A_396[%shift_right_logical3A_391] : memref<10240xf32, #tpu.memory_space<vmem>>[vector<16xi32>], vector<16xf32>,
          %scatter3A_398 = arith.constant 40960 : i32
          %scatter3A_399 = tpu.memref_slice %arg7[%scatter3A_398] : memref<51200xf32, #tpu.memory_space<vmem>> -> memref<10240xf32, #tpu.memory_space<vmem>>
          tpu.vector_store_idx %scatter3A_399[%and3A_375], %gather3A_378 {add = true} : memref<10240xf32, #tpu.memory_space<vmem>>[vector<16xi32>], vector<16xf32>,
          %mul3A_400 = arith.constant 10 : i32
          %mul3A_401 = arith.muli %scan3A_310, %mul3A_400 : i32
          %add3A_402 = arith.constant 5 : i32
          %add3A_403 = arith.addi %mul3A_401, %add3A_402 : i32
          %mul3A_404 = arith.constant 16 : i32
          %mul3A_405 = arith.muli %add3A_403, %mul3A_404 : i32
          %get3A_406 = arith.index_cast %mul3A_405 : i32 to index
          %get3A_407 = tpu.vector_load %arg9[%get3A_406] {strides = array<i32>} : memref<10080xi32, #tpu.memory_space<vmem>>, vector<16xi32>,
          %shift_right_logical3A_408 = arith.constant 14 : i32
          %shift_right_logical3A_409 = vector.broadcast %shift_right_logical3A_408 : i32 to vector<16xi32>
          %shift_right_logical3A_410 = arith.shrui %get3A_407, %shift_right_logical3A_409 : vector<16xi32>
          %and3A_411 = arith.constant 16383 : i32
          %and3A_412 = vector.broadcast %and3A_411 : i32 to vector<16xi32>
          %and3A_413 = arith.andi %get3A_407, %and3A_412 : vector<16xi32>
          %gather3A_414 = arith.constant 40960 : i32
          %gather3A_415 = tpu.memref_slice %arg6[%gather3A_414] : memref<51200xf32, #tpu.memory_space<vmem>> -> memref<10240xf32, #tpu.memory_space<vmem>>
          %gather3A_416 = tpu.vector_load_idx %gather3A_415[%shift_right_logical3A_410] : memref<10240xf32, #tpu.memory_space<vmem>>[vector<16xi32>], vector<16xf32>,
          %scatter3A_417 = arith.constant 40960 : i32
          %scatter3A_418 = tpu.memref_slice %arg7[%scatter3A_417] : memref<51200xf32, #tpu.memory_space<vmem>> -> memref<10240xf32, #tpu.memory_space<vmem>>
          tpu.vector_store_idx %scatter3A_418[%and3A_394], %gather3A_397 {add = true} : memref<10240xf32, #tpu.memory_space<vmem>>[vector<16xi32>], vector<16xf32>,
          %mul3A_419 = arith.constant 10 : i32
          %mul3A_420 = arith.muli %scan3A_310, %mul3A_419 : i32
          %add3A_421 = arith.constant 6 : i32
          %add3A_422 = arith.addi %mul3A_420, %add3A_421 : i32
          %mul3A_423 = arith.constant 16 : i32
          %mul3A_424 = arith.muli %add3A_422, %mul3A_423 : i32
          %get3A_425 = arith.index_cast %mul3A_424 : i32 to index
          %get3A_426 = tpu.vector_load %arg9[%get3A_425] {strides = array<i32>} : memref<10080xi32, #tpu.memory_space<vmem>>, vector<16xi32>,
          %shift_right_logical3A_427 = arith.constant 14 : i32
          %shift_right_logical3A_428 = vector.broadcast %shift_right_logical3A_427 : i32 to vector<16xi32>
          %shift_right_logical3A_429 = arith.shrui %get3A_426, %shift_right_logical3A_428 : vector<16xi32>
          %and3A_430 = arith.constant 16383 : i32
          %and3A_431 = vector.broadcast %and3A_430 : i32 to vector<16xi32>
          %and3A_432 = arith.andi %get3A_426, %and3A_431 : vector<16xi32>
          %gather3A_433 = arith.constant 40960 : i32
          %gather3A_434 = tpu.memref_slice %arg6[%gather3A_433] : memref<51200xf32, #tpu.memory_space<vmem>> -> memref<10240xf32, #tpu.memory_space<vmem>>
          %gather3A_435 = tpu.vector_load_idx %gather3A_434[%shift_right_logical3A_429] : memref<10240xf32, #tpu.memory_space<vmem>>[vector<16xi32>], vector<16xf32>,
          %scatter3A_436 = arith.constant 40960 : i32
          %scatter3A_437 = tpu.memref_slice %arg7[%scatter3A_436] : memref<51200xf32, #tpu.memory_space<vmem>> -> memref<10240xf32, #tpu.memory_space<vmem>>
          tpu.vector_store_idx %scatter3A_437[%and3A_413], %gather3A_416 {add = true} : memref<10240xf32, #tpu.memory_space<vmem>>[vector<16xi32>], vector<16xf32>,
          %mul3A_438 = arith.constant 10 : i32
          %mul3A_439 = arith.muli %scan3A_310, %mul3A_438 : i32
          %add3A_440 = arith.constant 7 : i32
          %add3A_441 = arith.addi %mul3A_439, %add3A_440 : i32
          %mul3A_442 = arith.constant 16 : i32
          %mul3A_443 = arith.muli %add3A_441, %mul3A_442 : i32
          %get3A_444 = arith.index_cast %mul3A_443 : i32 to index
          %get3A_445 = tpu.vector_load %arg9[%get3A_444] {strides = array<i32>} : memref<10080xi32, #tpu.memory_space<vmem>>, vector<16xi32>,
          %shift_right_logical3A_446 = arith.constant 14 : i32
          %shift_right_logical3A_447 = vector.broadcast %shift_right_logical3A_446 : i32 to vector<16xi32>
          %shift_right_logical3A_448 = arith.shrui %get3A_445, %shift_right_logical3A_447 : vector<16xi32>
          %and3A_449 = arith.constant 16383 : i32
          %and3A_450 = vector.broadcast %and3A_449 : i32 to vector<16xi32>
          %and3A_451 = arith.andi %get3A_445, %and3A_450 : vector<16xi32>
          %gather3A_452 = arith.constant 40960 : i32
          %gather3A_453 = tpu.memref_slice %arg6[%gather3A_452] : memref<51200xf32, #tpu.memory_space<vmem>> -> memref<10240xf32, #tpu.memory_space<vmem>>
          %gather3A_454 = tpu.vector_load_idx %gather3A_453[%shift_right_logical3A_448] : memref<10240xf32, #tpu.memory_space<vmem>>[vector<16xi32>], vector<16xf32>,
          %scatter3A_455 = arith.constant 40960 : i32
          %scatter3A_456 = tpu.memref_slice %arg7[%scatter3A_455] : memref<51200xf32, #tpu.memory_space<vmem>> -> memref<10240xf32, #tpu.memory_space<vmem>>
          tpu.vector_store_idx %scatter3A_456[%and3A_432], %gather3A_435 {add = true} : memref<10240xf32, #tpu.memory_space<vmem>>[vector<16xi32>], vector<16xf32>,
          %mul3A_457 = arith.constant 10 : i32
          %mul3A_458 = arith.muli %scan3A_310, %mul3A_457 : i32
          %add3A_459 = arith.constant 8 : i32
          %add3A_460 = arith.addi %mul3A_458, %add3A_459 : i32
          %mul3A_461 = arith.constant 16 : i32
          %mul3A_462 = arith.muli %add3A_460, %mul3A_461 : i32
          %get3A_463 = arith.index_cast %mul3A_462 : i32 to index
          %get3A_464 = tpu.vector_load %arg9[%get3A_463] {strides = array<i32>} : memref<10080xi32, #tpu.memory_space<vmem>>, vector<16xi32>,
          %shift_right_logical3A_465 = arith.constant 14 : i32
          %shift_right_logical3A_466 = vector.broadcast %shift_right_logical3A_465 : i32 to vector<16xi32>
          %shift_right_logical3A_467 = arith.shrui %get3A_464, %shift_right_logical3A_466 : vector<16xi32>
          %and3A_468 = arith.constant 16383 : i32
          %and3A_469 = vector.broadcast %and3A_468 : i32 to vector<16xi32>
          %and3A_470 = arith.andi %get3A_464, %and3A_469 : vector<16xi32>
          %gather3A_471 = arith.constant 40960 : i32
          %gather3A_472 = tpu.memref_slice %arg6[%gather3A_471] : memref<51200xf32, #tpu.memory_space<vmem>> -> memref<10240xf32, #tpu.memory_space<vmem>>
          %gather3A_473 = tpu.vector_load_idx %gather3A_472[%shift_right_logical3A_467] : memref<10240xf32, #tpu.memory_space<vmem>>[vector<16xi32>], vector<16xf32>,
          %scatter3A_474 = arith.constant 40960 : i32
          %scatter3A_475 = tpu.memref_slice %arg7[%scatter3A_474] : memref<51200xf32, #tpu.memory_space<vmem>> -> memref<10240xf32, #tpu.memory_space<vmem>>
          tpu.vector_store_idx %scatter3A_475[%and3A_451], %gather3A_454 {add = true} : memref<10240xf32, #tpu.memory_space<vmem>>[vector<16xi32>], vector<16xf32>,
          %mul3A_476 = arith.constant 10 : i32
          %mul3A_477 = arith.muli %scan3A_310, %mul3A_476 : i32
          %add3A_478 = arith.constant 9 : i32
          %add3A_479 = arith.addi %mul3A_477, %add3A_478 : i32
          %mul3A_480 = arith.constant 16 : i32
          %mul3A_481 = arith.muli %add3A_479, %mul3A_480 : i32
          %get3A_482 = arith.index_cast %mul3A_481 : i32 to index
          %get3A_483 = tpu.vector_load %arg9[%get3A_482] {strides = array<i32>} : memref<10080xi32, #tpu.memory_space<vmem>>, vector<16xi32>,
          %shift_right_logical3A_484 = arith.constant 14 : i32
          %shift_right_logical3A_485 = vector.broadcast %shift_right_logical3A_484 : i32 to vector<16xi32>
          %shift_right_logical3A_486 = arith.shrui %get3A_483, %shift_right_logical3A_485 : vector<16xi32>
          %and3A_487 = arith.constant 16383 : i32
          %and3A_488 = vector.broadcast %and3A_487 : i32 to vector<16xi32>
          %and3A_489 = arith.andi %get3A_483, %and3A_488 : vector<16xi32>
          %gather3A_490 = arith.constant 40960 : i32
          %gather3A_491 = tpu.memref_slice %arg6[%gather3A_490] : memref<51200xf32, #tpu.memory_space<vmem>> -> memref<10240xf32, #tpu.memory_space<vmem>>
          %gather3A_492 = tpu.vector_load_idx %gather3A_491[%shift_right_logical3A_486] : memref<10240xf32, #tpu.memory_space<vmem>>[vector<16xi32>], vector<16xf32>,
          %scatter3A_493 = arith.constant 40960 : i32
          %scatter3A_494 = tpu.memref_slice %arg7[%scatter3A_493] : memref<51200xf32, #tpu.memory_space<vmem>> -> memref<10240xf32, #tpu.memory_space<vmem>>
          tpu.vector_store_idx %scatter3A_494[%and3A_470], %gather3A_473 {add = true} : memref<10240xf32, #tpu.memory_space<vmem>>[vector<16xi32>], vector<16xf32>,
          %scatter3A_495 = arith.constant 40960 : i32
          %scatter3A_496 = tpu.memref_slice %arg7[%scatter3A_495] : memref<51200xf32, #tpu.memory_space<vmem>> -> memref<10240xf32, #tpu.memory_space<vmem>>
          tpu.vector_store_idx %scatter3A_496[%and3A_489], %gather3A_492 {add = true} : memref<10240xf32, #tpu.memory_space<vmem>>[vector<16xi32>], vector<16xf32>,
          %scan3A_497 = arith.constant 0 : i32
          scf.yield %scan3A_497 : i32
        }
        %scan3A_309 = arith.constant 63 : i32
      } else {
      }
      %scan3A_302 = arith.constant 0 : i32
      scf.yield %scan3A_302 : i32
    }
    %scan3A_135 = arith.constant 16 : i32
    %add3A_136 = arith.constant 0 : i32
    %add3A_137 = arith.addi %mul3A_2, %add3A_136 : i32
    %dma_start3A_138 = arith.constant 0 : i32
    %dma_start3A_139 = tpu.memref_slice %arg7[%dma_start3A_138] : memref<51200xf32, #tpu.memory_space<vmem>> -> memref<10240xf32, #tpu.memory_space<vmem>>
    %dma_start3A_140 = arith.constant 0 : i32
    %dma_start3A_141 = tpu.memref_slice %arg4[%add3A_137, %dma_start3A_140] : memref<136x10240xf32, #tpu.memory_space<hbm>> -> memref<1x10240xf32, #tpu.memory_space<hbm>>
    %dma_start3A_142 = tpu.memref_squeeze %dma_start3A_141 : memref<1x10240xf32, #tpu.memory_space<hbm>> -> memref<10240xf32, #tpu.memory_space<hbm>>
    %dma_start3A_143 = arith.constant 0 : i32
    %dma_start3A_144 = tpu.memref_slice %arg4[%add3A_137, %dma_start3A_143] : memref<136x10240xf32, #tpu.memory_space<hbm>> -> memref<1x10240xf32, #tpu.memory_space<hbm>>
    %dma_start3A_145 = tpu.memref_squeeze %dma_start3A_144 : memref<1x10240xf32, #tpu.memory_space<hbm>> -> memref<10240xf32, #tpu.memory_space<hbm>>
    %dma_start3A_146 = arith.constant 0 : i32
    %dma_start3A_147 = tpu.memref_slice %arg7[%dma_start3A_146] : memref<51200xf32, #tpu.memory_space<vmem>> -> memref<10240xf32, #tpu.memory_space<vmem>>
    tpu.enqueue_dma source(%dma_start3A_147 : memref<10240xf32, #tpu.memory_space<vmem>>) target(%dma_start3A_145 : memref<10240xf32, #tpu.memory_space<hbm>>) target_semaphore(%arg10 : memref<!tpu.dma_semaphore, #tpu.memory_space<semaphore_mem>>)
    %add3A_148 = arith.constant 1 : i32
    %add3A_149 = arith.addi %mul3A_2, %add3A_148 : i32
    %dma_start3A_150 = arith.constant 10240 : i32
    %dma_start3A_151 = tpu.memref_slice %arg7[%dma_start3A_150] : memref<51200xf32, #tpu.memory_space<vmem>> -> memref<10240xf32, #tpu.memory_space<vmem>>
    %dma_start3A_152 = arith.constant 0 : i32
    %dma_start3A_153 = tpu.memref_slice %arg4[%add3A_149, %dma_start3A_152] : memref<136x10240xf32, #tpu.memory_space<hbm>> -> memref<1x10240xf32, #tpu.memory_space<hbm>>
    %dma_start3A_154 = tpu.memref_squeeze %dma_start3A_153 : memref<1x10240xf32, #tpu.memory_space<hbm>> -> memref<10240xf32, #tpu.memory_space<hbm>>
    %dma_start3A_155 = arith.constant 0 : i32
    %dma_start3A_156 = tpu.memref_slice %arg4[%add3A_149, %dma_start3A_155] : memref<136x10240xf32, #tpu.memory_space<hbm>> -> memref<1x10240xf32, #tpu.memory_space<hbm>>
    %dma_start3A_157 = tpu.memref_squeeze %dma_start3A_156 : memref<1x10240xf32, #tpu.memory_space<hbm>> -> memref<10240xf32, #tpu.memory_space<hbm>>
    %dma_start3A_158 = arith.constant 10240 : i32
    %dma_start3A_159 = tpu.memref_slice %arg7[%dma_start3A_158] : memref<51200xf32, #tpu.memory_space<vmem>> -> memref<10240xf32, #tpu.memory_space<vmem>>
    tpu.enqueue_dma source(%dma_start3A_159 : memref<10240xf32, #tpu.memory_space<vmem>>) target(%dma_start3A_157 : memref<10240xf32, #tpu.memory_space<hbm>>) target_semaphore(%arg10 : memref<!tpu.dma_semaphore, #tpu.memory_space<semaphore_mem>>)
    %add3A_160 = arith.constant 2 : i32
    %add3A_161 = arith.addi %mul3A_2, %add3A_160 : i32
    %dma_start3A_162 = arith.constant 20480 : i32
    %dma_start3A_163 = tpu.memref_slice %arg7[%dma_start3A_162] : memref<51200xf32, #tpu.memory_space<vmem>> -> memref<10240xf32, #tpu.memory_space<vmem>>
    %dma_start3A_164 = arith.constant 0 : i32
    %dma_start3A_165 = tpu.memref_slice %arg4[%add3A_161, %dma_start3A_164] : memref<136x10240xf32, #tpu.memory_space<hbm>> -> memref<1x10240xf32, #tpu.memory_space<hbm>>
    %dma_start3A_166 = tpu.memref_squeeze %dma_start3A_165 : memref<1x10240xf32, #tpu.memory_space<hbm>> -> memref<10240xf32, #tpu.memory_space<hbm>>
    %dma_start3A_167 = arith.constant 0 : i32
    %dma_start3A_168 = tpu.memref_slice %arg4[%add3A_161, %dma_start3A_167] : memref<136x10240xf32, #tpu.memory_space<hbm>> -> memref<1x10240xf32, #tpu.memory_space<hbm>>
    %dma_start3A_169 = tpu.memref_squeeze %dma_start3A_168 : memref<1x10240xf32, #tpu.memory_space<hbm>> -> memref<10240xf32, #tpu.memory_space<hbm>>
    %dma_start3A_170 = arith.constant 20480 : i32
    %dma_start3A_171 = tpu.memref_slice %arg7[%dma_start3A_170] : memref<51200xf32, #tpu.memory_space<vmem>> -> memref<10240xf32, #tpu.memory_space<vmem>>
    tpu.enqueue_dma source(%dma_start3A_171 : memref<10240xf32, #tpu.memory_space<vmem>>) target(%dma_start3A_169 : memref<10240xf32, #tpu.memory_space<hbm>>) target_semaphore(%arg10 : memref<!tpu.dma_semaphore, #tpu.memory_space<semaphore_mem>>)
    %add3A_172 = arith.constant 3 : i32
    %add3A_173 = arith.addi %mul3A_2, %add3A_172 : i32
    %dma_start3A_174 = arith.constant 30720 : i32
    %dma_start3A_175 = tpu.memref_slice %arg7[%dma_start3A_174] : memref<51200xf32, #tpu.memory_space<vmem>> -> memref<10240xf32, #tpu.memory_space<vmem>>
    %dma_start3A_176 = arith.constant 0 : i32
    %dma_start3A_177 = tpu.memref_slice %arg4[%add3A_173, %dma_start3A_176] : memref<136x10240xf32, #tpu.memory_space<hbm>> -> memref<1x10240xf32, #tpu.memory_space<hbm>>
    %dma_start3A_178 = tpu.memref_squeeze %dma_start3A_177 : memref<1x10240xf32, #tpu.memory_space<hbm>> -> memref<10240xf32, #tpu.memory_space<hbm>>
    %dma_start3A_179 = arith.constant 0 : i32
    %dma_start3A_180 = tpu.memref_slice %arg4[%add3A_173, %dma_start3A_179] : memref<136x10240xf32, #tpu.memory_space<hbm>> -> memref<1x10240xf32, #tpu.memory_space<hbm>>
    %dma_start3A_181 = tpu.memref_squeeze %dma_start3A_180 : memref<1x10240xf32, #tpu.memory_space<hbm>> -> memref<10240xf32, #tpu.memory_space<hbm>>
    %dma_start3A_182 = arith.constant 30720 : i32
    %dma_start3A_183 = tpu.memref_slice %arg7[%dma_start3A_182] : memref<51200xf32, #tpu.memory_space<vmem>> -> memref<10240xf32, #tpu.memory_space<vmem>>
    tpu.enqueue_dma source(%dma_start3A_183 : memref<10240xf32, #tpu.memory_space<vmem>>) target(%dma_start3A_181 : memref<10240xf32, #tpu.memory_space<hbm>>) target_semaphore(%arg10 : memref<!tpu.dma_semaphore, #tpu.memory_space<semaphore_mem>>)
    %dma_start3A_184 = arith.constant 40960 : i32
    %dma_start3A_185 = tpu.memref_slice %arg7[%dma_start3A_184] : memref<51200xf32, #tpu.memory_space<vmem>> -> memref<10240xf32, #tpu.memory_space<vmem>>
    %dma_start3A_186 = arith.constant 0 : i32
    %dma_start3A_187 = tpu.memref_slice %arg5[%add3A, %dma_start3A_186] : memref<32x10240xf32, #tpu.memory_space<hbm>> -> memref<1x10240xf32, #tpu.memory_space<hbm>>
    %dma_start3A_188 = tpu.memref_squeeze %dma_start3A_187 : memref<1x10240xf32, #tpu.memory_space<hbm>> -> memref<10240xf32, #tpu.memory_space<hbm>>
    %dma_start3A_189 = arith.constant 0 : i32
    %dma_start3A_190 = tpu.memref_slice %arg5[%add3A, %dma_start3A_189] : memref<32x10240xf32, #tpu.memory_space<hbm>> -> memref<1x10240xf32, #tpu.memory_space<hbm>>
    %dma_start3A_191 = tpu.memref_squeeze %dma_start3A_190 : memref<1x10240xf32, #tpu.memory_space<hbm>> -> memref<10240xf32, #tpu.memory_space<hbm>>
    %dma_start3A_192 = arith.constant 40960 : i32
    %dma_start3A_193 = tpu.memref_slice %arg7[%dma_start3A_192] : memref<51200xf32, #tpu.memory_space<vmem>> -> memref<10240xf32, #tpu.memory_space<vmem>>
    tpu.enqueue_dma source(%dma_start3A_193 : memref<10240xf32, #tpu.memory_space<vmem>>) target(%dma_start3A_191 : memref<10240xf32, #tpu.memory_space<hbm>>) target_semaphore(%arg10 : memref<!tpu.dma_semaphore, #tpu.memory_space<semaphore_mem>>)
    %dma_wait3A_194 = arith.constant 0 : i32
    %dma_wait3A_195 = tpu.memref_slice %arg7[%dma_wait3A_194] : memref<51200xf32, #tpu.memory_space<vmem>> -> memref<10240xf32, #tpu.memory_space<vmem>>
    %dma_wait3A_196 = arith.constant 0 : i32
    %dma_wait3A_197 = tpu.memref_slice %arg4[%mul3A_2, %dma_wait3A_196] : memref<136x10240xf32, #tpu.memory_space<hbm>> -> memref<1x10240xf32, #tpu.memory_space<hbm>>
    %dma_wait3A_198 = tpu.memref_squeeze %dma_wait3A_197 : memref<1x10240xf32, #tpu.memory_space<hbm>> -> memref<10240xf32, #tpu.memory_space<hbm>>
    %dma_wait3A_199 = arith.constant 0 : i32
    %dma_wait3A_200 = tpu.memref_slice %arg4[%mul3A_2, %dma_wait3A_199] : memref<136x10240xf32, #tpu.memory_space<hbm>> -> memref<1x10240xf32, #tpu.memory_space<hbm>>
    %dma_wait3A_201 = tpu.memref_squeeze %dma_wait3A_200 : memref<1x10240xf32, #tpu.memory_space<hbm>> -> memref<10240xf32, #tpu.memory_space<hbm>>
    %dma_wait3A_202 = arith.constant 0 : i32
    %dma_wait3A_203 = tpu.memref_slice %arg7[%dma_wait3A_202] : memref<51200xf32, #tpu.memory_space<vmem>> -> memref<10240xf32, #tpu.memory_space<vmem>>
    tpu.wait_dma2 semaphore(%arg10 : memref<!tpu.dma_semaphore, #tpu.memory_space<semaphore_mem>>) src(%dma_wait3A_203 : memref<10240xf32, #tpu.memory_space<vmem>>) dst(%dma_wait3A_201 : memref<10240xf32, #tpu.memory_space<hbm>>)
    %dma_wait3A_204 = arith.constant 10240 : i32
    %dma_wait3A_205 = tpu.memref_slice %arg7[%dma_wait3A_204] : memref<51200xf32, #tpu.memory_space<vmem>> -> memref<10240xf32, #tpu.memory_space<vmem>>
    %dma_wait3A_206 = arith.constant 0 : i32
    %dma_wait3A_207 = tpu.memref_slice %arg4[%mul3A_2, %dma_wait3A_206] : memref<136x10240xf32, #tpu.memory_space<hbm>> -> memref<1x10240xf32, #tpu.memory_space<hbm>>
    %dma_wait3A_208 = tpu.memref_squeeze %dma_wait3A_207 : memref<1x10240xf32, #tpu.memory_space<hbm>> -> memref<10240xf32, #tpu.memory_space<hbm>>
    %dma_wait3A_209 = arith.constant 0 : i32
    %dma_wait3A_210 = tpu.memref_slice %arg4[%mul3A_2, %dma_wait3A_209] : memref<136x10240xf32, #tpu.memory_space<hbm>> -> memref<1x10240xf32, #tpu.memory_space<hbm>>
    %dma_wait3A_211 = tpu.memref_squeeze %dma_wait3A_210 : memref<1x10240xf32, #tpu.memory_space<hbm>> -> memref<10240xf32, #tpu.memory_space<hbm>>
    %dma_wait3A_212 = arith.constant 10240 : i32
    %dma_wait3A_213 = tpu.memref_slice %arg7[%dma_wait3A_212] : memref<51200xf32, #tpu.memory_space<vmem>> -> memref<10240xf32, #tpu.memory_space<vmem>>
    tpu.wait_dma2 semaphore(%arg10 : memref<!tpu.dma_semaphore, #tpu.memory_space<semaphore_mem>>) src(%dma_wait3A_213 : memref<10240xf32, #tpu.memory_space<vmem>>) dst(%dma_wait3A_211 : memref<10240xf32, #tpu.memory_space<hbm>>)
    %dma_wait3A_214 = arith.constant 20480 : i32
    %dma_wait3A_215 = tpu.memref_slice %arg7[%dma_wait3A_214] : memref<51200xf32, #tpu.memory_space<vmem>> -> memref<10240xf32, #tpu.memory_space<vmem>>
    %dma_wait3A_216 = arith.constant 0 : i32
    %dma_wait3A_217 = tpu.memref_slice %arg4[%mul3A_2, %dma_wait3A_216] : memref<136x10240xf32, #tpu.memory_space<hbm>> -> memref<1x10240xf32, #tpu.memory_space<hbm>>
    %dma_wait3A_218 = tpu.memref_squeeze %dma_wait3A_217 : memref<1x10240xf32, #tpu.memory_space<hbm>> -> memref<10240xf32, #tpu.memory_space<hbm>>
    %dma_wait3A_219 = arith.constant 0 : i32
    %dma_wait3A_220 = tpu.memref_slice %arg4[%mul3A_2, %dma_wait3A_219] : memref<136x10240xf32, #tpu.memory_space<hbm>> -> memref<1x10240xf32, #tpu.memory_space<hbm>>
    %dma_wait3A_221 = tpu.memref_squeeze %dma_wait3A_220 : memref<1x10240xf32, #tpu.memory_space<hbm>> -> memref<10240xf32, #tpu.memory_space<hbm>>
    %dma_wait3A_222 = arith.constant 20480 : i32
    %dma_wait3A_223 = tpu.memref_slice %arg7[%dma_wait3A_222] : memref<51200xf32, #tpu.memory_space<vmem>> -> memref<10240xf32, #tpu.memory_space<vmem>>
    tpu.wait_dma2 semaphore(%arg10 : memref<!tpu.dma_semaphore, #tpu.memory_space<semaphore_mem>>) src(%dma_wait3A_223 : memref<10240xf32, #tpu.memory_space<vmem>>) dst(%dma_wait3A_221 : memref<10240xf32, #tpu.memory_space<hbm>>)
    %dma_wait3A_224 = arith.constant 30720 : i32
    %dma_wait3A_225 = tpu.memref_slice %arg7[%dma_wait3A_224] : memref<51200xf32, #tpu.memory_space<vmem>> -> memref<10240xf32, #tpu.memory_space<vmem>>
    %dma_wait3A_226 = arith.constant 0 : i32
    %dma_wait3A_227 = tpu.memref_slice %arg4[%mul3A_2, %dma_wait3A_226] : memref<136x10240xf32, #tpu.memory_space<hbm>> -> memref<1x10240xf32, #tpu.memory_space<hbm>>
    %dma_wait3A_228 = tpu.memref_squeeze %dma_wait3A_227 : memref<1x10240xf32, #tpu.memory_space<hbm>> -> memref<10240xf32, #tpu.memory_space<hbm>>
    %dma_wait3A_229 = arith.constant 0 : i32
    %dma_wait3A_230 = tpu.memref_slice %arg4[%mul3A_2, %dma_wait3A_229] : memref<136x10240xf32, #tpu.memory_space<hbm>> -> memref<1x10240xf32, #tpu.memory_space<hbm>>
    %dma_wait3A_231 = tpu.memref_squeeze %dma_wait3A_230 : memref<1x10240xf32, #tpu.memory_space<hbm>> -> memref<10240xf32, #tpu.memory_space<hbm>>
    %dma_wait3A_232 = arith.constant 30720 : i32
    %dma_wait3A_233 = tpu.memref_slice %arg7[%dma_wait3A_232] : memref<51200xf32, #tpu.memory_space<vmem>> -> memref<10240xf32, #tpu.memory_space<vmem>>
    tpu.wait_dma2 semaphore(%arg10 : memref<!tpu.dma_semaphore, #tpu.memory_space<semaphore_mem>>) src(%dma_wait3A_233 : memref<10240xf32, #tpu.memory_space<vmem>>) dst(%dma_wait3A_231 : memref<10240xf32, #tpu.memory_space<hbm>>)
    %dma_wait3A_234 = arith.constant 40960 : i32
    %dma_wait3A_235 = tpu.memref_slice %arg7[%dma_wait3A_234] : memref<51200xf32, #tpu.memory_space<vmem>> -> memref<10240xf32, #tpu.memory_space<vmem>>
    %dma_wait3A_236 = arith.constant 0 : i32
    %dma_wait3A_237 = tpu.memref_slice %arg4[%mul3A_2, %dma_wait3A_236] : memref<136x10240xf32, #tpu.memory_space<hbm>> -> memref<1x10240xf32, #tpu.memory_space<hbm>>
    %dma_wait3A_238 = tpu.memref_squeeze %dma_wait3A_237 : memref<1x10240xf32, #tpu.memory_space<hbm>> -> memref<10240xf32, #tpu.memory_space<hbm>>
    %dma_wait3A_239 = arith.constant 0 : i32
    %dma_wait3A_240 = tpu.memref_slice %arg4[%mul3A_2, %dma_wait3A_239] : memref<136x10240xf32, #tpu.memory_space<hbm>> -> memref<1x10240xf32, #tpu.memory_space<hbm>>
    %dma_wait3A_241 = tpu.memref_squeeze %dma_wait3A_240 : memref<1x10240xf32, #tpu.memory_space<hbm>> -> memref<10240xf32, #tpu.memory_space<hbm>>
    %dma_wait3A_242 = arith.constant 40960 : i32
    %dma_wait3A_243 = tpu.memref_slice %arg7[%dma_wait3A_242] : memref<51200xf32, #tpu.memory_space<vmem>> -> memref<10240xf32, #tpu.memory_space<vmem>>
    tpu.wait_dma2 semaphore(%arg10 : memref<!tpu.dma_semaphore, #tpu.memory_space<semaphore_mem>>) src(%dma_wait3A_243 : memref<10240xf32, #tpu.memory_space<vmem>>) dst(%dma_wait3A_241 : memref<10240xf32, #tpu.memory_space<hbm>>)
    return
  }
}

module attributes {stable_mosaic.version = 14 : i64} {
  func.func @_tc_a_body(%arg0: i32, %arg1: memref<2048x128xf32, #tpu.memory_space<vmem>>, %arg2: memref<136x128xf32, #tpu.memory_space<vmem>>, %arg3: memref<136x1xf32, #tpu.memory_space<vmem>>, %arg4: memref<136x1xf32, #tpu.memory_space<vmem>>, %arg5: memref<1x1xf32, #tpu.memory_space<vmem>>, %arg6: memref<136x2048xf32, #tpu.memory_space<vmem>>) attributes {dimension_semantics = [#tpu.dimension_semantics<arbitrary>], iteration_bounds = array<i64: 5>, scalar_prefetch = 0 : i64, scratch_operands = 0 : i64, tpu.core_type = #tpu.core_type<tc>, window_params = [{transform_indices = @transform_0, window_bounds = array<i64: 2048, 128>}, {pipeline_mode = #tpu.pipeline_mode<synchronous>, transform_indices = @transform_1, window_bounds = array<i64: 136, 128>}, {pipeline_mode = #tpu.pipeline_mode<synchronous>, transform_indices = @transform_2, window_bounds = array<i64: 136, 1>}, {pipeline_mode = #tpu.pipeline_mode<synchronous>, transform_indices = @transform_3, window_bounds = array<i64: 136, 1>}, {pipeline_mode = #tpu.pipeline_mode<synchronous>, transform_indices = @transform_4, window_bounds = array<i64: 1, 1>}, {transform_indices = @transform_5, window_bounds = array<i64: 136, 2048>}]} {
    %get3A = arith.constant 0 : index
    %get3A_0 = arith.constant 0 : index
    %get3A_1 = vector.load %arg1[%get3A, %get3A_0] : memref<2048x128xf32, #tpu.memory_space<vmem>>, vector<2048x128xf32>
    %mul3A = arith.mulf %get3A_1, %get3A_1 : vector<2048x128xf32>
    %reduce_sum3A = arith.constant dense<0.000000e+00> : vector<2048xf32>
    %reduce_sum3A_2 = vector.multi_reduction <add>, %mul3A, %reduce_sum3A [1] : vector<2048x128xf32> to vector<2048xf32>
    %broadcast_in_dim3A = vector.shape_cast %reduce_sum3A_2 : vector<2048xf32> to vector<2048x1xf32>
    %sqrt3A = math.sqrt %broadcast_in_dim3A : vector<2048x1xf32>
    %max3A = arith.constant 9.99999993E-9 : f32
    %max3A_3 = vector.broadcast %max3A : f32 to vector<2048x1xf32>
    %max3A_4 = arith.maximumf %sqrt3A, %max3A_3 : vector<2048x1xf32>
    %exp3A = math.exp %max3A_4 : vector<2048x1xf32>
    %div3A = arith.constant 1.000000e+00 : f32
    %div3A_5 = vector.broadcast %div3A : f32 to vector<2048x1xf32>
    %div3A_6 = arith.divf %div3A_5, %exp3A : vector<2048x1xf32>
    %add3A = arith.addf %exp3A, %div3A_6 : vector<2048x1xf32>
    %mul3A_7 = arith.constant 5.000000e-01 : f32
    %mul3A_8 = vector.broadcast %mul3A_7 : f32 to vector<2048x1xf32>
    %mul3A_9 = arith.mulf %mul3A_8, %add3A : vector<2048x1xf32>
    %sub3A = arith.subf %exp3A, %div3A_6 : vector<2048x1xf32>
    %mul3A_10 = arith.constant 5.000000e-01 : f32
    %mul3A_11 = vector.broadcast %mul3A_10 : f32 to vector<2048x1xf32>
    %mul3A_12 = arith.mulf %mul3A_11, %sub3A : vector<2048x1xf32>
    %div3A_13 = arith.divf %mul3A_12, %max3A_4 : vector<2048x1xf32>
    %mul3A_14 = vector.broadcast %div3A_13 : vector<2048x1xf32> to vector<2048x128xf32>
    %mul3A_15 = arith.mulf %get3A_1, %mul3A_14 : vector<2048x128xf32>
    %get3A_16 = arith.constant 0 : index
    %get3A_17 = arith.constant 0 : index
    %get3A_18 = vector.load %arg2[%get3A_16, %get3A_17] : memref<136x128xf32, #tpu.memory_space<vmem>>, vector<136x128xf32>
    %dot_general3A = arith.constant dense<0.000000e+00> : vector<136x2048xf32>
    %dot_general3A_19 = tpu.matmul %get3A_18, %mul3A_15, %dot_general3A {dimension_numbers = #tpu.dot_dimension_numbers<[1], [1], [0], [0], [0, 0, 1, 0], [], []>, precision = #tpu.contract_precision<fp32>, transpose_lhs_hint = false} : vector<136x128xf32>, vector<2048x128xf32>, vector<136x2048xf32> -> vector<136x2048xf32>
    %get3A_20 = arith.constant 0 : index
    %get3A_21 = arith.constant 0 : index
    %get3A_22 = vector.load %arg3[%get3A_20, %get3A_21] : memref<136x1xf32, #tpu.memory_space<vmem>>, vector<136x1xf32>
    %dot_general3A_23 = arith.constant dense<0.000000e+00> : vector<136x2048xf32>
    %dot_general3A_24 = tpu.matmul %get3A_22, %mul3A_9, %dot_general3A_23 {dimension_numbers = #tpu.dot_dimension_numbers<[1], [1], [0], [0], [0, 0, 1, 0], [], []>, precision = #tpu.contract_precision<fp32>, transpose_lhs_hint = false} : vector<136x1xf32>, vector<2048x1xf32>, vector<136x2048xf32> -> vector<136x2048xf32>
    %add3A_25 = arith.addf %dot_general3A_19, %dot_general3A_24 : vector<136x2048xf32>
    %get3A_26 = arith.constant 0 : index
    %get3A_27 = arith.constant 0 : index
    %get3A_28 = vector.load %arg4[%get3A_26, %get3A_27] : memref<136x1xf32, #tpu.memory_space<vmem>>, vector<136x1xf32>
    %add3A_29 = vector.broadcast %get3A_28 : vector<136x1xf32> to vector<136x2048xf32>
    %add3A_30 = arith.addf %add3A_25, %add3A_29 : vector<136x2048xf32>
    %get3A_31 = arith.constant 0 : index
    %get3A_32 = arith.constant 0 : index
    %get3A_33 = vector.load %arg5[%get3A_31, %get3A_32] : memref<1x1xf32, #tpu.memory_space<vmem>>, vector<1x1xf32>
    %get3A_34 = vector.extract %get3A_33[0, 0] : f32 from vector<1x1xf32>
    %slice3A = vector.extract_strided_slice %add3A_30 {offsets = [0, 0], sizes = [1, 2048], strides = [1, 1]} : vector<136x2048xf32> to vector<1x2048xf32>
    %neg3A = arith.constant 0.000000e+00 : f32
    %neg3A_35 = vector.broadcast %neg3A : f32 to vector<1x2048xf32>
    %neg3A_36 = arith.subf %neg3A_35, %slice3A : vector<1x2048xf32>
    %exp3A_37 = math.exp %neg3A_36 : vector<1x2048xf32>
    %add3A_38 = arith.constant 1.000000e+00 : f32
    %add3A_39 = vector.broadcast %add3A_38 : f32 to vector<1x2048xf32>
    %add3A_40 = arith.addf %add3A_39, %exp3A_37 : vector<1x2048xf32>
    %div3A_41 = arith.constant 1.000000e+00 : f32
    %div3A_42 = vector.broadcast %div3A_41 : f32 to vector<1x2048xf32>
    %div3A_43 = arith.divf %div3A_42, %add3A_40 : vector<1x2048xf32>
    %mul3A_44 = vector.broadcast %get3A_34 : f32 to vector<1x2048xf32>
    %mul3A_45 = arith.mulf %div3A_43, %mul3A_44 : vector<1x2048xf32>
    %sqrt3A_46 = arith.constant 1.000000e+00 : f32
    %sqrt3A_47 = math.sqrt %sqrt3A_46 : f32
    %add3A_48 = arith.constant 5.000000e-01 : f32
    %add3A_49 = arith.addf %sqrt3A_47, %add3A_48 : f32
    %add3A_50 = vector.broadcast %add3A_49 : f32 to vector<1x2048xf32>
    %add3A_51 = arith.addf %mul3A_45, %add3A_50 : vector<1x2048xf32>
    %mul3A_52 = arith.mulf %add3A_30, %add3A_30 : vector<136x2048xf32>
    %reduce_sum3A_53 = arith.constant dense<0.000000e+00> : vector<2048xf32>
    %reduce_sum3A_54 = vector.multi_reduction <add>, %mul3A_52, %reduce_sum3A_53 [0] : vector<136x2048xf32> to vector<2048xf32>
    %broadcast_in_dim3A_55 = vector.shape_cast %reduce_sum3A_54 : vector<2048xf32> to vector<1x2048xf32>
    %mul3A_56 = arith.mulf %slice3A, %slice3A : vector<1x2048xf32>
    %sub3A_57 = arith.subf %broadcast_in_dim3A_55, %mul3A_56 : vector<1x2048xf32>
    %max3A_58 = arith.constant 9.99999993E-9 : f32
    %max3A_59 = vector.broadcast %max3A_58 : f32 to vector<1x2048xf32>
    %max3A_60 = arith.maximumf %sub3A_57, %max3A_59 : vector<1x2048xf32>
    %mul3A_61 = arith.mulf %add3A_51, %add3A_51 : vector<1x2048xf32>
    %sub3A_62 = arith.constant 1.000000e+00 : f32
    %sub3A_63 = vector.broadcast %sub3A_62 : f32 to vector<1x2048xf32>
    %sub3A_64 = arith.subf %mul3A_61, %sub3A_63 : vector<1x2048xf32>
    %div3A_65 = arith.divf %sub3A_64, %max3A_60 : vector<1x2048xf32>
    %max3A_66 = arith.constant 9.99999993E-9 : f32
    %max3A_67 = vector.broadcast %max3A_66 : f32 to vector<1x2048xf32>
    %max3A_68 = arith.maximumf %div3A_65, %max3A_67 : vector<1x2048xf32>
    %sqrt3A_69 = math.sqrt %max3A_68 : vector<1x2048xf32>
    %iota3A = tpu.iota {dimensions = array<i32: 0>} : vector<136x2048xi32>
    %eq3A = arith.constant 0 : i32
    %eq3A_70 = vector.broadcast %eq3A : i32 to vector<136x2048xi32>
    %eq3A_71 = arith.cmpi eq, %iota3A, %eq3A_70 : vector<136x2048xi32>
    %mul3A_72 = vector.broadcast %sqrt3A_69 : vector<1x2048xf32> to vector<136x2048xf32>
    %mul3A_73 = arith.mulf %add3A_30, %mul3A_72 : vector<136x2048xf32>
    %broadcast_in_dim3A_74 = vector.shape_cast %add3A_51 : vector<1x2048xf32> to vector<1x2048xf32>
    %broadcast_in_dim3A_75 = vector.broadcast %broadcast_in_dim3A_74 : vector<1x2048xf32> to vector<136x2048xf32>
    %select_n3A = arith.select %eq3A_71, %broadcast_in_dim3A_75, %mul3A_73 : vector<136x2048xi1>, vector<136x2048xf32>
    %swap3A = arith.constant 0 : index
    %swap3A_76 = arith.constant 0 : index
    %swap3A_77 = vector.load %arg6[%swap3A, %swap3A_76] : memref<136x2048xf32, #tpu.memory_space<vmem>>, vector<136x2048xf32>
    tpu.vector_store %arg6[%swap3A, %swap3A_76], %select_n3A {strides = array<i32>} : memref<136x2048xf32, #tpu.memory_space<vmem>>, vector<136x2048xf32>,
    return
  }
  func.func @transform_0(%arg0: i32) -> (i32, i32) {
    %c0_i32 = arith.constant 0 : i32
    %c0_i32_0 = arith.constant 0 : i32
    return %arg0, %c0_i32 : i32, i32
  }
  func.func @transform_1(%arg0: i32) -> (i32, i32) {
    %c0_i32 = arith.constant 0 : i32
    %c0_i32_0 = arith.constant 0 : i32
    %c0_i32_1 = arith.constant 0 : i32
    return %c0_i32, %c0_i32_0 : i32, i32
  }
  func.func @transform_2(%arg0: i32) -> (i32, i32) {
    %c0_i32 = arith.constant 0 : i32
    %c0_i32_0 = arith.constant 0 : i32
    %c0_i32_1 = arith.constant 0 : i32
    return %c0_i32, %c0_i32_0 : i32, i32
  }
  func.func @transform_3(%arg0: i32) -> (i32, i32) {
    %c0_i32 = arith.constant 0 : i32
    %c0_i32_0 = arith.constant 0 : i32
    %c0_i32_1 = arith.constant 0 : i32
    return %c0_i32, %c0_i32_0 : i32, i32
  }
  func.func @transform_4(%arg0: i32) -> (i32, i32) {
    %c0_i32 = arith.constant 0 : i32
    %c0_i32_0 = arith.constant 0 : i32
    %c0_i32_1 = arith.constant 0 : i32
    return %c0_i32, %c0_i32_0 : i32, i32
  }
  func.func @transform_5(%arg0: i32) -> (i32, i32) {
    %c0_i32 = arith.constant 0 : i32
    %c0_i32_0 = arith.constant 0 : i32
    return %c0_i32, %arg0 : i32, i32
  }
}

module attributes {stable_mosaic.version = 14 : i64} {
  func.func @_tc_b_body(%arg0: i32, %arg1: memref<136x2048xf32, #tpu.memory_space<vmem>>, %arg2: memref<32x2048xf32, #tpu.memory_space<vmem>>, %arg3: memref<136x136xf32, #tpu.memory_space<vmem>>, %arg4: memref<136x1xf32, #tpu.memory_space<vmem>>, %arg5: memref<1x1xf32, #tpu.memory_space<vmem>>, %arg6: memref<136x2048xf32, #tpu.memory_space<vmem>>) attributes {dimension_semantics = [#tpu.dimension_semantics<arbitrary>], iteration_bounds = array<i64: 5>, scalar_prefetch = 0 : i64, scratch_operands = 0 : i64, tpu.core_type = #tpu.core_type<tc>, window_params = [{transform_indices = @transform_0, window_bounds = array<i64: 136, 2048>}, {transform_indices = @transform_1, window_bounds = array<i64: 32, 2048>}, {pipeline_mode = #tpu.pipeline_mode<synchronous>, transform_indices = @transform_2, window_bounds = array<i64: 136, 136>}, {pipeline_mode = #tpu.pipeline_mode<synchronous>, transform_indices = @transform_3, window_bounds = array<i64: 136, 1>}, {pipeline_mode = #tpu.pipeline_mode<synchronous>, transform_indices = @transform_4, window_bounds = array<i64: 1, 1>}, {transform_indices = @transform_5, window_bounds = array<i64: 136, 2048>}]} {
    %get3A = arith.constant 0 : index
    %get3A_0 = arith.constant 0 : index
    %get3A_1 = vector.load %arg1[%get3A, %get3A_0] : memref<136x2048xf32, #tpu.memory_space<vmem>>, vector<136x2048xf32>
    %get3A_2 = arith.constant 0 : index
    %get3A_3 = arith.constant 0 : index
    %get3A_4 = vector.load %arg2[%get3A_2, %get3A_3] : memref<32x2048xf32, #tpu.memory_space<vmem>>, vector<32x2048xf32>
    %reduce_sum3A = arith.constant dense<0.000000e+00> : vector<2048xf32>
    %reduce_sum3A_5 = vector.multi_reduction <add>, %get3A_4, %reduce_sum3A [0] : vector<32x2048xf32> to vector<2048xf32>
    %broadcast_in_dim3A = vector.shape_cast %reduce_sum3A_5 : vector<2048xf32> to vector<1x2048xf32>
    %iota3A = tpu.iota {dimensions = array<i32: 0>} : vector<136x2048xi32>
    %lt3A = arith.constant 128 : i32
    %lt3A_6 = vector.broadcast %lt3A : i32 to vector<136x2048xi32>
    %lt3A_7 = arith.cmpi slt, %iota3A, %lt3A_6 : vector<136x2048xi32>
    %eq3A = arith.constant 128 : i32
    %eq3A_8 = vector.broadcast %eq3A : i32 to vector<136x2048xi32>
    %eq3A_9 = arith.cmpi eq, %iota3A, %eq3A_8 : vector<136x2048xi32>
    %jit3A = arith.constant 0.000000e+00 : f32
    %broadcast_in_dim3A_10 = vector.shape_cast %broadcast_in_dim3A : vector<1x2048xf32> to vector<1x2048xf32>
    %broadcast_in_dim3A_11 = vector.broadcast %broadcast_in_dim3A_10 : vector<1x2048xf32> to vector<136x2048xf32>
    %broadcast_in_dim3A_12 = vector.broadcast %jit3A : f32 to vector<136x2048xf32>
    %select_n3A = arith.select %eq3A_9, %broadcast_in_dim3A_11, %broadcast_in_dim3A_12 : vector<136x2048xi1>, vector<136x2048xf32>
    %select_n3A_13 = arith.select %lt3A_7, %get3A_1, %select_n3A : vector<136x2048xi1>, vector<136x2048xf32>
    %slice3A = vector.extract_strided_slice %select_n3A_13 {offsets = [0, 0], sizes = [1, 2048], strides = [1, 1]} : vector<136x2048xf32> to vector<1x2048xf32>
    %mul3A = arith.mulf %select_n3A_13, %select_n3A_13 : vector<136x2048xf32>
    %reduce_sum3A_14 = arith.constant dense<0.000000e+00> : vector<2048xf32>
    %reduce_sum3A_15 = vector.multi_reduction <add>, %mul3A, %reduce_sum3A_14 [0] : vector<136x2048xf32> to vector<2048xf32>
    %broadcast_in_dim3A_16 = vector.shape_cast %reduce_sum3A_15 : vector<2048xf32> to vector<1x2048xf32>
    %mul3A_17 = arith.mulf %slice3A, %slice3A : vector<1x2048xf32>
    %neg3A = arith.constant 0.000000e+00 : f32
    %neg3A_18 = vector.broadcast %neg3A : f32 to vector<1x2048xf32>
    %neg3A_19 = arith.subf %neg3A_18, %mul3A_17 : vector<1x2048xf32>
    %mul3A_20 = arith.mulf %slice3A, %slice3A : vector<1x2048xf32>
    %sub3A = arith.subf %broadcast_in_dim3A_16, %mul3A_20 : vector<1x2048xf32>
    %add3A = arith.addf %neg3A_19, %sub3A : vector<1x2048xf32>
    %neg3A_21 = arith.constant 0.000000e+00 : f32
    %neg3A_22 = vector.broadcast %neg3A_21 : f32 to vector<1x2048xf32>
    %neg3A_23 = arith.subf %neg3A_22, %add3A : vector<1x2048xf32>
    %abs3A = math.absf %neg3A_23 : vector<1x2048xf32>
    %max3A = arith.constant 9.99999993E-9 : f32
    %max3A_24 = vector.broadcast %max3A : f32 to vector<1x2048xf32>
    %max3A_25 = arith.maximumf %abs3A, %max3A_24 : vector<1x2048xf32>
    %sqrt3A = math.sqrt %max3A_25 : vector<1x2048xf32>
    %sqrt3A_26 = arith.constant 1.000000e+00 : f32
    %sqrt3A_27 = math.sqrt %sqrt3A_26 : f32
    %div3A = vector.broadcast %sqrt3A_27 : f32 to vector<1x2048xf32>
    %div3A_28 = arith.divf %sqrt3A, %div3A : vector<1x2048xf32>
    %div3A_29 = vector.broadcast %div3A_28 : vector<1x2048xf32> to vector<136x2048xf32>
    %div3A_30 = arith.divf %select_n3A_13, %div3A_29 : vector<136x2048xf32>
    %max3A_31 = arith.constant 0.000000e+00 : f32
    %max3A_32 = vector.broadcast %max3A_31 : f32 to vector<136x2048xf32>
    %max3A_33 = arith.maximumf %div3A_30, %max3A_32 : vector<136x2048xf32>
    %get3A_34 = arith.constant 0 : index
    %get3A_35 = arith.constant 0 : index
    %get3A_36 = vector.load %arg3[%get3A_34, %get3A_35] : memref<136x136xf32, #tpu.memory_space<vmem>>, vector<136x136xf32>
    %dot_general3A = arith.constant dense<0.000000e+00> : vector<136x2048xf32>
    %dot_general3A_37 = tpu.matmul %get3A_36, %max3A_33, %dot_general3A {dimension_numbers = #tpu.dot_dimension_numbers<[1], [0], [0], [1], [0, 0, 1, 1], [], []>, precision = #tpu.contract_precision<fp32>, transpose_lhs_hint = false} : vector<136x136xf32>, vector<136x2048xf32>, vector<136x2048xf32> -> vector<136x2048xf32>
    %get3A_38 = arith.constant 0 : index
    %get3A_39 = arith.constant 0 : index
    %get3A_40 = vector.load %arg4[%get3A_38, %get3A_39] : memref<136x1xf32, #tpu.memory_space<vmem>>, vector<136x1xf32>
    %add3A_41 = vector.broadcast %get3A_40 : vector<136x1xf32> to vector<136x2048xf32>
    %add3A_42 = arith.addf %dot_general3A_37, %add3A_41 : vector<136x2048xf32>
    %get3A_43 = arith.constant 0 : index
    %get3A_44 = arith.constant 0 : index
    %get3A_45 = vector.load %arg5[%get3A_43, %get3A_44] : memref<1x1xf32, #tpu.memory_space<vmem>>, vector<1x1xf32>
    %get3A_46 = vector.extract %get3A_45[0, 0] : f32 from vector<1x1xf32>
    %slice3A_47 = vector.extract_strided_slice %add3A_42 {offsets = [0, 0], sizes = [1, 2048], strides = [1, 1]} : vector<136x2048xf32> to vector<1x2048xf32>
    %neg3A_48 = arith.constant 0.000000e+00 : f32
    %neg3A_49 = vector.broadcast %neg3A_48 : f32 to vector<1x2048xf32>
    %neg3A_50 = arith.subf %neg3A_49, %slice3A_47 : vector<1x2048xf32>
    %exp3A = math.exp %neg3A_50 : vector<1x2048xf32>
    %add3A_51 = arith.constant 1.000000e+00 : f32
    %add3A_52 = vector.broadcast %add3A_51 : f32 to vector<1x2048xf32>
    %add3A_53 = arith.addf %add3A_52, %exp3A : vector<1x2048xf32>
    %div3A_54 = arith.constant 1.000000e+00 : f32
    %div3A_55 = vector.broadcast %div3A_54 : f32 to vector<1x2048xf32>
    %div3A_56 = arith.divf %div3A_55, %add3A_53 : vector<1x2048xf32>
    %mul3A_57 = vector.broadcast %get3A_46 : f32 to vector<1x2048xf32>
    %mul3A_58 = arith.mulf %div3A_56, %mul3A_57 : vector<1x2048xf32>
    %sqrt3A_59 = arith.constant 1.000000e+00 : f32
    %sqrt3A_60 = math.sqrt %sqrt3A_59 : f32
    %add3A_61 = arith.constant 5.000000e-01 : f32
    %add3A_62 = arith.addf %sqrt3A_60, %add3A_61 : f32
    %add3A_63 = vector.broadcast %add3A_62 : f32 to vector<1x2048xf32>
    %add3A_64 = arith.addf %mul3A_58, %add3A_63 : vector<1x2048xf32>
    %mul3A_65 = arith.mulf %add3A_42, %add3A_42 : vector<136x2048xf32>
    %reduce_sum3A_66 = arith.constant dense<0.000000e+00> : vector<2048xf32>
    %reduce_sum3A_67 = vector.multi_reduction <add>, %mul3A_65, %reduce_sum3A_66 [0] : vector<136x2048xf32> to vector<2048xf32>
    %broadcast_in_dim3A_68 = vector.shape_cast %reduce_sum3A_67 : vector<2048xf32> to vector<1x2048xf32>
    %mul3A_69 = arith.mulf %slice3A_47, %slice3A_47 : vector<1x2048xf32>
    %sub3A_70 = arith.subf %broadcast_in_dim3A_68, %mul3A_69 : vector<1x2048xf32>
    %max3A_71 = arith.constant 9.99999993E-9 : f32
    %max3A_72 = vector.broadcast %max3A_71 : f32 to vector<1x2048xf32>
    %max3A_73 = arith.maximumf %sub3A_70, %max3A_72 : vector<1x2048xf32>
    %mul3A_74 = arith.mulf %add3A_64, %add3A_64 : vector<1x2048xf32>
    %sub3A_75 = arith.constant 1.000000e+00 : f32
    %sub3A_76 = vector.broadcast %sub3A_75 : f32 to vector<1x2048xf32>
    %sub3A_77 = arith.subf %mul3A_74, %sub3A_76 : vector<1x2048xf32>
    %div3A_78 = arith.divf %sub3A_77, %max3A_73 : vector<1x2048xf32>
    %max3A_79 = arith.constant 9.99999993E-9 : f32
    %max3A_80 = vector.broadcast %max3A_79 : f32 to vector<1x2048xf32>
    %max3A_81 = arith.maximumf %div3A_78, %max3A_80 : vector<1x2048xf32>
    %sqrt3A_82 = math.sqrt %max3A_81 : vector<1x2048xf32>
    %iota3A_83 = tpu.iota {dimensions = array<i32: 0>} : vector<136x2048xi32>
    %eq3A_84 = arith.constant 0 : i32
    %eq3A_85 = vector.broadcast %eq3A_84 : i32 to vector<136x2048xi32>
    %eq3A_86 = arith.cmpi eq, %iota3A_83, %eq3A_85 : vector<136x2048xi32>
    %mul3A_87 = vector.broadcast %sqrt3A_82 : vector<1x2048xf32> to vector<136x2048xf32>
    %mul3A_88 = arith.mulf %add3A_42, %mul3A_87 : vector<136x2048xf32>
    %broadcast_in_dim3A_89 = vector.shape_cast %add3A_64 : vector<1x2048xf32> to vector<1x2048xf32>
    %broadcast_in_dim3A_90 = vector.broadcast %broadcast_in_dim3A_89 : vector<1x2048xf32> to vector<136x2048xf32>
    %select_n3A_91 = arith.select %eq3A_86, %broadcast_in_dim3A_90, %mul3A_88 : vector<136x2048xi1>, vector<136x2048xf32>
    %swap3A = arith.constant 0 : index
    %swap3A_92 = arith.constant 0 : index
    %swap3A_93 = vector.load %arg6[%swap3A, %swap3A_92] : memref<136x2048xf32, #tpu.memory_space<vmem>>, vector<136x2048xf32>
    tpu.vector_store %arg6[%swap3A, %swap3A_92], %select_n3A_91 {strides = array<i32>} : memref<136x2048xf32, #tpu.memory_space<vmem>>, vector<136x2048xf32>,
    return
  }
  func.func @transform_0(%arg0: i32) -> (i32, i32) {
    %c0_i32 = arith.constant 0 : i32
    %c0_i32_0 = arith.constant 0 : i32
    return %c0_i32, %arg0 : i32, i32
  }
  func.func @transform_1(%arg0: i32) -> (i32, i32) {
    %c0_i32 = arith.constant 0 : i32
    %c0_i32_0 = arith.constant 0 : i32
    return %c0_i32, %arg0 : i32, i32
  }
  func.func @transform_2(%arg0: i32) -> (i32, i32) {
    %c0_i32 = arith.constant 0 : i32
    %c0_i32_0 = arith.constant 0 : i32
    %c0_i32_1 = arith.constant 0 : i32
    return %c0_i32, %c0_i32_0 : i32, i32
  }
  func.func @transform_3(%arg0: i32) -> (i32, i32) {
    %c0_i32 = arith.constant 0 : i32
    %c0_i32_0 = arith.constant 0 : i32
    %c0_i32_1 = arith.constant 0 : i32
    return %c0_i32, %c0_i32_0 : i32, i32
  }
  func.func @transform_4(%arg0: i32) -> (i32, i32) {
    %c0_i32 = arith.constant 0 : i32
    %c0_i32_0 = arith.constant 0 : i32
    %c0_i32_1 = arith.constant 0 : i32
    return %c0_i32, %c0_i32_0 : i32, i32
  }
  func.func @transform_5(%arg0: i32) -> (i32, i32) {
    %c0_i32 = arith.constant 0 : i32
    %c0_i32_0 = arith.constant 0 : i32
    return %c0_i32, %arg0 : i32, i32
  }
}

module attributes {stable_mosaic.version = 14 : i64} {
  func.func @_tc_c_body(%arg0: i32, %arg1: memref<136x2048xf32, #tpu.memory_space<vmem>>, %arg2: memref<32x2048xf32, #tpu.memory_space<vmem>>, %arg3: memref<7x136xf32, #tpu.memory_space<vmem>>, %arg4: memref<1x7xf32, #tpu.memory_space<vmem>>, %arg5: memref<2048x7xf32, #tpu.memory_space<vmem>>) attributes {dimension_semantics = [#tpu.dimension_semantics<arbitrary>], iteration_bounds = array<i64: 5>, scalar_prefetch = 0 : i64, scratch_operands = 0 : i64, tpu.core_type = #tpu.core_type<tc>, window_params = [{transform_indices = @transform_0, window_bounds = array<i64: 136, 2048>}, {transform_indices = @transform_1, window_bounds = array<i64: 32, 2048>}, {pipeline_mode = #tpu.pipeline_mode<synchronous>, transform_indices = @transform_2, window_bounds = array<i64: 7, 136>}, {pipeline_mode = #tpu.pipeline_mode<synchronous>, transform_indices = @transform_3, window_bounds = array<i64: 1, 7>}, {transform_indices = @transform_4, window_bounds = array<i64: 2048, 7>}]} {
    %get3A = arith.constant 0 : index
    %get3A_0 = arith.constant 0 : index
    %get3A_1 = vector.load %arg1[%get3A, %get3A_0] : memref<136x2048xf32, #tpu.memory_space<vmem>>, vector<136x2048xf32>
    %get3A_2 = arith.constant 0 : index
    %get3A_3 = arith.constant 0 : index
    %get3A_4 = vector.load %arg2[%get3A_2, %get3A_3] : memref<32x2048xf32, #tpu.memory_space<vmem>>, vector<32x2048xf32>
    %reduce_sum3A = arith.constant dense<0.000000e+00> : vector<2048xf32>
    %reduce_sum3A_5 = vector.multi_reduction <add>, %get3A_4, %reduce_sum3A [0] : vector<32x2048xf32> to vector<2048xf32>
    %broadcast_in_dim3A = vector.shape_cast %reduce_sum3A_5 : vector<2048xf32> to vector<1x2048xf32>
    %iota3A = tpu.iota {dimensions = array<i32: 0>} : vector<136x2048xi32>
    %lt3A = arith.constant 128 : i32
    %lt3A_6 = vector.broadcast %lt3A : i32 to vector<136x2048xi32>
    %lt3A_7 = arith.cmpi slt, %iota3A, %lt3A_6 : vector<136x2048xi32>
    %eq3A = arith.constant 128 : i32
    %eq3A_8 = vector.broadcast %eq3A : i32 to vector<136x2048xi32>
    %eq3A_9 = arith.cmpi eq, %iota3A, %eq3A_8 : vector<136x2048xi32>
    %jit3A = arith.constant 0.000000e+00 : f32
    %broadcast_in_dim3A_10 = vector.shape_cast %broadcast_in_dim3A : vector<1x2048xf32> to vector<1x2048xf32>
    %broadcast_in_dim3A_11 = vector.broadcast %broadcast_in_dim3A_10 : vector<1x2048xf32> to vector<136x2048xf32>
    %broadcast_in_dim3A_12 = vector.broadcast %jit3A : f32 to vector<136x2048xf32>
    %select_n3A = arith.select %eq3A_9, %broadcast_in_dim3A_11, %broadcast_in_dim3A_12 : vector<136x2048xi1>, vector<136x2048xf32>
    %select_n3A_13 = arith.select %lt3A_7, %get3A_1, %select_n3A : vector<136x2048xi1>, vector<136x2048xf32>
    %slice3A = vector.extract_strided_slice %select_n3A_13 {offsets = [0, 0], sizes = [1, 2048], strides = [1, 1]} : vector<136x2048xf32> to vector<1x2048xf32>
    %mul3A = arith.mulf %select_n3A_13, %select_n3A_13 : vector<136x2048xf32>
    %reduce_sum3A_14 = arith.constant dense<0.000000e+00> : vector<2048xf32>
    %reduce_sum3A_15 = vector.multi_reduction <add>, %mul3A, %reduce_sum3A_14 [0] : vector<136x2048xf32> to vector<2048xf32>
    %broadcast_in_dim3A_16 = vector.shape_cast %reduce_sum3A_15 : vector<2048xf32> to vector<1x2048xf32>
    %mul3A_17 = arith.mulf %slice3A, %slice3A : vector<1x2048xf32>
    %neg3A = arith.constant 0.000000e+00 : f32
    %neg3A_18 = vector.broadcast %neg3A : f32 to vector<1x2048xf32>
    %neg3A_19 = arith.subf %neg3A_18, %mul3A_17 : vector<1x2048xf32>
    %mul3A_20 = arith.mulf %slice3A, %slice3A : vector<1x2048xf32>
    %sub3A = arith.subf %broadcast_in_dim3A_16, %mul3A_20 : vector<1x2048xf32>
    %add3A = arith.addf %neg3A_19, %sub3A : vector<1x2048xf32>
    %neg3A_21 = arith.constant 0.000000e+00 : f32
    %neg3A_22 = vector.broadcast %neg3A_21 : f32 to vector<1x2048xf32>
    %neg3A_23 = arith.subf %neg3A_22, %add3A : vector<1x2048xf32>
    %abs3A = math.absf %neg3A_23 : vector<1x2048xf32>
    %max3A = arith.constant 9.99999993E-9 : f32
    %max3A_24 = vector.broadcast %max3A : f32 to vector<1x2048xf32>
    %max3A_25 = arith.maximumf %abs3A, %max3A_24 : vector<1x2048xf32>
    %sqrt3A = math.sqrt %max3A_25 : vector<1x2048xf32>
    %sqrt3A_26 = arith.constant 1.000000e+00 : f32
    %sqrt3A_27 = math.sqrt %sqrt3A_26 : f32
    %div3A = vector.broadcast %sqrt3A_27 : f32 to vector<1x2048xf32>
    %div3A_28 = arith.divf %sqrt3A, %div3A : vector<1x2048xf32>
    %div3A_29 = vector.broadcast %div3A_28 : vector<1x2048xf32> to vector<136x2048xf32>
    %div3A_30 = arith.divf %select_n3A_13, %div3A_29 : vector<136x2048xf32>
    %get3A_31 = arith.constant 0 : index
    %get3A_32 = arith.constant 0 : index
    %get3A_33 = vector.load %arg3[%get3A_31, %get3A_32] : memref<7x136xf32, #tpu.memory_space<vmem>>, vector<7x136xf32>
    %dot_general3A = arith.constant dense<0.000000e+00> : vector<2048x7xf32>
    %dot_general3A_34 = tpu.matmul %div3A_30, %get3A_33, %dot_general3A {dimension_numbers = #tpu.dot_dimension_numbers<[0], [1], [1], [0], [0, 1, 1, 0], [], []>, precision = #tpu.contract_precision<fp32>, transpose_lhs_hint = false} : vector<136x2048xf32>, vector<7x136xf32>, vector<2048x7xf32> -> vector<2048x7xf32>
    %mul3A_35 = arith.constant 2.000000e+00 : f32
    %mul3A_36 = vector.broadcast %mul3A_35 : f32 to vector<2048x7xf32>
    %mul3A_37 = arith.mulf %mul3A_36, %dot_general3A_34 : vector<2048x7xf32>
    %add3A_38 = arith.constant 2.000000e+00 : f32
    %add3A_39 = vector.broadcast %add3A_38 : f32 to vector<2048x7xf32>
    %add3A_40 = arith.addf %add3A_39, %mul3A_37 : vector<2048x7xf32>
    %get3A_41 = arith.constant 0 : index
    %get3A_42 = arith.constant 0 : index
    %get3A_43 = vector.load %arg4[%get3A_41, %get3A_42] : memref<1x7xf32, #tpu.memory_space<vmem>>, vector<1x7xf32>
    %add3A_44 = vector.broadcast %get3A_43 : vector<1x7xf32> to vector<2048x7xf32>
    %add3A_45 = arith.addf %add3A_40, %add3A_44 : vector<2048x7xf32>
    %swap3A = arith.constant 0 : index
    %swap3A_46 = arith.constant 0 : index
    %swap3A_47 = vector.load %arg5[%swap3A, %swap3A_46] : memref<2048x7xf32, #tpu.memory_space<vmem>>, vector<2048x7xf32>
    tpu.vector_store %arg5[%swap3A, %swap3A_46], %add3A_45 {strides = array<i32>} : memref<2048x7xf32, #tpu.memory_space<vmem>>, vector<2048x7xf32>,
    return
  }
  func.func @transform_0(%arg0: i32) -> (i32, i32) {
    %c0_i32 = arith.constant 0 : i32
    %c0_i32_0 = arith.constant 0 : i32
    return %c0_i32, %arg0 : i32, i32
  }
  func.func @transform_1(%arg0: i32) -> (i32, i32) {
    %c0_i32 = arith.constant 0 : i32
    %c0_i32_0 = arith.constant 0 : i32
    return %c0_i32, %arg0 : i32, i32
  }
  func.func @transform_2(%arg0: i32) -> (i32, i32) {
    %c0_i32 = arith.constant 0 : i32
    %c0_i32_0 = arith.constant 0 : i32
    %c0_i32_1 = arith.constant 0 : i32
    return %c0_i32, %c0_i32_0 : i32, i32
  }
  func.func @transform_3(%arg0: i32) -> (i32, i32) {
    %c0_i32 = arith.constant 0 : i32
    %c0_i32_0 = arith.constant 0 : i32
    %c0_i32_1 = arith.constant 0 : i32
    return %c0_i32, %c0_i32_0 : i32, i32
  }
  func.func @transform_4(%arg0: i32) -> (i32, i32) {
    %c0_i32 = arith.constant 0 : i32
    %c0_i32_0 = arith.constant 0 : i32
    return %arg0, %c0_i32 : i32, i32
  }
}

</mosaic_0001>

<sc_bundles>
// kernel: kernel.10.cloned.1.call-start
scs
__scs_entry_jumppad:
0x0: {  	(pc) =	sbr.rel $0x88, $3  }
0x1: {  	(tag) =	ssettag $0x0;
	lr =	simm.s32 $0x1  }
0x2: {  	[smem:$0x3F97] =	sst lr;
	_ =	strace $0xD0000000  }
0x3: {  	_ = 	snop  }
0x4: {  	_ = 	snop  }
0x5: {  	_ = 	snop  }
0x6: {  	_ = 	snop  }
0x7: {  	_ = 	snop  }
__scs_overlays_trampoline_lowered:
0x8: {  	[smem:$0x3FA6] =	sst s0  }
0x9: {  	[smem:$0x3FA7] =	sst s1  }
0xa: {  	[smem:$0x3FA8] =	sst s2  }
0xb: {  	[smem:$0x3FA9] =	sst s3  }
0xc: {  	[smem:$0x3FAA] =	sst s4  }
0xd: {  	[smem:$0x3FAB] =	sst s5  }
0xe: {  	[smem:$0x3FAC] =	sst s6  }
0xf: {  	[smem:$0x3FAD] =	sst s7  }
0x10: {  	[smem:$0x3FAE] =	sst s8  }
0x11: {  	[smem:$0x3FAF] =	sst s9;
	s0 =	simm.s32 @!p0 $0x0  }
0x12: {  	s1 =	sld [smem:$0x3F95];
	s0 =	simm.s32 @p0 $0x1  }
0x13: {  	[smem:$0x3FB0] =	sst s0;
	s0 =	simm.s32 @!p1 $0x0  }
0x14: {  	s2 =	sld [smem:$0x3F94];
	s0 =	simm.s32 @p1 $0x1  }
0x15: {  	[smem:$0x3FB1] =	sst s0;
	s0 =	simm.s32 @!p2 $0x0  }
0x16: {  	s3 =	sld [smem:$0x3FDB];
	s0 =	simm.s32 @p2 $0x1  }
0x17: {  	s4 =	simm.s32 $0x1BF5;
	[smem:$0x3FB3] =	sst s0  }
0x18: {  	s0 =	sld [smem:$0x3F96];
	_ =	swait.ge [sflag:s4], $0x0  }
0x19: {  	s7 =	sld [smem:$0x3F97]  }
0x1a: {  	s8 =	sadd.s32 $0xFFFFE003, lr  }
0x1b: {  	s9 =	sadd.s32 $0xFFFFFEF7, lr;
	s5 =	simm.s32 $0xFFFFFFFF;
	p2 =	slt.u32 s8, $0xFFFFF086  }
0x1c: {  	p1 =	slt.u32 s9, $0xF7A;
	s5 =	simm.s32 @!p2 $0x0  }
0x1d: {  	s5 =	simm.s32 @p1 $0x1;
	p0 =	seq.s32 s7, s2  }
0x1e: {  	s7 =	smul.u32 @!p0 $0xF7A, s2;
	p2 =	seq.s32 @!p0 s5, $0x0  }
0x1f: {  	s9 =	smul.u32 $0xF7A, s1;
	s8 =	simm.s32 @!p0 $0x1BF5;
	p2 =	por !p2, p0  }
0x20: {  	[sflag:s8] =	ssyncset.s32 @!p0 $0xFFFFF086;
	s6 =	sadd.s32 @!p0 s3, s7;
	s7 =	simm.s32 @!p0 $0x108  }
0x21: {  	s3 =	sadd.s32 s3, s9;
	s6 =	sadd.s32 @!p0 $0x88, s6;
	s7 =	simm.s32 @p2 $0x1082  }
0x22: {  	[simem:s7], [sflag:s8] =	dma.local @!p0 [hbm:s6], $0xF7A  }
0x23: {  	s9 =	sor.u32 $0xD0000000, s2;
	s6 =	simm.s32 $0x108;
	_ =	swait.ge @!p0 [sflag:s8], $0x0  }
0x24: {  	s3 =	sadd.s32 $0x88, s3;
	s6 =	simm.s32 @!p1 $0x1082;
	[sflag:s4] =	ssyncset.s32 $0xFFFFF086  }
0x25: {  	[simem:s6], [sflag:s4] =	dma.local [hbm:s3], $0xF7A  }
0x26: {  	[smem:$0x3F97] =	sst s1;
	(tag) =	ssettag s2;
	_ =	strace s9  }
0x27: {  	s1 =	sld [smem:$0x3FA7]  }
0x28: {  	s2 =	sld [smem:$0x3FA8]  }
0x29: {  	s4 =	sld [smem:$0x3FAA]  }
0x2a: {  	p0 =	seq.s32 s5, $0x0;
	s5 =	sld [smem:$0x3FAB]  }
0x2b: {  	s6 =	sld [smem:$0x3FAC]  }
0x2c: {  	s7 =	sld [smem:$0x3FAD]  }
0x2d: {  	s3 =	simm.s32 $0x108;
	s8 =	sld [smem:$0x3FAE]  }
0x2e: {  	s3 =	simm.s32 @!p0 $0x1082;
	s9 =	sld [smem:$0x3FAF]  }
0x2f: {  	lr =	sadd.s32 s0, s3;
	s0 =	sld [smem:$0x3FA6]  }
0x30: {  	s3 =	sld [smem:$0x3FA9]  }
0x31: {  	[smem:$0x3FB2] =	sst s10  }
0x32: {  	s10 =	sld [smem:$0x3FB0];
	_ =	sdelay $0x3  }
0x33: {  	p0 =	seq.s32 s10, $0x1;
	s10 =	sld [smem:$0x3FB2];
	_ =	sdelay $0x3  }
0x34: {  	[smem:$0x3FB2] =	sst s10  }
0x35: {  	s10 =	sld [smem:$0x3FB1];
	_ =	sdelay $0x3  }
0x36: {  	p1 =	seq.s32 s10, $0x1;
	s10 =	sld [smem:$0x3FB2];
	_ =	sdelay $0x3  }
0x37: {  	[smem:$0x3FB2] =	sst s10  }
0x38: {  	s10 =	sld [smem:$0x3FB3]  }
0x39: {  	_ = 	snop;
	(pc) =	sbr.ind lr, $3  }
0x3a: {  	_ = 	snop  }
0x3b: {  	_ = 	snop  }
0x3c: {  	p2 =	seq.s32 s10, $0x1;
	s10 =	sld [smem:$0x3FB2]  }
0x3d: {  	_ =	shalt  }
0x3e: {  	_ =	shalt  }
0x3f: {  	_ =	shalt  }
0x40: {  	_ =	shalt  }
0x41: {  	_ =	shalt  }
0x42: {  	_ =	shalt  }
0x43: {  	_ =	shalt  }
0x44: {  	_ =	shalt  }
0x45: {  	_ =	shalt  }
0x46: {  	_ =	shalt  }
0x47: {  	_ =	shalt  }
0x48: {  	_ =	shalt  }
0x49: {  	_ =	shalt  }
0x4a: {  	_ =	shalt  }
0x4b: {  	_ =	shalt  }
0x4c: {  	_ =	shalt  }
0x4d: {  	_ =	shalt  }
0x4e: {  	_ =	shalt  }
0x4f: {  	_ =	shalt  }
0x50: {  	_ =	shalt  }
0x51: {  	_ =	shalt  }
0x52: {  	_ =	shalt  }
0x53: {  	_ =	shalt  }
0x54: {  	_ =	shalt  }
0x55: {  	_ =	shalt  }
0x56: {  	_ =	shalt  }
0x57: {  	_ =	shalt  }
0x58: {  	_ =	shalt  }
0x59: {  	_ =	shalt  }
0x5a: {  	_ =	shalt  }
0x5b: {  	_ =	shalt  }
0x5c: {  	_ =	shalt  }
0x5d: {  	_ =	shalt  }
0x5e: {  	_ =	shalt  }
0x5f: {  	_ =	shalt  }
0x60: {  	_ =	shalt  }
0x61: {  	_ =	shalt  }
0x62: {  	_ =	shalt  }
0x63: {  	_ =	shalt  }
0x64: {  	_ =	shalt  }
0x65: {  	_ =	shalt  }
0x66: {  	_ =	shalt  }
0x67: {  	_ =	shalt  }
0x68: {  	_ =	shalt  }
0x69: {  	_ =	shalt  }
0x6a: {  	_ =	shalt  }
0x6b: {  	_ =	shalt  }
0x6c: {  	_ =	shalt  }
0x6d: {  	_ =	shalt  }
0x6e: {  	_ =	shalt  }
0x6f: {  	_ =	shalt  }
0x70: {  	_ =	shalt  }
0x71: {  	_ =	shalt  }
0x72: {  	_ =	shalt  }
0x73: {  	_ =	shalt  }
0x74: {  	_ =	shalt  }
0x75: {  	_ =	shalt  }
0x76: {  	_ =	shalt  }
0x77: {  	_ =	shalt  }
0x78: {  	_ =	shalt  }
0x79: {  	_ =	shalt  }
0x7a: {  	_ =	shalt  }
0x7b: {  	_ =	shalt  }
0x7c: {  	_ =	shalt  }
0x7d: {  	_ =	shalt  }
0x7e: {  	_ =	shalt  }
0x7f: {  	_ =	shalt  }
0x80: {  	_ =	shalt  }
0x81: {  	_ =	shalt  }
0x82: {  	_ =	shalt  }
0x83: {  	_ =	shalt  }
0x84: {  	_ =	shalt  }
0x85: {  	_ =	shalt  }
0x86: {  	_ =	shalt  }
0x87: {  	_ =	shalt  }
.Lfunc_end0:
.L_simem_size_0:
called_computation.1_lowered:
.L_overlay_start_0:
0x88: {  	s2 =	sld [smem:$0x3FD9]  }
0x89: {  	s3 =	sld [smem:$0x3FFE];
	_ =	sdelay $0x1  }
0x8a: {  	s1 =	srdreg.scid  }
0x8b: {  	s0 =	sand.u32 $0x1, s1  }
0x8c: {  	s16 =	sshll.u32 s0, $0xA;
	s2 =	sadd.s32 s3, s2  }
0x8d: {  	s2 =	sadd.s32 s2, s16  }
0x8e: {  	[smem:$0x3FBE] =	sst s2  }
0x8f: {  	_ = 	snop  }
0x90: {  	(tm) =	ssettm $0x1  }
0x91: {  	s17 =	sld [smem:$0x3FFB];
	_ =	sdelay $0x3  }
0x92: {  	_ =	strace s17  }
0x93: {  	s2 =	sld [smem:$0x3FFC];
	_ =	sdelay $0x3  }
0x94: {  	_ =	strace s2  }
0x95: {  	s2 =	sld [smem:$0x3FFD];
	_ =	sdelay $0x3  }
0x96: {  	_ =	strace s2  }
0x97: {  	_ =	strace $0x8FFFFFFF  }
0x98: {  	s18 =	sld [smem:$0x3FDB];
	_ =	sdelay $0x1  }
0x99: {  	s19 =	simm.s32 $_scs_section_size  }
0x9a: {  	s4 =	simm.s32 $_size__tile_overlayer_lowered;
	s5 =	simm.s32 $_tile_overlayer_lowered  }
0x9b: {  	s22 =	simm.s32 $0x1BFF;
	s21 =	sshll.u32 s5, $0x1;
	s2 =	sadd.s32 s19, s18  }
0x9c: {  	s6 =	simm.s32 $0x0;
	s20 =	sshll.u32 s4, $0x1;
	s4 =	sadd.s32 s21, s2  }
0x9d: {  	[timem:s6], [sflag:s22] =	dma.local [hbm:s4], s20  }
0x9e: {  	_ =	swait.ge [sflag:s22], s20  }
0x9f: {  	s3 =	ssub.s32 $0x0, s20;
	[sflag:s22] =	ssyncset.done $0x0  }
0xa0: {  	[sflag:s22] =	ssyncadd.s32 s3;
	_ =	sdelay $0x1  }
0xa1: {  	s23 =	simm.s32 $0x1B8B  }
0xa2: {  	_ =	swait.ge [sflag:s23], $0x1  }
0xa3: {  	[sflag:s23] =	ssyncset.done $0x0  }
0xa4: {  	s25 =	simm.s32 $0x1B8E;
	s24 =	sld [smem:$0x3FFE];
	[sflag:s23] =	ssyncadd.s32 $0xFFFFFFFF  }
0xa5: {  	s26 =	simm.s32 $execute0_lowered;
	[smem:$0x3FD2] =	sst s25  }
0xa6: {  	s4 =	sshll.u32 s26, $0x1;
	_ =	strace $0x80000049;
	[dreg:$0x1] =	wrdreg $0xFFFFFFFF  }
0xa7: {  	s28 =	simm.s32 $_size_execute0_lowered;
	s2 =	sadd.s32 s2, s4;
	[dreg:$0x0] =	wrdreg $0x0  }
0xa8: {  	s4 =	sshll.u32 s28, $0x1;
	[dreg:$0x2] =	wrdreg s2  }
0xa9: {  	[dreg:$0x3] =	wrdreg s4  }
0xaa: {  	[dreg:$0x4] =	wrdreg $0xC0  }
0xab: {  	_ =	task [dreg:s6], $0x5FFFF  }
0xac: {  	[dreg:$0x1] =	wrdreg $0xFFFFFFFF  }
0xad: {  	[dreg:$0x0] =	wrdreg $0x60  }
0xae: {  	[dreg:$0x2] =	wrdreg s24  }
0xaf: {  	[dreg:$0x3] =	wrdreg $0x9  }
0xb0: {  	_ =	task.clear_ibuf [dreg:s6], $0x4FFFF;
	_ =	strace $0x90000049  }
0xb1: {  	s29 =	simm.s32 $0x9;
	_ =	strace $0x8000004B  }
0xb2: {  	_ =	swait.ge [sflag:s29], $0x1  }
0xb3: {  	[sflag:s29] =	ssyncadd.s32 $0xFFFFFFFF  }
0xb4: {  	_ =	strace $0x9000004B  }
0xb5: {  	_ =	sfence  }
0xb6: {  	s30 =	sld [smem:$0x0];
	_ =	sdelay $0x2  }
0xb7: {  	s31 =	sshll.u32 s1, $0xD;
	s1 =	sshrl.u32 s1, $0x2  }
0xb8: {  	s3 =	sand.u32 $0x4000, s31;
	s1 =	sadd.s32 s1, s30  }
0xb9: {  	s0 =	sor.u32 s3, s0;
	s1 =	sshll.u32 s1, $0x11  }
0xba: {  	s0 =	sor.u32 s1, s0  }
0xbb: {  	s0 =	sadd.s32 $0x8F2B, s0  }
0xbc: {  	[sflag:s0] =	ssyncadd.remote.s32 $0x1  }
0xbd: {  	_ =	sfence.sel $0xFFFF  }
0xbe: {  	[dreg:$0x0] =	wrdreg $0xFFFFFFFF;
	(pc) =	sbr.abs _section_cstart, $3  }
0xbf: {  	[dreg:$0x1] =	wrdreg $0xFFFFFFFF  }
0xc0: {  	_ =	task.clear_ibuf [dreg:s6], $0x2FFFF;
	_ =	strace $0x9FFFFFFF  }
0xc1: {  	(tm) =	ssettm $0x7FFFFFFF  }
tec
execute0_lowered:
.L_overlay_start_1:
0x0: {  	(tag) =	ssettag $0x1  }
0x1: {  	s0 =	rddreg [dreg:$0x0]  }
0x2: {  	s2 =	simm.s32 $0x0;
	s1 =	srdreg.scid;
	s9 =	stileid.u32  }
0x3: {  	s16 =	simm.s32 $0x80;
	s17 =	simm.s32 $0x400;
	s19 =	simm.s32 $0x2800  }
0x4: {  	s20 =	simm.s32 $0x5000;
	s21 =	simm.s32 $0x7800;
	s28 =	simm.s32 $0xF000  }
0x5: {  	s29 =	simm.s32 $0x11800;
	s30 =	simm.s32 $0x14000;
	s31 =	simm.s32 $0x16800  }
0x6: {  	[smem:$0x7FF] =	sst s2;
	s1 =	sand.u32 $0x1, s1;
	s3 =	sshll.u32 s9, $0x1  }
0x7: {  	s5 =	sadd.s32 $0xB600, s0;
	s6 =	sshrl.u32 s9, $0x2;
	s4 =	sadd.s32 $0x1800, s0  }
0x8: {  	s8 =	sadd.s32 $0x35E00, s0;
	s9 =	smul.u32 $0x14000, s9;
	_ =	strace $0x8000004A  }
0x9: {  	s3 =	sor.u32 s1, s3;
	s22 =	ssub.s32 $0x2, s1;
	s1 =	sshll.u32 s1, $0x9  }
0xa: {  	s6 =	smul.u32 $0x14000, s6;
	s7 =	sshll.u32 s3, $0x7;
	s1 =	sor.u32 s1, s9  }
0xb: {  	s10 =	sshrl.u32 s22, $0x1;
	s7 =	sand.u32 $0x380, s7;
	s1 =	sshrl.u32 s1, $0x3  }
0xc: {  	s6 =	sor.u32 s6, s7;
	s7 =	ssub.s32 s22, s10;
	s23 =	sadd.s32 s5, s1  }
0xd: {  	s24 =	sor.u32 $0x10, s1;
	s12 =	sor.u32 $0x20, s1;
	s13 =	sor.u32 $0x30, s1  }
0xe: {  	s10 =	sadd.s32 s8, s1;
	s22 =	simm.s32 $0xA000;
	s6 =	sshrl.u32 s6, $0x3  }
0xf: {  	[dreg:$0x2] =	wrdreg s23;
	s25 =	sadd.s32 s5, s24;
	s26 =	sadd.s32 s5, s12  }
0x10: {  	s5 =	sadd.s32 s5, s13;
	s11 =	sadd.s32 s8, s24;
	s12 =	sadd.s32 s8, s12  }
.Ltmp0:
0x11: {  	s13 =	sadd.s32 s8, s13;
	[dreg:$0x3] =	wrdreg s25;
	(pc) =	sbr.rel .LBB2_1-.Ltmp0, $4  }
0x12: {  	s15 =	smax.u32 s7, $0x1;
	s23 =	simm.s32 $0x2;
	[dreg:$0x4] =	wrdreg s26  }
0x13: {  	s24 =	simm.s32 $0x1B780;
	s6 =	sadd.s32 s6, s0;
	[dreg:$0x5] =	wrdreg s5  }
0x14: {  	s0 =	sadd.s32 $0x33600, s0;
	s25 =	simm.s32 $0x1;
	s26 =	simm.s32 $0xC800  }
0x15: {  	v0 =	vimm.f32 $0.0e+00;
	[dreg:$0x6] =	wrdreg s0;
	s14 =	sadd.s32 $0x60600, s6;
	s0 =	simm.s32 $0x0  }
.LBB2_15:
0x16: {  	[hbm4b:s10+s16] =	stream.strided.scatter [tilespmem:s26], [sflag:$0x1], $0x2800, s17, s16, $0x38;
	[tilespmem:$0x1DF00] =	vst v63  }
0x17: {  	_ = 	snop  }
0x18: {  	[hbm4b:s11+s16] =	stream.strided.scatter [tilespmem:s28], [sflag:$0x1], $0x2800, s17, s16, $0x38;
	[tilespmem:$0x1DF00] =	vst v63  }
0x19: {  	_ = 	snop  }
0x1a: {  	[hbm4b:s12+s16] =	stream.strided.scatter [tilespmem:s29], [sflag:$0x1], $0x2800, s17, s16, $0x38;
	[tilespmem:$0x1DF00] =	vst v63  }
0x1b: {  	_ = 	snop  }
0x1c: {  	[hbm4b:s13+s16] =	stream.strided.scatter [tilespmem:s30], [sflag:$0x1], $0x2800, s17, s16, $0x38;
	[tilespmem:$0x1DF00] =	vst v63  }
0x1d: {  	_ = 	snop  }
0x1e: {  	[hbm4b:s14+s16] =	stream.strided.scatter [tilespmem:s31], [sflag:$0x1], $0x2800, s17, s16, $0x38;
	[tilespmem:$0x1DF00] =	vst v63  }
0x1f: {  	_ =	swait.ge [sflag:s25], $0x2800  }
0x20: {  	[sflag:s25] =	ssyncset.done $0x0  }
0x21: {  	[sflag:s25] =	ssyncadd.s32 $0xFFFFD800  }
0x22: {  	_ =	swait.ge [sflag:s25], $0x2800  }
0x23: {  	[sflag:s25] =	ssyncset.done $0x0  }
0x24: {  	[sflag:s25] =	ssyncadd.s32 $0xFFFFD800  }
0x25: {  	_ =	swait.ge [sflag:s25], $0x2800  }
0x26: {  	[sflag:s25] =	ssyncset.done $0x0  }
0x27: {  	s0 =	sadd.s32 $0x1, s0;
	[sflag:s25] =	ssyncadd.s32 $0xFFFFD800  }
0x28: {  	p0 =	sne.s32 s0, s15;
	_ =	swait.ge [sflag:s25], $0x2800  }
.Ltmp1:
0x29: {  	[sflag:s25] =	ssyncset.done $0x0;
	(pc) =	sbr.rel @!p0 .LBB2_16-.Ltmp1, $4  }
0x2a: {  	[sflag:s25] =	ssyncadd.s32 $0xFFFFD800  }
0x2b: {  	_ =	swait.ge [sflag:s25], $0x2800  }
0x2c: {  	[sflag:s25] =	ssyncset.done $0x0  }
0x2d: {  	[sflag:s25] =	ssyncadd.s32 $0xFFFFD800  }
.LBB2_1:
0x2e: {  	s1 =	simm.s32 $0x19000  }
0x2f: {  	[tilespmem:s1], [sflag:$0x1] =	stream.strided.gather [hbm4b:s4+s16], $0x2780, s17, s16, $0x38;
	[tilespmem:$0x1DF00] =	vst v63  }
0x30: {  	s6 =	rddreg [dreg:$0x2]  }
0x31: {  	[tilespmem:s2], [sflag:$0x2] =	stream.strided.gather [hbm4b:s6+s16], $0x2800, s17, s16, $0x38;
	[tilespmem:$0x1DF00] =	vst v63  }
0x32: {  	s7 =	rddreg [dreg:$0x3]  }
0x33: {  	[tilespmem:s19], [sflag:$0x2] =	stream.strided.gather [hbm4b:s7+s16], $0x2800, s17, s16, $0x38;
	[tilespmem:$0x1DF00] =	vst v63  }
0x34: {  	s8 =	rddreg [dreg:$0x4]  }
0x35: {  	[tilespmem:s20], [sflag:$0x2] =	stream.strided.gather [hbm4b:s8+s16], $0x2800, s17, s16, $0x38;
	[tilespmem:$0x1DF00] =	vst v63  }
0x36: {  	s9 =	rddreg [dreg:$0x5]  }
0x37: {  	[tilespmem:s21], [sflag:$0x2] =	stream.strided.gather [hbm4b:s9+s16], $0x2800, s17, s16, $0x38;
	[tilespmem:$0x1DF00] =	vst v63  }
0x38: {  	s18 =	rddreg [dreg:$0x6];
	s5 =	simm.s32 $0x200;
	s1 =	simm.s32 $0x0  }
0x39: {  	[tilespmem:s22], [sflag:$0x2] =	stream.strided.gather [hbm4b:s18+s16], $0x2800, s17, s16, $0x38;
	[tilespmem:$0x1DF00] =	vst v63  }
.LBB2_2:
0x3a: {  	p0 =	sne.s32 s5, $0x31E00;
	[tilespmem:s1+$0xC870] =	vst v0  }
0x3b: {  	[tilespmem:s1+$0xC800] =	vst v0  }
0x3c: {  	[tilespmem:s1+$0xC810] =	vst v0  }
.Ltmp2:
0x3d: {  	[tilespmem:s1+$0xC820] =	vst v0;
	(pc) =	sbr.rel @p0 .LBB2_2-.Ltmp2, $4  }
0x3e: {  	[tilespmem:s1+$0xC830] =	vst v0  }
0x3f: {  	[tilespmem:s1+$0xC840] =	vst v0  }
0x40: {  	[tilespmem:s1+$0xC850] =	vst v0  }
0x41: {  	[tilespmem:s1+$0xC860] =	vst v0;
	s1 =	sshra.s32 s5, $0x2;
	s5 =	sadd.s32 $0x200, s5  }
0x42: {  	[tilespmem:s1+$0xC870] =	vst v0  }
0x43: {  	[tilespmem:s1+$0xC800] =	vst v0  }
0x44: {  	[tilespmem:s1+$0xC810] =	vst v0  }
0x45: {  	[tilespmem:s1+$0xC820] =	vst v0  }
0x46: {  	[tilespmem:s1+$0xC830] =	vst v0  }
0x47: {  	[tilespmem:s1+$0xC840] =	vst v0  }
0x48: {  	[tilespmem:s1+$0xC850] =	vst v0  }
0x49: {  	[tilespmem:s1+$0xC860] =	vst v0  }
0x4a: {  	_ =	swait.ge [sflag:s23], $0x2800  }
0x4b: {  	[sflag:s23] =	ssyncset.done $0x0  }
0x4c: {  	[sflag:s23] =	ssyncadd.s32 $0xFFFFD800  }
0x4d: {  	_ =	swait.ge [sflag:s23], $0x2800  }
0x4e: {  	[sflag:s23] =	ssyncset.done $0x0  }
0x4f: {  	[sflag:s23] =	ssyncadd.s32 $0xFFFFD800  }
0x50: {  	_ =	swait.ge [sflag:s23], $0x2800  }
0x51: {  	[sflag:s23] =	ssyncset.done $0x0  }
0x52: {  	[sflag:s23] =	ssyncadd.s32 $0xFFFFD800  }
0x53: {  	_ =	swait.ge [sflag:s23], $0x2800  }
.Ltmp3:
0x54: {  	[sflag:s23] =	ssyncset.done $0x0;
	(pc) =	sbr.rel .LBB2_4-.Ltmp3, $4  }
0x55: {  	[sflag:s23] =	ssyncadd.s32 $0xFFFFD800  }
0x56: {  	_ =	swait.ge [sflag:s23], $0x2800  }
0x57: {  	[sflag:s23] =	ssyncset.done $0x0  }
0x58: {  	s1 =	simm.s32 $0x0;
	s18 =	simm.s32 $0x0;
	[sflag:s23] =	ssyncadd.s32 $0xFFFFD800  }
.LBB2_14:
0x59: {  	s18 =	sadd.s32 $0x1, s18  }
0x5a: {  	p0 =	sne.s32 s18, $0x10  }
.Ltmp4:
0x5b: {  	_ = 	snop;
	(pc) =	sbr.rel @!p0 .LBB2_15-.Ltmp4, $1  }
0x5c: {  	_ =	sdelay $0x3  }
.LBB2_4:
0x5d: {  	s5 =	sshllo.u32 s18, $0x1;
	s6 =	sshrl.u32 s18, $0x2  }
0x5e: {  	s6 =	smul.u32 $0x13C00, s6;
	s7 =	sshll.u32 s5, $0x7  }
0x5f: {  	s7 =	sand.u32 $0x380, s7  }
0x60: {  	s6 =	sor.u32 s6, s7  }
0x61: {  	s6 =	sshrl.u32 s6, $0x3  }
0x62: {  	s6 =	sadd.s32 s4, s6  }
0x63: {  	[tilespmem:s24], [sflag:$0x2] =	stream.strided.gather [hbm4b:s6+s16], $0x2780, s17, s16, $0x38;
	[tilespmem:$0x1DF00] =	vst v63  }
0x64: {  	_ =	swait.ge [sflag:s25], $0x2780  }
0x65: {  	[sflag:s25] =	ssyncset.done $0x0  }
0x66: {  	s7 =	simm.s32 $0x19050;
	[sflag:s25] =	ssyncadd.s32 $0xFFFFD880  }
0x67: {  	v4 =	vld [tilespmem:s7+$0xFFFFFFB0]  }
0x68: {  	s9 =	sand.u32 $0x3FE0, s1;
	v1 =	vld [tilespmem:s7+$0x40]  }
0x69: {  	v2 =	vld [tilespmem:s9+$0x19080]  }
0x6a: {  	v3 =	vld [tilespmem:s7+$0x20]  }
0x6b: {  	v6 =	vld [tilespmem:s7+$0xFFFFFFC0]  }
0x6c: {  	v10 =	vld [tilespmem:s7+$0x10];
	v5 =	vshrl.u32 v4, $0xE  }
0x6d: {  	v7 =	vld [tilespmem:s7+$0x0]  }
0x6e: {  	v8 =	vld [tilespmem:s7+$0xFFFFFFF0]  }
0x6f: {  	v9 =	vld [tilespmem:s7+$0xFFFFFFD0]  }
0x70: {  	v15 =	vld [tilespmem:s7+$0xFFFFFFE0];
	v11 =	vshrl.u32 v6, $0xE  }
0x71: {  	v12 =	vld.idx.msk [tilespmem:v5+s2+$0x0], $0xffff  }
0x72: {  	v13 =	vld.idx.msk [tilespmem:v5+s19+$0x0], $0xffff  }
0x73: {  	v14 =	vld.idx.msk [tilespmem:v5+s20+$0x0], $0xffff  }
0x74: {  	v4 =	vand.u32 $0x3FFF, v4;
	v5 =	vld.idx.msk [tilespmem:v5+s21+$0x0], $0xffff  }
0x75: {  	v16 =	vld.idx.msk [tilespmem:v11+s20+$0x0], $0xffff  }
0x76: {  	v17 =	vld.idx.msk [tilespmem:v11+s21+$0x0], $0xffff  }
0x77: {  	v18 =	vld.idx.msk [tilespmem:v11+s2+$0x0], $0xffff  }
0x78: {  	v19 =	vshrl.u32 v9, $0xE;
	v11 =	vld.idx.msk [tilespmem:v11+s19+$0x0], $0xffff  }
0x79: {  	[tilespmem:v4+s26+$0x0] =	vst.idx.add.f32.msk $0xffff, v12  }
0x7a: {  	[tilespmem:v4+s28+$0x0] =	vst.idx.add.f32.msk $0xffff, v13  }
0x7b: {  	[tilespmem:v4+s29+$0x0] =	vst.idx.add.f32.msk $0xffff, v14  }
0x7c: {  	[tilespmem:v4+s30+$0x0] =	vst.idx.add.f32.msk $0xffff, v5;
	v4 =	vand.u32 $0x3FFF, v6  }
0x7d: {  	v5 =	vld.idx.msk [tilespmem:v19+s21+$0x0], $0xffff  }
0x7e: {  	v6 =	vld.idx.msk [tilespmem:v19+s2+$0x0], $0xffff  }
0x7f: {  	v12 =	vld.idx.msk [tilespmem:v19+s19+$0x0], $0xffff  }
0x80: {  	v60 =	vshrl.u32 v15, $0xE;
	v14 =	vld.idx.msk [tilespmem:v19+s20+$0x0], $0xffff  }
0x81: {  	[tilespmem:v4+s26+$0x0] =	vst.idx.add.f32.msk $0xffff, v18  }
0x82: {  	[tilespmem:v4+s28+$0x0] =	vst.idx.add.f32.msk $0xffff, v11  }
0x83: {  	[tilespmem:v4+s29+$0x0] =	vst.idx.add.f32.msk $0xffff, v16  }
0x84: {  	[tilespmem:v4+s30+$0x0] =	vst.idx.add.f32.msk $0xffff, v17;
	v4 =	vand.u32 $0x3FFF, v9  }
0x85: {  	v9 =	vld.idx.msk [tilespmem:v60+s20+$0x0], $0xffff  }
0x86: {  	v11 =	vld.idx.msk [tilespmem:v60+s21+$0x0], $0xffff  }
0x87: {  	v16 =	vld.idx.msk [tilespmem:v60+s2+$0x0], $0xffff  }
0x88: {  	v61 =	vshrl.u32 v8, $0xE;
	v13 =	vld.idx.msk [tilespmem:v60+s19+$0x0], $0xffff  }
0x89: {  	[tilespmem:v4+s26+$0x0] =	vst.idx.add.f32.msk $0xffff, v6  }
0x8a: {  	[tilespmem:v4+s28+$0x0] =	vst.idx.add.f32.msk $0xffff, v12  }
0x8b: {  	[tilespmem:v4+s29+$0x0] =	vst.idx.add.f32.msk $0xffff, v14  }
0x8c: {  	[tilespmem:v4+s30+$0x0] =	vst.idx.add.f32.msk $0xffff, v5;
	v4 =	vand.u32 $0x3FFF, v15  }
0x8d: {  	v5 =	vld.idx.msk [tilespmem:v61+s21+$0x0], $0xffff  }
0x8e: {  	v6 =	vld.idx.msk [tilespmem:v61+s2+$0x0], $0xffff  }
0x8f: {  	v12 =	vld.idx.msk [tilespmem:v61+s19+$0x0], $0xffff  }
0x90: {  	v62 =	vshrl.u32 v7, $0xE;
	v63 =	vld.idx.msk [tilespmem:v61+s20+$0x0], $0xffff  }
0x91: {  	[tilespmem:v4+s26+$0x0] =	vst.idx.add.f32.msk $0xffff, v16  }
0x92: {  	[tilespmem:v4+s28+$0x0] =	vst.idx.add.f32.msk $0xffff, v13  }
0x93: {  	[tilespmem:v4+s29+$0x0] =	vst.idx.add.f32.msk $0xffff, v9  }
0x94: {  	[tilespmem:v4+s30+$0x0] =	vst.idx.add.f32.msk $0xffff, v11;
	v4 =	vand.u32 $0x3FFF, v8  }
0x95: {  	v11 =	vld.idx.msk [tilespmem:v62+s2+$0x0], $0xffff  }
0x96: {  	v13 =	vld.idx.msk [tilespmem:v62+s19+$0x0], $0xffff  }
0x97: {  	v16 =	vld.idx.msk [tilespmem:v62+s20+$0x0], $0xffff  }
0x98: {  	v8 =	vshrl.u32 v10, $0xE;
	v14 =	vld.idx.msk [tilespmem:v62+s21+$0x0], $0xffff  }
0x99: {  	[tilespmem:v4+s26+$0x0] =	vst.idx.add.f32.msk $0xffff, v6  }
0x9a: {  	[tilespmem:v4+s28+$0x0] =	vst.idx.add.f32.msk $0xffff, v12  }
0x9b: {  	[tilespmem:v4+s29+$0x0] =	vst.idx.add.f32.msk $0xffff, v63  }
0x9c: {  	[tilespmem:v4+s30+$0x0] =	vst.idx.add.f32.msk $0xffff, v5;
	v5 =	vand.u32 $0x3FFF, v7  }
0x9d: {  	v4 =	vld.idx.msk [tilespmem:v8+s21+$0x0], $0xffff  }
0x9e: {  	v6 =	vld.idx.msk [tilespmem:v8+s2+$0x0], $0xffff  }
0x9f: {  	v7 =	vld.idx.msk [tilespmem:v8+s19+$0x0], $0xffff  }
0xa0: {  	v9 =	vshrl.u32 v3, $0xE;
	v8 =	vld.idx.msk [tilespmem:v8+s20+$0x0], $0xffff  }
0xa1: {  	[tilespmem:v5+s26+$0x0] =	vst.idx.add.f32.msk $0xffff, v11  }
0xa2: {  	[tilespmem:v5+s28+$0x0] =	vst.idx.add.f32.msk $0xffff, v13  }
0xa3: {  	[tilespmem:v5+s29+$0x0] =	vst.idx.add.f32.msk $0xffff, v16  }
0xa4: {  	[tilespmem:v5+s30+$0x0] =	vst.idx.add.f32.msk $0xffff, v14  }
0xa5: {  	s8 =	simm.s32 $0xA0;
	s6 =	sshll.u32 s18, $0x1;
	v10 =	vand.u32 $0x3FFF, v10;
	v5 =	vld.idx.msk [tilespmem:v9+s19+$0x0], $0xffff  }
.LBB2_5:
0xa6: {  	p0 =	sne.s32 s8, $0x26C0  }
0xa7: {  	v11 =	vld.idx.msk [tilespmem:v9+s21+$0x0], $0xffff;
	s7 =	sadd.s32 $0xA0, s7;
	s9 =	smov.u32 s8;
	s8 =	sadd.s32 $0xA0, s8  }
0xa8: {  	v12 =	vld.idx.msk [tilespmem:v9+s20+$0x0], $0xffff  }
0xa9: {  	v13 =	vshrl.u32 v2, $0xE;
	v9 =	vld.idx.msk [tilespmem:v9+s2+$0x0], $0xffff  }
0xaa: {  	[tilespmem:v10+s26+$0x0] =	vst.idx.add.f32.msk $0xffff, v6  }
0xab: {  	[tilespmem:v10+s28+$0x0] =	vst.idx.add.f32.msk $0xffff, v7  }
0xac: {  	[tilespmem:v10+s29+$0x0] =	vst.idx.add.f32.msk $0xffff, v8  }
0xad: {  	[tilespmem:v10+s30+$0x0] =	vst.idx.add.f32.msk $0xffff, v4  }
0xae: {  	v3 =	vand.u32 $0x3FFF, v3;
	v4 =	vld.idx.msk [tilespmem:v13+s2+$0x0], $0xffff  }
0xaf: {  	v6 =	vld.idx.msk [tilespmem:v13+s21+$0x0], $0xffff  }
0xb0: {  	v7 =	vld.idx.msk [tilespmem:v13+s20+$0x0], $0xffff;
	_ =	sdelay $0x1  }
0xb1: {  	v8 =	vshrl.u32 v1, $0xE;
	v10 =	vld.idx.msk [tilespmem:v13+s19+$0x0], $0xffff  }
0xb2: {  	[tilespmem:v3+s26+$0x0] =	vst.idx.add.f32.msk $0xffff, v9  }
0xb3: {  	[tilespmem:v3+s28+$0x0] =	vst.idx.add.f32.msk $0xffff, v5  }
0xb4: {  	[tilespmem:v3+s29+$0x0] =	vst.idx.add.f32.msk $0xffff, v12  }
0xb5: {  	v2 =	vand.u32 $0x3FFF, v2;
	[tilespmem:v3+s30+$0x0] =	vst.idx.add.f32.msk $0xffff, v11  }
0xb6: {  	v3 =	vld.idx.msk [tilespmem:v8+s21+$0x0], $0xffff  }
0xb7: {  	v5 =	vld.idx.msk [tilespmem:v8+s19+$0x0], $0xffff  }
0xb8: {  	v9 =	vld.idx.msk [tilespmem:v8+s20+$0x0], $0xffff  }
0xb9: {  	v1 =	vand.u32 $0x3FFF, v1;
	v8 =	vld.idx.msk [tilespmem:v8+s2+$0x0], $0xffff  }
0xba: {  	[tilespmem:v2+s26+$0x0] =	vst.idx.add.f32.msk $0xffff, v4  }
0xbb: {  	[tilespmem:v2+s28+$0x0] =	vst.idx.add.f32.msk $0xffff, v10  }
0xbc: {  	[tilespmem:v2+s29+$0x0] =	vst.idx.add.f32.msk $0xffff, v7  }
0xbd: {  	[tilespmem:v2+s30+$0x0] =	vst.idx.add.f32.msk $0xffff, v6;
	_ =	sdelay $0x1  }
0xbe: {  	[tilespmem:v1+s26+$0x0] =	vst.idx.add.f32.msk $0xffff, v8  }
0xbf: {  	[tilespmem:v1+s28+$0x0] =	vst.idx.add.f32.msk $0xffff, v5  }
0xc0: {  	[tilespmem:v1+s29+$0x0] =	vst.idx.add.f32.msk $0xffff, v9  }
0xc1: {  	[tilespmem:v1+s30+$0x0] =	vst.idx.add.f32.msk $0xffff, v3  }
0xc2: {  	v4 =	vld [tilespmem:s7+$0xFFFFFFB0];
	_ =	sdelay $0x1  }
0xc3: {  	s9 =	sand.u32 $0x3FE0, s9;
	v1 =	vld [tilespmem:s7+$0x40]  }
0xc4: {  	v2 =	vld [tilespmem:s9+$0x19080]  }
0xc5: {  	v3 =	vld [tilespmem:s7+$0x20]  }
0xc6: {  	v5 =	vshrl.u32 v4, $0xE;
	v6 =	vld [tilespmem:s7+$0xFFFFFFC0]  }
0xc7: {  	v10 =	vld [tilespmem:s7+$0x10]  }
0xc8: {  	v7 =	vld [tilespmem:s7+$0x0]  }
0xc9: {  	v8 =	vld [tilespmem:s7+$0xFFFFFFF0]  }
0xca: {  	v9 =	vld [tilespmem:s7+$0xFFFFFFD0]  }
0xcb: {  	v11 =	vshrl.u32 v6, $0xE;
	v12 =	vld.idx.msk [tilespmem:v5+s2+$0x0], $0xffff  }
0xcc: {  	v4 =	vand.u32 $0x3FFF, v4;
	v13 =	vld.idx.msk [tilespmem:v5+s19+$0x0], $0xffff  }
0xcd: {  	v14 =	vld.idx.msk [tilespmem:v5+s20+$0x0], $0xffff  }
0xce: {  	v5 =	vld.idx.msk [tilespmem:v5+s21+$0x0], $0xffff  }
0xcf: {  	v15 =	vld [tilespmem:s7+$0xFFFFFFE0]  }
0xd0: {  	v16 =	vld.idx.msk [tilespmem:v11+s20+$0x0], $0xffff  }
0xd1: {  	v17 =	vld.idx.msk [tilespmem:v11+s21+$0x0], $0xffff  }
0xd2: {  	v18 =	vld.idx.msk [tilespmem:v11+s2+$0x0], $0xffff  }
0xd3: {  	v19 =	vshrl.u32 v9, $0xE;
	v11 =	vld.idx.msk [tilespmem:v11+s19+$0x0], $0xffff  }
0xd4: {  	[tilespmem:v4+s26+$0x0] =	vst.idx.add.f32.msk $0xffff, v12  }
0xd5: {  	[tilespmem:v4+s28+$0x0] =	vst.idx.add.f32.msk $0xffff, v13  }
0xd6: {  	[tilespmem:v4+s29+$0x0] =	vst.idx.add.f32.msk $0xffff, v14  }
0xd7: {  	[tilespmem:v4+s30+$0x0] =	vst.idx.add.f32.msk $0xffff, v5;
	v4 =	vand.u32 $0x3FFF, v6  }
0xd8: {  	v5 =	vld.idx.msk [tilespmem:v19+s21+$0x0], $0xffff  }
0xd9: {  	v6 =	vld.idx.msk [tilespmem:v19+s2+$0x0], $0xffff  }
0xda: {  	v12 =	vld.idx.msk [tilespmem:v19+s19+$0x0], $0xffff  }
0xdb: {  	v13 =	vshrl.u32 v15, $0xE;
	v14 =	vld.idx.msk [tilespmem:v19+s20+$0x0], $0xffff  }
0xdc: {  	[tilespmem:v4+s26+$0x0] =	vst.idx.add.f32.msk $0xffff, v18  }
0xdd: {  	[tilespmem:v4+s28+$0x0] =	vst.idx.add.f32.msk $0xffff, v11  }
0xde: {  	[tilespmem:v4+s29+$0x0] =	vst.idx.add.f32.msk $0xffff, v16  }
0xdf: {  	[tilespmem:v4+s30+$0x0] =	vst.idx.add.f32.msk $0xffff, v17;
	v4 =	vand.u32 $0x3FFF, v9  }
0xe0: {  	v9 =	vld.idx.msk [tilespmem:v13+s20+$0x0], $0xffff  }
0xe1: {  	v11 =	vld.idx.msk [tilespmem:v13+s21+$0x0], $0xffff  }
0xe2: {  	v16 =	vld.idx.msk [tilespmem:v13+s2+$0x0], $0xffff  }
0xe3: {  	v17 =	vshrl.u32 v8, $0xE;
	v13 =	vld.idx.msk [tilespmem:v13+s19+$0x0], $0xffff  }
0xe4: {  	[tilespmem:v4+s26+$0x0] =	vst.idx.add.f32.msk $0xffff, v6  }
0xe5: {  	[tilespmem:v4+s28+$0x0] =	vst.idx.add.f32.msk $0xffff, v12  }
0xe6: {  	[tilespmem:v4+s29+$0x0] =	vst.idx.add.f32.msk $0xffff, v14  }
0xe7: {  	[tilespmem:v4+s30+$0x0] =	vst.idx.add.f32.msk $0xffff, v5;
	v4 =	vand.u32 $0x3FFF, v15  }
0xe8: {  	v5 =	vld.idx.msk [tilespmem:v17+s21+$0x0], $0xffff  }
0xe9: {  	v6 =	vld.idx.msk [tilespmem:v17+s2+$0x0], $0xffff  }
0xea: {  	v12 =	vld.idx.msk [tilespmem:v17+s19+$0x0], $0xffff  }
0xeb: {  	v14 =	vshrl.u32 v7, $0xE;
	v15 =	vld.idx.msk [tilespmem:v17+s20+$0x0], $0xffff  }
0xec: {  	[tilespmem:v4+s26+$0x0] =	vst.idx.add.f32.msk $0xffff, v16  }
0xed: {  	[tilespmem:v4+s28+$0x0] =	vst.idx.add.f32.msk $0xffff, v13  }
0xee: {  	[tilespmem:v4+s29+$0x0] =	vst.idx.add.f32.msk $0xffff, v9  }
0xef: {  	[tilespmem:v4+s30+$0x0] =	vst.idx.add.f32.msk $0xffff, v11;
	v4 =	vand.u32 $0x3FFF, v8  }
0xf0: {  	v11 =	vld.idx.msk [tilespmem:v14+s2+$0x0], $0xffff  }
0xf1: {  	v13 =	vld.idx.msk [tilespmem:v14+s19+$0x0], $0xffff  }
0xf2: {  	v16 =	vld.idx.msk [tilespmem:v14+s20+$0x0], $0xffff  }
0xf3: {  	v8 =	vshrl.u32 v10, $0xE;
	v14 =	vld.idx.msk [tilespmem:v14+s21+$0x0], $0xffff  }
0xf4: {  	[tilespmem:v4+s26+$0x0] =	vst.idx.add.f32.msk $0xffff, v6  }
0xf5: {  	[tilespmem:v4+s28+$0x0] =	vst.idx.add.f32.msk $0xffff, v12  }
0xf6: {  	[tilespmem:v4+s29+$0x0] =	vst.idx.add.f32.msk $0xffff, v15  }
0xf7: {  	[tilespmem:v4+s30+$0x0] =	vst.idx.add.f32.msk $0xffff, v5;
	v5 =	vand.u32 $0x3FFF, v7  }
0xf8: {  	v4 =	vld.idx.msk [tilespmem:v8+s21+$0x0], $0xffff  }
0xf9: {  	v6 =	vld.idx.msk [tilespmem:v8+s2+$0x0], $0xffff  }
0xfa: {  	v7 =	vld.idx.msk [tilespmem:v8+s19+$0x0], $0xffff  }
0xfb: {  	v9 =	vshrl.u32 v3, $0xE;
	v8 =	vld.idx.msk [tilespmem:v8+s20+$0x0], $0xffff  }
.Ltmp5:
0xfc: {  	[tilespmem:v5+s26+$0x0] =	vst.idx.add.f32.msk $0xffff, v11;
	(pc) =	sbr.rel @p0 .LBB2_5-.Ltmp5, $4  }
0xfd: {  	[tilespmem:v5+s28+$0x0] =	vst.idx.add.f32.msk $0xffff, v13  }
0xfe: {  	[tilespmem:v5+s29+$0x0] =	vst.idx.add.f32.msk $0xffff, v16  }
0xff: {  	v10 =	vand.u32 $0x3FFF, v10;
	[tilespmem:v5+s30+$0x0] =	vst.idx.add.f32.msk $0xffff, v14  }
0x100: {  	v5 =	vld.idx.msk [tilespmem:v9+s19+$0x0], $0xffff  }
0x101: {  	_ =	sdelay $0x3  }
0x102: {  	v11 =	vld.idx.msk [tilespmem:v9+s21+$0x0], $0xffff  }
0x103: {  	v12 =	vld.idx.msk [tilespmem:v9+s20+$0x0], $0xffff  }
0x104: {  	v13 =	vshrl.u32 v2, $0xE;
	v62 =	vld.idx.msk [tilespmem:v9+s2+$0x0], $0xffff  }
0x105: {  	[tilespmem:v10+s26+$0x0] =	vst.idx.add.f32.msk $0xffff, v6  }
0x106: {  	[tilespmem:v10+s28+$0x0] =	vst.idx.add.f32.msk $0xffff, v7  }
0x107: {  	[tilespmem:v10+s29+$0x0] =	vst.idx.add.f32.msk $0xffff, v8  }
0x108: {  	v3 =	vand.u32 $0x3FFF, v3;
	[tilespmem:v10+s30+$0x0] =	vst.idx.add.f32.msk $0xffff, v4  }
0x109: {  	v4 =	vld.idx.msk [tilespmem:v13+s2+$0x0], $0xffff  }
0x10a: {  	v6 =	vld.idx.msk [tilespmem:v13+s21+$0x0], $0xffff  }
0x10b: {  	v7 =	vld.idx.msk [tilespmem:v13+s20+$0x0], $0xffff  }
0x10c: {  	v63 =	vshrl.u32 v1, $0xE;
	v10 =	vld.idx.msk [tilespmem:v13+s19+$0x0], $0xffff  }
0x10d: {  	[tilespmem:v3+s26+$0x0] =	vst.idx.add.f32.msk $0xffff, v62  }
0x10e: {  	[tilespmem:v3+s28+$0x0] =	vst.idx.add.f32.msk $0xffff, v5  }
0x10f: {  	[tilespmem:v3+s29+$0x0] =	vst.idx.add.f32.msk $0xffff, v12  }
0x110: {  	v2 =	vand.u32 $0x3FFF, v2;
	[tilespmem:v3+s30+$0x0] =	vst.idx.add.f32.msk $0xffff, v11  }
0x111: {  	v3 =	vld.idx.msk [tilespmem:v63+s21+$0x0], $0xffff  }
0x112: {  	v5 =	vld.idx.msk [tilespmem:v63+s19+$0x0], $0xffff  }
0x113: {  	v9 =	vld.idx.msk [tilespmem:v63+s20+$0x0], $0xffff  }
0x114: {  	v1 =	vand.u32 $0x3FFF, v1;
	v8 =	vld.idx.msk [tilespmem:v63+s2+$0x0], $0xffff  }
0x115: {  	[tilespmem:v2+s26+$0x0] =	vst.idx.add.f32.msk $0xffff, v4  }
0x116: {  	[tilespmem:v2+s28+$0x0] =	vst.idx.add.f32.msk $0xffff, v10  }
0x117: {  	p0 =	sne.s32 s6, s3;
	[tilespmem:v2+s29+$0x0] =	vst.idx.add.f32.msk $0xffff, v7  }
.Ltmp6:
0x118: {  	[tilespmem:v2+s30+$0x0] =	vst.idx.add.f32.msk $0xffff, v6;
	(pc) =	sbr.rel @p0 .LBB2_9-.Ltmp6, $4  }
0x119: {  	[tilespmem:v1+s26+$0x0] =	vst.idx.add.f32.msk $0xffff, v8  }
0x11a: {  	[tilespmem:v1+s28+$0x0] =	vst.idx.add.f32.msk $0xffff, v5  }
0x11b: {  	[tilespmem:v1+s29+$0x0] =	vst.idx.add.f32.msk $0xffff, v9  }
0x11c: {  	[tilespmem:v1+s30+$0x0] =	vst.idx.add.f32.msk $0xffff, v3  }
0x11d: {  	s7 =	simm.s32 $0x0;
	s8 =	simm.s32 $0x19050  }
.LBB2_8:
0x11e: {  	v1 =	vld [tilespmem:s8+$0xFFFFFFB0];
	_ =	sdelay $0x3  }
0x11f: {  	v2 =	vld [tilespmem:s8+$0xFFFFFFC0]  }
0x120: {  	v3 =	vshrl.u32 v1, $0xE;
	_ =	sdelay $0x3  }
0x121: {  	v4 =	vshrl.u32 v2, $0xE  }
0x122: {  	v1 =	vand.u32 $0x3FFF, v1;
	v3 =	vld.idx.msk [tilespmem:v3+s22+$0x0], $0xffff;
	_ =	sdelay $0x3  }
0x123: {  	v4 =	vld.idx.msk [tilespmem:v4+s22+$0x0], $0xffff  }
0x124: {  	[tilespmem:v1+s31+$0x0] =	vst.idx.add.f32.msk $0xffff, v3  }
0x125: {  	v1 =	vld [tilespmem:s8+$0xFFFFFFD0];
	_ =	sdelay $0x4  }
0x126: {  	v3 =	vshrl.u32 v1, $0xE  }
0x127: {  	v2 =	vand.u32 $0x3FFF, v2;
	_ =	sdelay $0x3  }
0x128: {  	v3 =	vld.idx.msk [tilespmem:v3+s22+$0x0], $0xffff  }
0x129: {  	[tilespmem:v2+s31+$0x0] =	vst.idx.add.f32.msk $0xffff, v4  }
0x12a: {  	v2 =	vld [tilespmem:s8+$0xFFFFFFE0];
	_ =	sdelay $0x4  }
0x12b: {  	v60 =	vshrl.u32 v2, $0xE  }
0x12c: {  	v1 =	vand.u32 $0x3FFF, v1;
	_ =	sdelay $0x3  }
0x12d: {  	v4 =	vld.idx.msk [tilespmem:v60+s22+$0x0], $0xffff  }
0x12e: {  	[tilespmem:v1+s31+$0x0] =	vst.idx.add.f32.msk $0xffff, v3  }
0x12f: {  	v1 =	vld [tilespmem:s8+$0xFFFFFFF0];
	_ =	sdelay $0x4  }
0x130: {  	v3 =	vshrl.u32 v1, $0xE  }
0x131: {  	v2 =	vand.u32 $0x3FFF, v2;
	_ =	sdelay $0x3  }
0x132: {  	v3 =	vld.idx.msk [tilespmem:v3+s22+$0x0], $0xffff  }
0x133: {  	[tilespmem:v2+s31+$0x0] =	vst.idx.add.f32.msk $0xffff, v4  }
0x134: {  	v2 =	vld [tilespmem:s8+$0x0];
	_ =	sdelay $0x4  }
0x135: {  	v61 =	vshrl.u32 v2, $0xE  }
0x136: {  	v1 =	vand.u32 $0x3FFF, v1;
	_ =	sdelay $0x3  }
0x137: {  	v4 =	vld.idx.msk [tilespmem:v61+s22+$0x0], $0xffff  }
0x138: {  	[tilespmem:v1+s31+$0x0] =	vst.idx.add.f32.msk $0xffff, v3  }
0x139: {  	v1 =	vld [tilespmem:s8+$0x10];
	_ =	sdelay $0x4  }
0x13a: {  	v3 =	vshrl.u32 v1, $0xE  }
0x13b: {  	v2 =	vand.u32 $0x3FFF, v2;
	_ =	sdelay $0x3  }
0x13c: {  	v3 =	vld.idx.msk [tilespmem:v3+s22+$0x0], $0xffff  }
0x13d: {  	[tilespmem:v2+s31+$0x0] =	vst.idx.add.f32.msk $0xffff, v4  }
0x13e: {  	v2 =	vld [tilespmem:s8+$0x20];
	_ =	sdelay $0x4  }
0x13f: {  	v62 =	vshrl.u32 v2, $0xE  }
0x140: {  	v1 =	vand.u32 $0x3FFF, v1;
	_ =	sdelay $0x3  }
0x141: {  	v4 =	vld.idx.msk [tilespmem:v62+s22+$0x0], $0xffff  }
0x142: {  	s9 =	sand.u32 $0x3FE0, s7;
	[tilespmem:v1+s31+$0x0] =	vst.idx.add.f32.msk $0xffff, v3  }
0x143: {  	v1 =	vld [tilespmem:s9+$0x19080];
	_ =	sdelay $0x4  }
0x144: {  	v3 =	vshrl.u32 v1, $0xE  }
0x145: {  	v2 =	vand.u32 $0x3FFF, v2;
	_ =	sdelay $0x3  }
0x146: {  	v3 =	vld.idx.msk [tilespmem:v3+s22+$0x0], $0xffff  }
0x147: {  	[tilespmem:v2+s31+$0x0] =	vst.idx.add.f32.msk $0xffff, v4  }
0x148: {  	v2 =	vld [tilespmem:s8+$0x40];
	_ =	sdelay $0x4  }
0x149: {  	v63 =	vshrl.u32 v2, $0xE;
	_ =	sdelay $0x3  }
0x14a: {  	v1 =	vand.u32 $0x3FFF, v1  }
0x14b: {  	p0 =	sne.s32 s7, $0x26C0;
	v2 =	vand.u32 $0x3FFF, v2;
	v4 =	vld.idx.msk [tilespmem:v63+s22+$0x0], $0xffff  }
.Ltmp7:
0x14c: {  	_ = 	snop;
	(pc) =	sbr.rel @p0 .LBB2_8-.Ltmp7, $3  }
0x14d: {  	_ =	sdelay $0x1  }
0x14e: {  	[tilespmem:v1+s31+$0x0] =	vst.idx.add.f32.msk $0xffff, v3  }
0x14f: {  	s7 =	sadd.s32 $0xA0, s7;
	s8 =	sadd.s32 $0xA0, s8;
	[tilespmem:v2+s31+$0x0] =	vst.idx.add.f32.msk $0xffff, v4  }
.LBB2_9:
0x150: {  	p0 =	seq.s32 s18, $0xF  }
0x151: {  	s6 =	sadd.s32 @!p0 $0x2, s6  }
0x152: {  	s7 =	sshrl.u32 @!p0 s6, $0x3  }
0x153: {  	s6 =	sshll.u32 @!p0 s6, $0x7;
	s7 =	smul.u32 @!p0 $0x13C00, s7  }
0x154: {  	s6 =	sand.u32 @!p0 $0x300, s6  }
0x155: {  	s6 =	sor.u32 @!p0 s6, s7  }
0x156: {  	s8 =	simm.s32 @!p0 $0x400;
	s6 =	sshrl.u32 @!p0 s6, $0x3  }
0x157: {  	s9 =	simm.s32 @!p0 $0x19000;
	s7 =	simm.s32 @!p0 $0x80;
	s6 =	sadd.s32 @!p0 s4, s6  }
0x158: {  	[tilespmem:s9], [sflag:$0x1] =	stream.strided.gather @!p0 [hbm4b:s6+s7], $0x2780, s8, s7, $0x38;
	[tilespmem:$0x1DF00] =	vst v63  }
0x159: {  	_ =	swait.ge [sflag:s23], $0x2780  }
0x15a: {  	[sflag:s23] =	ssyncset.done $0x0  }
0x15b: {  	s6 =	simm.s32 $0x1B7D0;
	[sflag:s23] =	ssyncadd.s32 $0xFFFFD880  }
0x15c: {  	s9 =	simm.s32 $0x0;
	v4 =	vld [tilespmem:s6+$0xFFFFFFB0]  }
0x15d: {  	s7 =	sand.u32 $0x3FE0, s9;
	v1 =	vld [tilespmem:s6+$0x40]  }
0x15e: {  	v2 =	vld [tilespmem:s7+$0x1B800]  }
0x15f: {  	v3 =	vld [tilespmem:s6+$0x20]  }
0x160: {  	v6 =	vld [tilespmem:s6+$0xFFFFFFC0]  }
0x161: {  	v10 =	vld [tilespmem:s6+$0x10];
	v5 =	vshrl.u32 v4, $0xE  }
0x162: {  	v7 =	vld [tilespmem:s6+$0x0]  }
0x163: {  	v8 =	vld [tilespmem:s6+$0xFFFFFFF0]  }
0x164: {  	v9 =	vld [tilespmem:s6+$0xFFFFFFD0]  }
0x165: {  	v15 =	vld [tilespmem:s6+$0xFFFFFFE0];
	v11 =	vshrl.u32 v6, $0xE  }
0x166: {  	v12 =	vld.idx.msk [tilespmem:v5+s2+$0x0], $0xffff  }
0x167: {  	v13 =	vld.idx.msk [tilespmem:v5+s19+$0x0], $0xffff  }
0x168: {  	v14 =	vld.idx.msk [tilespmem:v5+s20+$0x0], $0xffff  }
0x169: {  	v4 =	vand.u32 $0x3FFF, v4;
	v5 =	vld.idx.msk [tilespmem:v5+s21+$0x0], $0xffff  }
0x16a: {  	v16 =	vld.idx.msk [tilespmem:v11+s20+$0x0], $0xffff  }
0x16b: {  	v17 =	vld.idx.msk [tilespmem:v11+s21+$0x0], $0xffff  }
0x16c: {  	v18 =	vld.idx.msk [tilespmem:v11+s2+$0x0], $0xffff  }
0x16d: {  	v19 =	vshrl.u32 v9, $0xE;
	v11 =	vld.idx.msk [tilespmem:v11+s19+$0x0], $0xffff  }
0x16e: {  	[tilespmem:v4+s26+$0x0] =	vst.idx.add.f32.msk $0xffff, v12  }
0x16f: {  	[tilespmem:v4+s28+$0x0] =	vst.idx.add.f32.msk $0xffff, v13  }
0x170: {  	[tilespmem:v4+s29+$0x0] =	vst.idx.add.f32.msk $0xffff, v14  }
0x171: {  	[tilespmem:v4+s30+$0x0] =	vst.idx.add.f32.msk $0xffff, v5;
	v4 =	vand.u32 $0x3FFF, v6  }
0x172: {  	v5 =	vld.idx.msk [tilespmem:v19+s21+$0x0], $0xffff  }
0x173: {  	v6 =	vld.idx.msk [tilespmem:v19+s2+$0x0], $0xffff  }
0x174: {  	v12 =	vld.idx.msk [tilespmem:v19+s19+$0x0], $0xffff  }
0x175: {  	v60 =	vshrl.u32 v15, $0xE;
	v14 =	vld.idx.msk [tilespmem:v19+s20+$0x0], $0xffff  }
0x176: {  	[tilespmem:v4+s26+$0x0] =	vst.idx.add.f32.msk $0xffff, v18  }
0x177: {  	[tilespmem:v4+s28+$0x0] =	vst.idx.add.f32.msk $0xffff, v11  }
0x178: {  	[tilespmem:v4+s29+$0x0] =	vst.idx.add.f32.msk $0xffff, v16  }
0x179: {  	[tilespmem:v4+s30+$0x0] =	vst.idx.add.f32.msk $0xffff, v17;
	v4 =	vand.u32 $0x3FFF, v9  }
0x17a: {  	v9 =	vld.idx.msk [tilespmem:v60+s20+$0x0], $0xffff  }
0x17b: {  	v11 =	vld.idx.msk [tilespmem:v60+s21+$0x0], $0xffff  }
0x17c: {  	v16 =	vld.idx.msk [tilespmem:v60+s2+$0x0], $0xffff  }
0x17d: {  	v61 =	vshrl.u32 v8, $0xE;
	v13 =	vld.idx.msk [tilespmem:v60+s19+$0x0], $0xffff  }
0x17e: {  	[tilespmem:v4+s26+$0x0] =	vst.idx.add.f32.msk $0xffff, v6  }
0x17f: {  	[tilespmem:v4+s28+$0x0] =	vst.idx.add.f32.msk $0xffff, v12  }
0x180: {  	[tilespmem:v4+s29+$0x0] =	vst.idx.add.f32.msk $0xffff, v14  }
0x181: {  	[tilespmem:v4+s30+$0x0] =	vst.idx.add.f32.msk $0xffff, v5;
	v4 =	vand.u32 $0x3FFF, v15  }
0x182: {  	v5 =	vld.idx.msk [tilespmem:v61+s21+$0x0], $0xffff  }
0x183: {  	v6 =	vld.idx.msk [tilespmem:v61+s2+$0x0], $0xffff  }
0x184: {  	v12 =	vld.idx.msk [tilespmem:v61+s19+$0x0], $0xffff  }
0x185: {  	v62 =	vshrl.u32 v7, $0xE;
	v63 =	vld.idx.msk [tilespmem:v61+s20+$0x0], $0xffff  }
0x186: {  	[tilespmem:v4+s26+$0x0] =	vst.idx.add.f32.msk $0xffff, v16  }
0x187: {  	[tilespmem:v4+s28+$0x0] =	vst.idx.add.f32.msk $0xffff, v13  }
0x188: {  	[tilespmem:v4+s29+$0x0] =	vst.idx.add.f32.msk $0xffff, v9  }
0x189: {  	[tilespmem:v4+s30+$0x0] =	vst.idx.add.f32.msk $0xffff, v11;
	v4 =	vand.u32 $0x3FFF, v8  }
0x18a: {  	v11 =	vld.idx.msk [tilespmem:v62+s2+$0x0], $0xffff  }
0x18b: {  	v13 =	vld.idx.msk [tilespmem:v62+s19+$0x0], $0xffff  }
0x18c: {  	v16 =	vld.idx.msk [tilespmem:v62+s20+$0x0], $0xffff  }
0x18d: {  	v8 =	vshrl.u32 v10, $0xE;
	v14 =	vld.idx.msk [tilespmem:v62+s21+$0x0], $0xffff  }
0x18e: {  	[tilespmem:v4+s26+$0x0] =	vst.idx.add.f32.msk $0xffff, v6  }
0x18f: {  	[tilespmem:v4+s28+$0x0] =	vst.idx.add.f32.msk $0xffff, v12  }
0x190: {  	[tilespmem:v4+s29+$0x0] =	vst.idx.add.f32.msk $0xffff, v63  }
0x191: {  	[tilespmem:v4+s30+$0x0] =	vst.idx.add.f32.msk $0xffff, v5;
	v5 =	vand.u32 $0x3FFF, v7  }
0x192: {  	v4 =	vld.idx.msk [tilespmem:v8+s21+$0x0], $0xffff  }
0x193: {  	v6 =	vld.idx.msk [tilespmem:v8+s2+$0x0], $0xffff  }
0x194: {  	v7 =	vld.idx.msk [tilespmem:v8+s19+$0x0], $0xffff  }
0x195: {  	v9 =	vshrl.u32 v3, $0xE;
	v8 =	vld.idx.msk [tilespmem:v8+s20+$0x0], $0xffff  }
0x196: {  	[tilespmem:v5+s26+$0x0] =	vst.idx.add.f32.msk $0xffff, v11  }
0x197: {  	[tilespmem:v5+s28+$0x0] =	vst.idx.add.f32.msk $0xffff, v13  }
0x198: {  	[tilespmem:v5+s29+$0x0] =	vst.idx.add.f32.msk $0xffff, v16  }
0x199: {  	[tilespmem:v5+s30+$0x0] =	vst.idx.add.f32.msk $0xffff, v14  }
0x19a: {  	s7 =	simm.s32 $0xA0;
	v10 =	vand.u32 $0x3FFF, v10;
	v5 =	vld.idx.msk [tilespmem:v9+s19+$0x0], $0xffff  }
.LBB2_10:
0x19b: {  	p0 =	sne.s32 s7, $0x26C0  }
0x19c: {  	v11 =	vld.idx.msk [tilespmem:v9+s21+$0x0], $0xffff;
	s6 =	sadd.s32 $0xA0, s6;
	s8 =	smov.u32 s7;
	s7 =	sadd.s32 $0xA0, s7  }
0x19d: {  	v12 =	vld.idx.msk [tilespmem:v9+s20+$0x0], $0xffff  }
0x19e: {  	v13 =	vshrl.u32 v2, $0xE;
	v9 =	vld.idx.msk [tilespmem:v9+s2+$0x0], $0xffff  }
0x19f: {  	[tilespmem:v10+s26+$0x0] =	vst.idx.add.f32.msk $0xffff, v6  }
0x1a0: {  	[tilespmem:v10+s28+$0x0] =	vst.idx.add.f32.msk $0xffff, v7  }
0x1a1: {  	[tilespmem:v10+s29+$0x0] =	vst.idx.add.f32.msk $0xffff, v8  }
0x1a2: {  	[tilespmem:v10+s30+$0x0] =	vst.idx.add.f32.msk $0xffff, v4  }
0x1a3: {  	v3 =	vand.u32 $0x3FFF, v3;
	v4 =	vld.idx.msk [tilespmem:v13+s2+$0x0], $0xffff  }
0x1a4: {  	v6 =	vld.idx.msk [tilespmem:v13+s21+$0x0], $0xffff  }
0x1a5: {  	v7 =	vld.idx.msk [tilespmem:v13+s20+$0x0], $0xffff;
	_ =	sdelay $0x1  }
0x1a6: {  	v8 =	vshrl.u32 v1, $0xE;
	v10 =	vld.idx.msk [tilespmem:v13+s19+$0x0], $0xffff  }
0x1a7: {  	[tilespmem:v3+s26+$0x0] =	vst.idx.add.f32.msk $0xffff, v9  }
0x1a8: {  	[tilespmem:v3+s28+$0x0] =	vst.idx.add.f32.msk $0xffff, v5  }
0x1a9: {  	[tilespmem:v3+s29+$0x0] =	vst.idx.add.f32.msk $0xffff, v12  }
0x1aa: {  	v2 =	vand.u32 $0x3FFF, v2;
	[tilespmem:v3+s30+$0x0] =	vst.idx.add.f32.msk $0xffff, v11  }
0x1ab: {  	v3 =	vld.idx.msk [tilespmem:v8+s21+$0x0], $0xffff  }
0x1ac: {  	v5 =	vld.idx.msk [tilespmem:v8+s19+$0x0], $0xffff  }
0x1ad: {  	v9 =	vld.idx.msk [tilespmem:v8+s20+$0x0], $0xffff  }
0x1ae: {  	v1 =	vand.u32 $0x3FFF, v1;
	v8 =	vld.idx.msk [tilespmem:v8+s2+$0x0], $0xffff  }
0x1af: {  	[tilespmem:v2+s26+$0x0] =	vst.idx.add.f32.msk $0xffff, v4  }
0x1b0: {  	[tilespmem:v2+s28+$0x0] =	vst.idx.add.f32.msk $0xffff, v10  }
0x1b1: {  	[tilespmem:v2+s29+$0x0] =	vst.idx.add.f32.msk $0xffff, v7  }
0x1b2: {  	[tilespmem:v2+s30+$0x0] =	vst.idx.add.f32.msk $0xffff, v6;
	_ =	sdelay $0x1  }
0x1b3: {  	[tilespmem:v1+s26+$0x0] =	vst.idx.add.f32.msk $0xffff, v8  }
0x1b4: {  	[tilespmem:v1+s28+$0x0] =	vst.idx.add.f32.msk $0xffff, v5  }
0x1b5: {  	[tilespmem:v1+s29+$0x0] =	vst.idx.add.f32.msk $0xffff, v9  }
0x1b6: {  	[tilespmem:v1+s30+$0x0] =	vst.idx.add.f32.msk $0xffff, v3  }
0x1b7: {  	v4 =	vld [tilespmem:s6+$0xFFFFFFB0];
	_ =	sdelay $0x1  }
0x1b8: {  	s8 =	sand.u32 $0x3FE0, s8;
	v1 =	vld [tilespmem:s6+$0x40]  }
0x1b9: {  	v2 =	vld [tilespmem:s8+$0x1B800]  }
0x1ba: {  	v3 =	vld [tilespmem:s6+$0x20]  }
0x1bb: {  	v5 =	vshrl.u32 v4, $0xE;
	v6 =	vld [tilespmem:s6+$0xFFFFFFC0]  }
0x1bc: {  	v10 =	vld [tilespmem:s6+$0x10]  }
0x1bd: {  	v7 =	vld [tilespmem:s6+$0x0]  }
0x1be: {  	v8 =	vld [tilespmem:s6+$0xFFFFFFF0]  }
0x1bf: {  	v9 =	vld [tilespmem:s6+$0xFFFFFFD0]  }
0x1c0: {  	v11 =	vshrl.u32 v6, $0xE;
	v12 =	vld.idx.msk [tilespmem:v5+s2+$0x0], $0xffff  }
0x1c1: {  	v4 =	vand.u32 $0x3FFF, v4;
	v13 =	vld.idx.msk [tilespmem:v5+s19+$0x0], $0xffff  }
0x1c2: {  	v14 =	vld.idx.msk [tilespmem:v5+s20+$0x0], $0xffff  }
0x1c3: {  	v5 =	vld.idx.msk [tilespmem:v5+s21+$0x0], $0xffff  }
0x1c4: {  	v15 =	vld [tilespmem:s6+$0xFFFFFFE0]  }
0x1c5: {  	v16 =	vld.idx.msk [tilespmem:v11+s20+$0x0], $0xffff  }
0x1c6: {  	v17 =	vld.idx.msk [tilespmem:v11+s21+$0x0], $0xffff  }
0x1c7: {  	v18 =	vld.idx.msk [tilespmem:v11+s2+$0x0], $0xffff  }
0x1c8: {  	v19 =	vshrl.u32 v9, $0xE;
	v11 =	vld.idx.msk [tilespmem:v11+s19+$0x0], $0xffff  }
0x1c9: {  	[tilespmem:v4+s26+$0x0] =	vst.idx.add.f32.msk $0xffff, v12  }
0x1ca: {  	[tilespmem:v4+s28+$0x0] =	vst.idx.add.f32.msk $0xffff, v13  }
0x1cb: {  	[tilespmem:v4+s29+$0x0] =	vst.idx.add.f32.msk $0xffff, v14  }
0x1cc: {  	[tilespmem:v4+s30+$0x0] =	vst.idx.add.f32.msk $0xffff, v5;
	v4 =	vand.u32 $0x3FFF, v6  }
0x1cd: {  	v5 =	vld.idx.msk [tilespmem:v19+s21+$0x0], $0xffff  }
0x1ce: {  	v6 =	vld.idx.msk [tilespmem:v19+s2+$0x0], $0xffff  }
0x1cf: {  	v12 =	vld.idx.msk [tilespmem:v19+s19+$0x0], $0xffff  }
0x1d0: {  	v13 =	vshrl.u32 v15, $0xE;
	v14 =	vld.idx.msk [tilespmem:v19+s20+$0x0], $0xffff  }
0x1d1: {  	[tilespmem:v4+s26+$0x0] =	vst.idx.add.f32.msk $0xffff, v18  }
0x1d2: {  	[tilespmem:v4+s28+$0x0] =	vst.idx.add.f32.msk $0xffff, v11  }
0x1d3: {  	[tilespmem:v4+s29+$0x0] =	vst.idx.add.f32.msk $0xffff, v16  }
0x1d4: {  	[tilespmem:v4+s30+$0x0] =	vst.idx.add.f32.msk $0xffff, v17;
	v4 =	vand.u32 $0x3FFF, v9  }
0x1d5: {  	v9 =	vld.idx.msk [tilespmem:v13+s20+$0x0], $0xffff  }
0x1d6: {  	v11 =	vld.idx.msk [tilespmem:v13+s21+$0x0], $0xffff  }
0x1d7: {  	v16 =	vld.idx.msk [tilespmem:v13+s2+$0x0], $0xffff  }
0x1d8: {  	v17 =	vshrl.u32 v8, $0xE;
	v13 =	vld.idx.msk [tilespmem:v13+s19+$0x0], $0xffff  }
0x1d9: {  	[tilespmem:v4+s26+$0x0] =	vst.idx.add.f32.msk $0xffff, v6  }
0x1da: {  	[tilespmem:v4+s28+$0x0] =	vst.idx.add.f32.msk $0xffff, v12  }
0x1db: {  	[tilespmem:v4+s29+$0x0] =	vst.idx.add.f32.msk $0xffff, v14  }
0x1dc: {  	[tilespmem:v4+s30+$0x0] =	vst.idx.add.f32.msk $0xffff, v5;
	v4 =	vand.u32 $0x3FFF, v15  }
0x1dd: {  	v5 =	vld.idx.msk [tilespmem:v17+s21+$0x0], $0xffff  }
0x1de: {  	v6 =	vld.idx.msk [tilespmem:v17+s2+$0x0], $0xffff  }
0x1df: {  	v12 =	vld.idx.msk [tilespmem:v17+s19+$0x0], $0xffff  }
0x1e0: {  	v14 =	vshrl.u32 v7, $0xE;
	v15 =	vld.idx.msk [tilespmem:v17+s20+$0x0], $0xffff  }
0x1e1: {  	[tilespmem:v4+s26+$0x0] =	vst.idx.add.f32.msk $0xffff, v16  }
0x1e2: {  	[tilespmem:v4+s28+$0x0] =	vst.idx.add.f32.msk $0xffff, v13  }
0x1e3: {  	[tilespmem:v4+s29+$0x0] =	vst.idx.add.f32.msk $0xffff, v9  }
0x1e4: {  	[tilespmem:v4+s30+$0x0] =	vst.idx.add.f32.msk $0xffff, v11;
	v4 =	vand.u32 $0x3FFF, v8  }
0x1e5: {  	v11 =	vld.idx.msk [tilespmem:v14+s2+$0x0], $0xffff  }
0x1e6: {  	v13 =	vld.idx.msk [tilespmem:v14+s19+$0x0], $0xffff  }
0x1e7: {  	v16 =	vld.idx.msk [tilespmem:v14+s20+$0x0], $0xffff  }
0x1e8: {  	v8 =	vshrl.u32 v10, $0xE;
	v14 =	vld.idx.msk [tilespmem:v14+s21+$0x0], $0xffff  }
0x1e9: {  	[tilespmem:v4+s26+$0x0] =	vst.idx.add.f32.msk $0xffff, v6  }
0x1ea: {  	[tilespmem:v4+s28+$0x0] =	vst.idx.add.f32.msk $0xffff, v12  }
0x1eb: {  	[tilespmem:v4+s29+$0x0] =	vst.idx.add.f32.msk $0xffff, v15  }
0x1ec: {  	[tilespmem:v4+s30+$0x0] =	vst.idx.add.f32.msk $0xffff, v5;
	v5 =	vand.u32 $0x3FFF, v7  }
0x1ed: {  	v4 =	vld.idx.msk [tilespmem:v8+s21+$0x0], $0xffff  }
0x1ee: {  	v6 =	vld.idx.msk [tilespmem:v8+s2+$0x0], $0xffff  }
0x1ef: {  	v7 =	vld.idx.msk [tilespmem:v8+s19+$0x0], $0xffff  }
0x1f0: {  	v9 =	vshrl.u32 v3, $0xE;
	v8 =	vld.idx.msk [tilespmem:v8+s20+$0x0], $0xffff  }
.Ltmp8:
0x1f1: {  	[tilespmem:v5+s26+$0x0] =	vst.idx.add.f32.msk $0xffff, v11;
	(pc) =	sbr.rel @p0 .LBB2_10-.Ltmp8, $4  }
0x1f2: {  	[tilespmem:v5+s28+$0x0] =	vst.idx.add.f32.msk $0xffff, v13  }
0x1f3: {  	[tilespmem:v5+s29+$0x0] =	vst.idx.add.f32.msk $0xffff, v16  }
0x1f4: {  	v10 =	vand.u32 $0x3FFF, v10;
	[tilespmem:v5+s30+$0x0] =	vst.idx.add.f32.msk $0xffff, v14  }
0x1f5: {  	v5 =	vld.idx.msk [tilespmem:v9+s19+$0x0], $0xffff  }
0x1f6: {  	_ =	sdelay $0x3  }
0x1f7: {  	v11 =	vld.idx.msk [tilespmem:v9+s21+$0x0], $0xffff  }
0x1f8: {  	v12 =	vld.idx.msk [tilespmem:v9+s20+$0x0], $0xffff  }
0x1f9: {  	v13 =	vshrl.u32 v2, $0xE;
	v62 =	vld.idx.msk [tilespmem:v9+s2+$0x0], $0xffff  }
0x1fa: {  	[tilespmem:v10+s26+$0x0] =	vst.idx.add.f32.msk $0xffff, v6  }
0x1fb: {  	[tilespmem:v10+s28+$0x0] =	vst.idx.add.f32.msk $0xffff, v7  }
0x1fc: {  	[tilespmem:v10+s29+$0x0] =	vst.idx.add.f32.msk $0xffff, v8  }
0x1fd: {  	v3 =	vand.u32 $0x3FFF, v3;
	[tilespmem:v10+s30+$0x0] =	vst.idx.add.f32.msk $0xffff, v4  }
0x1fe: {  	v4 =	vld.idx.msk [tilespmem:v13+s2+$0x0], $0xffff  }
0x1ff: {  	v6 =	vld.idx.msk [tilespmem:v13+s21+$0x0], $0xffff  }
0x200: {  	v7 =	vld.idx.msk [tilespmem:v13+s20+$0x0], $0xffff  }
0x201: {  	v63 =	vshrl.u32 v1, $0xE;
	v10 =	vld.idx.msk [tilespmem:v13+s19+$0x0], $0xffff  }
0x202: {  	[tilespmem:v3+s26+$0x0] =	vst.idx.add.f32.msk $0xffff, v62  }
0x203: {  	[tilespmem:v3+s28+$0x0] =	vst.idx.add.f32.msk $0xffff, v5  }
0x204: {  	[tilespmem:v3+s29+$0x0] =	vst.idx.add.f32.msk $0xffff, v12  }
0x205: {  	v2 =	vand.u32 $0x3FFF, v2;
	[tilespmem:v3+s30+$0x0] =	vst.idx.add.f32.msk $0xffff, v11  }
0x206: {  	v3 =	vld.idx.msk [tilespmem:v63+s21+$0x0], $0xffff  }
0x207: {  	v5 =	vld.idx.msk [tilespmem:v63+s19+$0x0], $0xffff  }
0x208: {  	v9 =	vld.idx.msk [tilespmem:v63+s20+$0x0], $0xffff  }
0x209: {  	v1 =	vand.u32 $0x3FFF, v1;
	v8 =	vld.idx.msk [tilespmem:v63+s2+$0x0], $0xffff  }
0x20a: {  	[tilespmem:v2+s26+$0x0] =	vst.idx.add.f32.msk $0xffff, v4  }
0x20b: {  	[tilespmem:v2+s28+$0x0] =	vst.idx.add.f32.msk $0xffff, v10  }
0x20c: {  	p0 =	sne.s32 s5, s3;
	[tilespmem:v2+s29+$0x0] =	vst.idx.add.f32.msk $0xffff, v7  }
.Ltmp9:
0x20d: {  	[tilespmem:v2+s30+$0x0] =	vst.idx.add.f32.msk $0xffff, v6;
	(pc) =	sbr.rel @p0 .LBB2_14-.Ltmp9, $4  }
0x20e: {  	[tilespmem:v1+s26+$0x0] =	vst.idx.add.f32.msk $0xffff, v8  }
0x20f: {  	[tilespmem:v1+s28+$0x0] =	vst.idx.add.f32.msk $0xffff, v5  }
0x210: {  	[tilespmem:v1+s29+$0x0] =	vst.idx.add.f32.msk $0xffff, v9  }
0x211: {  	[tilespmem:v1+s30+$0x0] =	vst.idx.add.f32.msk $0xffff, v3  }
0x212: {  	s5 =	simm.s32 $0x0;
	s6 =	simm.s32 $0x1B7D0  }
.LBB2_13:
0x213: {  	v1 =	vld [tilespmem:s6+$0xFFFFFFB0];
	_ =	sdelay $0x3  }
0x214: {  	v2 =	vld [tilespmem:s6+$0xFFFFFFC0]  }
0x215: {  	v3 =	vshrl.u32 v1, $0xE;
	_ =	sdelay $0x3  }
0x216: {  	v4 =	vshrl.u32 v2, $0xE  }
0x217: {  	v1 =	vand.u32 $0x3FFF, v1;
	v3 =	vld.idx.msk [tilespmem:v3+s22+$0x0], $0xffff;
	_ =	sdelay $0x3  }
0x218: {  	v4 =	vld.idx.msk [tilespmem:v4+s22+$0x0], $0xffff  }
0x219: {  	[tilespmem:v1+s31+$0x0] =	vst.idx.add.f32.msk $0xffff, v3  }
0x21a: {  	v1 =	vld [tilespmem:s6+$0xFFFFFFD0];
	_ =	sdelay $0x4  }
0x21b: {  	v3 =	vshrl.u32 v1, $0xE  }
0x21c: {  	v2 =	vand.u32 $0x3FFF, v2;
	_ =	sdelay $0x3  }
0x21d: {  	v3 =	vld.idx.msk [tilespmem:v3+s22+$0x0], $0xffff  }
0x21e: {  	[tilespmem:v2+s31+$0x0] =	vst.idx.add.f32.msk $0xffff, v4  }
0x21f: {  	v2 =	vld [tilespmem:s6+$0xFFFFFFE0];
	_ =	sdelay $0x4  }
0x220: {  	v60 =	vshrl.u32 v2, $0xE  }
0x221: {  	v1 =	vand.u32 $0x3FFF, v1;
	_ =	sdelay $0x3  }
0x222: {  	v4 =	vld.idx.msk [tilespmem:v60+s22+$0x0], $0xffff  }
0x223: {  	[tilespmem:v1+s31+$0x0] =	vst.idx.add.f32.msk $0xffff, v3  }
0x224: {  	v1 =	vld [tilespmem:s6+$0xFFFFFFF0];
	_ =	sdelay $0x4  }
0x225: {  	v3 =	vshrl.u32 v1, $0xE  }
0x226: {  	v2 =	vand.u32 $0x3FFF, v2;
	_ =	sdelay $0x3  }
0x227: {  	v3 =	vld.idx.msk [tilespmem:v3+s22+$0x0], $0xffff  }
0x228: {  	[tilespmem:v2+s31+$0x0] =	vst.idx.add.f32.msk $0xffff, v4  }
0x229: {  	v2 =	vld [tilespmem:s6+$0x0];
	_ =	sdelay $0x4  }
0x22a: {  	v61 =	vshrl.u32 v2, $0xE  }
0x22b: {  	v1 =	vand.u32 $0x3FFF, v1;
	_ =	sdelay $0x3  }
0x22c: {  	v4 =	vld.idx.msk [tilespmem:v61+s22+$0x0], $0xffff  }
0x22d: {  	[tilespmem:v1+s31+$0x0] =	vst.idx.add.f32.msk $0xffff, v3  }
0x22e: {  	v1 =	vld [tilespmem:s6+$0x10];
	_ =	sdelay $0x4  }
0x22f: {  	v3 =	vshrl.u32 v1, $0xE  }
0x230: {  	v2 =	vand.u32 $0x3FFF, v2;
	_ =	sdelay $0x3  }
0x231: {  	v3 =	vld.idx.msk [tilespmem:v3+s22+$0x0], $0xffff  }
0x232: {  	[tilespmem:v2+s31+$0x0] =	vst.idx.add.f32.msk $0xffff, v4  }
0x233: {  	v2 =	vld [tilespmem:s6+$0x20];
	_ =	sdelay $0x4  }
0x234: {  	v62 =	vshrl.u32 v2, $0xE  }
0x235: {  	v1 =	vand.u32 $0x3FFF, v1;
	_ =	sdelay $0x3  }
0x236: {  	v4 =	vld.idx.msk [tilespmem:v62+s22+$0x0], $0xffff  }
0x237: {  	s7 =	sand.u32 $0x3FE0, s5;
	[tilespmem:v1+s31+$0x0] =	vst.idx.add.f32.msk $0xffff, v3  }
0x238: {  	v1 =	vld [tilespmem:s7+$0x1B800];
	_ =	sdelay $0x4  }
0x239: {  	v3 =	vshrl.u32 v1, $0xE  }
0x23a: {  	v2 =	vand.u32 $0x3FFF, v2;
	_ =	sdelay $0x3  }
0x23b: {  	v3 =	vld.idx.msk [tilespmem:v3+s22+$0x0], $0xffff  }
0x23c: {  	[tilespmem:v2+s31+$0x0] =	vst.idx.add.f32.msk $0xffff, v4  }
0x23d: {  	v2 =	vld [tilespmem:s6+$0x40];
	_ =	sdelay $0x4  }
0x23e: {  	v63 =	vshrl.u32 v2, $0xE;
	_ =	sdelay $0x3  }
0x23f: {  	v1 =	vand.u32 $0x3FFF, v1  }
0x240: {  	p0 =	sne.s32 s5, $0x26C0;
	v2 =	vand.u32 $0x3FFF, v2;
	v4 =	vld.idx.msk [tilespmem:v63+s22+$0x0], $0xffff  }
.Ltmp10:
0x241: {  	_ = 	snop;
	(pc) =	sbr.rel @p0 .LBB2_13-.Ltmp10, $3  }
0x242: {  	_ =	sdelay $0x1  }
0x243: {  	[tilespmem:v1+s31+$0x0] =	vst.idx.add.f32.msk $0xffff, v3  }
0x244: {  	s5 =	sadd.s32 $0xA0, s5;
	s6 =	sadd.s32 $0xA0, s6;
	[tilespmem:v2+s31+$0x0] =	vst.idx.add.f32.msk $0xffff, v4  }
.Ltmp11:
0x245: {  	_ = 	snop;
	(pc) =	sbr.rel .LBB2_14-.Ltmp11, $1  }
0x246: {  	_ =	sdelay $0x3  }
.LBB2_16:
0x247: {  	_ =	sfence.sel $0x180000  }
0x248: {  	[bflag:$0x0] =	sbarrier.arrive $0xFFFF  }
0x249: {  	_ =	strace $0x9000004A  }
0x24a: {  	s0 =	stileid.u32;
	[bflag:$0x2] =	sbarrier.arrive $0xFFFF  }
0x24b: {  	p0 =	sne.s32 s0, $0x0;
	s0 =	rddreg [dreg:$0x1]  }
0x24c: {  	s0 =	sadd.s32 @!p0 $0x100000, s0  }
0x24d: {  	[sflag:s0] =	ssyncadd.tile.s32 @!p0 $0x1;
	_ =	shalt  }
.Lfunc_end2:
_tile_overlayer_lowered:
.L_overlay_start_2:
0x24e: {  	(tag) =	ssettag $0x2  }
0x24f: {  	s0 =	rddreg [dreg:$0x0];
	s2 =	stileid.u32  }
0x250: {  	s1 =	rddreg [dreg:$0x1];
	p0 =	sne.s32 s2, $0x0  }
0x251: {  	s3 =	rddreg [dreg:$0x2];
	[bflag:$0x3] =	sbarrier.arrive $0xFFFF;
	s2 =	simm.s32 @!p0 $0x1C03  }
0x252: {  	[timem:s3], [sflag:s2] =	dma.local @!p0 [hbm:s0], s1  }
0x253: {  	s0 =	simm.s32 @!p0 $0x3  }
0x254: {  	_ =	swait.ge @!p0 [sflag:s0], s1  }
0x255: {  	s1 =	ssub.s32 @!p0 $0x0, s1;
	[sflag:s0] =	ssyncset.done @!p0 $0x0  }
0x256: {  	[sflag:s0] =	ssyncadd.s32 @!p0 s1  }
0x257: {  	[bflag:$0x3] =	sbarrier.arrive $0xFFFF  }
0x258: {  	_ =	shalt  }

// kernel: kernel.7.cloned.1.call-start
scs
__scs_entry_jumppad:
0x0: {  	(pc) =	sbr.rel $0x88, $3  }
0x1: {  	(tag) =	ssettag $0x0;
	lr =	simm.s32 $0x1  }
0x2: {  	[smem:$0x3F97] =	sst lr;
	_ =	strace $0xD0000000  }
0x3: {  	_ = 	snop  }
0x4: {  	_ = 	snop  }
0x5: {  	_ = 	snop  }
0x6: {  	_ = 	snop  }
0x7: {  	_ = 	snop  }
__scs_overlays_trampoline_lowered:
0x8: {  	[smem:$0x3FA6] =	sst s0  }
0x9: {  	[smem:$0x3FA7] =	sst s1  }
0xa: {  	[smem:$0x3FA8] =	sst s2  }
0xb: {  	[smem:$0x3FA9] =	sst s3  }
0xc: {  	[smem:$0x3FAA] =	sst s4  }
0xd: {  	[smem:$0x3FAB] =	sst s5  }
0xe: {  	[smem:$0x3FAC] =	sst s6  }
0xf: {  	[smem:$0x3FAD] =	sst s7  }
0x10: {  	[smem:$0x3FAE] =	sst s8  }
0x11: {  	[smem:$0x3FAF] =	sst s9;
	s0 =	simm.s32 @!p0 $0x0  }
0x12: {  	s1 =	sld [smem:$0x3F95];
	s0 =	simm.s32 @p0 $0x1  }
0x13: {  	[smem:$0x3FB0] =	sst s0;
	s0 =	simm.s32 @!p1 $0x0  }
0x14: {  	s2 =	sld [smem:$0x3F94];
	s0 =	simm.s32 @p1 $0x1  }
0x15: {  	[smem:$0x3FB1] =	sst s0;
	s0 =	simm.s32 @!p2 $0x0  }
0x16: {  	s3 =	sld [smem:$0x3FDB];
	s0 =	simm.s32 @p2 $0x1  }
0x17: {  	s4 =	simm.s32 $0x1BF5;
	[smem:$0x3FB3] =	sst s0  }
0x18: {  	s0 =	sld [smem:$0x3F96];
	_ =	swait.ge [sflag:s4], $0x0  }
0x19: {  	s7 =	sld [smem:$0x3F97]  }
0x1a: {  	s8 =	sadd.s32 $0xFFFFE003, lr  }
0x1b: {  	s9 =	sadd.s32 $0xFFFFFEF7, lr;
	s5 =	simm.s32 $0xFFFFFFFF;
	p2 =	slt.u32 s8, $0xFFFFF086  }
0x1c: {  	p1 =	slt.u32 s9, $0xF7A;
	s5 =	simm.s32 @!p2 $0x0  }
0x1d: {  	s5 =	simm.s32 @p1 $0x1;
	p0 =	seq.s32 s7, s2  }
0x1e: {  	s7 =	smul.u32 @!p0 $0xF7A, s2;
	p2 =	seq.s32 @!p0 s5, $0x0  }
0x1f: {  	s9 =	smul.u32 $0xF7A, s1;
	s8 =	simm.s32 @!p0 $0x1BF5;
	p2 =	por !p2, p0  }
0x20: {  	[sflag:s8] =	ssyncset.s32 @!p0 $0xFFFFF086;
	s6 =	sadd.s32 @!p0 s3, s7;
	s7 =	simm.s32 @!p0 $0x108  }
0x21: {  	s3 =	sadd.s32 s3, s9;
	s6 =	sadd.s32 @!p0 $0x88, s6;
	s7 =	simm.s32 @p2 $0x1082  }
0x22: {  	[simem:s7], [sflag:s8] =	dma.local @!p0 [hbm:s6], $0xF7A  }
0x23: {  	s9 =	sor.u32 $0xD0000000, s2;
	s6 =	simm.s32 $0x108;
	_ =	swait.ge @!p0 [sflag:s8], $0x0  }
0x24: {  	s3 =	sadd.s32 $0x88, s3;
	s6 =	simm.s32 @!p1 $0x1082;
	[sflag:s4] =	ssyncset.s32 $0xFFFFF086  }
0x25: {  	[simem:s6], [sflag:s4] =	dma.local [hbm:s3], $0xF7A  }
0x26: {  	[smem:$0x3F97] =	sst s1;
	(tag) =	ssettag s2;
	_ =	strace s9  }
0x27: {  	s1 =	sld [smem:$0x3FA7]  }
0x28: {  	s2 =	sld [smem:$0x3FA8]  }
0x29: {  	s4 =	sld [smem:$0x3FAA]  }
0x2a: {  	p0 =	seq.s32 s5, $0x0;
	s5 =	sld [smem:$0x3FAB]  }
0x2b: {  	s6 =	sld [smem:$0x3FAC]  }
0x2c: {  	s7 =	sld [smem:$0x3FAD]  }
0x2d: {  	s3 =	simm.s32 $0x108;
	s8 =	sld [smem:$0x3FAE]  }
0x2e: {  	s3 =	simm.s32 @!p0 $0x1082;
	s9 =	sld [smem:$0x3FAF]  }
0x2f: {  	lr =	sadd.s32 s0, s3;
	s0 =	sld [smem:$0x3FA6]  }
0x30: {  	s3 =	sld [smem:$0x3FA9]  }
0x31: {  	[smem:$0x3FB2] =	sst s10  }
0x32: {  	s10 =	sld [smem:$0x3FB0];
	_ =	sdelay $0x3  }
0x33: {  	p0 =	seq.s32 s10, $0x1;
	s10 =	sld [smem:$0x3FB2];
	_ =	sdelay $0x3  }
0x34: {  	[smem:$0x3FB2] =	sst s10  }
0x35: {  	s10 =	sld [smem:$0x3FB1];
	_ =	sdelay $0x3  }
0x36: {  	p1 =	seq.s32 s10, $0x1;
	s10 =	sld [smem:$0x3FB2];
	_ =	sdelay $0x3  }
0x37: {  	[smem:$0x3FB2] =	sst s10  }
0x38: {  	s10 =	sld [smem:$0x3FB3]  }
0x39: {  	_ = 	snop;
	(pc) =	sbr.ind lr, $3  }
0x3a: {  	_ = 	snop  }
0x3b: {  	_ = 	snop  }
0x3c: {  	p2 =	seq.s32 s10, $0x1;
	s10 =	sld [smem:$0x3FB2]  }
0x3d: {  	_ =	shalt  }
0x3e: {  	_ =	shalt  }
0x3f: {  	_ =	shalt  }
0x40: {  	_ =	shalt  }
0x41: {  	_ =	shalt  }
0x42: {  	_ =	shalt  }
0x43: {  	_ =	shalt  }
0x44: {  	_ =	shalt  }
0x45: {  	_ =	shalt  }
0x46: {  	_ =	shalt  }
0x47: {  	_ =	shalt  }
0x48: {  	_ =	shalt  }
0x49: {  	_ =	shalt  }
0x4a: {  	_ =	shalt  }
0x4b: {  	_ =	shalt  }
0x4c: {  	_ =	shalt  }
0x4d: {  	_ =	shalt  }
0x4e: {  	_ =	shalt  }
0x4f: {  	_ =	shalt  }
0x50: {  	_ =	shalt  }
0x51: {  	_ =	shalt  }
0x52: {  	_ =	shalt  }
0x53: {  	_ =	shalt  }
0x54: {  	_ =	shalt  }
0x55: {  	_ =	shalt  }
0x56: {  	_ =	shalt  }
0x57: {  	_ =	shalt  }
0x58: {  	_ =	shalt  }
0x59: {  	_ =	shalt  }
0x5a: {  	_ =	shalt  }
0x5b: {  	_ =	shalt  }
0x5c: {  	_ =	shalt  }
0x5d: {  	_ =	shalt  }
0x5e: {  	_ =	shalt  }
0x5f: {  	_ =	shalt  }
0x60: {  	_ =	shalt  }
0x61: {  	_ =	shalt  }
0x62: {  	_ =	shalt  }
0x63: {  	_ =	shalt  }
0x64: {  	_ =	shalt  }
0x65: {  	_ =	shalt  }
0x66: {  	_ =	shalt  }
0x67: {  	_ =	shalt  }
0x68: {  	_ =	shalt  }
0x69: {  	_ =	shalt  }
0x6a: {  	_ =	shalt  }
0x6b: {  	_ =	shalt  }
0x6c: {  	_ =	shalt  }
0x6d: {  	_ =	shalt  }
0x6e: {  	_ =	shalt  }
0x6f: {  	_ =	shalt  }
0x70: {  	_ =	shalt  }
0x71: {  	_ =	shalt  }
0x72: {  	_ =	shalt  }
0x73: {  	_ =	shalt  }
0x74: {  	_ =	shalt  }
0x75: {  	_ =	shalt  }
0x76: {  	_ =	shalt  }
0x77: {  	_ =	shalt  }
0x78: {  	_ =	shalt  }
0x79: {  	_ =	shalt  }
0x7a: {  	_ =	shalt  }
0x7b: {  	_ =	shalt  }
0x7c: {  	_ =	shalt  }
0x7d: {  	_ =	shalt  }
0x7e: {  	_ =	shalt  }
0x7f: {  	_ =	shalt  }
0x80: {  	_ =	shalt  }
0x81: {  	_ =	shalt  }
0x82: {  	_ =	shalt  }
0x83: {  	_ =	shalt  }
0x84: {  	_ =	shalt  }
0x85: {  	_ =	shalt  }
0x86: {  	_ =	shalt  }
0x87: {  	_ =	shalt  }
.Lfunc_end0:
.L_simem_size_0:
called_computation_lowered:
.L_overlay_start_0:
0x88: {  	s2 =	sld [smem:$0x3FD9]  }
0x89: {  	s3 =	sld [smem:$0x3FFE];
	_ =	sdelay $0x1  }
0x8a: {  	s1 =	srdreg.scid  }
0x8b: {  	s0 =	sand.u32 $0x1, s1  }
0x8c: {  	s16 =	sshll.u32 s0, $0xA;
	s2 =	sadd.s32 s3, s2  }
0x8d: {  	s2 =	sadd.s32 s2, s16  }
0x8e: {  	[smem:$0x3FBE] =	sst s2  }
0x8f: {  	_ = 	snop  }
0x90: {  	(tm) =	ssettm $0x1  }
0x91: {  	s17 =	sld [smem:$0x3FFB];
	_ =	sdelay $0x3  }
0x92: {  	_ =	strace s17  }
0x93: {  	s2 =	sld [smem:$0x3FFC];
	_ =	sdelay $0x3  }
0x94: {  	_ =	strace s2  }
0x95: {  	s2 =	sld [smem:$0x3FFD];
	_ =	sdelay $0x3  }
0x96: {  	_ =	strace s2  }
0x97: {  	_ =	strace $0x8FFFFFFF  }
0x98: {  	s18 =	sld [smem:$0x3FDB];
	_ =	sdelay $0x1  }
0x99: {  	s19 =	simm.s32 $_scs_section_size  }
0x9a: {  	s4 =	simm.s32 $_size__tile_overlayer_lowered;
	s5 =	simm.s32 $_tile_overlayer_lowered  }
0x9b: {  	s22 =	simm.s32 $0x1BFF;
	s21 =	sshll.u32 s5, $0x1;
	s2 =	sadd.s32 s19, s18  }
0x9c: {  	s6 =	simm.s32 $0x0;
	s20 =	sshll.u32 s4, $0x1;
	s4 =	sadd.s32 s21, s2  }
0x9d: {  	[timem:s6], [sflag:s22] =	dma.local [hbm:s4], s20  }
0x9e: {  	_ =	swait.ge [sflag:s22], s20  }
0x9f: {  	s3 =	ssub.s32 $0x0, s20;
	[sflag:s22] =	ssyncset.done $0x0  }
0xa0: {  	[sflag:s22] =	ssyncadd.s32 s3;
	_ =	sdelay $0x1  }
0xa1: {  	s23 =	simm.s32 $0x1B8B  }
0xa2: {  	_ =	swait.ge [sflag:s23], $0x1  }
0xa3: {  	[sflag:s23] =	ssyncset.done $0x0  }
0xa4: {  	s25 =	simm.s32 $0x1B8E;
	s24 =	sld [smem:$0x3FFE];
	[sflag:s23] =	ssyncadd.s32 $0xFFFFFFFF  }
0xa5: {  	s26 =	simm.s32 $execute0_lowered;
	[smem:$0x3FD2] =	sst s25  }
0xa6: {  	s4 =	sshll.u32 s26, $0x1;
	_ =	strace $0x80000046;
	[dreg:$0x1] =	wrdreg $0xFFFFFFFF  }
0xa7: {  	s28 =	simm.s32 $_size_execute0_lowered;
	s2 =	sadd.s32 s2, s4;
	[dreg:$0x0] =	wrdreg $0x0  }
0xa8: {  	s4 =	sshll.u32 s28, $0x1;
	[dreg:$0x2] =	wrdreg s2  }
0xa9: {  	[dreg:$0x3] =	wrdreg s4  }
0xaa: {  	[dreg:$0x4] =	wrdreg $0xC0  }
0xab: {  	_ =	task [dreg:s6], $0x5FFFF  }
0xac: {  	[dreg:$0x1] =	wrdreg $0xFFFFFFFF  }
0xad: {  	[dreg:$0x0] =	wrdreg $0x60  }
0xae: {  	[dreg:$0x2] =	wrdreg s24  }
0xaf: {  	[dreg:$0x3] =	wrdreg $0x9  }
0xb0: {  	_ =	task.clear_ibuf [dreg:s6], $0x4FFFF;
	_ =	strace $0x90000046  }
0xb1: {  	s29 =	simm.s32 $0x9;
	_ =	strace $0x80000048  }
0xb2: {  	_ =	swait.ge [sflag:s29], $0x1  }
0xb3: {  	[sflag:s29] =	ssyncadd.s32 $0xFFFFFFFF  }
0xb4: {  	_ =	strace $0x90000048  }
0xb5: {  	_ =	sfence  }
0xb6: {  	s30 =	sld [smem:$0x0];
	_ =	sdelay $0x2  }
0xb7: {  	s31 =	sshll.u32 s1, $0xD;
	s1 =	sshrl.u32 s1, $0x2  }
0xb8: {  	s3 =	sand.u32 $0x4000, s31;
	s1 =	sadd.s32 s1, s30  }
0xb9: {  	s0 =	sor.u32 s3, s0;
	s1 =	sshll.u32 s1, $0x11  }
0xba: {  	s0 =	sor.u32 s1, s0  }
0xbb: {  	s0 =	sadd.s32 $0x8F2B, s0  }
0xbc: {  	[sflag:s0] =	ssyncadd.remote.s32 $0x1  }
0xbd: {  	_ =	sfence.sel $0xFFFF  }
0xbe: {  	[dreg:$0x0] =	wrdreg $0xFFFFFFFF;
	(pc) =	sbr.abs _section_cstart, $3  }
0xbf: {  	[dreg:$0x1] =	wrdreg $0xFFFFFFFF  }
0xc0: {  	_ =	task.clear_ibuf [dreg:s6], $0x2FFFF;
	_ =	strace $0x9FFFFFFF  }
0xc1: {  	(tm) =	ssettm $0x7FFFFFFF  }
tec
execute0_lowered:
.L_overlay_start_1:
0x0: {  	(tag) =	ssettag $0x1  }
0x1: {  	s0 =	rddreg [dreg:$0x0]  }
0x2: {  	s2 =	simm.s32 $0x0;
	s1 =	srdreg.scid;
	s9 =	stileid.u32  }
0x3: {  	s16 =	simm.s32 $0x80;
	s17 =	simm.s32 $0x400;
	s19 =	simm.s32 $0x2800  }
0x4: {  	s20 =	simm.s32 $0x5000;
	s21 =	simm.s32 $0x7800;
	s28 =	simm.s32 $0xF000  }
0x5: {  	s29 =	simm.s32 $0x11800;
	s30 =	simm.s32 $0x14000;
	s31 =	simm.s32 $0x16800  }
0x6: {  	[smem:$0x7FF] =	sst s2;
	s1 =	sand.u32 $0x1, s1;
	s3 =	sshll.u32 s9, $0x1  }
0x7: {  	s5 =	sadd.s32 $0xB600, s0;
	s6 =	sshrl.u32 s9, $0x2;
	s4 =	sadd.s32 $0x1800, s0  }
0x8: {  	s8 =	sadd.s32 $0x35E00, s0;
	s9 =	smul.u32 $0x14000, s9;
	_ =	strace $0x80000047  }
0x9: {  	s3 =	sor.u32 s1, s3;
	s22 =	ssub.s32 $0x2, s1;
	s1 =	sshll.u32 s1, $0x9  }
0xa: {  	s6 =	smul.u32 $0x14000, s6;
	s7 =	sshll.u32 s3, $0x7;
	s1 =	sor.u32 s1, s9  }
0xb: {  	s10 =	sshrl.u32 s22, $0x1;
	s7 =	sand.u32 $0x380, s7;
	s1 =	sshrl.u32 s1, $0x3  }
0xc: {  	s6 =	sor.u32 s6, s7;
	s7 =	ssub.s32 s22, s10;
	s23 =	sadd.s32 s5, s1  }
0xd: {  	s24 =	sor.u32 $0x10, s1;
	s12 =	sor.u32 $0x20, s1;
	s13 =	sor.u32 $0x30, s1  }
0xe: {  	s10 =	sadd.s32 s8, s1;
	s22 =	simm.s32 $0xA000;
	s6 =	sshrl.u32 s6, $0x3  }
0xf: {  	[dreg:$0x2] =	wrdreg s23;
	s25 =	sadd.s32 s5, s24;
	s26 =	sadd.s32 s5, s12  }
0x10: {  	s5 =	sadd.s32 s5, s13;
	s11 =	sadd.s32 s8, s24;
	s12 =	sadd.s32 s8, s12  }
.Ltmp0:
0x11: {  	s13 =	sadd.s32 s8, s13;
	[dreg:$0x3] =	wrdreg s25;
	(pc) =	sbr.rel .LBB2_1-.Ltmp0, $4  }
0x12: {  	s15 =	smax.u32 s7, $0x1;
	s23 =	simm.s32 $0x2;
	[dreg:$0x4] =	wrdreg s26  }
0x13: {  	s24 =	simm.s32 $0x1B780;
	s6 =	sadd.s32 s6, s0;
	[dreg:$0x5] =	wrdreg s5  }
0x14: {  	s0 =	sadd.s32 $0x33600, s0;
	s25 =	simm.s32 $0x1;
	s26 =	simm.s32 $0xC800  }
0x15: {  	v0 =	vimm.f32 $0.0e+00;
	[dreg:$0x6] =	wrdreg s0;
	s14 =	sadd.s32 $0x60600, s6;
	s0 =	simm.s32 $0x0  }
.LBB2_15:
0x16: {  	[hbm4b:s10+s16] =	stream.strided.scatter [tilespmem:s26], [sflag:$0x1], $0x2800, s17, s16, $0x38;
	[tilespmem:$0x1DF00] =	vst v63  }
0x17: {  	_ = 	snop  }
0x18: {  	[hbm4b:s11+s16] =	stream.strided.scatter [tilespmem:s28], [sflag:$0x1], $0x2800, s17, s16, $0x38;
	[tilespmem:$0x1DF00] =	vst v63  }
0x19: {  	_ = 	snop  }
0x1a: {  	[hbm4b:s12+s16] =	stream.strided.scatter [tilespmem:s29], [sflag:$0x1], $0x2800, s17, s16, $0x38;
	[tilespmem:$0x1DF00] =	vst v63  }
0x1b: {  	_ = 	snop  }
0x1c: {  	[hbm4b:s13+s16] =	stream.strided.scatter [tilespmem:s30], [sflag:$0x1], $0x2800, s17, s16, $0x38;
	[tilespmem:$0x1DF00] =	vst v63  }
0x1d: {  	_ = 	snop  }
0x1e: {  	[hbm4b:s14+s16] =	stream.strided.scatter [tilespmem:s31], [sflag:$0x1], $0x2800, s17, s16, $0x38;
	[tilespmem:$0x1DF00] =	vst v63  }
0x1f: {  	_ =	swait.ge [sflag:s25], $0x2800  }
0x20: {  	[sflag:s25] =	ssyncset.done $0x0  }
0x21: {  	[sflag:s25] =	ssyncadd.s32 $0xFFFFD800  }
0x22: {  	_ =	swait.ge [sflag:s25], $0x2800  }
0x23: {  	[sflag:s25] =	ssyncset.done $0x0  }
0x24: {  	[sflag:s25] =	ssyncadd.s32 $0xFFFFD800  }
0x25: {  	_ =	swait.ge [sflag:s25], $0x2800  }
0x26: {  	[sflag:s25] =	ssyncset.done $0x0  }
0x27: {  	s0 =	sadd.s32 $0x1, s0;
	[sflag:s25] =	ssyncadd.s32 $0xFFFFD800  }
0x28: {  	p0 =	sne.s32 s0, s15;
	_ =	swait.ge [sflag:s25], $0x2800  }
.Ltmp1:
0x29: {  	[sflag:s25] =	ssyncset.done $0x0;
	(pc) =	sbr.rel @!p0 .LBB2_16-.Ltmp1, $4  }
0x2a: {  	[sflag:s25] =	ssyncadd.s32 $0xFFFFD800  }
0x2b: {  	_ =	swait.ge [sflag:s25], $0x2800  }
0x2c: {  	[sflag:s25] =	ssyncset.done $0x0  }
0x2d: {  	[sflag:s25] =	ssyncadd.s32 $0xFFFFD800  }
.LBB2_1:
0x2e: {  	s1 =	simm.s32 $0x19000  }
0x2f: {  	[tilespmem:s1], [sflag:$0x1] =	stream.strided.gather [hbm4b:s4+s16], $0x2780, s17, s16, $0x38;
	[tilespmem:$0x1DF00] =	vst v63  }
0x30: {  	s6 =	rddreg [dreg:$0x2]  }
0x31: {  	[tilespmem:s2], [sflag:$0x2] =	stream.strided.gather [hbm4b:s6+s16], $0x2800, s17, s16, $0x38;
	[tilespmem:$0x1DF00] =	vst v63  }
0x32: {  	s7 =	rddreg [dreg:$0x3]  }
0x33: {  	[tilespmem:s19], [sflag:$0x2] =	stream.strided.gather [hbm4b:s7+s16], $0x2800, s17, s16, $0x38;
	[tilespmem:$0x1DF00] =	vst v63  }
0x34: {  	s8 =	rddreg [dreg:$0x4]  }
0x35: {  	[tilespmem:s20], [sflag:$0x2] =	stream.strided.gather [hbm4b:s8+s16], $0x2800, s17, s16, $0x38;
	[tilespmem:$0x1DF00] =	vst v63  }
0x36: {  	s9 =	rddreg [dreg:$0x5]  }
0x37: {  	[tilespmem:s21], [sflag:$0x2] =	stream.strided.gather [hbm4b:s9+s16], $0x2800, s17, s16, $0x38;
	[tilespmem:$0x1DF00] =	vst v63  }
0x38: {  	s18 =	rddreg [dreg:$0x6];
	s5 =	simm.s32 $0x200;
	s1 =	simm.s32 $0x0  }
0x39: {  	[tilespmem:s22], [sflag:$0x2] =	stream.strided.gather [hbm4b:s18+s16], $0x2800, s17, s16, $0x38;
	[tilespmem:$0x1DF00] =	vst v63  }
.LBB2_2:
0x3a: {  	p0 =	sne.s32 s5, $0x31E00;
	[tilespmem:s1+$0xC870] =	vst v0  }
0x3b: {  	[tilespmem:s1+$0xC800] =	vst v0  }
0x3c: {  	[tilespmem:s1+$0xC810] =	vst v0  }
.Ltmp2:
0x3d: {  	[tilespmem:s1+$0xC820] =	vst v0;
	(pc) =	sbr.rel @p0 .LBB2_2-.Ltmp2, $4  }
0x3e: {  	[tilespmem:s1+$0xC830] =	vst v0  }
0x3f: {  	[tilespmem:s1+$0xC840] =	vst v0  }
0x40: {  	[tilespmem:s1+$0xC850] =	vst v0  }
0x41: {  	[tilespmem:s1+$0xC860] =	vst v0;
	s1 =	sshra.s32 s5, $0x2;
	s5 =	sadd.s32 $0x200, s5  }
0x42: {  	[tilespmem:s1+$0xC870] =	vst v0  }
0x43: {  	[tilespmem:s1+$0xC800] =	vst v0  }
0x44: {  	[tilespmem:s1+$0xC810] =	vst v0  }
0x45: {  	[tilespmem:s1+$0xC820] =	vst v0  }
0x46: {  	[tilespmem:s1+$0xC830] =	vst v0  }
0x47: {  	[tilespmem:s1+$0xC840] =	vst v0  }
0x48: {  	[tilespmem:s1+$0xC850] =	vst v0  }
0x49: {  	[tilespmem:s1+$0xC860] =	vst v0  }
0x4a: {  	_ =	swait.ge [sflag:s23], $0x2800  }
0x4b: {  	[sflag:s23] =	ssyncset.done $0x0  }
0x4c: {  	[sflag:s23] =	ssyncadd.s32 $0xFFFFD800  }
0x4d: {  	_ =	swait.ge [sflag:s23], $0x2800  }
0x4e: {  	[sflag:s23] =	ssyncset.done $0x0  }
0x4f: {  	[sflag:s23] =	ssyncadd.s32 $0xFFFFD800  }
0x50: {  	_ =	swait.ge [sflag:s23], $0x2800  }
0x51: {  	[sflag:s23] =	ssyncset.done $0x0  }
0x52: {  	[sflag:s23] =	ssyncadd.s32 $0xFFFFD800  }
0x53: {  	_ =	swait.ge [sflag:s23], $0x2800  }
.Ltmp3:
0x54: {  	[sflag:s23] =	ssyncset.done $0x0;
	(pc) =	sbr.rel .LBB2_4-.Ltmp3, $4  }
0x55: {  	[sflag:s23] =	ssyncadd.s32 $0xFFFFD800  }
0x56: {  	_ =	swait.ge [sflag:s23], $0x2800  }
0x57: {  	[sflag:s23] =	ssyncset.done $0x0  }
0x58: {  	s1 =	simm.s32 $0x0;
	s18 =	simm.s32 $0x0;
	[sflag:s23] =	ssyncadd.s32 $0xFFFFD800  }
.LBB2_14:
0x59: {  	s18 =	sadd.s32 $0x1, s18  }
0x5a: {  	p0 =	sne.s32 s18, $0x10  }
.Ltmp4:
0x5b: {  	_ = 	snop;
	(pc) =	sbr.rel @!p0 .LBB2_15-.Ltmp4, $1  }
0x5c: {  	_ =	sdelay $0x3  }
.LBB2_4:
0x5d: {  	s5 =	sshllo.u32 s18, $0x1;
	s6 =	sshrl.u32 s18, $0x2  }
0x5e: {  	s6 =	smul.u32 $0x13C00, s6;
	s7 =	sshll.u32 s5, $0x7  }
0x5f: {  	s7 =	sand.u32 $0x380, s7  }
0x60: {  	s6 =	sor.u32 s6, s7  }
0x61: {  	s6 =	sshrl.u32 s6, $0x3  }
0x62: {  	s6 =	sadd.s32 s4, s6  }
0x63: {  	[tilespmem:s24], [sflag:$0x2] =	stream.strided.gather [hbm4b:s6+s16], $0x2780, s17, s16, $0x38;
	[tilespmem:$0x1DF00] =	vst v63  }
0x64: {  	_ =	swait.ge [sflag:s25], $0x2780  }
0x65: {  	[sflag:s25] =	ssyncset.done $0x0  }
0x66: {  	s7 =	simm.s32 $0x19050;
	[sflag:s25] =	ssyncadd.s32 $0xFFFFD880  }
0x67: {  	v4 =	vld [tilespmem:s7+$0xFFFFFFB0]  }
0x68: {  	s9 =	sand.u32 $0x3FE0, s1;
	v1 =	vld [tilespmem:s7+$0x40]  }
0x69: {  	v2 =	vld [tilespmem:s9+$0x19080]  }
0x6a: {  	v3 =	vld [tilespmem:s7+$0x20]  }
0x6b: {  	v6 =	vld [tilespmem:s7+$0xFFFFFFC0]  }
0x6c: {  	v10 =	vld [tilespmem:s7+$0x10];
	v5 =	vshrl.u32 v4, $0xE  }
0x6d: {  	v7 =	vld [tilespmem:s7+$0x0]  }
0x6e: {  	v8 =	vld [tilespmem:s7+$0xFFFFFFF0]  }
0x6f: {  	v9 =	vld [tilespmem:s7+$0xFFFFFFD0]  }
0x70: {  	v15 =	vld [tilespmem:s7+$0xFFFFFFE0];
	v11 =	vshrl.u32 v6, $0xE  }
0x71: {  	v12 =	vld.idx.msk [tilespmem:v5+s2+$0x0], $0xffff  }
0x72: {  	v13 =	vld.idx.msk [tilespmem:v5+s19+$0x0], $0xffff  }
0x73: {  	v14 =	vld.idx.msk [tilespmem:v5+s20+$0x0], $0xffff  }
0x74: {  	v4 =	vand.u32 $0x3FFF, v4;
	v5 =	vld.idx.msk [tilespmem:v5+s21+$0x0], $0xffff  }
0x75: {  	v16 =	vld.idx.msk [tilespmem:v11+s20+$0x0], $0xffff  }
0x76: {  	v17 =	vld.idx.msk [tilespmem:v11+s21+$0x0], $0xffff  }
0x77: {  	v18 =	vld.idx.msk [tilespmem:v11+s2+$0x0], $0xffff  }
0x78: {  	v19 =	vshrl.u32 v9, $0xE;
	v11 =	vld.idx.msk [tilespmem:v11+s19+$0x0], $0xffff  }
0x79: {  	[tilespmem:v4+s26+$0x0] =	vst.idx.add.f32.msk $0xffff, v12  }
0x7a: {  	[tilespmem:v4+s28+$0x0] =	vst.idx.add.f32.msk $0xffff, v13  }
0x7b: {  	[tilespmem:v4+s29+$0x0] =	vst.idx.add.f32.msk $0xffff, v14  }
0x7c: {  	[tilespmem:v4+s30+$0x0] =	vst.idx.add.f32.msk $0xffff, v5;
	v4 =	vand.u32 $0x3FFF, v6  }
0x7d: {  	v5 =	vld.idx.msk [tilespmem:v19+s21+$0x0], $0xffff  }
0x7e: {  	v6 =	vld.idx.msk [tilespmem:v19+s2+$0x0], $0xffff  }
0x7f: {  	v12 =	vld.idx.msk [tilespmem:v19+s19+$0x0], $0xffff  }
0x80: {  	v60 =	vshrl.u32 v15, $0xE;
	v14 =	vld.idx.msk [tilespmem:v19+s20+$0x0], $0xffff  }
0x81: {  	[tilespmem:v4+s26+$0x0] =	vst.idx.add.f32.msk $0xffff, v18  }
0x82: {  	[tilespmem:v4+s28+$0x0] =	vst.idx.add.f32.msk $0xffff, v11  }
0x83: {  	[tilespmem:v4+s29+$0x0] =	vst.idx.add.f32.msk $0xffff, v16  }
0x84: {  	[tilespmem:v4+s30+$0x0] =	vst.idx.add.f32.msk $0xffff, v17;
	v4 =	vand.u32 $0x3FFF, v9  }
0x85: {  	v9 =	vld.idx.msk [tilespmem:v60+s20+$0x0], $0xffff  }
0x86: {  	v11 =	vld.idx.msk [tilespmem:v60+s21+$0x0], $0xffff  }
0x87: {  	v16 =	vld.idx.msk [tilespmem:v60+s2+$0x0], $0xffff  }
0x88: {  	v61 =	vshrl.u32 v8, $0xE;
	v13 =	vld.idx.msk [tilespmem:v60+s19+$0x0], $0xffff  }
0x89: {  	[tilespmem:v4+s26+$0x0] =	vst.idx.add.f32.msk $0xffff, v6  }
0x8a: {  	[tilespmem:v4+s28+$0x0] =	vst.idx.add.f32.msk $0xffff, v12  }
0x8b: {  	[tilespmem:v4+s29+$0x0] =	vst.idx.add.f32.msk $0xffff, v14  }
0x8c: {  	[tilespmem:v4+s30+$0x0] =	vst.idx.add.f32.msk $0xffff, v5;
	v4 =	vand.u32 $0x3FFF, v15  }
0x8d: {  	v5 =	vld.idx.msk [tilespmem:v61+s21+$0x0], $0xffff  }
0x8e: {  	v6 =	vld.idx.msk [tilespmem:v61+s2+$0x0], $0xffff  }
0x8f: {  	v12 =	vld.idx.msk [tilespmem:v61+s19+$0x0], $0xffff  }
0x90: {  	v62 =	vshrl.u32 v7, $0xE;
	v63 =	vld.idx.msk [tilespmem:v61+s20+$0x0], $0xffff  }
0x91: {  	[tilespmem:v4+s26+$0x0] =	vst.idx.add.f32.msk $0xffff, v16  }
0x92: {  	[tilespmem:v4+s28+$0x0] =	vst.idx.add.f32.msk $0xffff, v13  }
0x93: {  	[tilespmem:v4+s29+$0x0] =	vst.idx.add.f32.msk $0xffff, v9  }
0x94: {  	[tilespmem:v4+s30+$0x0] =	vst.idx.add.f32.msk $0xffff, v11;
	v4 =	vand.u32 $0x3FFF, v8  }
0x95: {  	v11 =	vld.idx.msk [tilespmem:v62+s2+$0x0], $0xffff  }
0x96: {  	v13 =	vld.idx.msk [tilespmem:v62+s19+$0x0], $0xffff  }
0x97: {  	v16 =	vld.idx.msk [tilespmem:v62+s20+$0x0], $0xffff  }
0x98: {  	v8 =	vshrl.u32 v10, $0xE;
	v14 =	vld.idx.msk [tilespmem:v62+s21+$0x0], $0xffff  }
0x99: {  	[tilespmem:v4+s26+$0x0] =	vst.idx.add.f32.msk $0xffff, v6  }
0x9a: {  	[tilespmem:v4+s28+$0x0] =	vst.idx.add.f32.msk $0xffff, v12  }
0x9b: {  	[tilespmem:v4+s29+$0x0] =	vst.idx.add.f32.msk $0xffff, v63  }
0x9c: {  	[tilespmem:v4+s30+$0x0] =	vst.idx.add.f32.msk $0xffff, v5;
	v5 =	vand.u32 $0x3FFF, v7  }
0x9d: {  	v4 =	vld.idx.msk [tilespmem:v8+s21+$0x0], $0xffff  }
0x9e: {  	v6 =	vld.idx.msk [tilespmem:v8+s2+$0x0], $0xffff  }
0x9f: {  	v7 =	vld.idx.msk [tilespmem:v8+s19+$0x0], $0xffff  }
0xa0: {  	v9 =	vshrl.u32 v3, $0xE;
	v8 =	vld.idx.msk [tilespmem:v8+s20+$0x0], $0xffff  }
0xa1: {  	[tilespmem:v5+s26+$0x0] =	vst.idx.add.f32.msk $0xffff, v11  }
0xa2: {  	[tilespmem:v5+s28+$0x0] =	vst.idx.add.f32.msk $0xffff, v13  }
0xa3: {  	[tilespmem:v5+s29+$0x0] =	vst.idx.add.f32.msk $0xffff, v16  }
0xa4: {  	[tilespmem:v5+s30+$0x0] =	vst.idx.add.f32.msk $0xffff, v14  }
0xa5: {  	s8 =	simm.s32 $0xA0;
	s6 =	sshll.u32 s18, $0x1;
	v10 =	vand.u32 $0x3FFF, v10;
	v5 =	vld.idx.msk [tilespmem:v9+s19+$0x0], $0xffff  }
.LBB2_5:
0xa6: {  	p0 =	sne.s32 s8, $0x26C0  }
0xa7: {  	v11 =	vld.idx.msk [tilespmem:v9+s21+$0x0], $0xffff;
	s7 =	sadd.s32 $0xA0, s7;
	s9 =	smov.u32 s8;
	s8 =	sadd.s32 $0xA0, s8  }
0xa8: {  	v12 =	vld.idx.msk [tilespmem:v9+s20+$0x0], $0xffff  }
0xa9: {  	v13 =	vshrl.u32 v2, $0xE;
	v9 =	vld.idx.msk [tilespmem:v9+s2+$0x0], $0xffff  }
0xaa: {  	[tilespmem:v10+s26+$0x0] =	vst.idx.add.f32.msk $0xffff, v6  }
0xab: {  	[tilespmem:v10+s28+$0x0] =	vst.idx.add.f32.msk $0xffff, v7  }
0xac: {  	[tilespmem:v10+s29+$0x0] =	vst.idx.add.f32.msk $0xffff, v8  }
0xad: {  	[tilespmem:v10+s30+$0x0] =	vst.idx.add.f32.msk $0xffff, v4  }
0xae: {  	v3 =	vand.u32 $0x3FFF, v3;
	v4 =	vld.idx.msk [tilespmem:v13+s2+$0x0], $0xffff  }
0xaf: {  	v6 =	vld.idx.msk [tilespmem:v13+s21+$0x0], $0xffff  }
0xb0: {  	v7 =	vld.idx.msk [tilespmem:v13+s20+$0x0], $0xffff;
	_ =	sdelay $0x1  }
0xb1: {  	v8 =	vshrl.u32 v1, $0xE;
	v10 =	vld.idx.msk [tilespmem:v13+s19+$0x0], $0xffff  }
0xb2: {  	[tilespmem:v3+s26+$0x0] =	vst.idx.add.f32.msk $0xffff, v9  }
0xb3: {  	[tilespmem:v3+s28+$0x0] =	vst.idx.add.f32.msk $0xffff, v5  }
0xb4: {  	[tilespmem:v3+s29+$0x0] =	vst.idx.add.f32.msk $0xffff, v12  }
0xb5: {  	v2 =	vand.u32 $0x3FFF, v2;
	[tilespmem:v3+s30+$0x0] =	vst.idx.add.f32.msk $0xffff, v11  }
0xb6: {  	v3 =	vld.idx.msk [tilespmem:v8+s21+$0x0], $0xffff  }
0xb7: {  	v5 =	vld.idx.msk [tilespmem:v8+s19+$0x0], $0xffff  }
0xb8: {  	v9 =	vld.idx.msk [tilespmem:v8+s20+$0x0], $0xffff  }
0xb9: {  	v1 =	vand.u32 $0x3FFF, v1;
	v8 =	vld.idx.msk [tilespmem:v8+s2+$0x0], $0xffff  }
0xba: {  	[tilespmem:v2+s26+$0x0] =	vst.idx.add.f32.msk $0xffff, v4  }
0xbb: {  	[tilespmem:v2+s28+$0x0] =	vst.idx.add.f32.msk $0xffff, v10  }
0xbc: {  	[tilespmem:v2+s29+$0x0] =	vst.idx.add.f32.msk $0xffff, v7  }
0xbd: {  	[tilespmem:v2+s30+$0x0] =	vst.idx.add.f32.msk $0xffff, v6;
	_ =	sdelay $0x1  }
0xbe: {  	[tilespmem:v1+s26+$0x0] =	vst.idx.add.f32.msk $0xffff, v8  }
0xbf: {  	[tilespmem:v1+s28+$0x0] =	vst.idx.add.f32.msk $0xffff, v5  }
0xc0: {  	[tilespmem:v1+s29+$0x0] =	vst.idx.add.f32.msk $0xffff, v9  }
0xc1: {  	[tilespmem:v1+s30+$0x0] =	vst.idx.add.f32.msk $0xffff, v3  }
0xc2: {  	v4 =	vld [tilespmem:s7+$0xFFFFFFB0];
	_ =	sdelay $0x1  }
0xc3: {  	s9 =	sand.u32 $0x3FE0, s9;
	v1 =	vld [tilespmem:s7+$0x40]  }
0xc4: {  	v2 =	vld [tilespmem:s9+$0x19080]  }
0xc5: {  	v3 =	vld [tilespmem:s7+$0x20]  }
0xc6: {  	v5 =	vshrl.u32 v4, $0xE;
	v6 =	vld [tilespmem:s7+$0xFFFFFFC0]  }
0xc7: {  	v10 =	vld [tilespmem:s7+$0x10]  }
0xc8: {  	v7 =	vld [tilespmem:s7+$0x0]  }
0xc9: {  	v8 =	vld [tilespmem:s7+$0xFFFFFFF0]  }
0xca: {  	v9 =	vld [tilespmem:s7+$0xFFFFFFD0]  }
0xcb: {  	v11 =	vshrl.u32 v6, $0xE;
	v12 =	vld.idx.msk [tilespmem:v5+s2+$0x0], $0xffff  }
0xcc: {  	v4 =	vand.u32 $0x3FFF, v4;
	v13 =	vld.idx.msk [tilespmem:v5+s19+$0x0], $0xffff  }
0xcd: {  	v14 =	vld.idx.msk [tilespmem:v5+s20+$0x0], $0xffff  }
0xce: {  	v5 =	vld.idx.msk [tilespmem:v5+s21+$0x0], $0xffff  }
0xcf: {  	v15 =	vld [tilespmem:s7+$0xFFFFFFE0]  }
0xd0: {  	v16 =	vld.idx.msk [tilespmem:v11+s20+$0x0], $0xffff  }
0xd1: {  	v17 =	vld.idx.msk [tilespmem:v11+s21+$0x0], $0xffff  }
0xd2: {  	v18 =	vld.idx.msk [tilespmem:v11+s2+$0x0], $0xffff  }
0xd3: {  	v19 =	vshrl.u32 v9, $0xE;
	v11 =	vld.idx.msk [tilespmem:v11+s19+$0x0], $0xffff  }
0xd4: {  	[tilespmem:v4+s26+$0x0] =	vst.idx.add.f32.msk $0xffff, v12  }
0xd5: {  	[tilespmem:v4+s28+$0x0] =	vst.idx.add.f32.msk $0xffff, v13  }
0xd6: {  	[tilespmem:v4+s29+$0x0] =	vst.idx.add.f32.msk $0xffff, v14  }
0xd7: {  	[tilespmem:v4+s30+$0x0] =	vst.idx.add.f32.msk $0xffff, v5;
	v4 =	vand.u32 $0x3FFF, v6  }
0xd8: {  	v5 =	vld.idx.msk [tilespmem:v19+s21+$0x0], $0xffff  }
0xd9: {  	v6 =	vld.idx.msk [tilespmem:v19+s2+$0x0], $0xffff  }
0xda: {  	v12 =	vld.idx.msk [tilespmem:v19+s19+$0x0], $0xffff  }
0xdb: {  	v13 =	vshrl.u32 v15, $0xE;
	v14 =	vld.idx.msk [tilespmem:v19+s20+$0x0], $0xffff  }
0xdc: {  	[tilespmem:v4+s26+$0x0] =	vst.idx.add.f32.msk $0xffff, v18  }
0xdd: {  	[tilespmem:v4+s28+$0x0] =	vst.idx.add.f32.msk $0xffff, v11  }
0xde: {  	[tilespmem:v4+s29+$0x0] =	vst.idx.add.f32.msk $0xffff, v16  }
0xdf: {  	[tilespmem:v4+s30+$0x0] =	vst.idx.add.f32.msk $0xffff, v17;
	v4 =	vand.u32 $0x3FFF, v9  }
0xe0: {  	v9 =	vld.idx.msk [tilespmem:v13+s20+$0x0], $0xffff  }
0xe1: {  	v11 =	vld.idx.msk [tilespmem:v13+s21+$0x0], $0xffff  }
0xe2: {  	v16 =	vld.idx.msk [tilespmem:v13+s2+$0x0], $0xffff  }
0xe3: {  	v17 =	vshrl.u32 v8, $0xE;
	v13 =	vld.idx.msk [tilespmem:v13+s19+$0x0], $0xffff  }
0xe4: {  	[tilespmem:v4+s26+$0x0] =	vst.idx.add.f32.msk $0xffff, v6  }
0xe5: {  	[tilespmem:v4+s28+$0x0] =	vst.idx.add.f32.msk $0xffff, v12  }
0xe6: {  	[tilespmem:v4+s29+$0x0] =	vst.idx.add.f32.msk $0xffff, v14  }
0xe7: {  	[tilespmem:v4+s30+$0x0] =	vst.idx.add.f32.msk $0xffff, v5;
	v4 =	vand.u32 $0x3FFF, v15  }
0xe8: {  	v5 =	vld.idx.msk [tilespmem:v17+s21+$0x0], $0xffff  }
0xe9: {  	v6 =	vld.idx.msk [tilespmem:v17+s2+$0x0], $0xffff  }
0xea: {  	v12 =	vld.idx.msk [tilespmem:v17+s19+$0x0], $0xffff  }
0xeb: {  	v14 =	vshrl.u32 v7, $0xE;
	v15 =	vld.idx.msk [tilespmem:v17+s20+$0x0], $0xffff  }
0xec: {  	[tilespmem:v4+s26+$0x0] =	vst.idx.add.f32.msk $0xffff, v16  }
0xed: {  	[tilespmem:v4+s28+$0x0] =	vst.idx.add.f32.msk $0xffff, v13  }
0xee: {  	[tilespmem:v4+s29+$0x0] =	vst.idx.add.f32.msk $0xffff, v9  }
0xef: {  	[tilespmem:v4+s30+$0x0] =	vst.idx.add.f32.msk $0xffff, v11;
	v4 =	vand.u32 $0x3FFF, v8  }
0xf0: {  	v11 =	vld.idx.msk [tilespmem:v14+s2+$0x0], $0xffff  }
0xf1: {  	v13 =	vld.idx.msk [tilespmem:v14+s19+$0x0], $0xffff  }
0xf2: {  	v16 =	vld.idx.msk [tilespmem:v14+s20+$0x0], $0xffff  }
0xf3: {  	v8 =	vshrl.u32 v10, $0xE;
	v14 =	vld.idx.msk [tilespmem:v14+s21+$0x0], $0xffff  }
0xf4: {  	[tilespmem:v4+s26+$0x0] =	vst.idx.add.f32.msk $0xffff, v6  }
0xf5: {  	[tilespmem:v4+s28+$0x0] =	vst.idx.add.f32.msk $0xffff, v12  }
0xf6: {  	[tilespmem:v4+s29+$0x0] =	vst.idx.add.f32.msk $0xffff, v15  }
0xf7: {  	[tilespmem:v4+s30+$0x0] =	vst.idx.add.f32.msk $0xffff, v5;
	v5 =	vand.u32 $0x3FFF, v7  }
0xf8: {  	v4 =	vld.idx.msk [tilespmem:v8+s21+$0x0], $0xffff  }
0xf9: {  	v6 =	vld.idx.msk [tilespmem:v8+s2+$0x0], $0xffff  }
0xfa: {  	v7 =	vld.idx.msk [tilespmem:v8+s19+$0x0], $0xffff  }
0xfb: {  	v9 =	vshrl.u32 v3, $0xE;
	v8 =	vld.idx.msk [tilespmem:v8+s20+$0x0], $0xffff  }
.Ltmp5:
0xfc: {  	[tilespmem:v5+s26+$0x0] =	vst.idx.add.f32.msk $0xffff, v11;
	(pc) =	sbr.rel @p0 .LBB2_5-.Ltmp5, $4  }
0xfd: {  	[tilespmem:v5+s28+$0x0] =	vst.idx.add.f32.msk $0xffff, v13  }
0xfe: {  	[tilespmem:v5+s29+$0x0] =	vst.idx.add.f32.msk $0xffff, v16  }
0xff: {  	v10 =	vand.u32 $0x3FFF, v10;
	[tilespmem:v5+s30+$0x0] =	vst.idx.add.f32.msk $0xffff, v14  }
0x100: {  	v5 =	vld.idx.msk [tilespmem:v9+s19+$0x0], $0xffff  }
0x101: {  	_ =	sdelay $0x3  }
0x102: {  	v11 =	vld.idx.msk [tilespmem:v9+s21+$0x0], $0xffff  }
0x103: {  	v12 =	vld.idx.msk [tilespmem:v9+s20+$0x0], $0xffff  }
0x104: {  	v13 =	vshrl.u32 v2, $0xE;
	v62 =	vld.idx.msk [tilespmem:v9+s2+$0x0], $0xffff  }
0x105: {  	[tilespmem:v10+s26+$0x0] =	vst.idx.add.f32.msk $0xffff, v6  }
0x106: {  	[tilespmem:v10+s28+$0x0] =	vst.idx.add.f32.msk $0xffff, v7  }
0x107: {  	[tilespmem:v10+s29+$0x0] =	vst.idx.add.f32.msk $0xffff, v8  }
0x108: {  	v3 =	vand.u32 $0x3FFF, v3;
	[tilespmem:v10+s30+$0x0] =	vst.idx.add.f32.msk $0xffff, v4  }
0x109: {  	v4 =	vld.idx.msk [tilespmem:v13+s2+$0x0], $0xffff  }
0x10a: {  	v6 =	vld.idx.msk [tilespmem:v13+s21+$0x0], $0xffff  }
0x10b: {  	v7 =	vld.idx.msk [tilespmem:v13+s20+$0x0], $0xffff  }
0x10c: {  	v63 =	vshrl.u32 v1, $0xE;
	v10 =	vld.idx.msk [tilespmem:v13+s19+$0x0], $0xffff  }
0x10d: {  	[tilespmem:v3+s26+$0x0] =	vst.idx.add.f32.msk $0xffff, v62  }
0x10e: {  	[tilespmem:v3+s28+$0x0] =	vst.idx.add.f32.msk $0xffff, v5  }
0x10f: {  	[tilespmem:v3+s29+$0x0] =	vst.idx.add.f32.msk $0xffff, v12  }
0x110: {  	v2 =	vand.u32 $0x3FFF, v2;
	[tilespmem:v3+s30+$0x0] =	vst.idx.add.f32.msk $0xffff, v11  }
0x111: {  	v3 =	vld.idx.msk [tilespmem:v63+s21+$0x0], $0xffff  }
0x112: {  	v5 =	vld.idx.msk [tilespmem:v63+s19+$0x0], $0xffff  }
0x113: {  	v9 =	vld.idx.msk [tilespmem:v63+s20+$0x0], $0xffff  }
0x114: {  	v1 =	vand.u32 $0x3FFF, v1;
	v8 =	vld.idx.msk [tilespmem:v63+s2+$0x0], $0xffff  }
0x115: {  	[tilespmem:v2+s26+$0x0] =	vst.idx.add.f32.msk $0xffff, v4  }
0x116: {  	[tilespmem:v2+s28+$0x0] =	vst.idx.add.f32.msk $0xffff, v10  }
0x117: {  	p0 =	sne.s32 s6, s3;
	[tilespmem:v2+s29+$0x0] =	vst.idx.add.f32.msk $0xffff, v7  }
.Ltmp6:
0x118: {  	[tilespmem:v2+s30+$0x0] =	vst.idx.add.f32.msk $0xffff, v6;
	(pc) =	sbr.rel @p0 .LBB2_9-.Ltmp6, $4  }
0x119: {  	[tilespmem:v1+s26+$0x0] =	vst.idx.add.f32.msk $0xffff, v8  }
0x11a: {  	[tilespmem:v1+s28+$0x0] =	vst.idx.add.f32.msk $0xffff, v5  }
0x11b: {  	[tilespmem:v1+s29+$0x0] =	vst.idx.add.f32.msk $0xffff, v9  }
0x11c: {  	[tilespmem:v1+s30+$0x0] =	vst.idx.add.f32.msk $0xffff, v3  }
0x11d: {  	s7 =	simm.s32 $0x0;
	s8 =	simm.s32 $0x19050  }
.LBB2_8:
0x11e: {  	v1 =	vld [tilespmem:s8+$0xFFFFFFB0];
	_ =	sdelay $0x3  }
0x11f: {  	v2 =	vld [tilespmem:s8+$0xFFFFFFC0]  }
0x120: {  	v3 =	vshrl.u32 v1, $0xE;
	_ =	sdelay $0x3  }
0x121: {  	v4 =	vshrl.u32 v2, $0xE  }
0x122: {  	v1 =	vand.u32 $0x3FFF, v1;
	v3 =	vld.idx.msk [tilespmem:v3+s22+$0x0], $0xffff;
	_ =	sdelay $0x3  }
0x123: {  	v4 =	vld.idx.msk [tilespmem:v4+s22+$0x0], $0xffff  }
0x124: {  	[tilespmem:v1+s31+$0x0] =	vst.idx.add.f32.msk $0xffff, v3  }
0x125: {  	v1 =	vld [tilespmem:s8+$0xFFFFFFD0];
	_ =	sdelay $0x4  }
0x126: {  	v3 =	vshrl.u32 v1, $0xE  }
0x127: {  	v2 =	vand.u32 $0x3FFF, v2;
	_ =	sdelay $0x3  }
0x128: {  	v3 =	vld.idx.msk [tilespmem:v3+s22+$0x0], $0xffff  }
0x129: {  	[tilespmem:v2+s31+$0x0] =	vst.idx.add.f32.msk $0xffff, v4  }
0x12a: {  	v2 =	vld [tilespmem:s8+$0xFFFFFFE0];
	_ =	sdelay $0x4  }
0x12b: {  	v60 =	vshrl.u32 v2, $0xE  }
0x12c: {  	v1 =	vand.u32 $0x3FFF, v1;
	_ =	sdelay $0x3  }
0x12d: {  	v4 =	vld.idx.msk [tilespmem:v60+s22+$0x0], $0xffff  }
0x12e: {  	[tilespmem:v1+s31+$0x0] =	vst.idx.add.f32.msk $0xffff, v3  }
0x12f: {  	v1 =	vld [tilespmem:s8+$0xFFFFFFF0];
	_ =	sdelay $0x4  }
0x130: {  	v3 =	vshrl.u32 v1, $0xE  }
0x131: {  	v2 =	vand.u32 $0x3FFF, v2;
	_ =	sdelay $0x3  }
0x132: {  	v3 =	vld.idx.msk [tilespmem:v3+s22+$0x0], $0xffff  }
0x133: {  	[tilespmem:v2+s31+$0x0] =	vst.idx.add.f32.msk $0xffff, v4  }
0x134: {  	v2 =	vld [tilespmem:s8+$0x0];
	_ =	sdelay $0x4  }
0x135: {  	v61 =	vshrl.u32 v2, $0xE  }
0x136: {  	v1 =	vand.u32 $0x3FFF, v1;
	_ =	sdelay $0x3  }
0x137: {  	v4 =	vld.idx.msk [tilespmem:v61+s22+$0x0], $0xffff  }
0x138: {  	[tilespmem:v1+s31+$0x0] =	vst.idx.add.f32.msk $0xffff, v3  }
0x139: {  	v1 =	vld [tilespmem:s8+$0x10];
	_ =	sdelay $0x4  }
0x13a: {  	v3 =	vshrl.u32 v1, $0xE  }
0x13b: {  	v2 =	vand.u32 $0x3FFF, v2;
	_ =	sdelay $0x3  }
0x13c: {  	v3 =	vld.idx.msk [tilespmem:v3+s22+$0x0], $0xffff  }
0x13d: {  	[tilespmem:v2+s31+$0x0] =	vst.idx.add.f32.msk $0xffff, v4  }
0x13e: {  	v2 =	vld [tilespmem:s8+$0x20];
	_ =	sdelay $0x4  }
0x13f: {  	v62 =	vshrl.u32 v2, $0xE  }
0x140: {  	v1 =	vand.u32 $0x3FFF, v1;
	_ =	sdelay $0x3  }
0x141: {  	v4 =	vld.idx.msk [tilespmem:v62+s22+$0x0], $0xffff  }
0x142: {  	s9 =	sand.u32 $0x3FE0, s7;
	[tilespmem:v1+s31+$0x0] =	vst.idx.add.f32.msk $0xffff, v3  }
0x143: {  	v1 =	vld [tilespmem:s9+$0x19080];
	_ =	sdelay $0x4  }
0x144: {  	v3 =	vshrl.u32 v1, $0xE  }
0x145: {  	v2 =	vand.u32 $0x3FFF, v2;
	_ =	sdelay $0x3  }
0x146: {  	v3 =	vld.idx.msk [tilespmem:v3+s22+$0x0], $0xffff  }
0x147: {  	[tilespmem:v2+s31+$0x0] =	vst.idx.add.f32.msk $0xffff, v4  }
0x148: {  	v2 =	vld [tilespmem:s8+$0x40];
	_ =	sdelay $0x4  }
0x149: {  	v63 =	vshrl.u32 v2, $0xE;
	_ =	sdelay $0x3  }
0x14a: {  	v1 =	vand.u32 $0x3FFF, v1  }
0x14b: {  	p0 =	sne.s32 s7, $0x26C0;
	v2 =	vand.u32 $0x3FFF, v2;
	v4 =	vld.idx.msk [tilespmem:v63+s22+$0x0], $0xffff  }
.Ltmp7:
0x14c: {  	_ = 	snop;
	(pc) =	sbr.rel @p0 .LBB2_8-.Ltmp7, $3  }
0x14d: {  	_ =	sdelay $0x1  }
0x14e: {  	[tilespmem:v1+s31+$0x0] =	vst.idx.add.f32.msk $0xffff, v3  }
0x14f: {  	s7 =	sadd.s32 $0xA0, s7;
	s8 =	sadd.s32 $0xA0, s8;
	[tilespmem:v2+s31+$0x0] =	vst.idx.add.f32.msk $0xffff, v4  }
.LBB2_9:
0x150: {  	p0 =	seq.s32 s18, $0xF  }
0x151: {  	s6 =	sadd.s32 @!p0 $0x2, s6  }
0x152: {  	s7 =	sshrl.u32 @!p0 s6, $0x3  }
0x153: {  	s6 =	sshll.u32 @!p0 s6, $0x7;
	s7 =	smul.u32 @!p0 $0x13C00, s7  }
0x154: {  	s6 =	sand.u32 @!p0 $0x300, s6  }
0x155: {  	s6 =	sor.u32 @!p0 s6, s7  }
0x156: {  	s8 =	simm.s32 @!p0 $0x400;
	s6 =	sshrl.u32 @!p0 s6, $0x3  }
0x157: {  	s9 =	simm.s32 @!p0 $0x19000;
	s7 =	simm.s32 @!p0 $0x80;
	s6 =	sadd.s32 @!p0 s4, s6  }
0x158: {  	[tilespmem:s9], [sflag:$0x1] =	stream.strided.gather @!p0 [hbm4b:s6+s7], $0x2780, s8, s7, $0x38;
	[tilespmem:$0x1DF00] =	vst v63  }
0x159: {  	_ =	swait.ge [sflag:s23], $0x2780  }
0x15a: {  	[sflag:s23] =	ssyncset.done $0x0  }
0x15b: {  	s6 =	simm.s32 $0x1B7D0;
	[sflag:s23] =	ssyncadd.s32 $0xFFFFD880  }
0x15c: {  	s9 =	simm.s32 $0x0;
	v4 =	vld [tilespmem:s6+$0xFFFFFFB0]  }
0x15d: {  	s7 =	sand.u32 $0x3FE0, s9;
	v1 =	vld [tilespmem:s6+$0x40]  }
0x15e: {  	v2 =	vld [tilespmem:s7+$0x1B800]  }
0x15f: {  	v3 =	vld [tilespmem:s6+$0x20]  }
0x160: {  	v6 =	vld [tilespmem:s6+$0xFFFFFFC0]  }
0x161: {  	v10 =	vld [tilespmem:s6+$0x10];
	v5 =	vshrl.u32 v4, $0xE  }
0x162: {  	v7 =	vld [tilespmem:s6+$0x0]  }
0x163: {  	v8 =	vld [tilespmem:s6+$0xFFFFFFF0]  }
0x164: {  	v9 =	vld [tilespmem:s6+$0xFFFFFFD0]  }
0x165: {  	v15 =	vld [tilespmem:s6+$0xFFFFFFE0];
	v11 =	vshrl.u32 v6, $0xE  }
0x166: {  	v12 =	vld.idx.msk [tilespmem:v5+s2+$0x0], $0xffff  }
0x167: {  	v13 =	vld.idx.msk [tilespmem:v5+s19+$0x0], $0xffff  }
0x168: {  	v14 =	vld.idx.msk [tilespmem:v5+s20+$0x0], $0xffff  }
0x169: {  	v4 =	vand.u32 $0x3FFF, v4;
	v5 =	vld.idx.msk [tilespmem:v5+s21+$0x0], $0xffff  }
0x16a: {  	v16 =	vld.idx.msk [tilespmem:v11+s20+$0x0], $0xffff  }
0x16b: {  	v17 =	vld.idx.msk [tilespmem:v11+s21+$0x0], $0xffff  }
0x16c: {  	v18 =	vld.idx.msk [tilespmem:v11+s2+$0x0], $0xffff  }
0x16d: {  	v19 =	vshrl.u32 v9, $0xE;
	v11 =	vld.idx.msk [tilespmem:v11+s19+$0x0], $0xffff  }
0x16e: {  	[tilespmem:v4+s26+$0x0] =	vst.idx.add.f32.msk $0xffff, v12  }
0x16f: {  	[tilespmem:v4+s28+$0x0] =	vst.idx.add.f32.msk $0xffff, v13  }
0x170: {  	[tilespmem:v4+s29+$0x0] =	vst.idx.add.f32.msk $0xffff, v14  }
0x171: {  	[tilespmem:v4+s30+$0x0] =	vst.idx.add.f32.msk $0xffff, v5;
	v4 =	vand.u32 $0x3FFF, v6  }
0x172: {  	v5 =	vld.idx.msk [tilespmem:v19+s21+$0x0], $0xffff  }
0x173: {  	v6 =	vld.idx.msk [tilespmem:v19+s2+$0x0], $0xffff  }
0x174: {  	v12 =	vld.idx.msk [tilespmem:v19+s19+$0x0], $0xffff  }
0x175: {  	v60 =	vshrl.u32 v15, $0xE;
	v14 =	vld.idx.msk [tilespmem:v19+s20+$0x0], $0xffff  }
0x176: {  	[tilespmem:v4+s26+$0x0] =	vst.idx.add.f32.msk $0xffff, v18  }
0x177: {  	[tilespmem:v4+s28+$0x0] =	vst.idx.add.f32.msk $0xffff, v11  }
0x178: {  	[tilespmem:v4+s29+$0x0] =	vst.idx.add.f32.msk $0xffff, v16  }
0x179: {  	[tilespmem:v4+s30+$0x0] =	vst.idx.add.f32.msk $0xffff, v17;
	v4 =	vand.u32 $0x3FFF, v9  }
0x17a: {  	v9 =	vld.idx.msk [tilespmem:v60+s20+$0x0], $0xffff  }
0x17b: {  	v11 =	vld.idx.msk [tilespmem:v60+s21+$0x0], $0xffff  }
0x17c: {  	v16 =	vld.idx.msk [tilespmem:v60+s2+$0x0], $0xffff  }
0x17d: {  	v61 =	vshrl.u32 v8, $0xE;
	v13 =	vld.idx.msk [tilespmem:v60+s19+$0x0], $0xffff  }
0x17e: {  	[tilespmem:v4+s26+$0x0] =	vst.idx.add.f32.msk $0xffff, v6  }
0x17f: {  	[tilespmem:v4+s28+$0x0] =	vst.idx.add.f32.msk $0xffff, v12  }
0x180: {  	[tilespmem:v4+s29+$0x0] =	vst.idx.add.f32.msk $0xffff, v14  }
0x181: {  	[tilespmem:v4+s30+$0x0] =	vst.idx.add.f32.msk $0xffff, v5;
	v4 =	vand.u32 $0x3FFF, v15  }
0x182: {  	v5 =	vld.idx.msk [tilespmem:v61+s21+$0x0], $0xffff  }
0x183: {  	v6 =	vld.idx.msk [tilespmem:v61+s2+$0x0], $0xffff  }
0x184: {  	v12 =	vld.idx.msk [tilespmem:v61+s19+$0x0], $0xffff  }
0x185: {  	v62 =	vshrl.u32 v7, $0xE;
	v63 =	vld.idx.msk [tilespmem:v61+s20+$0x0], $0xffff  }
0x186: {  	[tilespmem:v4+s26+$0x0] =	vst.idx.add.f32.msk $0xffff, v16  }
0x187: {  	[tilespmem:v4+s28+$0x0] =	vst.idx.add.f32.msk $0xffff, v13  }
0x188: {  	[tilespmem:v4+s29+$0x0] =	vst.idx.add.f32.msk $0xffff, v9  }
0x189: {  	[tilespmem:v4+s30+$0x0] =	vst.idx.add.f32.msk $0xffff, v11;
	v4 =	vand.u32 $0x3FFF, v8  }
0x18a: {  	v11 =	vld.idx.msk [tilespmem:v62+s2+$0x0], $0xffff  }
0x18b: {  	v13 =	vld.idx.msk [tilespmem:v62+s19+$0x0], $0xffff  }
0x18c: {  	v16 =	vld.idx.msk [tilespmem:v62+s20+$0x0], $0xffff  }
0x18d: {  	v8 =	vshrl.u32 v10, $0xE;
	v14 =	vld.idx.msk [tilespmem:v62+s21+$0x0], $0xffff  }
0x18e: {  	[tilespmem:v4+s26+$0x0] =	vst.idx.add.f32.msk $0xffff, v6  }
0x18f: {  	[tilespmem:v4+s28+$0x0] =	vst.idx.add.f32.msk $0xffff, v12  }
0x190: {  	[tilespmem:v4+s29+$0x0] =	vst.idx.add.f32.msk $0xffff, v63  }
0x191: {  	[tilespmem:v4+s30+$0x0] =	vst.idx.add.f32.msk $0xffff, v5;
	v5 =	vand.u32 $0x3FFF, v7  }
0x192: {  	v4 =	vld.idx.msk [tilespmem:v8+s21+$0x0], $0xffff  }
0x193: {  	v6 =	vld.idx.msk [tilespmem:v8+s2+$0x0], $0xffff  }
0x194: {  	v7 =	vld.idx.msk [tilespmem:v8+s19+$0x0], $0xffff  }
0x195: {  	v9 =	vshrl.u32 v3, $0xE;
	v8 =	vld.idx.msk [tilespmem:v8+s20+$0x0], $0xffff  }
0x196: {  	[tilespmem:v5+s26+$0x0] =	vst.idx.add.f32.msk $0xffff, v11  }
0x197: {  	[tilespmem:v5+s28+$0x0] =	vst.idx.add.f32.msk $0xffff, v13  }
0x198: {  	[tilespmem:v5+s29+$0x0] =	vst.idx.add.f32.msk $0xffff, v16  }
0x199: {  	[tilespmem:v5+s30+$0x0] =	vst.idx.add.f32.msk $0xffff, v14  }
0x19a: {  	s7 =	simm.s32 $0xA0;
	v10 =	vand.u32 $0x3FFF, v10;
	v5 =	vld.idx.msk [tilespmem:v9+s19+$0x0], $0xffff  }
.LBB2_10:
0x19b: {  	p0 =	sne.s32 s7, $0x26C0  }
0x19c: {  	v11 =	vld.idx.msk [tilespmem:v9+s21+$0x0], $0xffff;
	s6 =	sadd.s32 $0xA0, s6;
	s8 =	smov.u32 s7;
	s7 =	sadd.s32 $0xA0, s7  }
0x19d: {  	v12 =	vld.idx.msk [tilespmem:v9+s20+$0x0], $0xffff  }
0x19e: {  	v13 =	vshrl.u32 v2, $0xE;
	v9 =	vld.idx.msk [tilespmem:v9+s2+$0x0], $0xffff  }
0x19f: {  	[tilespmem:v10+s26+$0x0] =	vst.idx.add.f32.msk $0xffff, v6  }
0x1a0: {  	[tilespmem:v10+s28+$0x0] =	vst.idx.add.f32.msk $0xffff, v7  }
0x1a1: {  	[tilespmem:v10+s29+$0x0] =	vst.idx.add.f32.msk $0xffff, v8  }
0x1a2: {  	[tilespmem:v10+s30+$0x0] =	vst.idx.add.f32.msk $0xffff, v4  }
0x1a3: {  	v3 =	vand.u32 $0x3FFF, v3;
	v4 =	vld.idx.msk [tilespmem:v13+s2+$0x0], $0xffff  }
0x1a4: {  	v6 =	vld.idx.msk [tilespmem:v13+s21+$0x0], $0xffff  }
0x1a5: {  	v7 =	vld.idx.msk [tilespmem:v13+s20+$0x0], $0xffff;
	_ =	sdelay $0x1  }
0x1a6: {  	v8 =	vshrl.u32 v1, $0xE;
	v10 =	vld.idx.msk [tilespmem:v13+s19+$0x0], $0xffff  }
0x1a7: {  	[tilespmem:v3+s26+$0x0] =	vst.idx.add.f32.msk $0xffff, v9  }
0x1a8: {  	[tilespmem:v3+s28+$0x0] =	vst.idx.add.f32.msk $0xffff, v5  }
0x1a9: {  	[tilespmem:v3+s29+$0x0] =	vst.idx.add.f32.msk $0xffff, v12  }
0x1aa: {  	v2 =	vand.u32 $0x3FFF, v2;
	[tilespmem:v3+s30+$0x0] =	vst.idx.add.f32.msk $0xffff, v11  }
0x1ab: {  	v3 =	vld.idx.msk [tilespmem:v8+s21+$0x0], $0xffff  }
0x1ac: {  	v5 =	vld.idx.msk [tilespmem:v8+s19+$0x0], $0xffff  }
0x1ad: {  	v9 =	vld.idx.msk [tilespmem:v8+s20+$0x0], $0xffff  }
0x1ae: {  	v1 =	vand.u32 $0x3FFF, v1;
	v8 =	vld.idx.msk [tilespmem:v8+s2+$0x0], $0xffff  }
0x1af: {  	[tilespmem:v2+s26+$0x0] =	vst.idx.add.f32.msk $0xffff, v4  }
0x1b0: {  	[tilespmem:v2+s28+$0x0] =	vst.idx.add.f32.msk $0xffff, v10  }
0x1b1: {  	[tilespmem:v2+s29+$0x0] =	vst.idx.add.f32.msk $0xffff, v7  }
0x1b2: {  	[tilespmem:v2+s30+$0x0] =	vst.idx.add.f32.msk $0xffff, v6;
	_ =	sdelay $0x1  }
0x1b3: {  	[tilespmem:v1+s26+$0x0] =	vst.idx.add.f32.msk $0xffff, v8  }
0x1b4: {  	[tilespmem:v1+s28+$0x0] =	vst.idx.add.f32.msk $0xffff, v5  }
0x1b5: {  	[tilespmem:v1+s29+$0x0] =	vst.idx.add.f32.msk $0xffff, v9  }
0x1b6: {  	[tilespmem:v1+s30+$0x0] =	vst.idx.add.f32.msk $0xffff, v3  }
0x1b7: {  	v4 =	vld [tilespmem:s6+$0xFFFFFFB0];
	_ =	sdelay $0x1  }
0x1b8: {  	s8 =	sand.u32 $0x3FE0, s8;
	v1 =	vld [tilespmem:s6+$0x40]  }
0x1b9: {  	v2 =	vld [tilespmem:s8+$0x1B800]  }
0x1ba: {  	v3 =	vld [tilespmem:s6+$0x20]  }
0x1bb: {  	v5 =	vshrl.u32 v4, $0xE;
	v6 =	vld [tilespmem:s6+$0xFFFFFFC0]  }
0x1bc: {  	v10 =	vld [tilespmem:s6+$0x10]  }
0x1bd: {  	v7 =	vld [tilespmem:s6+$0x0]  }
0x1be: {  	v8 =	vld [tilespmem:s6+$0xFFFFFFF0]  }
0x1bf: {  	v9 =	vld [tilespmem:s6+$0xFFFFFFD0]  }
0x1c0: {  	v11 =	vshrl.u32 v6, $0xE;
	v12 =	vld.idx.msk [tilespmem:v5+s2+$0x0], $0xffff  }
0x1c1: {  	v4 =	vand.u32 $0x3FFF, v4;
	v13 =	vld.idx.msk [tilespmem:v5+s19+$0x0], $0xffff  }
0x1c2: {  	v14 =	vld.idx.msk [tilespmem:v5+s20+$0x0], $0xffff  }
0x1c3: {  	v5 =	vld.idx.msk [tilespmem:v5+s21+$0x0], $0xffff  }
0x1c4: {  	v15 =	vld [tilespmem:s6+$0xFFFFFFE0]  }
0x1c5: {  	v16 =	vld.idx.msk [tilespmem:v11+s20+$0x0], $0xffff  }
0x1c6: {  	v17 =	vld.idx.msk [tilespmem:v11+s21+$0x0], $0xffff  }
0x1c7: {  	v18 =	vld.idx.msk [tilespmem:v11+s2+$0x0], $0xffff  }
0x1c8: {  	v19 =	vshrl.u32 v9, $0xE;
	v11 =	vld.idx.msk [tilespmem:v11+s19+$0x0], $0xffff  }
0x1c9: {  	[tilespmem:v4+s26+$0x0] =	vst.idx.add.f32.msk $0xffff, v12  }
0x1ca: {  	[tilespmem:v4+s28+$0x0] =	vst.idx.add.f32.msk $0xffff, v13  }
0x1cb: {  	[tilespmem:v4+s29+$0x0] =	vst.idx.add.f32.msk $0xffff, v14  }
0x1cc: {  	[tilespmem:v4+s30+$0x0] =	vst.idx.add.f32.msk $0xffff, v5;
	v4 =	vand.u32 $0x3FFF, v6  }
0x1cd: {  	v5 =	vld.idx.msk [tilespmem:v19+s21+$0x0], $0xffff  }
0x1ce: {  	v6 =	vld.idx.msk [tilespmem:v19+s2+$0x0], $0xffff  }
0x1cf: {  	v12 =	vld.idx.msk [tilespmem:v19+s19+$0x0], $0xffff  }
0x1d0: {  	v13 =	vshrl.u32 v15, $0xE;
	v14 =	vld.idx.msk [tilespmem:v19+s20+$0x0], $0xffff  }
0x1d1: {  	[tilespmem:v4+s26+$0x0] =	vst.idx.add.f32.msk $0xffff, v18  }
0x1d2: {  	[tilespmem:v4+s28+$0x0] =	vst.idx.add.f32.msk $0xffff, v11  }
0x1d3: {  	[tilespmem:v4+s29+$0x0] =	vst.idx.add.f32.msk $0xffff, v16  }
0x1d4: {  	[tilespmem:v4+s30+$0x0] =	vst.idx.add.f32.msk $0xffff, v17;
	v4 =	vand.u32 $0x3FFF, v9  }
0x1d5: {  	v9 =	vld.idx.msk [tilespmem:v13+s20+$0x0], $0xffff  }
0x1d6: {  	v11 =	vld.idx.msk [tilespmem:v13+s21+$0x0], $0xffff  }
0x1d7: {  	v16 =	vld.idx.msk [tilespmem:v13+s2+$0x0], $0xffff  }
0x1d8: {  	v17 =	vshrl.u32 v8, $0xE;
	v13 =	vld.idx.msk [tilespmem:v13+s19+$0x0], $0xffff  }
0x1d9: {  	[tilespmem:v4+s26+$0x0] =	vst.idx.add.f32.msk $0xffff, v6  }
0x1da: {  	[tilespmem:v4+s28+$0x0] =	vst.idx.add.f32.msk $0xffff, v12  }
0x1db: {  	[tilespmem:v4+s29+$0x0] =	vst.idx.add.f32.msk $0xffff, v14  }
0x1dc: {  	[tilespmem:v4+s30+$0x0] =	vst.idx.add.f32.msk $0xffff, v5;
	v4 =	vand.u32 $0x3FFF, v15  }
0x1dd: {  	v5 =	vld.idx.msk [tilespmem:v17+s21+$0x0], $0xffff  }
0x1de: {  	v6 =	vld.idx.msk [tilespmem:v17+s2+$0x0], $0xffff  }
0x1df: {  	v12 =	vld.idx.msk [tilespmem:v17+s19+$0x0], $0xffff  }
0x1e0: {  	v14 =	vshrl.u32 v7, $0xE;
	v15 =	vld.idx.msk [tilespmem:v17+s20+$0x0], $0xffff  }
0x1e1: {  	[tilespmem:v4+s26+$0x0] =	vst.idx.add.f32.msk $0xffff, v16  }
0x1e2: {  	[tilespmem:v4+s28+$0x0] =	vst.idx.add.f32.msk $0xffff, v13  }
0x1e3: {  	[tilespmem:v4+s29+$0x0] =	vst.idx.add.f32.msk $0xffff, v9  }
0x1e4: {  	[tilespmem:v4+s30+$0x0] =	vst.idx.add.f32.msk $0xffff, v11;
	v4 =	vand.u32 $0x3FFF, v8  }
0x1e5: {  	v11 =	vld.idx.msk [tilespmem:v14+s2+$0x0], $0xffff  }
0x1e6: {  	v13 =	vld.idx.msk [tilespmem:v14+s19+$0x0], $0xffff  }
0x1e7: {  	v16 =	vld.idx.msk [tilespmem:v14+s20+$0x0], $0xffff  }
0x1e8: {  	v8 =	vshrl.u32 v10, $0xE;
	v14 =	vld.idx.msk [tilespmem:v14+s21+$0x0], $0xffff  }
0x1e9: {  	[tilespmem:v4+s26+$0x0] =	vst.idx.add.f32.msk $0xffff, v6  }
0x1ea: {  	[tilespmem:v4+s28+$0x0] =	vst.idx.add.f32.msk $0xffff, v12  }
0x1eb: {  	[tilespmem:v4+s29+$0x0] =	vst.idx.add.f32.msk $0xffff, v15  }
0x1ec: {  	[tilespmem:v4+s30+$0x0] =	vst.idx.add.f32.msk $0xffff, v5;
	v5 =	vand.u32 $0x3FFF, v7  }
0x1ed: {  	v4 =	vld.idx.msk [tilespmem:v8+s21+$0x0], $0xffff  }
0x1ee: {  	v6 =	vld.idx.msk [tilespmem:v8+s2+$0x0], $0xffff  }
0x1ef: {  	v7 =	vld.idx.msk [tilespmem:v8+s19+$0x0], $0xffff  }
0x1f0: {  	v9 =	vshrl.u32 v3, $0xE;
	v8 =	vld.idx.msk [tilespmem:v8+s20+$0x0], $0xffff  }
.Ltmp8:
0x1f1: {  	[tilespmem:v5+s26+$0x0] =	vst.idx.add.f32.msk $0xffff, v11;
	(pc) =	sbr.rel @p0 .LBB2_10-.Ltmp8, $4  }
0x1f2: {  	[tilespmem:v5+s28+$0x0] =	vst.idx.add.f32.msk $0xffff, v13  }
0x1f3: {  	[tilespmem:v5+s29+$0x0] =	vst.idx.add.f32.msk $0xffff, v16  }
0x1f4: {  	v10 =	vand.u32 $0x3FFF, v10;
	[tilespmem:v5+s30+$0x0] =	vst.idx.add.f32.msk $0xffff, v14  }
0x1f5: {  	v5 =	vld.idx.msk [tilespmem:v9+s19+$0x0], $0xffff  }
0x1f6: {  	_ =	sdelay $0x3  }
0x1f7: {  	v11 =	vld.idx.msk [tilespmem:v9+s21+$0x0], $0xffff  }
0x1f8: {  	v12 =	vld.idx.msk [tilespmem:v9+s20+$0x0], $0xffff  }
0x1f9: {  	v13 =	vshrl.u32 v2, $0xE;
	v62 =	vld.idx.msk [tilespmem:v9+s2+$0x0], $0xffff  }
0x1fa: {  	[tilespmem:v10+s26+$0x0] =	vst.idx.add.f32.msk $0xffff, v6  }
0x1fb: {  	[tilespmem:v10+s28+$0x0] =	vst.idx.add.f32.msk $0xffff, v7  }
0x1fc: {  	[tilespmem:v10+s29+$0x0] =	vst.idx.add.f32.msk $0xffff, v8  }
0x1fd: {  	v3 =	vand.u32 $0x3FFF, v3;
	[tilespmem:v10+s30+$0x0] =	vst.idx.add.f32.msk $0xffff, v4  }
0x1fe: {  	v4 =	vld.idx.msk [tilespmem:v13+s2+$0x0], $0xffff  }
0x1ff: {  	v6 =	vld.idx.msk [tilespmem:v13+s21+$0x0], $0xffff  }
0x200: {  	v7 =	vld.idx.msk [tilespmem:v13+s20+$0x0], $0xffff  }
0x201: {  	v63 =	vshrl.u32 v1, $0xE;
	v10 =	vld.idx.msk [tilespmem:v13+s19+$0x0], $0xffff  }
0x202: {  	[tilespmem:v3+s26+$0x0] =	vst.idx.add.f32.msk $0xffff, v62  }
0x203: {  	[tilespmem:v3+s28+$0x0] =	vst.idx.add.f32.msk $0xffff, v5  }
0x204: {  	[tilespmem:v3+s29+$0x0] =	vst.idx.add.f32.msk $0xffff, v12  }
0x205: {  	v2 =	vand.u32 $0x3FFF, v2;
	[tilespmem:v3+s30+$0x0] =	vst.idx.add.f32.msk $0xffff, v11  }
0x206: {  	v3 =	vld.idx.msk [tilespmem:v63+s21+$0x0], $0xffff  }
0x207: {  	v5 =	vld.idx.msk [tilespmem:v63+s19+$0x0], $0xffff  }
0x208: {  	v9 =	vld.idx.msk [tilespmem:v63+s20+$0x0], $0xffff  }
0x209: {  	v1 =	vand.u32 $0x3FFF, v1;
	v8 =	vld.idx.msk [tilespmem:v63+s2+$0x0], $0xffff  }
0x20a: {  	[tilespmem:v2+s26+$0x0] =	vst.idx.add.f32.msk $0xffff, v4  }
0x20b: {  	[tilespmem:v2+s28+$0x0] =	vst.idx.add.f32.msk $0xffff, v10  }
0x20c: {  	p0 =	sne.s32 s5, s3;
	[tilespmem:v2+s29+$0x0] =	vst.idx.add.f32.msk $0xffff, v7  }
.Ltmp9:
0x20d: {  	[tilespmem:v2+s30+$0x0] =	vst.idx.add.f32.msk $0xffff, v6;
	(pc) =	sbr.rel @p0 .LBB2_14-.Ltmp9, $4  }
0x20e: {  	[tilespmem:v1+s26+$0x0] =	vst.idx.add.f32.msk $0xffff, v8  }
0x20f: {  	[tilespmem:v1+s28+$0x0] =	vst.idx.add.f32.msk $0xffff, v5  }
0x210: {  	[tilespmem:v1+s29+$0x0] =	vst.idx.add.f32.msk $0xffff, v9  }
0x211: {  	[tilespmem:v1+s30+$0x0] =	vst.idx.add.f32.msk $0xffff, v3  }
0x212: {  	s5 =	simm.s32 $0x0;
	s6 =	simm.s32 $0x1B7D0  }
.LBB2_13:
0x213: {  	v1 =	vld [tilespmem:s6+$0xFFFFFFB0];
	_ =	sdelay $0x3  }
0x214: {  	v2 =	vld [tilespmem:s6+$0xFFFFFFC0]  }
0x215: {  	v3 =	vshrl.u32 v1, $0xE;
	_ =	sdelay $0x3  }
0x216: {  	v4 =	vshrl.u32 v2, $0xE  }
0x217: {  	v1 =	vand.u32 $0x3FFF, v1;
	v3 =	vld.idx.msk [tilespmem:v3+s22+$0x0], $0xffff;
	_ =	sdelay $0x3  }
0x218: {  	v4 =	vld.idx.msk [tilespmem:v4+s22+$0x0], $0xffff  }
0x219: {  	[tilespmem:v1+s31+$0x0] =	vst.idx.add.f32.msk $0xffff, v3  }
0x21a: {  	v1 =	vld [tilespmem:s6+$0xFFFFFFD0];
	_ =	sdelay $0x4  }
0x21b: {  	v3 =	vshrl.u32 v1, $0xE  }
0x21c: {  	v2 =	vand.u32 $0x3FFF, v2;
	_ =	sdelay $0x3  }
0x21d: {  	v3 =	vld.idx.msk [tilespmem:v3+s22+$0x0], $0xffff  }
0x21e: {  	[tilespmem:v2+s31+$0x0] =	vst.idx.add.f32.msk $0xffff, v4  }
0x21f: {  	v2 =	vld [tilespmem:s6+$0xFFFFFFE0];
	_ =	sdelay $0x4  }
0x220: {  	v60 =	vshrl.u32 v2, $0xE  }
0x221: {  	v1 =	vand.u32 $0x3FFF, v1;
	_ =	sdelay $0x3  }
0x222: {  	v4 =	vld.idx.msk [tilespmem:v60+s22+$0x0], $0xffff  }
0x223: {  	[tilespmem:v1+s31+$0x0] =	vst.idx.add.f32.msk $0xffff, v3  }
0x224: {  	v1 =	vld [tilespmem:s6+$0xFFFFFFF0];
	_ =	sdelay $0x4  }
0x225: {  	v3 =	vshrl.u32 v1, $0xE  }
0x226: {  	v2 =	vand.u32 $0x3FFF, v2;
	_ =	sdelay $0x3  }
0x227: {  	v3 =	vld.idx.msk [tilespmem:v3+s22+$0x0], $0xffff  }
0x228: {  	[tilespmem:v2+s31+$0x0] =	vst.idx.add.f32.msk $0xffff, v4  }
0x229: {  	v2 =	vld [tilespmem:s6+$0x0];
	_ =	sdelay $0x4  }
0x22a: {  	v61 =	vshrl.u32 v2, $0xE  }
0x22b: {  	v1 =	vand.u32 $0x3FFF, v1;
	_ =	sdelay $0x3  }
0x22c: {  	v4 =	vld.idx.msk [tilespmem:v61+s22+$0x0], $0xffff  }
0x22d: {  	[tilespmem:v1+s31+$0x0] =	vst.idx.add.f32.msk $0xffff, v3  }
0x22e: {  	v1 =	vld [tilespmem:s6+$0x10];
	_ =	sdelay $0x4  }
0x22f: {  	v3 =	vshrl.u32 v1, $0xE  }
0x230: {  	v2 =	vand.u32 $0x3FFF, v2;
	_ =	sdelay $0x3  }
0x231: {  	v3 =	vld.idx.msk [tilespmem:v3+s22+$0x0], $0xffff  }
0x232: {  	[tilespmem:v2+s31+$0x0] =	vst.idx.add.f32.msk $0xffff, v4  }
0x233: {  	v2 =	vld [tilespmem:s6+$0x20];
	_ =	sdelay $0x4  }
0x234: {  	v62 =	vshrl.u32 v2, $0xE  }
0x235: {  	v1 =	vand.u32 $0x3FFF, v1;
	_ =	sdelay $0x3  }
0x236: {  	v4 =	vld.idx.msk [tilespmem:v62+s22+$0x0], $0xffff  }
0x237: {  	s7 =	sand.u32 $0x3FE0, s5;
	[tilespmem:v1+s31+$0x0] =	vst.idx.add.f32.msk $0xffff, v3  }
0x238: {  	v1 =	vld [tilespmem:s7+$0x1B800];
	_ =	sdelay $0x4  }
0x239: {  	v3 =	vshrl.u32 v1, $0xE  }
0x23a: {  	v2 =	vand.u32 $0x3FFF, v2;
	_ =	sdelay $0x3  }
0x23b: {  	v3 =	vld.idx.msk [tilespmem:v3+s22+$0x0], $0xffff  }
0x23c: {  	[tilespmem:v2+s31+$0x0] =	vst.idx.add.f32.msk $0xffff, v4  }
0x23d: {  	v2 =	vld [tilespmem:s6+$0x40];
	_ =	sdelay $0x4  }
0x23e: {  	v63 =	vshrl.u32 v2, $0xE;
	_ =	sdelay $0x3  }
0x23f: {  	v1 =	vand.u32 $0x3FFF, v1  }
0x240: {  	p0 =	sne.s32 s5, $0x26C0;
	v2 =	vand.u32 $0x3FFF, v2;
	v4 =	vld.idx.msk [tilespmem:v63+s22+$0x0], $0xffff  }
.Ltmp10:
0x241: {  	_ = 	snop;
	(pc) =	sbr.rel @p0 .LBB2_13-.Ltmp10, $3  }
0x242: {  	_ =	sdelay $0x1  }
0x243: {  	[tilespmem:v1+s31+$0x0] =	vst.idx.add.f32.msk $0xffff, v3  }
0x244: {  	s5 =	sadd.s32 $0xA0, s5;
	s6 =	sadd.s32 $0xA0, s6;
	[tilespmem:v2+s31+$0x0] =	vst.idx.add.f32.msk $0xffff, v4  }
.Ltmp11:
0x245: {  	_ = 	snop;
	(pc) =	sbr.rel .LBB2_14-.Ltmp11, $1  }
0x246: {  	_ =	sdelay $0x3  }
.LBB2_16:
0x247: {  	_ =	sfence.sel $0x180000  }
0x248: {  	[bflag:$0x0] =	sbarrier.arrive $0xFFFF  }
0x249: {  	_ =	strace $0x90000047  }
0x24a: {  	s0 =	stileid.u32;
	[bflag:$0x2] =	sbarrier.arrive $0xFFFF  }
0x24b: {  	p0 =	sne.s32 s0, $0x0;
	s0 =	rddreg [dreg:$0x1]  }
0x24c: {  	s0 =	sadd.s32 @!p0 $0x100000, s0  }
0x24d: {  	[sflag:s0] =	ssyncadd.tile.s32 @!p0 $0x1;
	_ =	shalt  }
.Lfunc_end2:
_tile_overlayer_lowered:
.L_overlay_start_2:
0x24e: {  	(tag) =	ssettag $0x2  }
0x24f: {  	s0 =	rddreg [dreg:$0x0];
	s2 =	stileid.u32  }
0x250: {  	s1 =	rddreg [dreg:$0x1];
	p0 =	sne.s32 s2, $0x0  }
0x251: {  	s3 =	rddreg [dreg:$0x2];
	[bflag:$0x3] =	sbarrier.arrive $0xFFFF;
	s2 =	simm.s32 @!p0 $0x1C03  }
0x252: {  	[timem:s3], [sflag:s2] =	dma.local @!p0 [hbm:s0], s1  }
0x253: {  	s0 =	simm.s32 @!p0 $0x3  }
0x254: {  	_ =	swait.ge @!p0 [sflag:s0], s1  }
0x255: {  	s1 =	ssub.s32 @!p0 $0x0, s1;
	[sflag:s0] =	ssyncset.done @!p0 $0x0  }
0x256: {  	[sflag:s0] =	ssyncadd.s32 @!p0 s1  }
0x257: {  	[bflag:$0x3] =	sbarrier.arrive $0xFFFF  }
0x258: {  	_ =	shalt  }

</sc_bundles>
